<compile_context>
chip_gen: v7x
topology: tpu7x:2x2x1
jax: 0.10.2.dev20260603
libtpu: 0.0.44.dev20260713+nightly
codegen_flags: <defaults>
</compile_context>

<pallas_src>
import functools

import jax
import jax.numpy as jnp
from jax import lax
from jax.experimental import pallas as pl
from jax.experimental.pallas import tpu as pltpu
from jax.experimental.pallas import tpu_sc as plsc

N = 10000
E = 320000
H = 128
G = 64
NUM_ATOM_FEATS = 9
VOCAB = 512 * 9

NC, NS = 2, 16
NW = NC * NS
NT = 336
NP = NW * NT
RPT = NP // NS
EC = 128
ECH = 80
ECHH = ECH // 2
EP = NW * ECH * EC
SAC = N
NCH = 24
NPC = 14
ZR = 32
R = 512
GRID = NP // R

_f32 = jnp.float32
_i32 = jnp.int32
_mesh = plsc.VectorSubcoreMesh(
    core_axis_name="c", subcore_axis_name="s", num_cores=NC, num_subcores=NS)


def _zero_rows(buf, nrows):
  def body(i, carry):
    for j in range(H // 16):
      buf[i, pl.ds(j * 16, 16)] = jnp.zeros((16,), _f32)
    return carry
  lax.fori_loop(0, nrows, body, 0)


def _zero_acc(zb, acc, base):
  def body(k, carry):
    pltpu.sync_copy(zb, acc.at[pl.ds(base + k * ZR, ZR)])
    return carry
  lax.fori_loop(0, RPT // ZR, body, 0)


def _stage_out(acc, out_at, stage, src_base, dst_base, nrows):
  def wout(k, carry):
    pltpu.sync_copy(acc.at[pl.ds(src_base + k * EC, EC)], stage)
    pltpu.sync_copy(stage, out_at(pl.ds(dst_base + k * EC, EC)))
    return carry
  lax.fori_loop(0, nrows // EC, wout, 0)
  rem = nrows - nrows // EC * EC
  if rem:
    st = stage.at[pl.ds(0, rem)]
    pltpu.sync_copy(acc.at[pl.ds(src_base + nrows // EC * EC, rem)], st)
    pltpu.sync_copy(st, out_at(pl.ds(dst_base + nrows // EC * EC, rem)))


@functools.partial(
    pl.kernel,
    out_type=(jax.ShapeDtypeStruct((NP, H), _f32),
              jax.ShapeDtypeStruct((NC, NP, H), _f32)),
    mesh=_mesh,
    scratch_types=(
        pltpu.VMEM_SHARED((NP, H), _f32),
        pltpu.VMEM((ZR, H), _f32),
        pltpu.VMEM((NCH, 126), _i32),
        pltpu.VMEM((NCH, 126), _i32),
        pltpu.VMEM((EC, H), _f32),
        pltpu.VMEM((ECHH, EC), _i32),
        pltpu.SemaphoreType.DMA,
        pltpu.SemaphoreType.DMA,
    ),
)
def _sc_emb_deg(table_h, xi_h, scat_h, dst_h, h0_o, deg_o,
                acc, zb, xi_v, scat_v, rows_v, dst_v, sem_a, sem_b):
  c = lax.axis_index("c")
  s = lax.axis_index("s")
  wid = s * NC + c

  _zero_rows(zb, ZR)
  def fill1(i, carry):
    for j in range(H // 16):
      rows_v[i, pl.ds(j * 16, 16)] = jnp.ones((16,), _f32)
    return carry
  lax.fori_loop(0, EC, fill1, 0)

  _zero_acc(zb, acc, s * RPT)
  pltpu.sync_copy(xi_h.at[wid], xi_v)
  pltpu.sync_copy(scat_h.at[wid], scat_v)
  plsc.subcore_barrier()

  for half in range(2):
    pltpu.sync_copy(dst_h.at[wid, pl.ds(half * ECHH, ECHH)], dst_v)
    def grp(g, carry):
      for u in range(4):
        pltpu.async_copy(rows_v, acc.at[dst_v.at[g * 8 + 2 * u]], sem_a,
                         add=True)
        pltpu.async_copy(rows_v, acc.at[dst_v.at[g * 8 + 2 * u + 1]], sem_b,
                         add=True)
      for u in range(4):
        pltpu.make_async_copy(rows_v, acc.at[pl.ds(0, EC)], sem_a).wait()
        pltpu.make_async_copy(rows_v, acc.at[pl.ds(0, EC)], sem_b).wait()
      return carry
    lax.fori_loop(0, ECHH // 8, grp, 0)
  plsc.subcore_barrier()
  _stage_out(acc, lambda sl: deg_o.at[c, sl], rows_v, s * RPT, s * RPT, RPT)
  plsc.subcore_barrier()
  _zero_acc(zb, acc, s * RPT)
  plsc.subcore_barrier()

  def emb_chunk(k, carry):
    st = rows_v.at[pl.ds(0, 126)]
    pltpu.async_copy(table_h.at[xi_v.at[k]], st, sem_a).wait()
    pltpu.sync_copy(st, acc.at[scat_v.at[k]], add=True)
    return carry
  lax.fori_loop(0, NCH, emb_chunk, 0)
  plsc.subcore_barrier()
  _stage_out(acc, lambda sl: h0_o.at[sl], rows_v, wid * NT, wid * NT, NT)


@functools.partial(
    pl.kernel,
    out_type=jax.ShapeDtypeStruct((NC, NP, H), _f32),
    mesh=_mesh,
    scratch_types=(
        pltpu.VMEM_SHARED((NP, H), _f32),
        pltpu.VMEM((ECHH, EC), _i32),
        pltpu.VMEM((ECHH, EC), _i32),
        pltpu.VMEM((EC, H), _f32),
        pltpu.VMEM((EC, H), _f32),
        pltpu.SemaphoreType.DMA,
        pltpu.SemaphoreType.DMA,
    ),
)
def _sc_aggregate(u_h, src_h, dst_h, part_o,
                  acc, src_v, dst_v, rows_a, rows_b, sem_a, sem_b):
  c = lax.axis_index("c")
  s = lax.axis_index("s")
  wid = s * NC + c

  _zero_rows(rows_a, ZR)
  _zero_acc(rows_a.at[pl.ds(0, ZR)], acc, s * RPT)
  plsc.subcore_barrier()

  bufs = (rows_a, rows_b)
  sems = (sem_a, sem_b)
  for half in range(2):
    pltpu.sync_copy(src_h.at[wid, pl.ds(half * ECHH, ECHH)], src_v)
    pltpu.sync_copy(dst_h.at[wid, pl.ds(half * ECHH, ECHH)], dst_v)
    pltpu.async_copy(u_h.at[src_v.at[0]], bufs[0], sems[0])
    def agg_pair(jj, carry):
      j0 = jj * 2
      pltpu.async_copy(u_h.at[src_v.at[j0 + 1]], bufs[1], sems[1])
      pltpu.make_async_copy(u_h.at[src_v.at[j0]], bufs[0], sems[0]).wait()
      pltpu.sync_copy(bufs[0], acc.at[dst_v.at[j0]], add=True)
      @pl.when(jj < ECHH // 2 - 1)
      def _():
        pltpu.async_copy(u_h.at[src_v.at[j0 + 2]], bufs[0], sems[0])
      pltpu.make_async_copy(u_h.at[src_v.at[j0 + 1]], bufs[1], sems[1]).wait()
      pltpu.sync_copy(bufs[1], acc.at[dst_v.at[j0 + 1]], add=True)
      return carry
    lax.fori_loop(0, ECHH // 2, agg_pair, 0)

  plsc.subcore_barrier()
  _stage_out(acc, lambda sl: part_o.at[c, sl], rows_a, s * RPT, s * RPT, RPT)


def _dis_block(d0_ref, d1_ref):
  deg = d0_ref[:, 0:1] + d1_ref[:, 0:1] + 1.0
  return lax.rsqrt(deg)


def _tc_first_body(h_ref, d0_ref, d1_ref, w_ref, o_ref):
  dis = _dis_block(d0_ref, d1_ref)
  o_ref[...] = jnp.dot(h_ref[...] * dis, w_ref[...],
                       preferred_element_type=_f32)


def _tc_mid_body(p0_ref, p1_ref, u_ref, d0_ref, d1_ref, b_ref, w_ref, o_ref):
  dis = _dis_block(d0_ref, d1_ref)
  h = jnp.maximum(dis * (p0_ref[...] + p1_ref[...] + u_ref[...]) + b_ref[...],
                  0.0)
  o_ref[...] = jnp.dot(h * dis, w_ref[...], preferred_element_type=_f32)


def _tc_final_body(p0_ref, p1_ref, u_ref, d0_ref, d1_ref, b_ref, bi_ref,
                   l1w_ref, l1b_ref, w2_ref, b2_ref, o_ref, acc, cnt):
  i = pl.program_id(0)

  @pl.when(i == 0)
  def _():
    acc[...] = jnp.zeros((G, H), _f32)
    cnt[...] = jnp.zeros((G, H), _f32)

  dis = _dis_block(d0_ref, d1_ref)
  h = jnp.maximum(dis * (p0_ref[...] + p1_ref[...] + u_ref[...]) + b_ref[...],
                  0.0)
  iota_g = lax.broadcasted_iota(_i32, (G, H), 0)
  a = acc[...]
  ct = cnt[...]
  for r in range(R // H):
    oh = (iota_g == bi_ref[0, r, :][None, :]).astype(_f32)
    a = a + jnp.dot(oh, h[r * H:(r + 1) * H, :], preferred_element_type=_f32)
    ct = ct + jnp.sum(oh, axis=1, keepdims=True)
  acc[...] = a
  cnt[...] = ct

  @pl.when(i == GRID - 1)
  def _():
    pooled = acc[...] / jnp.maximum(cnt[...], 1.0)
    z = jnp.maximum(
        jnp.dot(pooled, l1w_ref[...], preferred_element_type=_f32)
        + l1b_ref[...], 0.0)
    rsum = jnp.sum(z * w2_ref[...], axis=1, keepdims=True)
    o_ref[...] = jnp.broadcast_to(rsum, (G, H)) + b2_ref[...]


_row_spec = pl.BlockSpec((R, H), lambda i: (i, 0))
_w_spec = pl.BlockSpec((H, H), lambda i: (0, 0))
_vec_spec = pl.BlockSpec((1, H), lambda i: (0, 0))

_tc_first = pl.pallas_call(
    _tc_first_body,
    grid=(GRID,),
    in_specs=[_row_spec, _row_spec, _row_spec, _w_spec],
    out_specs=_row_spec,
    out_shape=jax.ShapeDtypeStruct((NP, H), _f32),
)

_tc_mid = pl.pallas_call(
    _tc_mid_body,
    grid=(GRID,),
    in_specs=[_row_spec, _row_spec, _row_spec, _row_spec, _row_spec,
              _vec_spec, _w_spec],
    out_specs=_row_spec,
    out_shape=jax.ShapeDtypeStruct((NP, H), _f32),
)

_tc_final = pl.pallas_call(
    _tc_final_body,
    grid=(GRID,),
    in_specs=[_row_spec, _row_spec, _row_spec, _row_spec, _row_spec,
              _vec_spec, pl.BlockSpec((1, R // H, H), lambda i: (i, 0, 0)),
              _w_spec, _vec_spec, _vec_spec, _vec_spec],
    out_specs=pl.BlockSpec((G, H), lambda i: (0, 0)),
    out_shape=jax.ShapeDtypeStruct((G, H), _f32),
    scratch_shapes=[pltpu.VMEM((G, H), _f32), pltpu.VMEM((G, H), _f32)],
)


def kernel(x, edge_index, edge_attr, batch_idx, table,
           W1, b1, W2, b2, W3, b3, lin1_W, lin1_b, lin2_W, lin2_b):
  del edge_attr

  offsets = (1 + jnp.arange(0, NUM_ATOM_FEATS * 512, 512)).astype(_i32)
  xi = jnp.clip(x.astype(_i32) + offsets[None, :], 0, VOCAB - 1)
  xi_blk = jnp.pad(xi, ((0, NP - N), (0, 0))).reshape(NW, NCH, NPC * 9)
  scat_blk = jnp.broadcast_to(
      jnp.arange(NP, dtype=_i32)[:, None], (NP, NUM_ATOM_FEATS)
  ).reshape(NW, NCH, NPC * 9)

  src = edge_index[0].astype(_i32)
  dst = edge_index[1].astype(_i32)
  src_blk = jnp.pad(src, (0, EP - E)).reshape(NW, ECH, EC)
  dst_blk = jnp.pad(dst, (0, EP - E), constant_values=SAC).reshape(NW, ECH, EC)

  bi_blk = jnp.pad(batch_idx.astype(_i32), (0, NP - N),
                   constant_values=G).reshape(GRID, R // H, H)

  h0, deg = _sc_emb_deg(table, xi_blk, scat_blk, dst_blk)
  d0, d1 = deg[0], deg[1]

  b1r = b1.reshape(1, H)
  b2r = b2.reshape(1, H)
  b3r = b3.reshape(1, H)
  l1br = lin1_b.reshape(1, H)
  w2r = lin2_W.reshape(1, H)
  b2sr = jnp.broadcast_to(lin2_b.reshape(1, 1), (1, H))

  u1 = _tc_first(h0, d0, d1, W1)
  s1 = _sc_aggregate(u1, src_blk, dst_blk)
  u2 = _tc_mid(s1[0], s1[1], u1, d0, d1, b1r, W2)
  s2 = _sc_aggregate(u2, src_blk, dst_blk)
  u3 = _tc_mid(s2[0], s2[1], u2, d0, d1, b2r, W3)
  s3 = _sc_aggregate(u3, src_blk, dst_blk)
  res = _tc_final(s3[0], s3[1], u3, d0, d1, b3r, bi_blk,
                  lin1_W, l1br, w2r, b2sr)
  return res[:, :1]

# --- scband reference (transcript-rebuilt; emitter-appended) ---
"""Pipeline reference for scband-gcngraph-regression-7713761264261 (READ-ONLY COPY).

The authoritative reference and input builder live on the scoring server;
editing this copy changes nothing except your own understanding.
"""

import jax, jax.numpy as jnp
import numpy as np

N = 10000
E = 320000
H = 128
NUM_GRAPHS = 64
NUM_ATOM_FEATS = 9
VOCAB = 512 * 9


def gcn_conv(h, W, b, src, dst, n):
    # PyG GCNConv: linear transform, add self-loops, symmetric normalization, sum aggregate, bias
    h = h @ W
    loop = jnp.arange(n, dtype=src.dtype)
    src_sl = jnp.concatenate([src, loop])
    dst_sl = jnp.concatenate([dst, loop])
    deg = jnp.zeros((n,), h.dtype).at[dst_sl].add(1.0)
    dis = jnp.where(deg > 0, 1.0 / jnp.sqrt(deg), 0.0)
    norm = dis[src_sl] * dis[dst_sl]
    msg = h[src_sl] * norm[:, None]
    out = jnp.zeros_like(h).at[dst_sl].add(msg)
    return out + b


def setup_inputs(seed: int = 0) -> dict:
    key = jax.random.key(seed)
    ks = jax.random.split(key, 16)
    x = jax.random.randint(ks[0], (N, NUM_ATOM_FEATS), 0, 512)
    edge_index = jax.random.randint(ks[1], (2, E), 0, N)
    edge_attr = jax.random.normal(ks[2], (E, 4), dtype=jnp.float32)
    batch_idx = jnp.sort(jax.random.randint(ks[3], (N,), 0, NUM_GRAPHS))
    s = 1.0 / np.sqrt(H)
    table = jax.random.normal(ks[4], (VOCAB, H), dtype=jnp.float32) * 0.02
    table = table.at[0].set(0.0)  # padding_idx=0
    W1 = jax.random.normal(ks[5], (H, H), dtype=jnp.float32) * s
    b1 = jnp.zeros((H,), jnp.float32)
    W2 = jax.random.normal(ks[6], (H, H), dtype=jnp.float32) * s
    b2 = jnp.zeros((H,), jnp.float32)
    W3 = jax.random.normal(ks[7], (H, H), dtype=jnp.float32) * s
    b3 = jnp.zeros((H,), jnp.float32)
    lin1_W = jax.random.normal(ks[8], (H, H), dtype=jnp.float32) * s
    lin1_b = jnp.zeros((H,), jnp.float32)
    lin2_W = jax.random.normal(ks[9], (H, 1), dtype=jnp.float32) * s
    lin2_b = jnp.zeros((1,), jnp.float32)
    return {"x": x, "edge_index": edge_index, "edge_attr": edge_attr, "batch_idx": batch_idx,
            "table": table, "W1": W1, "b1": b1, "W2": W2, "b2": b2, "W3": W3, "b3": b3,
            "lin1_W": lin1_W, "lin1_b": lin1_b, "lin2_W": lin2_W, "lin2_b": lin2_b}


def reference(x, edge_index, edge_attr, batch_idx, table, W1, b1, W2, b2, W3, b3, lin1_W, lin1_b, lin2_W, lin2_b):
    # convert_to_single_emb: offset each of the 9 atom-feature columns into disjoint ranges
    offsets = 1 + jnp.arange(0, NUM_ATOM_FEATS * 512, 512)
    xi = x + offsets[None, :]
    h = jnp.take(table, xi, axis=0).sum(axis=1)  # [N, H]
    src, dst = edge_index[0], edge_index[1]
    # eval mode: dropout is identity; batch_norm=False
    h = jax.nn.relu(gcn_conv(h, W1, b1, src, dst, N))
    h = jax.nn.relu(gcn_conv(h, W2, b2, src, dst, N))
    h = jax.nn.relu(gcn_conv(h, W3, b3, src, dst, N))
    # global_mean_pool
    sums = jax.ops.segment_sum(h, batch_idx, num_segments=NUM_GRAPHS)
    cnts = jax.ops.segment_sum(jnp.ones((N,), h.dtype), batch_idx, num_segments=NUM_GRAPHS)
    pooled = sums / jnp.clip(cnts, 1.0)[:, None]
    out = jax.nn.relu(pooled @ lin1_W + lin1_b)
    out = out @ lin2_W + lin2_b
    return out

if __name__ == "__main__":
    import jax
    _d = setup_inputs()
    print(jax.jit(kernel)(*tuple(_d.values())))

</pallas_src>

<mosaic_0001>
#map = affine_map<(d0, d1) -> (0, 0)>
#map1 = affine_map<(d0, d1) -> (0, 0, 0)>
module attributes {stable_mosaic.version = 14 : i64} {
  func.func @_sc_emb_deg(%arg0: i32, %arg1: i32, %arg2: memref<4608x128xf32, #tpu.memory_space<hbm>>, %arg3: memref<32x24x126xi32, #tpu.memory_space<hbm>>, %arg4: memref<32x24x126xi32, #tpu.memory_space<hbm>>, %arg5: memref<32x80x128xi32, #tpu.memory_space<hbm>>, %arg6: memref<10752x128xf32, #tpu.memory_space<hbm>>, %arg7: memref<2x10752x128xf32, #tpu.memory_space<hbm>>, %arg8: memref<10752x128xf32, #tpu.memory_space<vmem_shared>>, %arg9: memref<32x128xf32, #tpu.memory_space<vmem>>, %arg10: memref<24x126xi32, #tpu.memory_space<vmem>>, %arg11: memref<24x126xi32, #tpu.memory_space<vmem>>, %arg12: memref<128x128xf32, #tpu.memory_space<vmem>>, %arg13: memref<40x128xi32, #tpu.memory_space<vmem>>, %arg14: memref<!tpu.dma_semaphore, #tpu.memory_space<semaphore_mem>>, %arg15: memref<!tpu.dma_semaphore, #tpu.memory_space<semaphore_mem>>) attributes {dimension_semantics = [#tpu.dimension_semantics<core_parallel>, #tpu.dimension_semantics<subcore_parallel>], iteration_bounds = array<i64: 2, 16>, scalar_prefetch = 0 : i64, scratch_operands = 8 : i64, tpu.core_type = #tpu.core_type<sc_vector_subcore>, window_params = [{transform_indices = #map}, {transform_indices = #map1}, {transform_indices = #map1}, {transform_indices = #map1}, {transform_indices = #map}, {transform_indices = #map1}]} {
    %mul3A = arith.constant 2 : i32
    %mul3A_0 = arith.muli %arg1, %mul3A : i32
    %add3A = arith.addi %mul3A_0, %arg0 : i32
    %scan3A = arith.constant 0 : i32
    %scan3A_1 = arith.constant 0 : i32
    %scan3A_2 = arith.constant 32 : i32
    %scan3A_3 = arith.addi %scan3A_1, %scan3A_2 : i32
    %scan3A_4 = arith.constant 1 : i32
    scf.for %scan3A_78 = %scan3A_1 to %scan3A_3 step %scan3A_4  : i32 {
      %broadcast_in_dim3A = arith.constant 0.000000e+00 : f32
      %broadcast_in_dim3A_79 = vector.broadcast %broadcast_in_dim3A : f32 to vector<16xf32>
      %swap3A = arith.index_cast %scan3A_78 : i32 to index
      %swap3A_80 = arith.constant 0 : index
      %swap3A_81 = tpu.vector_load %arg9[%swap3A, %swap3A_80] {strides = array<i32>} : memref<32x128xf32, #tpu.memory_space<vmem>>, vector<1x16xf32>,
      %swap3A_82 = vector.shape_cast %swap3A_81 : vector<1x16xf32> to vector<16xf32>
      %swap3A_83 = vector.shape_cast %broadcast_in_dim3A_79 : vector<16xf32> to vector<1x16xf32>
      tpu.vector_store %arg9[%swap3A, %swap3A_80], %swap3A_83 {strides = array<i32>} : memref<32x128xf32, #tpu.memory_space<vmem>>, vector<1x16xf32>,
      %broadcast_in_dim3A_84 = arith.constant 0.000000e+00 : f32
      %broadcast_in_dim3A_85 = vector.broadcast %broadcast_in_dim3A_84 : f32 to vector<16xf32>
      %swap3A_86 = arith.index_cast %scan3A_78 : i32 to index
      %swap3A_87 = arith.constant 16 : index
      %swap3A_88 = tpu.vector_load %arg9[%swap3A_86, %swap3A_87] {strides = array<i32>} : memref<32x128xf32, #tpu.memory_space<vmem>>, vector<1x16xf32>,
      %swap3A_89 = vector.shape_cast %swap3A_88 : vector<1x16xf32> to vector<16xf32>
      %swap3A_90 = vector.shape_cast %broadcast_in_dim3A_85 : vector<16xf32> to vector<1x16xf32>
      tpu.vector_store %arg9[%swap3A_86, %swap3A_87], %swap3A_90 {strides = array<i32>} : memref<32x128xf32, #tpu.memory_space<vmem>>, vector<1x16xf32>,
      %broadcast_in_dim3A_91 = arith.constant 0.000000e+00 : f32
      %broadcast_in_dim3A_92 = vector.broadcast %broadcast_in_dim3A_91 : f32 to vector<16xf32>
      %swap3A_93 = arith.index_cast %scan3A_78 : i32 to index
      %swap3A_94 = arith.constant 32 : index
      %swap3A_95 = tpu.vector_load %arg9[%swap3A_93, %swap3A_94] {strides = array<i32>} : memref<32x128xf32, #tpu.memory_space<vmem>>, vector<1x16xf32>,
      %swap3A_96 = vector.shape_cast %swap3A_95 : vector<1x16xf32> to vector<16xf32>
      %swap3A_97 = vector.shape_cast %broadcast_in_dim3A_92 : vector<16xf32> to vector<1x16xf32>
      tpu.vector_store %arg9[%swap3A_93, %swap3A_94], %swap3A_97 {strides = array<i32>} : memref<32x128xf32, #tpu.memory_space<vmem>>, vector<1x16xf32>,
      %broadcast_in_dim3A_98 = arith.constant 0.000000e+00 : f32
      %broadcast_in_dim3A_99 = vector.broadcast %broadcast_in_dim3A_98 : f32 to vector<16xf32>
      %swap3A_100 = arith.index_cast %scan3A_78 : i32 to index
      %swap3A_101 = arith.constant 48 : index
      %swap3A_102 = tpu.vector_load %arg9[%swap3A_100, %swap3A_101] {strides = array<i32>} : memref<32x128xf32, #tpu.memory_space<vmem>>, vector<1x16xf32>,
      %swap3A_103 = vector.shape_cast %swap3A_102 : vector<1x16xf32> to vector<16xf32>
      %swap3A_104 = vector.shape_cast %broadcast_in_dim3A_99 : vector<16xf32> to vector<1x16xf32>
      tpu.vector_store %arg9[%swap3A_100, %swap3A_101], %swap3A_104 {strides = array<i32>} : memref<32x128xf32, #tpu.memory_space<vmem>>, vector<1x16xf32>,
      %broadcast_in_dim3A_105 = arith.constant 0.000000e+00 : f32
      %broadcast_in_dim3A_106 = vector.broadcast %broadcast_in_dim3A_105 : f32 to vector<16xf32>
      %swap3A_107 = arith.index_cast %scan3A_78 : i32 to index
      %swap3A_108 = arith.constant 64 : index
      %swap3A_109 = tpu.vector_load %arg9[%swap3A_107, %swap3A_108] {strides = array<i32>} : memref<32x128xf32, #tpu.memory_space<vmem>>, vector<1x16xf32>,
      %swap3A_110 = vector.shape_cast %swap3A_109 : vector<1x16xf32> to vector<16xf32>
      %swap3A_111 = vector.shape_cast %broadcast_in_dim3A_106 : vector<16xf32> to vector<1x16xf32>
      tpu.vector_store %arg9[%swap3A_107, %swap3A_108], %swap3A_111 {strides = array<i32>} : memref<32x128xf32, #tpu.memory_space<vmem>>, vector<1x16xf32>,
      %broadcast_in_dim3A_112 = arith.constant 0.000000e+00 : f32
      %broadcast_in_dim3A_113 = vector.broadcast %broadcast_in_dim3A_112 : f32 to vector<16xf32>
      %swap3A_114 = arith.index_cast %scan3A_78 : i32 to index
      %swap3A_115 = arith.constant 80 : index
      %swap3A_116 = tpu.vector_load %arg9[%swap3A_114, %swap3A_115] {strides = array<i32>} : memref<32x128xf32, #tpu.memory_space<vmem>>, vector<1x16xf32>,
      %swap3A_117 = vector.shape_cast %swap3A_116 : vector<1x16xf32> to vector<16xf32>
      %swap3A_118 = vector.shape_cast %broadcast_in_dim3A_113 : vector<16xf32> to vector<1x16xf32>
      tpu.vector_store %arg9[%swap3A_114, %swap3A_115], %swap3A_118 {strides = array<i32>} : memref<32x128xf32, #tpu.memory_space<vmem>>, vector<1x16xf32>,
      %broadcast_in_dim3A_119 = arith.constant 0.000000e+00 : f32
      %broadcast_in_dim3A_120 = vector.broadcast %broadcast_in_dim3A_119 : f32 to vector<16xf32>
      %swap3A_121 = arith.index_cast %scan3A_78 : i32 to index
      %swap3A_122 = arith.constant 96 : index
      %swap3A_123 = tpu.vector_load %arg9[%swap3A_121, %swap3A_122] {strides = array<i32>} : memref<32x128xf32, #tpu.memory_space<vmem>>, vector<1x16xf32>,
      %swap3A_124 = vector.shape_cast %swap3A_123 : vector<1x16xf32> to vector<16xf32>
      %swap3A_125 = vector.shape_cast %broadcast_in_dim3A_120 : vector<16xf32> to vector<1x16xf32>
      tpu.vector_store %arg9[%swap3A_121, %swap3A_122], %swap3A_125 {strides = array<i32>} : memref<32x128xf32, #tpu.memory_space<vmem>>, vector<1x16xf32>,
      %broadcast_in_dim3A_126 = arith.constant 0.000000e+00 : f32
      %broadcast_in_dim3A_127 = vector.broadcast %broadcast_in_dim3A_126 : f32 to vector<16xf32>
      %swap3A_128 = arith.index_cast %scan3A_78 : i32 to index
      %swap3A_129 = arith.constant 112 : index
      %swap3A_130 = tpu.vector_load %arg9[%swap3A_128, %swap3A_129] {strides = array<i32>} : memref<32x128xf32, #tpu.memory_space<vmem>>, vector<1x16xf32>,
      %swap3A_131 = vector.shape_cast %swap3A_130 : vector<1x16xf32> to vector<16xf32>
      %swap3A_132 = vector.shape_cast %broadcast_in_dim3A_127 : vector<16xf32> to vector<1x16xf32>
      tpu.vector_store %arg9[%swap3A_128, %swap3A_129], %swap3A_132 {strides = array<i32>} : memref<32x128xf32, #tpu.memory_space<vmem>>, vector<1x16xf32>,
    }
    %scan3A_5 = arith.constant 32 : i32
    %scan3A_6 = arith.constant 0 : i32
    %scan3A_7 = arith.constant 0 : i32
    %scan3A_8 = arith.constant 128 : i32
    %scan3A_9 = arith.addi %scan3A_7, %scan3A_8 : i32
    %scan3A_10 = arith.constant 1 : i32
    scf.for %scan3A_78 = %scan3A_7 to %scan3A_9 step %scan3A_10  : i32 {
      %broadcast_in_dim3A = arith.constant 1.000000e+00 : f32
      %broadcast_in_dim3A_79 = vector.broadcast %broadcast_in_dim3A : f32 to vector<16xf32>
      %swap3A = arith.index_cast %scan3A_78 : i32 to index
      %swap3A_80 = arith.constant 0 : index
      %swap3A_81 = tpu.vector_load %arg12[%swap3A, %swap3A_80] {strides = array<i32>} : memref<128x128xf32, #tpu.memory_space<vmem>>, vector<1x16xf32>,
      %swap3A_82 = vector.shape_cast %swap3A_81 : vector<1x16xf32> to vector<16xf32>
      %swap3A_83 = vector.shape_cast %broadcast_in_dim3A_79 : vector<16xf32> to vector<1x16xf32>
      tpu.vector_store %arg12[%swap3A, %swap3A_80], %swap3A_83 {strides = array<i32>} : memref<128x128xf32, #tpu.memory_space<vmem>>, vector<1x16xf32>,
      %broadcast_in_dim3A_84 = arith.constant 1.000000e+00 : f32
      %broadcast_in_dim3A_85 = vector.broadcast %broadcast_in_dim3A_84 : f32 to vector<16xf32>
      %swap3A_86 = arith.index_cast %scan3A_78 : i32 to index
      %swap3A_87 = arith.constant 16 : index
      %swap3A_88 = tpu.vector_load %arg12[%swap3A_86, %swap3A_87] {strides = array<i32>} : memref<128x128xf32, #tpu.memory_space<vmem>>, vector<1x16xf32>,
      %swap3A_89 = vector.shape_cast %swap3A_88 : vector<1x16xf32> to vector<16xf32>
      %swap3A_90 = vector.shape_cast %broadcast_in_dim3A_85 : vector<16xf32> to vector<1x16xf32>
      tpu.vector_store %arg12[%swap3A_86, %swap3A_87], %swap3A_90 {strides = array<i32>} : memref<128x128xf32, #tpu.memory_space<vmem>>, vector<1x16xf32>,
      %broadcast_in_dim3A_91 = arith.constant 1.000000e+00 : f32
      %broadcast_in_dim3A_92 = vector.broadcast %broadcast_in_dim3A_91 : f32 to vector<16xf32>
      %swap3A_93 = arith.index_cast %scan3A_78 : i32 to index
      %swap3A_94 = arith.constant 32 : index
      %swap3A_95 = tpu.vector_load %arg12[%swap3A_93, %swap3A_94] {strides = array<i32>} : memref<128x128xf32, #tpu.memory_space<vmem>>, vector<1x16xf32>,
      %swap3A_96 = vector.shape_cast %swap3A_95 : vector<1x16xf32> to vector<16xf32>
      %swap3A_97 = vector.shape_cast %broadcast_in_dim3A_92 : vector<16xf32> to vector<1x16xf32>
      tpu.vector_store %arg12[%swap3A_93, %swap3A_94], %swap3A_97 {strides = array<i32>} : memref<128x128xf32, #tpu.memory_space<vmem>>, vector<1x16xf32>,
      %broadcast_in_dim3A_98 = arith.constant 1.000000e+00 : f32
      %broadcast_in_dim3A_99 = vector.broadcast %broadcast_in_dim3A_98 : f32 to vector<16xf32>
      %swap3A_100 = arith.index_cast %scan3A_78 : i32 to index
      %swap3A_101 = arith.constant 48 : index
      %swap3A_102 = tpu.vector_load %arg12[%swap3A_100, %swap3A_101] {strides = array<i32>} : memref<128x128xf32, #tpu.memory_space<vmem>>, vector<1x16xf32>,
      %swap3A_103 = vector.shape_cast %swap3A_102 : vector<1x16xf32> to vector<16xf32>
      %swap3A_104 = vector.shape_cast %broadcast_in_dim3A_99 : vector<16xf32> to vector<1x16xf32>
      tpu.vector_store %arg12[%swap3A_100, %swap3A_101], %swap3A_104 {strides = array<i32>} : memref<128x128xf32, #tpu.memory_space<vmem>>, vector<1x16xf32>,
      %broadcast_in_dim3A_105 = arith.constant 1.000000e+00 : f32
      %broadcast_in_dim3A_106 = vector.broadcast %broadcast_in_dim3A_105 : f32 to vector<16xf32>
      %swap3A_107 = arith.index_cast %scan3A_78 : i32 to index
      %swap3A_108 = arith.constant 64 : index
      %swap3A_109 = tpu.vector_load %arg12[%swap3A_107, %swap3A_108] {strides = array<i32>} : memref<128x128xf32, #tpu.memory_space<vmem>>, vector<1x16xf32>,
      %swap3A_110 = vector.shape_cast %swap3A_109 : vector<1x16xf32> to vector<16xf32>
      %swap3A_111 = vector.shape_cast %broadcast_in_dim3A_106 : vector<16xf32> to vector<1x16xf32>
      tpu.vector_store %arg12[%swap3A_107, %swap3A_108], %swap3A_111 {strides = array<i32>} : memref<128x128xf32, #tpu.memory_space<vmem>>, vector<1x16xf32>,
      %broadcast_in_dim3A_112 = arith.constant 1.000000e+00 : f32
      %broadcast_in_dim3A_113 = vector.broadcast %broadcast_in_dim3A_112 : f32 to vector<16xf32>
      %swap3A_114 = arith.index_cast %scan3A_78 : i32 to index
      %swap3A_115 = arith.constant 80 : index
      %swap3A_116 = tpu.vector_load %arg12[%swap3A_114, %swap3A_115] {strides = array<i32>} : memref<128x128xf32, #tpu.memory_space<vmem>>, vector<1x16xf32>,
      %swap3A_117 = vector.shape_cast %swap3A_116 : vector<1x16xf32> to vector<16xf32>
      %swap3A_118 = vector.shape_cast %broadcast_in_dim3A_113 : vector<16xf32> to vector<1x16xf32>
      tpu.vector_store %arg12[%swap3A_114, %swap3A_115], %swap3A_118 {strides = array<i32>} : memref<128x128xf32, #tpu.memory_space<vmem>>, vector<1x16xf32>,
      %broadcast_in_dim3A_119 = arith.constant 1.000000e+00 : f32
      %broadcast_in_dim3A_120 = vector.broadcast %broadcast_in_dim3A_119 : f32 to vector<16xf32>
      %swap3A_121 = arith.index_cast %scan3A_78 : i32 to index
      %swap3A_122 = arith.constant 96 : index
      %swap3A_123 = tpu.vector_load %arg12[%swap3A_121, %swap3A_122] {strides = array<i32>} : memref<128x128xf32, #tpu.memory_space<vmem>>, vector<1x16xf32>,
      %swap3A_124 = vector.shape_cast %swap3A_123 : vector<1x16xf32> to vector<16xf32>
      %swap3A_125 = vector.shape_cast %broadcast_in_dim3A_120 : vector<16xf32> to vector<1x16xf32>
      tpu.vector_store %arg12[%swap3A_121, %swap3A_122], %swap3A_125 {strides = array<i32>} : memref<128x128xf32, #tpu.memory_space<vmem>>, vector<1x16xf32>,
      %broadcast_in_dim3A_126 = arith.constant 1.000000e+00 : f32
      %broadcast_in_dim3A_127 = vector.broadcast %broadcast_in_dim3A_126 : f32 to vector<16xf32>
      %swap3A_128 = arith.index_cast %scan3A_78 : i32 to index
      %swap3A_129 = arith.constant 112 : index
      %swap3A_130 = tpu.vector_load %arg12[%swap3A_128, %swap3A_129] {strides = array<i32>} : memref<128x128xf32, #tpu.memory_space<vmem>>, vector<1x16xf32>,
      %swap3A_131 = vector.shape_cast %swap3A_130 : vector<1x16xf32> to vector<16xf32>
      %swap3A_132 = vector.shape_cast %broadcast_in_dim3A_127 : vector<16xf32> to vector<1x16xf32>
      tpu.vector_store %arg12[%swap3A_128, %swap3A_129], %swap3A_132 {strides = array<i32>} : memref<128x128xf32, #tpu.memory_space<vmem>>, vector<1x16xf32>,
    }
    %scan3A_11 = arith.constant 128 : i32
    %mul3A_12 = arith.constant 672 : i32
    %mul3A_13 = arith.muli %arg1, %mul3A_12 : i32
    %scan3A_14 = arith.constant 0 : i32
    %scan3A_15 = arith.constant 0 : i32
    %scan3A_16 = arith.constant 21 : i32
    %scan3A_17 = arith.addi %scan3A_15, %scan3A_16 : i32
    %scan3A_18 = arith.constant 1 : i32
    scf.for %scan3A_78 = %scan3A_15 to %scan3A_17 step %scan3A_18  : i32 {
      %mul3A_79 = arith.constant 32 : i32
      %mul3A_80 = arith.muli %scan3A_78, %mul3A_79 : i32
      %add3A_81 = arith.addi %mul3A_13, %mul3A_80 : i32
      "tpu.region"() ({
        %run_scoped3A = tpu.sem_alloc : memref<!tpu.dma_semaphore, #tpu.memory_space<semaphore_mem>>
        %dma_start3A = arith.constant 0 : i32
        %dma_start3A_82 = tpu.memref_slice %arg8[%add3A_81, %dma_start3A] : memref<10752x128xf32, #tpu.memory_space<vmem_shared>> -> memref<32x128xf32, #tpu.memory_space<vmem_shared>>
        %dma_start3A_83 = arith.constant 0 : i32
        %dma_start3A_84 = tpu.memref_slice %arg8[%add3A_81, %dma_start3A_83] : memref<10752x128xf32, #tpu.memory_space<vmem_shared>> -> memref<32x128xf32, #tpu.memory_space<vmem_shared>>
        tpu.enqueue_dma source(%arg9 : memref<32x128xf32, #tpu.memory_space<vmem>>) target(%dma_start3A_84 : memref<32x128xf32, #tpu.memory_space<vmem_shared>>) target_semaphore(%run_scoped3A : memref<!tpu.dma_semaphore, #tpu.memory_space<semaphore_mem>>)
        %dma_wait3A = arith.constant 0 : i32
        %dma_wait3A_85 = tpu.memref_slice %arg8[%add3A_81, %dma_wait3A] : memref<10752x128xf32, #tpu.memory_space<vmem_shared>> -> memref<32x128xf32, #tpu.memory_space<vmem_shared>>
        %dma_wait3A_86 = arith.constant 0 : i32
        %dma_wait3A_87 = tpu.memref_slice %arg8[%add3A_81, %dma_wait3A_86] : memref<10752x128xf32, #tpu.memory_space<vmem_shared>> -> memref<32x128xf32, #tpu.memory_space<vmem_shared>>
        tpu.wait_dma2 semaphore(%run_scoped3A : memref<!tpu.dma_semaphore, #tpu.memory_space<semaphore_mem>>) src(%arg9 : memref<32x128xf32, #tpu.memory_space<vmem>>) dst(%dma_wait3A_87 : memref<32x128xf32, #tpu.memory_space<vmem_shared>>)
        tpu.yield
      }) : () -> ()
    }
    %scan3A_19 = arith.constant 21 : i32
    "tpu.region"() ({
      %run_scoped3A = tpu.sem_alloc : memref<!tpu.dma_semaphore, #tpu.memory_space<semaphore_mem>>
      %dma_start3A = arith.constant 0 : i32
      %dma_start3A_78 = arith.constant 0 : i32
      %dma_start3A_79 = tpu.memref_slice %arg3[%add3A, %dma_start3A, %dma_start3A_78] : memref<32x24x126xi32, #tpu.memory_space<hbm>> -> memref<1x24x126xi32, #tpu.memory_space<hbm>>
      %dma_start3A_80 = tpu.memref_squeeze %dma_start3A_79 : memref<1x24x126xi32, #tpu.memory_space<hbm>> -> memref<24x126xi32, #tpu.memory_space<hbm>>
      %dma_start3A_81 = arith.constant 0 : i32
      %dma_start3A_82 = arith.constant 0 : i32
      %dma_start3A_83 = tpu.memref_slice %arg3[%add3A, %dma_start3A_81, %dma_start3A_82] : memref<32x24x126xi32, #tpu.memory_space<hbm>> -> memref<1x24x126xi32, #tpu.memory_space<hbm>>
      %dma_start3A_84 = tpu.memref_squeeze %dma_start3A_83 : memref<1x24x126xi32, #tpu.memory_space<hbm>> -> memref<24x126xi32, #tpu.memory_space<hbm>>
      tpu.enqueue_dma source(%dma_start3A_84 : memref<24x126xi32, #tpu.memory_space<hbm>>) target(%arg10 : memref<24x126xi32, #tpu.memory_space<vmem>>) target_semaphore(%run_scoped3A : memref<!tpu.dma_semaphore, #tpu.memory_space<semaphore_mem>>)
      %dma_wait3A = arith.constant 0 : i32
      %dma_wait3A_85 = arith.constant 0 : i32
      %dma_wait3A_86 = tpu.memref_slice %arg3[%add3A, %dma_wait3A, %dma_wait3A_85] : memref<32x24x126xi32, #tpu.memory_space<hbm>> -> memref<1x24x126xi32, #tpu.memory_space<hbm>>
      %dma_wait3A_87 = tpu.memref_squeeze %dma_wait3A_86 : memref<1x24x126xi32, #tpu.memory_space<hbm>> -> memref<24x126xi32, #tpu.memory_space<hbm>>
      %dma_wait3A_88 = arith.constant 0 : i32
      %dma_wait3A_89 = arith.constant 0 : i32
      %dma_wait3A_90 = tpu.memref_slice %arg3[%add3A, %dma_wait3A_88, %dma_wait3A_89] : memref<32x24x126xi32, #tpu.memory_space<hbm>> -> memref<1x24x126xi32, #tpu.memory_space<hbm>>
      %dma_wait3A_91 = tpu.memref_squeeze %dma_wait3A_90 : memref<1x24x126xi32, #tpu.memory_space<hbm>> -> memref<24x126xi32, #tpu.memory_space<hbm>>
      tpu.wait_dma2 semaphore(%run_scoped3A : memref<!tpu.dma_semaphore, #tpu.memory_space<semaphore_mem>>) src(%dma_wait3A_91 : memref<24x126xi32, #tpu.memory_space<hbm>>) dst(%arg10 : memref<24x126xi32, #tpu.memory_space<vmem>>)
      tpu.yield
    }) : () -> ()
    "tpu.region"() ({
      %run_scoped3A = tpu.sem_alloc : memref<!tpu.dma_semaphore, #tpu.memory_space<semaphore_mem>>
      %dma_start3A = arith.constant 0 : i32
      %dma_start3A_78 = arith.constant 0 : i32
      %dma_start3A_79 = tpu.memref_slice %arg4[%add3A, %dma_start3A, %dma_start3A_78] : memref<32x24x126xi32, #tpu.memory_space<hbm>> -> memref<1x24x126xi32, #tpu.memory_space<hbm>>
      %dma_start3A_80 = tpu.memref_squeeze %dma_start3A_79 : memref<1x24x126xi32, #tpu.memory_space<hbm>> -> memref<24x126xi32, #tpu.memory_space<hbm>>
      %dma_start3A_81 = arith.constant 0 : i32
      %dma_start3A_82 = arith.constant 0 : i32
      %dma_start3A_83 = tpu.memref_slice %arg4[%add3A, %dma_start3A_81, %dma_start3A_82] : memref<32x24x126xi32, #tpu.memory_space<hbm>> -> memref<1x24x126xi32, #tpu.memory_space<hbm>>
      %dma_start3A_84 = tpu.memref_squeeze %dma_start3A_83 : memref<1x24x126xi32, #tpu.memory_space<hbm>> -> memref<24x126xi32, #tpu.memory_space<hbm>>
      tpu.enqueue_dma source(%dma_start3A_84 : memref<24x126xi32, #tpu.memory_space<hbm>>) target(%arg11 : memref<24x126xi32, #tpu.memory_space<vmem>>) target_semaphore(%run_scoped3A : memref<!tpu.dma_semaphore, #tpu.memory_space<semaphore_mem>>)
      %dma_wait3A = arith.constant 0 : i32
      %dma_wait3A_85 = arith.constant 0 : i32
      %dma_wait3A_86 = tpu.memref_slice %arg4[%add3A, %dma_wait3A, %dma_wait3A_85] : memref<32x24x126xi32, #tpu.memory_space<hbm>> -> memref<1x24x126xi32, #tpu.memory_space<hbm>>
      %dma_wait3A_87 = tpu.memref_squeeze %dma_wait3A_86 : memref<1x24x126xi32, #tpu.memory_space<hbm>> -> memref<24x126xi32, #tpu.memory_space<hbm>>
      %dma_wait3A_88 = arith.constant 0 : i32
      %dma_wait3A_89 = arith.constant 0 : i32
      %dma_wait3A_90 = tpu.memref_slice %arg4[%add3A, %dma_wait3A_88, %dma_wait3A_89] : memref<32x24x126xi32, #tpu.memory_space<hbm>> -> memref<1x24x126xi32, #tpu.memory_space<hbm>>
      %dma_wait3A_91 = tpu.memref_squeeze %dma_wait3A_90 : memref<1x24x126xi32, #tpu.memory_space<hbm>> -> memref<24x126xi32, #tpu.memory_space<hbm>>
      tpu.wait_dma2 semaphore(%run_scoped3A : memref<!tpu.dma_semaphore, #tpu.memory_space<semaphore_mem>>) src(%dma_wait3A_91 : memref<24x126xi32, #tpu.memory_space<hbm>>) dst(%arg11 : memref<24x126xi32, #tpu.memory_space<vmem>>)
      tpu.yield
    }) : () -> ()
    %barrier3A = arith.constant 0 : index
    tpu.barrier barrier_id(%barrier3A)
    "tpu.region"() ({
      %run_scoped3A = tpu.sem_alloc : memref<!tpu.dma_semaphore, #tpu.memory_space<semaphore_mem>>
      %dma_start3A = arith.constant 0 : i32
      %dma_start3A_78 = arith.constant 0 : i32
      %dma_start3A_79 = tpu.memref_slice %arg5[%add3A, %dma_start3A, %dma_start3A_78] : memref<32x80x128xi32, #tpu.memory_space<hbm>> -> memref<1x40x128xi32, #tpu.memory_space<hbm>>
      %dma_start3A_80 = tpu.memref_squeeze %dma_start3A_79 : memref<1x40x128xi32, #tpu.memory_space<hbm>> -> memref<40x128xi32, #tpu.memory_space<hbm>>
      %dma_start3A_81 = arith.constant 0 : i32
      %dma_start3A_82 = arith.constant 0 : i32
      %dma_start3A_83 = tpu.memref_slice %arg5[%add3A, %dma_start3A_81, %dma_start3A_82] : memref<32x80x128xi32, #tpu.memory_space<hbm>> -> memref<1x40x128xi32, #tpu.memory_space<hbm>>
      %dma_start3A_84 = tpu.memref_squeeze %dma_start3A_83 : memref<1x40x128xi32, #tpu.memory_space<hbm>> -> memref<40x128xi32, #tpu.memory_space<hbm>>
      tpu.enqueue_dma source(%dma_start3A_84 : memref<40x128xi32, #tpu.memory_space<hbm>>) target(%arg13 : memref<40x128xi32, #tpu.memory_space<vmem>>) target_semaphore(%run_scoped3A : memref<!tpu.dma_semaphore, #tpu.memory_space<semaphore_mem>>)
      %dma_wait3A = arith.constant 0 : i32
      %dma_wait3A_85 = arith.constant 0 : i32
      %dma_wait3A_86 = tpu.memref_slice %arg5[%add3A, %dma_wait3A, %dma_wait3A_85] : memref<32x80x128xi32, #tpu.memory_space<hbm>> -> memref<1x40x128xi32, #tpu.memory_space<hbm>>
      %dma_wait3A_87 = tpu.memref_squeeze %dma_wait3A_86 : memref<1x40x128xi32, #tpu.memory_space<hbm>> -> memref<40x128xi32, #tpu.memory_space<hbm>>
      %dma_wait3A_88 = arith.constant 0 : i32
      %dma_wait3A_89 = arith.constant 0 : i32
      %dma_wait3A_90 = tpu.memref_slice %arg5[%add3A, %dma_wait3A_88, %dma_wait3A_89] : memref<32x80x128xi32, #tpu.memory_space<hbm>> -> memref<1x40x128xi32, #tpu.memory_space<hbm>>
      %dma_wait3A_91 = tpu.memref_squeeze %dma_wait3A_90 : memref<1x40x128xi32, #tpu.memory_space<hbm>> -> memref<40x128xi32, #tpu.memory_space<hbm>>
      tpu.wait_dma2 semaphore(%run_scoped3A : memref<!tpu.dma_semaphore, #tpu.memory_space<semaphore_mem>>) src(%dma_wait3A_91 : memref<40x128xi32, #tpu.memory_space<hbm>>) dst(%arg13 : memref<40x128xi32, #tpu.memory_space<vmem>>)
      tpu.yield
    }) : () -> ()
    %scan3A_20 = arith.constant 0 : i32
    %scan3A_21 = arith.constant 0 : i32
    %scan3A_22 = arith.constant 5 : i32
    %scan3A_23 = arith.addi %scan3A_21, %scan3A_22 : i32
    %scan3A_24 = arith.constant 1 : i32
    scf.for %scan3A_78 = %scan3A_21 to %scan3A_23 step %scan3A_24  : i32 {
      %mul3A_79 = arith.constant 8 : i32
      %mul3A_80 = arith.muli %scan3A_78, %mul3A_79 : i32
      %add3A_81 = arith.constant 0 : i32
      %add3A_82 = arith.addi %mul3A_80, %add3A_81 : i32
      %dma_start3A = arith.constant 0 : i32
      %dma_start3A_83 = tpu.memref_slice %arg13[%add3A_82, %dma_start3A] : memref<40x128xi32, #tpu.memory_space<vmem>> -> memref<1x128xi32, #tpu.memory_space<vmem>>
      %dma_start3A_84 = tpu.memref_squeeze %dma_start3A_83 : memref<1x128xi32, #tpu.memory_space<vmem>> -> memref<128xi32, #tpu.memory_space<vmem>>
      %dma_start3A_85 = arith.constant 0 : i32
      %dma_start3A_86 = arith.constant 0 : i32
      %dma_start3A_87 = tpu.memref_slice %arg8[%dma_start3A_85, %dma_start3A_86] : memref<10752x128xf32, #tpu.memory_space<vmem_shared>> -> memref<10752x128xf32, #tpu.memory_space<vmem_shared>>
      tpu.enqueue_indirect_dma source(%arg12 : memref<128x128xf32, #tpu.memory_space<vmem>>) target(%dma_start3A_87 : memref<10752x128xf32, #tpu.memory_space<vmem_shared>>) offsets(%dma_start3A_84 : memref<128xi32, #tpu.memory_space<vmem>>) semaphore(%arg14 : memref<!tpu.dma_semaphore, #tpu.memory_space<semaphore_mem>>) {add = true}
      %mul3A_88 = arith.constant 8 : i32
      %mul3A_89 = arith.muli %scan3A_78, %mul3A_88 : i32
      %add3A_90 = arith.constant 0 : i32
      %add3A_91 = arith.addi %mul3A_89, %add3A_90 : i32
      %add3A_92 = arith.constant 1 : i32
      %add3A_93 = arith.addi %add3A_91, %add3A_92 : i32
      %dma_start3A_94 = arith.constant 0 : i32
      %dma_start3A_95 = tpu.memref_slice %arg13[%add3A_93, %dma_start3A_94] : memref<40x128xi32, #tpu.memory_space<vmem>> -> memref<1x128xi32, #tpu.memory_space<vmem>>
      %dma_start3A_96 = tpu.memref_squeeze %dma_start3A_95 : memref<1x128xi32, #tpu.memory_space<vmem>> -> memref<128xi32, #tpu.memory_space<vmem>>
      %dma_start3A_97 = arith.constant 0 : i32
      %dma_start3A_98 = arith.constant 0 : i32
      %dma_start3A_99 = tpu.memref_slice %arg8[%dma_start3A_97, %dma_start3A_98] : memref<10752x128xf32, #tpu.memory_space<vmem_shared>> -> memref<10752x128xf32, #tpu.memory_space<vmem_shared>>
      tpu.enqueue_indirect_dma source(%arg12 : memref<128x128xf32, #tpu.memory_space<vmem>>) target(%dma_start3A_99 : memref<10752x128xf32, #tpu.memory_space<vmem_shared>>) offsets(%dma_start3A_96 : memref<128xi32, #tpu.memory_space<vmem>>) semaphore(%arg15 : memref<!tpu.dma_semaphore, #tpu.memory_space<semaphore_mem>>) {add = true}
      %mul3A_100 = arith.constant 8 : i32
      %mul3A_101 = arith.muli %scan3A_78, %mul3A_100 : i32
      %add3A_102 = arith.constant 2 : i32
      %add3A_103 = arith.addi %mul3A_101, %add3A_102 : i32
      %dma_start3A_104 = arith.constant 0 : i32
      %dma_start3A_105 = tpu.memref_slice %arg13[%add3A_103, %dma_start3A_104] : memref<40x128xi32, #tpu.memory_space<vmem>> -> memref<1x128xi32, #tpu.memory_space<vmem>>
      %dma_start3A_106 = tpu.memref_squeeze %dma_start3A_105 : memref<1x128xi32, #tpu.memory_space<vmem>> -> memref<128xi32, #tpu.memory_space<vmem>>
      %dma_start3A_107 = arith.constant 0 : i32
      %dma_start3A_108 = arith.constant 0 : i32
      %dma_start3A_109 = tpu.memref_slice %arg8[%dma_start3A_107, %dma_start3A_108] : memref<10752x128xf32, #tpu.memory_space<vmem_shared>> -> memref<10752x128xf32, #tpu.memory_space<vmem_shared>>
      tpu.enqueue_indirect_dma source(%arg12 : memref<128x128xf32, #tpu.memory_space<vmem>>) target(%dma_start3A_109 : memref<10752x128xf32, #tpu.memory_space<vmem_shared>>) offsets(%dma_start3A_106 : memref<128xi32, #tpu.memory_space<vmem>>) semaphore(%arg14 : memref<!tpu.dma_semaphore, #tpu.memory_space<semaphore_mem>>) {add = true}
      %mul3A_110 = arith.constant 8 : i32
      %mul3A_111 = arith.muli %scan3A_78, %mul3A_110 : i32
      %add3A_112 = arith.constant 2 : i32
      %add3A_113 = arith.addi %mul3A_111, %add3A_112 : i32
      %add3A_114 = arith.constant 1 : i32
      %add3A_115 = arith.addi %add3A_113, %add3A_114 : i32
      %dma_start3A_116 = arith.constant 0 : i32
      %dma_start3A_117 = tpu.memref_slice %arg13[%add3A_115, %dma_start3A_116] : memref<40x128xi32, #tpu.memory_space<vmem>> -> memref<1x128xi32, #tpu.memory_space<vmem>>
      %dma_start3A_118 = tpu.memref_squeeze %dma_start3A_117 : memref<1x128xi32, #tpu.memory_space<vmem>> -> memref<128xi32, #tpu.memory_space<vmem>>
      %dma_start3A_119 = arith.constant 0 : i32
      %dma_start3A_120 = arith.constant 0 : i32
      %dma_start3A_121 = tpu.memref_slice %arg8[%dma_start3A_119, %dma_start3A_120] : memref<10752x128xf32, #tpu.memory_space<vmem_shared>> -> memref<10752x128xf32, #tpu.memory_space<vmem_shared>>
      tpu.enqueue_indirect_dma source(%arg12 : memref<128x128xf32, #tpu.memory_space<vmem>>) target(%dma_start3A_121 : memref<10752x128xf32, #tpu.memory_space<vmem_shared>>) offsets(%dma_start3A_118 : memref<128xi32, #tpu.memory_space<vmem>>) semaphore(%arg15 : memref<!tpu.dma_semaphore, #tpu.memory_space<semaphore_mem>>) {add = true}
      %mul3A_122 = arith.constant 8 : i32
      %mul3A_123 = arith.muli %scan3A_78, %mul3A_122 : i32
      %add3A_124 = arith.constant 4 : i32
      %add3A_125 = arith.addi %mul3A_123, %add3A_124 : i32
      %dma_start3A_126 = arith.constant 0 : i32
      %dma_start3A_127 = tpu.memref_slice %arg13[%add3A_125, %dma_start3A_126] : memref<40x128xi32, #tpu.memory_space<vmem>> -> memref<1x128xi32, #tpu.memory_space<vmem>>
      %dma_start3A_128 = tpu.memref_squeeze %dma_start3A_127 : memref<1x128xi32, #tpu.memory_space<vmem>> -> memref<128xi32, #tpu.memory_space<vmem>>
      %dma_start3A_129 = arith.constant 0 : i32
      %dma_start3A_130 = arith.constant 0 : i32
      %dma_start3A_131 = tpu.memref_slice %arg8[%dma_start3A_129, %dma_start3A_130] : memref<10752x128xf32, #tpu.memory_space<vmem_shared>> -> memref<10752x128xf32, #tpu.memory_space<vmem_shared>>
      tpu.enqueue_indirect_dma source(%arg12 : memref<128x128xf32, #tpu.memory_space<vmem>>) target(%dma_start3A_131 : memref<10752x128xf32, #tpu.memory_space<vmem_shared>>) offsets(%dma_start3A_128 : memref<128xi32, #tpu.memory_space<vmem>>) semaphore(%arg14 : memref<!tpu.dma_semaphore, #tpu.memory_space<semaphore_mem>>) {add = true}
      %mul3A_132 = arith.constant 8 : i32
      %mul3A_133 = arith.muli %scan3A_78, %mul3A_132 : i32
      %add3A_134 = arith.constant 4 : i32
      %add3A_135 = arith.addi %mul3A_133, %add3A_134 : i32
      %add3A_136 = arith.constant 1 : i32
      %add3A_137 = arith.addi %add3A_135, %add3A_136 : i32
      %dma_start3A_138 = arith.constant 0 : i32
      %dma_start3A_139 = tpu.memref_slice %arg13[%add3A_137, %dma_start3A_138] : memref<40x128xi32, #tpu.memory_space<vmem>> -> memref<1x128xi32, #tpu.memory_space<vmem>>
      %dma_start3A_140 = tpu.memref_squeeze %dma_start3A_139 : memref<1x128xi32, #tpu.memory_space<vmem>> -> memref<128xi32, #tpu.memory_space<vmem>>
      %dma_start3A_141 = arith.constant 0 : i32
      %dma_start3A_142 = arith.constant 0 : i32
      %dma_start3A_143 = tpu.memref_slice %arg8[%dma_start3A_141, %dma_start3A_142] : memref<10752x128xf32, #tpu.memory_space<vmem_shared>> -> memref<10752x128xf32, #tpu.memory_space<vmem_shared>>
      tpu.enqueue_indirect_dma source(%arg12 : memref<128x128xf32, #tpu.memory_space<vmem>>) target(%dma_start3A_143 : memref<10752x128xf32, #tpu.memory_space<vmem_shared>>) offsets(%dma_start3A_140 : memref<128xi32, #tpu.memory_space<vmem>>) semaphore(%arg15 : memref<!tpu.dma_semaphore, #tpu.memory_space<semaphore_mem>>) {add = true}
      %mul3A_144 = arith.constant 8 : i32
      %mul3A_145 = arith.muli %scan3A_78, %mul3A_144 : i32
      %add3A_146 = arith.constant 6 : i32
      %add3A_147 = arith.addi %mul3A_145, %add3A_146 : i32
      %dma_start3A_148 = arith.constant 0 : i32
      %dma_start3A_149 = tpu.memref_slice %arg13[%add3A_147, %dma_start3A_148] : memref<40x128xi32, #tpu.memory_space<vmem>> -> memref<1x128xi32, #tpu.memory_space<vmem>>
      %dma_start3A_150 = tpu.memref_squeeze %dma_start3A_149 : memref<1x128xi32, #tpu.memory_space<vmem>> -> memref<128xi32, #tpu.memory_space<vmem>>
      %dma_start3A_151 = arith.constant 0 : i32
      %dma_start3A_152 = arith.constant 0 : i32
      %dma_start3A_153 = tpu.memref_slice %arg8[%dma_start3A_151, %dma_start3A_152] : memref<10752x128xf32, #tpu.memory_space<vmem_shared>> -> memref<10752x128xf32, #tpu.memory_space<vmem_shared>>
      tpu.enqueue_indirect_dma source(%arg12 : memref<128x128xf32, #tpu.memory_space<vmem>>) target(%dma_start3A_153 : memref<10752x128xf32, #tpu.memory_space<vmem_shared>>) offsets(%dma_start3A_150 : memref<128xi32, #tpu.memory_space<vmem>>) semaphore(%arg14 : memref<!tpu.dma_semaphore, #tpu.memory_space<semaphore_mem>>) {add = true}
      %mul3A_154 = arith.constant 8 : i32
      %mul3A_155 = arith.muli %scan3A_78, %mul3A_154 : i32
      %add3A_156 = arith.constant 6 : i32
      %add3A_157 = arith.addi %mul3A_155, %add3A_156 : i32
      %add3A_158 = arith.constant 1 : i32
      %add3A_159 = arith.addi %add3A_157, %add3A_158 : i32
      %dma_start3A_160 = arith.constant 0 : i32
      %dma_start3A_161 = tpu.memref_slice %arg13[%add3A_159, %dma_start3A_160] : memref<40x128xi32, #tpu.memory_space<vmem>> -> memref<1x128xi32, #tpu.memory_space<vmem>>
      %dma_start3A_162 = tpu.memref_squeeze %dma_start3A_161 : memref<1x128xi32, #tpu.memory_space<vmem>> -> memref<128xi32, #tpu.memory_space<vmem>>
      %dma_start3A_163 = arith.constant 0 : i32
      %dma_start3A_164 = arith.constant 0 : i32
      %dma_start3A_165 = tpu.memref_slice %arg8[%dma_start3A_163, %dma_start3A_164] : memref<10752x128xf32, #tpu.memory_space<vmem_shared>> -> memref<10752x128xf32, #tpu.memory_space<vmem_shared>>
      tpu.enqueue_indirect_dma source(%arg12 : memref<128x128xf32, #tpu.memory_space<vmem>>) target(%dma_start3A_165 : memref<10752x128xf32, #tpu.memory_space<vmem_shared>>) offsets(%dma_start3A_162 : memref<128xi32, #tpu.memory_space<vmem>>) semaphore(%arg15 : memref<!tpu.dma_semaphore, #tpu.memory_space<semaphore_mem>>) {add = true}
      %dma_wait3A = arith.constant 0 : i32
      %dma_wait3A_166 = arith.constant 0 : i32
      %dma_wait3A_167 = tpu.memref_slice %arg8[%dma_wait3A, %dma_wait3A_166] : memref<10752x128xf32, #tpu.memory_space<vmem_shared>> -> memref<128x128xf32, #tpu.memory_space<vmem_shared>>
      %dma_wait3A_168 = arith.constant 0 : i32
      %dma_wait3A_169 = arith.constant 0 : i32
      %dma_wait3A_170 = tpu.memref_slice %arg8[%dma_wait3A_168, %dma_wait3A_169] : memref<10752x128xf32, #tpu.memory_space<vmem_shared>> -> memref<128x128xf32, #tpu.memory_space<vmem_shared>>
      tpu.wait_dma2 semaphore(%arg14 : memref<!tpu.dma_semaphore, #tpu.memory_space<semaphore_mem>>) src(%arg12 : memref<128x128xf32, #tpu.memory_space<vmem>>) dst(%dma_wait3A_170 : memref<128x128xf32, #tpu.memory_space<vmem_shared>>)
      %dma_wait3A_171 = arith.constant 0 : i32
      %dma_wait3A_172 = arith.constant 0 : i32
      %dma_wait3A_173 = tpu.memref_slice %arg8[%dma_wait3A_171, %dma_wait3A_172] : memref<10752x128xf32, #tpu.memory_space<vmem_shared>> -> memref<128x128xf32, #tpu.memory_space<vmem_shared>>
      %dma_wait3A_174 = arith.constant 0 : i32
      %dma_wait3A_175 = arith.constant 0 : i32
      %dma_wait3A_176 = tpu.memref_slice %arg8[%dma_wait3A_174, %dma_wait3A_175] : memref<10752x128xf32, #tpu.memory_space<vmem_shared>> -> memref<128x128xf32, #tpu.memory_space<vmem_shared>>
      tpu.wait_dma2 semaphore(%arg15 : memref<!tpu.dma_semaphore, #tpu.memory_space<semaphore_mem>>) src(%arg12 : memref<128x128xf32, #tpu.memory_space<vmem>>) dst(%dma_wait3A_176 : memref<128x128xf32, #tpu.memory_space<vmem_shared>>)
      %dma_wait3A_177 = arith.constant 0 : i32
      %dma_wait3A_178 = arith.constant 0 : i32
      %dma_wait3A_179 = tpu.memref_slice %arg8[%dma_wait3A_177, %dma_wait3A_178] : memref<10752x128xf32, #tpu.memory_space<vmem_shared>> -> memref<128x128xf32, #tpu.memory_space<vmem_shared>>
      %dma_wait3A_180 = arith.constant 0 : i32
      %dma_wait3A_181 = arith.constant 0 : i32
      %dma_wait3A_182 = tpu.memref_slice %arg8[%dma_wait3A_180, %dma_wait3A_181] : memref<10752x128xf32, #tpu.memory_space<vmem_shared>> -> memref<128x128xf32, #tpu.memory_space<vmem_shared>>
      tpu.wait_dma2 semaphore(%arg14 : memref<!tpu.dma_semaphore, #tpu.memory_space<semaphore_mem>>) src(%arg12 : memref<128x128xf32, #tpu.memory_space<vmem>>) dst(%dma_wait3A_182 : memref<128x128xf32, #tpu.memory_space<vmem_shared>>)
      %dma_wait3A_183 = arith.constant 0 : i32
      %dma_wait3A_184 = arith.constant 0 : i32
      %dma_wait3A_185 = tpu.memref_slice %arg8[%dma_wait3A_183, %dma_wait3A_184] : memref<10752x128xf32, #tpu.memory_space<vmem_shared>> -> memref<128x128xf32, #tpu.memory_space<vmem_shared>>
      %dma_wait3A_186 = arith.constant 0 : i32
      %dma_wait3A_187 = arith.constant 0 : i32
      %dma_wait3A_188 = tpu.memref_slice %arg8[%dma_wait3A_186, %dma_wait3A_187] : memref<10752x128xf32, #tpu.memory_space<vmem_shared>> -> memref<128x128xf32, #tpu.memory_space<vmem_shared>>
      tpu.wait_dma2 semaphore(%arg15 : memref<!tpu.dma_semaphore, #tpu.memory_space<semaphore_mem>>) src(%arg12 : memref<128x128xf32, #tpu.memory_space<vmem>>) dst(%dma_wait3A_188 : memref<128x128xf32, #tpu.memory_space<vmem_shared>>)
      %dma_wait3A_189 = arith.constant 0 : i32
      %dma_wait3A_190 = arith.constant 0 : i32
      %dma_wait3A_191 = tpu.memref_slice %arg8[%dma_wait3A_189, %dma_wait3A_190] : memref<10752x128xf32, #tpu.memory_space<vmem_shared>> -> memref<128x128xf32, #tpu.memory_space<vmem_shared>>
      %dma_wait3A_192 = arith.constant 0 : i32
      %dma_wait3A_193 = arith.constant 0 : i32
      %dma_wait3A_194 = tpu.memref_slice %arg8[%dma_wait3A_192, %dma_wait3A_193] : memref<10752x128xf32, #tpu.memory_space<vmem_shared>> -> memref<128x128xf32, #tpu.memory_space<vmem_shared>>
      tpu.wait_dma2 semaphore(%arg14 : memref<!tpu.dma_semaphore, #tpu.memory_space<semaphore_mem>>) src(%arg12 : memref<128x128xf32, #tpu.memory_space<vmem>>) dst(%dma_wait3A_194 : memref<128x128xf32, #tpu.memory_space<vmem_shared>>)
      %dma_wait3A_195 = arith.constant 0 : i32
      %dma_wait3A_196 = arith.constant 0 : i32
      %dma_wait3A_197 = tpu.memref_slice %arg8[%dma_wait3A_195, %dma_wait3A_196] : memref<10752x128xf32, #tpu.memory_space<vmem_shared>> -> memref<128x128xf32, #tpu.memory_space<vmem_shared>>
      %dma_wait3A_198 = arith.constant 0 : i32
      %dma_wait3A_199 = arith.constant 0 : i32
      %dma_wait3A_200 = tpu.memref_slice %arg8[%dma_wait3A_198, %dma_wait3A_199] : memref<10752x128xf32, #tpu.memory_space<vmem_shared>> -> memref<128x128xf32, #tpu.memory_space<vmem_shared>>
      tpu.wait_dma2 semaphore(%arg15 : memref<!tpu.dma_semaphore, #tpu.memory_space<semaphore_mem>>) src(%arg12 : memref<128x128xf32, #tpu.memory_space<vmem>>) dst(%dma_wait3A_200 : memref<128x128xf32, #tpu.memory_space<vmem_shared>>)
      %dma_wait3A_201 = arith.constant 0 : i32
      %dma_wait3A_202 = arith.constant 0 : i32
      %dma_wait3A_203 = tpu.memref_slice %arg8[%dma_wait3A_201, %dma_wait3A_202] : memref<10752x128xf32, #tpu.memory_space<vmem_shared>> -> memref<128x128xf32, #tpu.memory_space<vmem_shared>>
      %dma_wait3A_204 = arith.constant 0 : i32
      %dma_wait3A_205 = arith.constant 0 : i32
      %dma_wait3A_206 = tpu.memref_slice %arg8[%dma_wait3A_204, %dma_wait3A_205] : memref<10752x128xf32, #tpu.memory_space<vmem_shared>> -> memref<128x128xf32, #tpu.memory_space<vmem_shared>>
      tpu.wait_dma2 semaphore(%arg14 : memref<!tpu.dma_semaphore, #tpu.memory_space<semaphore_mem>>) src(%arg12 : memref<128x128xf32, #tpu.memory_space<vmem>>) dst(%dma_wait3A_206 : memref<128x128xf32, #tpu.memory_space<vmem_shared>>)
      %dma_wait3A_207 = arith.constant 0 : i32
      %dma_wait3A_208 = arith.constant 0 : i32
      %dma_wait3A_209 = tpu.memref_slice %arg8[%dma_wait3A_207, %dma_wait3A_208] : memref<10752x128xf32, #tpu.memory_space<vmem_shared>> -> memref<128x128xf32, #tpu.memory_space<vmem_shared>>
      %dma_wait3A_210 = arith.constant 0 : i32
      %dma_wait3A_211 = arith.constant 0 : i32
      %dma_wait3A_212 = tpu.memref_slice %arg8[%dma_wait3A_210, %dma_wait3A_211] : memref<10752x128xf32, #tpu.memory_space<vmem_shared>> -> memref<128x128xf32, #tpu.memory_space<vmem_shared>>
      tpu.wait_dma2 semaphore(%arg15 : memref<!tpu.dma_semaphore, #tpu.memory_space<semaphore_mem>>) src(%arg12 : memref<128x128xf32, #tpu.memory_space<vmem>>) dst(%dma_wait3A_212 : memref<128x128xf32, #tpu.memory_space<vmem_shared>>)
    }
    %scan3A_25 = arith.constant 5 : i32
    "tpu.region"() ({
      %run_scoped3A = tpu.sem_alloc : memref<!tpu.dma_semaphore, #tpu.memory_space<semaphore_mem>>
      %dma_start3A = arith.constant 40 : i32
      %dma_start3A_78 = arith.constant 0 : i32
      %dma_start3A_79 = tpu.memref_slice %arg5[%add3A, %dma_start3A, %dma_start3A_78] : memref<32x80x128xi32, #tpu.memory_space<hbm>> -> memref<1x40x128xi32, #tpu.memory_space<hbm>>
      %dma_start3A_80 = tpu.memref_squeeze %dma_start3A_79 : memref<1x40x128xi32, #tpu.memory_space<hbm>> -> memref<40x128xi32, #tpu.memory_space<hbm>>
      %dma_start3A_81 = arith.constant 40 : i32
      %dma_start3A_82 = arith.constant 0 : i32
      %dma_start3A_83 = tpu.memref_slice %arg5[%add3A, %dma_start3A_81, %dma_start3A_82] : memref<32x80x128xi32, #tpu.memory_space<hbm>> -> memref<1x40x128xi32, #tpu.memory_space<hbm>>
      %dma_start3A_84 = tpu.memref_squeeze %dma_start3A_83 : memref<1x40x128xi32, #tpu.memory_space<hbm>> -> memref<40x128xi32, #tpu.memory_space<hbm>>
      tpu.enqueue_dma source(%dma_start3A_84 : memref<40x128xi32, #tpu.memory_space<hbm>>) target(%arg13 : memref<40x128xi32, #tpu.memory_space<vmem>>) target_semaphore(%run_scoped3A : memref<!tpu.dma_semaphore, #tpu.memory_space<semaphore_mem>>)
      %dma_wait3A = arith.constant 40 : i32
      %dma_wait3A_85 = arith.constant 0 : i32
      %dma_wait3A_86 = tpu.memref_slice %arg5[%add3A, %dma_wait3A, %dma_wait3A_85] : memref<32x80x128xi32, #tpu.memory_space<hbm>> -> memref<1x40x128xi32, #tpu.memory_space<hbm>>
      %dma_wait3A_87 = tpu.memref_squeeze %dma_wait3A_86 : memref<1x40x128xi32, #tpu.memory_space<hbm>> -> memref<40x128xi32, #tpu.memory_space<hbm>>
      %dma_wait3A_88 = arith.constant 40 : i32
      %dma_wait3A_89 = arith.constant 0 : i32
      %dma_wait3A_90 = tpu.memref_slice %arg5[%add3A, %dma_wait3A_88, %dma_wait3A_89] : memref<32x80x128xi32, #tpu.memory_space<hbm>> -> memref<1x40x128xi32, #tpu.memory_space<hbm>>
      %dma_wait3A_91 = tpu.memref_squeeze %dma_wait3A_90 : memref<1x40x128xi32, #tpu.memory_space<hbm>> -> memref<40x128xi32, #tpu.memory_space<hbm>>
      tpu.wait_dma2 semaphore(%run_scoped3A : memref<!tpu.dma_semaphore, #tpu.memory_space<semaphore_mem>>) src(%dma_wait3A_91 : memref<40x128xi32, #tpu.memory_space<hbm>>) dst(%arg13 : memref<40x128xi32, #tpu.memory_space<vmem>>)
      tpu.yield
    }) : () -> ()
    %scan3A_26 = arith.constant 0 : i32
    %scan3A_27 = arith.constant 0 : i32
    %scan3A_28 = arith.constant 5 : i32
    %scan3A_29 = arith.addi %scan3A_27, %scan3A_28 : i32
    %scan3A_30 = arith.constant 1 : i32
    scf.for %scan3A_78 = %scan3A_27 to %scan3A_29 step %scan3A_30  : i32 {
      %mul3A_79 = arith.constant 8 : i32
      %mul3A_80 = arith.muli %scan3A_78, %mul3A_79 : i32
      %add3A_81 = arith.constant 0 : i32
      %add3A_82 = arith.addi %mul3A_80, %add3A_81 : i32
      %dma_start3A = arith.constant 0 : i32
      %dma_start3A_83 = tpu.memref_slice %arg13[%add3A_82, %dma_start3A] : memref<40x128xi32, #tpu.memory_space<vmem>> -> memref<1x128xi32, #tpu.memory_space<vmem>>
      %dma_start3A_84 = tpu.memref_squeeze %dma_start3A_83 : memref<1x128xi32, #tpu.memory_space<vmem>> -> memref<128xi32, #tpu.memory_space<vmem>>
      %dma_start3A_85 = arith.constant 0 : i32
      %dma_start3A_86 = arith.constant 0 : i32
      %dma_start3A_87 = tpu.memref_slice %arg8[%dma_start3A_85, %dma_start3A_86] : memref<10752x128xf32, #tpu.memory_space<vmem_shared>> -> memref<10752x128xf32, #tpu.memory_space<vmem_shared>>
      tpu.enqueue_indirect_dma source(%arg12 : memref<128x128xf32, #tpu.memory_space<vmem>>) target(%dma_start3A_87 : memref<10752x128xf32, #tpu.memory_space<vmem_shared>>) offsets(%dma_start3A_84 : memref<128xi32, #tpu.memory_space<vmem>>) semaphore(%arg14 : memref<!tpu.dma_semaphore, #tpu.memory_space<semaphore_mem>>) {add = true}
      %mul3A_88 = arith.constant 8 : i32
      %mul3A_89 = arith.muli %scan3A_78, %mul3A_88 : i32
      %add3A_90 = arith.constant 0 : i32
      %add3A_91 = arith.addi %mul3A_89, %add3A_90 : i32
      %add3A_92 = arith.constant 1 : i32
      %add3A_93 = arith.addi %add3A_91, %add3A_92 : i32
      %dma_start3A_94 = arith.constant 0 : i32
      %dma_start3A_95 = tpu.memref_slice %arg13[%add3A_93, %dma_start3A_94] : memref<40x128xi32, #tpu.memory_space<vmem>> -> memref<1x128xi32, #tpu.memory_space<vmem>>
      %dma_start3A_96 = tpu.memref_squeeze %dma_start3A_95 : memref<1x128xi32, #tpu.memory_space<vmem>> -> memref<128xi32, #tpu.memory_space<vmem>>
      %dma_start3A_97 = arith.constant 0 : i32
      %dma_start3A_98 = arith.constant 0 : i32
      %dma_start3A_99 = tpu.memref_slice %arg8[%dma_start3A_97, %dma_start3A_98] : memref<10752x128xf32, #tpu.memory_space<vmem_shared>> -> memref<10752x128xf32, #tpu.memory_space<vmem_shared>>
      tpu.enqueue_indirect_dma source(%arg12 : memref<128x128xf32, #tpu.memory_space<vmem>>) target(%dma_start3A_99 : memref<10752x128xf32, #tpu.memory_space<vmem_shared>>) offsets(%dma_start3A_96 : memref<128xi32, #tpu.memory_space<vmem>>) semaphore(%arg15 : memref<!tpu.dma_semaphore, #tpu.memory_space<semaphore_mem>>) {add = true}
      %mul3A_100 = arith.constant 8 : i32
      %mul3A_101 = arith.muli %scan3A_78, %mul3A_100 : i32
      %add3A_102 = arith.constant 2 : i32
      %add3A_103 = arith.addi %mul3A_101, %add3A_102 : i32
      %dma_start3A_104 = arith.constant 0 : i32
      %dma_start3A_105 = tpu.memref_slice %arg13[%add3A_103, %dma_start3A_104] : memref<40x128xi32, #tpu.memory_space<vmem>> -> memref<1x128xi32, #tpu.memory_space<vmem>>
      %dma_start3A_106 = tpu.memref_squeeze %dma_start3A_105 : memref<1x128xi32, #tpu.memory_space<vmem>> -> memref<128xi32, #tpu.memory_space<vmem>>
      %dma_start3A_107 = arith.constant 0 : i32
      %dma_start3A_108 = arith.constant 0 : i32
      %dma_start3A_109 = tpu.memref_slice %arg8[%dma_start3A_107, %dma_start3A_108] : memref<10752x128xf32, #tpu.memory_space<vmem_shared>> -> memref<10752x128xf32, #tpu.memory_space<vmem_shared>>
      tpu.enqueue_indirect_dma source(%arg12 : memref<128x128xf32, #tpu.memory_space<vmem>>) target(%dma_start3A_109 : memref<10752x128xf32, #tpu.memory_space<vmem_shared>>) offsets(%dma_start3A_106 : memref<128xi32, #tpu.memory_space<vmem>>) semaphore(%arg14 : memref<!tpu.dma_semaphore, #tpu.memory_space<semaphore_mem>>) {add = true}
      %mul3A_110 = arith.constant 8 : i32
      %mul3A_111 = arith.muli %scan3A_78, %mul3A_110 : i32
      %add3A_112 = arith.constant 2 : i32
      %add3A_113 = arith.addi %mul3A_111, %add3A_112 : i32
      %add3A_114 = arith.constant 1 : i32
      %add3A_115 = arith.addi %add3A_113, %add3A_114 : i32
      %dma_start3A_116 = arith.constant 0 : i32
      %dma_start3A_117 = tpu.memref_slice %arg13[%add3A_115, %dma_start3A_116] : memref<40x128xi32, #tpu.memory_space<vmem>> -> memref<1x128xi32, #tpu.memory_space<vmem>>
      %dma_start3A_118 = tpu.memref_squeeze %dma_start3A_117 : memref<1x128xi32, #tpu.memory_space<vmem>> -> memref<128xi32, #tpu.memory_space<vmem>>
      %dma_start3A_119 = arith.constant 0 : i32
      %dma_start3A_120 = arith.constant 0 : i32
      %dma_start3A_121 = tpu.memref_slice %arg8[%dma_start3A_119, %dma_start3A_120] : memref<10752x128xf32, #tpu.memory_space<vmem_shared>> -> memref<10752x128xf32, #tpu.memory_space<vmem_shared>>
      tpu.enqueue_indirect_dma source(%arg12 : memref<128x128xf32, #tpu.memory_space<vmem>>) target(%dma_start3A_121 : memref<10752x128xf32, #tpu.memory_space<vmem_shared>>) offsets(%dma_start3A_118 : memref<128xi32, #tpu.memory_space<vmem>>) semaphore(%arg15 : memref<!tpu.dma_semaphore, #tpu.memory_space<semaphore_mem>>) {add = true}
      %mul3A_122 = arith.constant 8 : i32
      %mul3A_123 = arith.muli %scan3A_78, %mul3A_122 : i32
      %add3A_124 = arith.constant 4 : i32
      %add3A_125 = arith.addi %mul3A_123, %add3A_124 : i32
      %dma_start3A_126 = arith.constant 0 : i32
      %dma_start3A_127 = tpu.memref_slice %arg13[%add3A_125, %dma_start3A_126] : memref<40x128xi32, #tpu.memory_space<vmem>> -> memref<1x128xi32, #tpu.memory_space<vmem>>
      %dma_start3A_128 = tpu.memref_squeeze %dma_start3A_127 : memref<1x128xi32, #tpu.memory_space<vmem>> -> memref<128xi32, #tpu.memory_space<vmem>>
      %dma_start3A_129 = arith.constant 0 : i32
      %dma_start3A_130 = arith.constant 0 : i32
      %dma_start3A_131 = tpu.memref_slice %arg8[%dma_start3A_129, %dma_start3A_130] : memref<10752x128xf32, #tpu.memory_space<vmem_shared>> -> memref<10752x128xf32, #tpu.memory_space<vmem_shared>>
      tpu.enqueue_indirect_dma source(%arg12 : memref<128x128xf32, #tpu.memory_space<vmem>>) target(%dma_start3A_131 : memref<10752x128xf32, #tpu.memory_space<vmem_shared>>) offsets(%dma_start3A_128 : memref<128xi32, #tpu.memory_space<vmem>>) semaphore(%arg14 : memref<!tpu.dma_semaphore, #tpu.memory_space<semaphore_mem>>) {add = true}
      %mul3A_132 = arith.constant 8 : i32
      %mul3A_133 = arith.muli %scan3A_78, %mul3A_132 : i32
      %add3A_134 = arith.constant 4 : i32
      %add3A_135 = arith.addi %mul3A_133, %add3A_134 : i32
      %add3A_136 = arith.constant 1 : i32
      %add3A_137 = arith.addi %add3A_135, %add3A_136 : i32
      %dma_start3A_138 = arith.constant 0 : i32
      %dma_start3A_139 = tpu.memref_slice %arg13[%add3A_137, %dma_start3A_138] : memref<40x128xi32, #tpu.memory_space<vmem>> -> memref<1x128xi32, #tpu.memory_space<vmem>>
      %dma_start3A_140 = tpu.memref_squeeze %dma_start3A_139 : memref<1x128xi32, #tpu.memory_space<vmem>> -> memref<128xi32, #tpu.memory_space<vmem>>
      %dma_start3A_141 = arith.constant 0 : i32
      %dma_start3A_142 = arith.constant 0 : i32
      %dma_start3A_143 = tpu.memref_slice %arg8[%dma_start3A_141, %dma_start3A_142] : memref<10752x128xf32, #tpu.memory_space<vmem_shared>> -> memref<10752x128xf32, #tpu.memory_space<vmem_shared>>
      tpu.enqueue_indirect_dma source(%arg12 : memref<128x128xf32, #tpu.memory_space<vmem>>) target(%dma_start3A_143 : memref<10752x128xf32, #tpu.memory_space<vmem_shared>>) offsets(%dma_start3A_140 : memref<128xi32, #tpu.memory_space<vmem>>) semaphore(%arg15 : memref<!tpu.dma_semaphore, #tpu.memory_space<semaphore_mem>>) {add = true}
      %mul3A_144 = arith.constant 8 : i32
      %mul3A_145 = arith.muli %scan3A_78, %mul3A_144 : i32
      %add3A_146 = arith.constant 6 : i32
      %add3A_147 = arith.addi %mul3A_145, %add3A_146 : i32
      %dma_start3A_148 = arith.constant 0 : i32
      %dma_start3A_149 = tpu.memref_slice %arg13[%add3A_147, %dma_start3A_148] : memref<40x128xi32, #tpu.memory_space<vmem>> -> memref<1x128xi32, #tpu.memory_space<vmem>>
      %dma_start3A_150 = tpu.memref_squeeze %dma_start3A_149 : memref<1x128xi32, #tpu.memory_space<vmem>> -> memref<128xi32, #tpu.memory_space<vmem>>
      %dma_start3A_151 = arith.constant 0 : i32
      %dma_start3A_152 = arith.constant 0 : i32
      %dma_start3A_153 = tpu.memref_slice %arg8[%dma_start3A_151, %dma_start3A_152] : memref<10752x128xf32, #tpu.memory_space<vmem_shared>> -> memref<10752x128xf32, #tpu.memory_space<vmem_shared>>
      tpu.enqueue_indirect_dma source(%arg12 : memref<128x128xf32, #tpu.memory_space<vmem>>) target(%dma_start3A_153 : memref<10752x128xf32, #tpu.memory_space<vmem_shared>>) offsets(%dma_start3A_150 : memref<128xi32, #tpu.memory_space<vmem>>) semaphore(%arg14 : memref<!tpu.dma_semaphore, #tpu.memory_space<semaphore_mem>>) {add = true}
      %mul3A_154 = arith.constant 8 : i32
      %mul3A_155 = arith.muli %scan3A_78, %mul3A_154 : i32
      %add3A_156 = arith.constant 6 : i32
      %add3A_157 = arith.addi %mul3A_155, %add3A_156 : i32
      %add3A_158 = arith.constant 1 : i32
      %add3A_159 = arith.addi %add3A_157, %add3A_158 : i32
      %dma_start3A_160 = arith.constant 0 : i32
      %dma_start3A_161 = tpu.memref_slice %arg13[%add3A_159, %dma_start3A_160] : memref<40x128xi32, #tpu.memory_space<vmem>> -> memref<1x128xi32, #tpu.memory_space<vmem>>
      %dma_start3A_162 = tpu.memref_squeeze %dma_start3A_161 : memref<1x128xi32, #tpu.memory_space<vmem>> -> memref<128xi32, #tpu.memory_space<vmem>>
      %dma_start3A_163 = arith.constant 0 : i32
      %dma_start3A_164 = arith.constant 0 : i32
      %dma_start3A_165 = tpu.memref_slice %arg8[%dma_start3A_163, %dma_start3A_164] : memref<10752x128xf32, #tpu.memory_space<vmem_shared>> -> memref<10752x128xf32, #tpu.memory_space<vmem_shared>>
      tpu.enqueue_indirect_dma source(%arg12 : memref<128x128xf32, #tpu.memory_space<vmem>>) target(%dma_start3A_165 : memref<10752x128xf32, #tpu.memory_space<vmem_shared>>) offsets(%dma_start3A_162 : memref<128xi32, #tpu.memory_space<vmem>>) semaphore(%arg15 : memref<!tpu.dma_semaphore, #tpu.memory_space<semaphore_mem>>) {add = true}
      %dma_wait3A = arith.constant 0 : i32
      %dma_wait3A_166 = arith.constant 0 : i32
      %dma_wait3A_167 = tpu.memref_slice %arg8[%dma_wait3A, %dma_wait3A_166] : memref<10752x128xf32, #tpu.memory_space<vmem_shared>> -> memref<128x128xf32, #tpu.memory_space<vmem_shared>>
      %dma_wait3A_168 = arith.constant 0 : i32
      %dma_wait3A_169 = arith.constant 0 : i32
      %dma_wait3A_170 = tpu.memref_slice %arg8[%dma_wait3A_168, %dma_wait3A_169] : memref<10752x128xf32, #tpu.memory_space<vmem_shared>> -> memref<128x128xf32, #tpu.memory_space<vmem_shared>>
      tpu.wait_dma2 semaphore(%arg14 : memref<!tpu.dma_semaphore, #tpu.memory_space<semaphore_mem>>) src(%arg12 : memref<128x128xf32, #tpu.memory_space<vmem>>) dst(%dma_wait3A_170 : memref<128x128xf32, #tpu.memory_space<vmem_shared>>)
      %dma_wait3A_171 = arith.constant 0 : i32
      %dma_wait3A_172 = arith.constant 0 : i32
      %dma_wait3A_173 = tpu.memref_slice %arg8[%dma_wait3A_171, %dma_wait3A_172] : memref<10752x128xf32, #tpu.memory_space<vmem_shared>> -> memref<128x128xf32, #tpu.memory_space<vmem_shared>>
      %dma_wait3A_174 = arith.constant 0 : i32
      %dma_wait3A_175 = arith.constant 0 : i32
      %dma_wait3A_176 = tpu.memref_slice %arg8[%dma_wait3A_174, %dma_wait3A_175] : memref<10752x128xf32, #tpu.memory_space<vmem_shared>> -> memref<128x128xf32, #tpu.memory_space<vmem_shared>>
      tpu.wait_dma2 semaphore(%arg15 : memref<!tpu.dma_semaphore, #tpu.memory_space<semaphore_mem>>) src(%arg12 : memref<128x128xf32, #tpu.memory_space<vmem>>) dst(%dma_wait3A_176 : memref<128x128xf32, #tpu.memory_space<vmem_shared>>)
      %dma_wait3A_177 = arith.constant 0 : i32
      %dma_wait3A_178 = arith.constant 0 : i32
      %dma_wait3A_179 = tpu.memref_slice %arg8[%dma_wait3A_177, %dma_wait3A_178] : memref<10752x128xf32, #tpu.memory_space<vmem_shared>> -> memref<128x128xf32, #tpu.memory_space<vmem_shared>>
      %dma_wait3A_180 = arith.constant 0 : i32
      %dma_wait3A_181 = arith.constant 0 : i32
      %dma_wait3A_182 = tpu.memref_slice %arg8[%dma_wait3A_180, %dma_wait3A_181] : memref<10752x128xf32, #tpu.memory_space<vmem_shared>> -> memref<128x128xf32, #tpu.memory_space<vmem_shared>>
      tpu.wait_dma2 semaphore(%arg14 : memref<!tpu.dma_semaphore, #tpu.memory_space<semaphore_mem>>) src(%arg12 : memref<128x128xf32, #tpu.memory_space<vmem>>) dst(%dma_wait3A_182 : memref<128x128xf32, #tpu.memory_space<vmem_shared>>)
      %dma_wait3A_183 = arith.constant 0 : i32
      %dma_wait3A_184 = arith.constant 0 : i32
      %dma_wait3A_185 = tpu.memref_slice %arg8[%dma_wait3A_183, %dma_wait3A_184] : memref<10752x128xf32, #tpu.memory_space<vmem_shared>> -> memref<128x128xf32, #tpu.memory_space<vmem_shared>>
      %dma_wait3A_186 = arith.constant 0 : i32
      %dma_wait3A_187 = arith.constant 0 : i32
      %dma_wait3A_188 = tpu.memref_slice %arg8[%dma_wait3A_186, %dma_wait3A_187] : memref<10752x128xf32, #tpu.memory_space<vmem_shared>> -> memref<128x128xf32, #tpu.memory_space<vmem_shared>>
      tpu.wait_dma2 semaphore(%arg15 : memref<!tpu.dma_semaphore, #tpu.memory_space<semaphore_mem>>) src(%arg12 : memref<128x128xf32, #tpu.memory_space<vmem>>) dst(%dma_wait3A_188 : memref<128x128xf32, #tpu.memory_space<vmem_shared>>)
      %dma_wait3A_189 = arith.constant 0 : i32
      %dma_wait3A_190 = arith.constant 0 : i32
      %dma_wait3A_191 = tpu.memref_slice %arg8[%dma_wait3A_189, %dma_wait3A_190] : memref<10752x128xf32, #tpu.memory_space<vmem_shared>> -> memref<128x128xf32, #tpu.memory_space<vmem_shared>>
      %dma_wait3A_192 = arith.constant 0 : i32
      %dma_wait3A_193 = arith.constant 0 : i32
      %dma_wait3A_194 = tpu.memref_slice %arg8[%dma_wait3A_192, %dma_wait3A_193] : memref<10752x128xf32, #tpu.memory_space<vmem_shared>> -> memref<128x128xf32, #tpu.memory_space<vmem_shared>>
      tpu.wait_dma2 semaphore(%arg14 : memref<!tpu.dma_semaphore, #tpu.memory_space<semaphore_mem>>) src(%arg12 : memref<128x128xf32, #tpu.memory_space<vmem>>) dst(%dma_wait3A_194 : memref<128x128xf32, #tpu.memory_space<vmem_shared>>)
      %dma_wait3A_195 = arith.constant 0 : i32
      %dma_wait3A_196 = arith.constant 0 : i32
      %dma_wait3A_197 = tpu.memref_slice %arg8[%dma_wait3A_195, %dma_wait3A_196] : memref<10752x128xf32, #tpu.memory_space<vmem_shared>> -> memref<128x128xf32, #tpu.memory_space<vmem_shared>>
      %dma_wait3A_198 = arith.constant 0 : i32
      %dma_wait3A_199 = arith.constant 0 : i32
      %dma_wait3A_200 = tpu.memref_slice %arg8[%dma_wait3A_198, %dma_wait3A_199] : memref<10752x128xf32, #tpu.memory_space<vmem_shared>> -> memref<128x128xf32, #tpu.memory_space<vmem_shared>>
      tpu.wait_dma2 semaphore(%arg15 : memref<!tpu.dma_semaphore, #tpu.memory_space<semaphore_mem>>) src(%arg12 : memref<128x128xf32, #tpu.memory_space<vmem>>) dst(%dma_wait3A_200 : memref<128x128xf32, #tpu.memory_space<vmem_shared>>)
      %dma_wait3A_201 = arith.constant 0 : i32
      %dma_wait3A_202 = arith.constant 0 : i32
      %dma_wait3A_203 = tpu.memref_slice %arg8[%dma_wait3A_201, %dma_wait3A_202] : memref<10752x128xf32, #tpu.memory_space<vmem_shared>> -> memref<128x128xf32, #tpu.memory_space<vmem_shared>>
      %dma_wait3A_204 = arith.constant 0 : i32
      %dma_wait3A_205 = arith.constant 0 : i32
      %dma_wait3A_206 = tpu.memref_slice %arg8[%dma_wait3A_204, %dma_wait3A_205] : memref<10752x128xf32, #tpu.memory_space<vmem_shared>> -> memref<128x128xf32, #tpu.memory_space<vmem_shared>>
      tpu.wait_dma2 semaphore(%arg14 : memref<!tpu.dma_semaphore, #tpu.memory_space<semaphore_mem>>) src(%arg12 : memref<128x128xf32, #tpu.memory_space<vmem>>) dst(%dma_wait3A_206 : memref<128x128xf32, #tpu.memory_space<vmem_shared>>)
      %dma_wait3A_207 = arith.constant 0 : i32
      %dma_wait3A_208 = arith.constant 0 : i32
      %dma_wait3A_209 = tpu.memref_slice %arg8[%dma_wait3A_207, %dma_wait3A_208] : memref<10752x128xf32, #tpu.memory_space<vmem_shared>> -> memref<128x128xf32, #tpu.memory_space<vmem_shared>>
      %dma_wait3A_210 = arith.constant 0 : i32
      %dma_wait3A_211 = arith.constant 0 : i32
      %dma_wait3A_212 = tpu.memref_slice %arg8[%dma_wait3A_210, %dma_wait3A_211] : memref<10752x128xf32, #tpu.memory_space<vmem_shared>> -> memref<128x128xf32, #tpu.memory_space<vmem_shared>>
      tpu.wait_dma2 semaphore(%arg15 : memref<!tpu.dma_semaphore, #tpu.memory_space<semaphore_mem>>) src(%arg12 : memref<128x128xf32, #tpu.memory_space<vmem>>) dst(%dma_wait3A_212 : memref<128x128xf32, #tpu.memory_space<vmem_shared>>)
    }
    %scan3A_31 = arith.constant 5 : i32
    %barrier3A_32 = arith.constant 0 : index
    tpu.barrier barrier_id(%barrier3A_32)
    %mul3A_33 = arith.constant 672 : i32
    %mul3A_34 = arith.muli %arg1, %mul3A_33 : i32
    %mul3A_35 = arith.constant 672 : i32
    %mul3A_36 = arith.muli %arg1, %mul3A_35 : i32
    %scan3A_37 = arith.constant 0 : i32
    %scan3A_38 = arith.constant 0 : i32
    %scan3A_39 = arith.constant 5 : i32
    %scan3A_40 = arith.addi %scan3A_38, %scan3A_39 : i32
    %scan3A_41 = arith.constant 1 : i32
    scf.for %scan3A_78 = %scan3A_38 to %scan3A_40 step %scan3A_41  : i32 {
      %mul3A_79 = arith.constant 128 : i32
      %mul3A_80 = arith.muli %scan3A_78, %mul3A_79 : i32
      %add3A_81 = arith.addi %mul3A_34, %mul3A_80 : i32
      "tpu.region"() ({
        %run_scoped3A = tpu.sem_alloc : memref<!tpu.dma_semaphore, #tpu.memory_space<semaphore_mem>>
        %dma_start3A = arith.constant 0 : i32
        %dma_start3A_85 = tpu.memref_slice %arg8[%add3A_81, %dma_start3A] : memref<10752x128xf32, #tpu.memory_space<vmem_shared>> -> memref<128x128xf32, #tpu.memory_space<vmem_shared>>
        %dma_start3A_86 = arith.constant 0 : i32
        %dma_start3A_87 = tpu.memref_slice %arg8[%add3A_81, %dma_start3A_86] : memref<10752x128xf32, #tpu.memory_space<vmem_shared>> -> memref<128x128xf32, #tpu.memory_space<vmem_shared>>
        tpu.enqueue_dma source(%dma_start3A_87 : memref<128x128xf32, #tpu.memory_space<vmem_shared>>) target(%arg12 : memref<128x128xf32, #tpu.memory_space<vmem>>) target_semaphore(%run_scoped3A : memref<!tpu.dma_semaphore, #tpu.memory_space<semaphore_mem>>)
        %dma_wait3A = arith.constant 0 : i32
        %dma_wait3A_88 = tpu.memref_slice %arg8[%add3A_81, %dma_wait3A] : memref<10752x128xf32, #tpu.memory_space<vmem_shared>> -> memref<128x128xf32, #tpu.memory_space<vmem_shared>>
        %dma_wait3A_89 = arith.constant 0 : i32
        %dma_wait3A_90 = tpu.memref_slice %arg8[%add3A_81, %dma_wait3A_89] : memref<10752x128xf32, #tpu.memory_space<vmem_shared>> -> memref<128x128xf32, #tpu.memory_space<vmem_shared>>
        tpu.wait_dma2 semaphore(%run_scoped3A : memref<!tpu.dma_semaphore, #tpu.memory_space<semaphore_mem>>) src(%dma_wait3A_90 : memref<128x128xf32, #tpu.memory_space<vmem_shared>>) dst(%arg12 : memref<128x128xf32, #tpu.memory_space<vmem>>)
        tpu.yield
      }) : () -> ()
      %mul3A_82 = arith.constant 128 : i32
      %mul3A_83 = arith.muli %scan3A_78, %mul3A_82 : i32
      %add3A_84 = arith.addi %mul3A_36, %mul3A_83 : i32
      "tpu.region"() ({
        %run_scoped3A = tpu.sem_alloc : memref<!tpu.dma_semaphore, #tpu.memory_space<semaphore_mem>>
        %dma_start3A = arith.constant 0 : i32
        %dma_start3A_85 = tpu.memref_slice %arg7[%arg0, %add3A_84, %dma_start3A] : memref<2x10752x128xf32, #tpu.memory_space<hbm>> -> memref<1x128x128xf32, #tpu.memory_space<hbm>>
        %dma_start3A_86 = tpu.memref_squeeze %dma_start3A_85 : memref<1x128x128xf32, #tpu.memory_space<hbm>> -> memref<128x128xf32, #tpu.memory_space<hbm>>
        %dma_start3A_87 = arith.constant 0 : i32
        %dma_start3A_88 = tpu.memref_slice %arg7[%arg0, %add3A_84, %dma_start3A_87] : memref<2x10752x128xf32, #tpu.memory_space<hbm>> -> memref<1x128x128xf32, #tpu.memory_space<hbm>>
        %dma_start3A_89 = tpu.memref_squeeze %dma_start3A_88 : memref<1x128x128xf32, #tpu.memory_space<hbm>> -> memref<128x128xf32, #tpu.memory_space<hbm>>
        tpu.enqueue_dma source(%arg12 : memref<128x128xf32, #tpu.memory_space<vmem>>) target(%dma_start3A_89 : memref<128x128xf32, #tpu.memory_space<hbm>>) target_semaphore(%run_scoped3A : memref<!tpu.dma_semaphore, #tpu.memory_space<semaphore_mem>>)
        %dma_wait3A = arith.constant 0 : i32
        %dma_wait3A_90 = tpu.memref_slice %arg7[%arg0, %add3A_84, %dma_wait3A] : memref<2x10752x128xf32, #tpu.memory_space<hbm>> -> memref<1x128x128xf32, #tpu.memory_space<hbm>>
        %dma_wait3A_91 = tpu.memref_squeeze %dma_wait3A_90 : memref<1x128x128xf32, #tpu.memory_space<hbm>> -> memref<128x128xf32, #tpu.memory_space<hbm>>
        %dma_wait3A_92 = arith.constant 0 : i32
        %dma_wait3A_93 = tpu.memref_slice %arg7[%arg0, %add3A_84, %dma_wait3A_92] : memref<2x10752x128xf32, #tpu.memory_space<hbm>> -> memref<1x128x128xf32, #tpu.memory_space<hbm>>
        %dma_wait3A_94 = tpu.memref_squeeze %dma_wait3A_93 : memref<1x128x128xf32, #tpu.memory_space<hbm>> -> memref<128x128xf32, #tpu.memory_space<hbm>>
        tpu.wait_dma2 semaphore(%run_scoped3A : memref<!tpu.dma_semaphore, #tpu.memory_space<semaphore_mem>>) src(%arg12 : memref<128x128xf32, #tpu.memory_space<vmem>>) dst(%dma_wait3A_94 : memref<128x128xf32, #tpu.memory_space<hbm>>)
        tpu.yield
      }) : () -> ()
    }
    %scan3A_42 = arith.constant 5 : i32
    %add3A_43 = arith.constant 640 : i32
    %add3A_44 = arith.addi %mul3A_34, %add3A_43 : i32
    "tpu.region"() ({
      %run_scoped3A = tpu.sem_alloc : memref<!tpu.dma_semaphore, #tpu.memory_space<semaphore_mem>>
      %dma_start3A = arith.constant 0 : i32
      %dma_start3A_78 = arith.constant 0 : i32
      %dma_start3A_79 = tpu.memref_slice %arg12[%dma_start3A, %dma_start3A_78] : memref<128x128xf32, #tpu.memory_space<vmem>> -> memref<32x128xf32, #tpu.memory_space<vmem>>
      %dma_start3A_80 = arith.constant 0 : i32
      %dma_start3A_81 = tpu.memref_slice %arg8[%add3A_44, %dma_start3A_80] : memref<10752x128xf32, #tpu.memory_space<vmem_shared>> -> memref<32x128xf32, #tpu.memory_space<vmem_shared>>
      %dma_start3A_82 = arith.constant 0 : i32
      %dma_start3A_83 = arith.constant 0 : i32
      %dma_start3A_84 = tpu.memref_slice %arg12[%dma_start3A_82, %dma_start3A_83] : memref<128x128xf32, #tpu.memory_space<vmem>> -> memref<32x128xf32, #tpu.memory_space<vmem>>
      %dma_start3A_85 = arith.constant 0 : i32
      %dma_start3A_86 = tpu.memref_slice %arg8[%add3A_44, %dma_start3A_85] : memref<10752x128xf32, #tpu.memory_space<vmem_shared>> -> memref<32x128xf32, #tpu.memory_space<vmem_shared>>
      tpu.enqueue_dma source(%dma_start3A_86 : memref<32x128xf32, #tpu.memory_space<vmem_shared>>) target(%dma_start3A_84 : memref<32x128xf32, #tpu.memory_space<vmem>>) target_semaphore(%run_scoped3A : memref<!tpu.dma_semaphore, #tpu.memory_space<semaphore_mem>>)
      %dma_wait3A = arith.constant 0 : i32
      %dma_wait3A_87 = arith.constant 0 : i32
      %dma_wait3A_88 = tpu.memref_slice %arg12[%dma_wait3A, %dma_wait3A_87] : memref<128x128xf32, #tpu.memory_space<vmem>> -> memref<32x128xf32, #tpu.memory_space<vmem>>
      %dma_wait3A_89 = arith.constant 0 : i32
      %dma_wait3A_90 = tpu.memref_slice %arg8[%add3A_44, %dma_wait3A_89] : memref<10752x128xf32, #tpu.memory_space<vmem_shared>> -> memref<32x128xf32, #tpu.memory_space<vmem_shared>>
      %dma_wait3A_91 = arith.constant 0 : i32
      %dma_wait3A_92 = arith.constant 0 : i32
      %dma_wait3A_93 = tpu.memref_slice %arg12[%dma_wait3A_91, %dma_wait3A_92] : memref<128x128xf32, #tpu.memory_space<vmem>> -> memref<32x128xf32, #tpu.memory_space<vmem>>
      %dma_wait3A_94 = arith.constant 0 : i32
      %dma_wait3A_95 = tpu.memref_slice %arg8[%add3A_44, %dma_wait3A_94] : memref<10752x128xf32, #tpu.memory_space<vmem_shared>> -> memref<32x128xf32, #tpu.memory_space<vmem_shared>>
      tpu.wait_dma2 semaphore(%run_scoped3A : memref<!tpu.dma_semaphore, #tpu.memory_space<semaphore_mem>>) src(%dma_wait3A_95 : memref<32x128xf32, #tpu.memory_space<vmem_shared>>) dst(%dma_wait3A_93 : memref<32x128xf32, #tpu.memory_space<vmem>>)
      tpu.yield
    }) : () -> ()
    %add3A_45 = arith.constant 640 : i32
    %add3A_46 = arith.addi %mul3A_36, %add3A_45 : i32
    "tpu.region"() ({
      %run_scoped3A = tpu.sem_alloc : memref<!tpu.dma_semaphore, #tpu.memory_space<semaphore_mem>>
      %dma_start3A = arith.constant 0 : i32
      %dma_start3A_78 = arith.constant 0 : i32
      %dma_start3A_79 = tpu.memref_slice %arg12[%dma_start3A, %dma_start3A_78] : memref<128x128xf32, #tpu.memory_space<vmem>> -> memref<32x128xf32, #tpu.memory_space<vmem>>
      %dma_start3A_80 = arith.constant 0 : i32
      %dma_start3A_81 = tpu.memref_slice %arg7[%arg0, %add3A_46, %dma_start3A_80] : memref<2x10752x128xf32, #tpu.memory_space<hbm>> -> memref<1x32x128xf32, #tpu.memory_space<hbm>>
      %dma_start3A_82 = tpu.memref_squeeze %dma_start3A_81 : memref<1x32x128xf32, #tpu.memory_space<hbm>> -> memref<32x128xf32, #tpu.memory_space<hbm>>
      %dma_start3A_83 = arith.constant 0 : i32
      %dma_start3A_84 = tpu.memref_slice %arg7[%arg0, %add3A_46, %dma_start3A_83] : memref<2x10752x128xf32, #tpu.memory_space<hbm>> -> memref<1x32x128xf32, #tpu.memory_space<hbm>>
      %dma_start3A_85 = tpu.memref_squeeze %dma_start3A_84 : memref<1x32x128xf32, #tpu.memory_space<hbm>> -> memref<32x128xf32, #tpu.memory_space<hbm>>
      %dma_start3A_86 = arith.constant 0 : i32
      %dma_start3A_87 = arith.constant 0 : i32
      %dma_start3A_88 = tpu.memref_slice %arg12[%dma_start3A_86, %dma_start3A_87] : memref<128x128xf32, #tpu.memory_space<vmem>> -> memref<32x128xf32, #tpu.memory_space<vmem>>
      tpu.enqueue_dma source(%dma_start3A_88 : memref<32x128xf32, #tpu.memory_space<vmem>>) target(%dma_start3A_85 : memref<32x128xf32, #tpu.memory_space<hbm>>) target_semaphore(%run_scoped3A : memref<!tpu.dma_semaphore, #tpu.memory_space<semaphore_mem>>)
      %dma_wait3A = arith.constant 0 : i32
      %dma_wait3A_89 = arith.constant 0 : i32
      %dma_wait3A_90 = tpu.memref_slice %arg12[%dma_wait3A, %dma_wait3A_89] : memref<128x128xf32, #tpu.memory_space<vmem>> -> memref<32x128xf32, #tpu.memory_space<vmem>>
      %dma_wait3A_91 = arith.constant 0 : i32
      %dma_wait3A_92 = tpu.memref_slice %arg7[%arg0, %add3A_46, %dma_wait3A_91] : memref<2x10752x128xf32, #tpu.memory_space<hbm>> -> memref<1x32x128xf32, #tpu.memory_space<hbm>>
      %dma_wait3A_93 = tpu.memref_squeeze %dma_wait3A_92 : memref<1x32x128xf32, #tpu.memory_space<hbm>> -> memref<32x128xf32, #tpu.memory_space<hbm>>
      %dma_wait3A_94 = arith.constant 0 : i32
      %dma_wait3A_95 = tpu.memref_slice %arg7[%arg0, %add3A_46, %dma_wait3A_94] : memref<2x10752x128xf32, #tpu.memory_space<hbm>> -> memref<1x32x128xf32, #tpu.memory_space<hbm>>
      %dma_wait3A_96 = tpu.memref_squeeze %dma_wait3A_95 : memref<1x32x128xf32, #tpu.memory_space<hbm>> -> memref<32x128xf32, #tpu.memory_space<hbm>>
      %dma_wait3A_97 = arith.constant 0 : i32
      %dma_wait3A_98 = arith.constant 0 : i32
      %dma_wait3A_99 = tpu.memref_slice %arg12[%dma_wait3A_97, %dma_wait3A_98] : memref<128x128xf32, #tpu.memory_space<vmem>> -> memref<32x128xf32, #tpu.memory_space<vmem>>
      tpu.wait_dma2 semaphore(%run_scoped3A : memref<!tpu.dma_semaphore, #tpu.memory_space<semaphore_mem>>) src(%dma_wait3A_99 : memref<32x128xf32, #tpu.memory_space<vmem>>) dst(%dma_wait3A_96 : memref<32x128xf32, #tpu.memory_space<hbm>>)
      tpu.yield
    }) : () -> ()
    %barrier3A_47 = arith.constant 0 : index
    tpu.barrier barrier_id(%barrier3A_47)
    %mul3A_48 = arith.constant 672 : i32
    %mul3A_49 = arith.muli %arg1, %mul3A_48 : i32
    %scan3A_50 = arith.constant 0 : i32
    %scan3A_51 = arith.constant 0 : i32
    %scan3A_52 = arith.constant 21 : i32
    %scan3A_53 = arith.addi %scan3A_51, %scan3A_52 : i32
    %scan3A_54 = arith.constant 1 : i32
    scf.for %scan3A_78 = %scan3A_51 to %scan3A_53 step %scan3A_54  : i32 {
      %mul3A_79 = arith.constant 32 : i32
      %mul3A_80 = arith.muli %scan3A_78, %mul3A_79 : i32
      %add3A_81 = arith.addi %mul3A_49, %mul3A_80 : i32
      "tpu.region"() ({
        %run_scoped3A = tpu.sem_alloc : memref<!tpu.dma_semaphore, #tpu.memory_space<semaphore_mem>>
        %dma_start3A = arith.constant 0 : i32
        %dma_start3A_82 = tpu.memref_slice %arg8[%add3A_81, %dma_start3A] : memref<10752x128xf32, #tpu.memory_space<vmem_shared>> -> memref<32x128xf32, #tpu.memory_space<vmem_shared>>
        %dma_start3A_83 = arith.constant 0 : i32
        %dma_start3A_84 = tpu.memref_slice %arg8[%add3A_81, %dma_start3A_83] : memref<10752x128xf32, #tpu.memory_space<vmem_shared>> -> memref<32x128xf32, #tpu.memory_space<vmem_shared>>
        tpu.enqueue_dma source(%arg9 : memref<32x128xf32, #tpu.memory_space<vmem>>) target(%dma_start3A_84 : memref<32x128xf32, #tpu.memory_space<vmem_shared>>) target_semaphore(%run_scoped3A : memref<!tpu.dma_semaphore, #tpu.memory_space<semaphore_mem>>)
        %dma_wait3A = arith.constant 0 : i32
        %dma_wait3A_85 = tpu.memref_slice %arg8[%add3A_81, %dma_wait3A] : memref<10752x128xf32, #tpu.memory_space<vmem_shared>> -> memref<32x128xf32, #tpu.memory_space<vmem_shared>>
        %dma_wait3A_86 = arith.constant 0 : i32
        %dma_wait3A_87 = tpu.memref_slice %arg8[%add3A_81, %dma_wait3A_86] : memref<10752x128xf32, #tpu.memory_space<vmem_shared>> -> memref<32x128xf32, #tpu.memory_space<vmem_shared>>
        tpu.wait_dma2 semaphore(%run_scoped3A : memref<!tpu.dma_semaphore, #tpu.memory_space<semaphore_mem>>) src(%arg9 : memref<32x128xf32, #tpu.memory_space<vmem>>) dst(%dma_wait3A_87 : memref<32x128xf32, #tpu.memory_space<vmem_shared>>)
        tpu.yield
      }) : () -> ()
    }
    %scan3A_55 = arith.constant 21 : i32
    %barrier3A_56 = arith.constant 0 : index
    tpu.barrier barrier_id(%barrier3A_56)
    %scan3A_57 = arith.constant 0 : i32
    %scan3A_58 = arith.constant 0 : i32
    %scan3A_59 = arith.constant 24 : i32
    %scan3A_60 = arith.addi %scan3A_58, %scan3A_59 : i32
    %scan3A_61 = arith.constant 1 : i32
    scf.for %scan3A_78 = %scan3A_58 to %scan3A_60 step %scan3A_61  : i32 {
      %dma_start3A = arith.constant 0 : i32
      %dma_start3A_79 = arith.constant 0 : i32
      %dma_start3A_80 = tpu.memref_slice %arg12[%dma_start3A, %dma_start3A_79] : memref<128x128xf32, #tpu.memory_space<vmem>> -> memref<126x128xf32, #tpu.memory_space<vmem>>
      %dma_start3A_81 = arith.constant 0 : i32
      %dma_start3A_82 = tpu.memref_slice %arg10[%scan3A_78, %dma_start3A_81] : memref<24x126xi32, #tpu.memory_space<vmem>> -> memref<1x126xi32, #tpu.memory_space<vmem>>
      %dma_start3A_83 = tpu.memref_squeeze %dma_start3A_82 : memref<1x126xi32, #tpu.memory_space<vmem>> -> memref<126xi32, #tpu.memory_space<vmem>>
      %dma_start3A_84 = arith.constant 0 : i32
      %dma_start3A_85 = arith.constant 0 : i32
      %dma_start3A_86 = tpu.memref_slice %arg2[%dma_start3A_84, %dma_start3A_85] : memref<4608x128xf32, #tpu.memory_space<hbm>> -> memref<4608x128xf32, #tpu.memory_space<hbm>>
      tpu.enqueue_indirect_dma source(%dma_start3A_86 : memref<4608x128xf32, #tpu.memory_space<hbm>>) target(%dma_start3A_80 : memref<126x128xf32, #tpu.memory_space<vmem>>) offsets(%dma_start3A_83 : memref<126xi32, #tpu.memory_space<vmem>>) semaphore(%arg14 : memref<!tpu.dma_semaphore, #tpu.memory_space<semaphore_mem>>)
      %dma_wait3A = arith.constant 0 : i32
      %dma_wait3A_87 = arith.constant 0 : i32
      %dma_wait3A_88 = tpu.memref_slice %arg12[%dma_wait3A, %dma_wait3A_87] : memref<128x128xf32, #tpu.memory_space<vmem>> -> memref<126x128xf32, #tpu.memory_space<vmem>>
      %dma_wait3A_89 = arith.constant 0 : i32
      %dma_wait3A_90 = tpu.memref_slice %arg10[%scan3A_78, %dma_wait3A_89] : memref<24x126xi32, #tpu.memory_space<vmem>> -> memref<1x126xi32, #tpu.memory_space<vmem>>
      %dma_wait3A_91 = tpu.memref_squeeze %dma_wait3A_90 : memref<1x126xi32, #tpu.memory_space<vmem>> -> memref<126xi32, #tpu.memory_space<vmem>>
      %dma_wait3A_92 = arith.constant 0 : i32
      %dma_wait3A_93 = arith.constant 0 : i32
      %dma_wait3A_94 = tpu.memref_slice %arg2[%dma_wait3A_92, %dma_wait3A_93] : memref<4608x128xf32, #tpu.memory_space<hbm>> -> memref<4608x128xf32, #tpu.memory_space<hbm>>
      tpu.wait_indirect_dma semaphore(%arg14 : memref<!tpu.dma_semaphore, #tpu.memory_space<semaphore_mem>>) src(%dma_wait3A_94 : memref<4608x128xf32, #tpu.memory_space<hbm>>) dst(%dma_wait3A_88 : memref<126x128xf32, #tpu.memory_space<vmem>>)
      "tpu.region"() ({
        %run_scoped3A = tpu.sem_alloc : memref<!tpu.dma_semaphore, #tpu.memory_space<semaphore_mem>>
        %dma_start3A_95 = arith.constant 0 : i32
        %dma_start3A_96 = arith.constant 0 : i32
        %dma_start3A_97 = tpu.memref_slice %arg12[%dma_start3A_95, %dma_start3A_96] : memref<128x128xf32, #tpu.memory_space<vmem>> -> memref<126x128xf32, #tpu.memory_space<vmem>>
        %dma_start3A_98 = arith.constant 0 : i32
        %dma_start3A_99 = tpu.memref_slice %arg11[%scan3A_78, %dma_start3A_98] : memref<24x126xi32, #tpu.memory_space<vmem>> -> memref<1x126xi32, #tpu.memory_space<vmem>>
        %dma_start3A_100 = tpu.memref_squeeze %dma_start3A_99 : memref<1x126xi32, #tpu.memory_space<vmem>> -> memref<126xi32, #tpu.memory_space<vmem>>
        %dma_start3A_101 = arith.constant 0 : i32
        %dma_start3A_102 = arith.constant 0 : i32
        %dma_start3A_103 = tpu.memref_slice %arg8[%dma_start3A_101, %dma_start3A_102] : memref<10752x128xf32, #tpu.memory_space<vmem_shared>> -> memref<10752x128xf32, #tpu.memory_space<vmem_shared>>
        tpu.enqueue_indirect_dma source(%dma_start3A_97 : memref<126x128xf32, #tpu.memory_space<vmem>>) target(%dma_start3A_103 : memref<10752x128xf32, #tpu.memory_space<vmem_shared>>) offsets(%dma_start3A_100 : memref<126xi32, #tpu.memory_space<vmem>>) semaphore(%run_scoped3A : memref<!tpu.dma_semaphore, #tpu.memory_space<semaphore_mem>>) {add = true}
        %dma_wait3A_104 = arith.constant 0 : i32
        %dma_wait3A_105 = arith.constant 0 : i32
        %dma_wait3A_106 = tpu.memref_slice %arg12[%dma_wait3A_104, %dma_wait3A_105] : memref<128x128xf32, #tpu.memory_space<vmem>> -> memref<126x128xf32, #tpu.memory_space<vmem>>
        %dma_wait3A_107 = arith.constant 0 : i32
        %dma_wait3A_108 = tpu.memref_slice %arg11[%scan3A_78, %dma_wait3A_107] : memref<24x126xi32, #tpu.memory_space<vmem>> -> memref<1x126xi32, #tpu.memory_space<vmem>>
        %dma_wait3A_109 = tpu.memref_squeeze %dma_wait3A_108 : memref<1x126xi32, #tpu.memory_space<vmem>> -> memref<126xi32, #tpu.memory_space<vmem>>
        %dma_wait3A_110 = arith.constant 0 : i32
        %dma_wait3A_111 = arith.constant 0 : i32
        %dma_wait3A_112 = tpu.memref_slice %arg8[%dma_wait3A_110, %dma_wait3A_111] : memref<10752x128xf32, #tpu.memory_space<vmem_shared>> -> memref<10752x128xf32, #tpu.memory_space<vmem_shared>>
        tpu.wait_indirect_dma semaphore(%run_scoped3A : memref<!tpu.dma_semaphore, #tpu.memory_space<semaphore_mem>>) src(%dma_wait3A_106 : memref<126x128xf32, #tpu.memory_space<vmem>>) dst(%dma_wait3A_112 : memref<10752x128xf32, #tpu.memory_space<vmem_shared>>)
        tpu.yield
      }) : () -> ()
    }
    %scan3A_62 = arith.constant 24 : i32
    %barrier3A_63 = arith.constant 0 : index
    tpu.barrier barrier_id(%barrier3A_63)
    %mul3A_64 = arith.constant 336 : i32
    %mul3A_65 = arith.muli %add3A, %mul3A_64 : i32
    %mul3A_66 = arith.constant 336 : i32
    %mul3A_67 = arith.muli %add3A, %mul3A_66 : i32
    %scan3A_68 = arith.constant 0 : i32
    %scan3A_69 = arith.constant 0 : i32
    %scan3A_70 = arith.constant 2 : i32
    %scan3A_71 = arith.addi %scan3A_69, %scan3A_70 : i32
    %scan3A_72 = arith.constant 1 : i32
    scf.for %scan3A_78 = %scan3A_69 to %scan3A_71 step %scan3A_72  : i32 {
      %mul3A_79 = arith.constant 128 : i32
      %mul3A_80 = arith.muli %scan3A_78, %mul3A_79 : i32
      %add3A_81 = arith.addi %mul3A_65, %mul3A_80 : i32
      "tpu.region"() ({
        %run_scoped3A = tpu.sem_alloc : memref<!tpu.dma_semaphore, #tpu.memory_space<semaphore_mem>>
        %dma_start3A = arith.constant 0 : i32
        %dma_start3A_85 = tpu.memref_slice %arg8[%add3A_81, %dma_start3A] : memref<10752x128xf32, #tpu.memory_space<vmem_shared>> -> memref<128x128xf32, #tpu.memory_space<vmem_shared>>
        %dma_start3A_86 = arith.constant 0 : i32
        %dma_start3A_87 = tpu.memref_slice %arg8[%add3A_81, %dma_start3A_86] : memref<10752x128xf32, #tpu.memory_space<vmem_shared>> -> memref<128x128xf32, #tpu.memory_space<vmem_shared>>
        tpu.enqueue_dma source(%dma_start3A_87 : memref<128x128xf32, #tpu.memory_space<vmem_shared>>) target(%arg12 : memref<128x128xf32, #tpu.memory_space<vmem>>) target_semaphore(%run_scoped3A : memref<!tpu.dma_semaphore, #tpu.memory_space<semaphore_mem>>)
        %dma_wait3A = arith.constant 0 : i32
        %dma_wait3A_88 = tpu.memref_slice %arg8[%add3A_81, %dma_wait3A] : memref<10752x128xf32, #tpu.memory_space<vmem_shared>> -> memref<128x128xf32, #tpu.memory_space<vmem_shared>>
        %dma_wait3A_89 = arith.constant 0 : i32
        %dma_wait3A_90 = tpu.memref_slice %arg8[%add3A_81, %dma_wait3A_89] : memref<10752x128xf32, #tpu.memory_space<vmem_shared>> -> memref<128x128xf32, #tpu.memory_space<vmem_shared>>
        tpu.wait_dma2 semaphore(%run_scoped3A : memref<!tpu.dma_semaphore, #tpu.memory_space<semaphore_mem>>) src(%dma_wait3A_90 : memref<128x128xf32, #tpu.memory_space<vmem_shared>>) dst(%arg12 : memref<128x128xf32, #tpu.memory_space<vmem>>)
        tpu.yield
      }) : () -> ()
      %mul3A_82 = arith.constant 128 : i32
      %mul3A_83 = arith.muli %scan3A_78, %mul3A_82 : i32
      %add3A_84 = arith.addi %mul3A_67, %mul3A_83 : i32
      "tpu.region"() ({
        %run_scoped3A = tpu.sem_alloc : memref<!tpu.dma_semaphore, #tpu.memory_space<semaphore_mem>>
        %dma_start3A = arith.constant 0 : i32
        %dma_start3A_85 = tpu.memref_slice %arg6[%add3A_84, %dma_start3A] : memref<10752x128xf32, #tpu.memory_space<hbm>> -> memref<128x128xf32, #tpu.memory_space<hbm>>
        %dma_start3A_86 = arith.constant 0 : i32
        %dma_start3A_87 = tpu.memref_slice %arg6[%add3A_84, %dma_start3A_86] : memref<10752x128xf32, #tpu.memory_space<hbm>> -> memref<128x128xf32, #tpu.memory_space<hbm>>
        tpu.enqueue_dma source(%arg12 : memref<128x128xf32, #tpu.memory_space<vmem>>) target(%dma_start3A_87 : memref<128x128xf32, #tpu.memory_space<hbm>>) target_semaphore(%run_scoped3A : memref<!tpu.dma_semaphore, #tpu.memory_space<semaphore_mem>>)
        %dma_wait3A = arith.constant 0 : i32
        %dma_wait3A_88 = tpu.memref_slice %arg6[%add3A_84, %dma_wait3A] : memref<10752x128xf32, #tpu.memory_space<hbm>> -> memref<128x128xf32, #tpu.memory_space<hbm>>
        %dma_wait3A_89 = arith.constant 0 : i32
        %dma_wait3A_90 = tpu.memref_slice %arg6[%add3A_84, %dma_wait3A_89] : memref<10752x128xf32, #tpu.memory_space<hbm>> -> memref<128x128xf32, #tpu.memory_space<hbm>>
        tpu.wait_dma2 semaphore(%run_scoped3A : memref<!tpu.dma_semaphore, #tpu.memory_space<semaphore_mem>>) src(%arg12 : memref<128x128xf32, #tpu.memory_space<vmem>>) dst(%dma_wait3A_90 : memref<128x128xf32, #tpu.memory_space<hbm>>)
        tpu.yield
      }) : () -> ()
    }
    %scan3A_73 = arith.constant 2 : i32
    %add3A_74 = arith.constant 256 : i32
    %add3A_75 = arith.addi %mul3A_65, %add3A_74 : i32
    "tpu.region"() ({
      %run_scoped3A = tpu.sem_alloc : memref<!tpu.dma_semaphore, #tpu.memory_space<semaphore_mem>>
      %dma_start3A = arith.constant 0 : i32
      %dma_start3A_78 = arith.constant 0 : i32
      %dma_start3A_79 = tpu.memref_slice %arg12[%dma_start3A, %dma_start3A_78] : memref<128x128xf32, #tpu.memory_space<vmem>> -> memref<80x128xf32, #tpu.memory_space<vmem>>
      %dma_start3A_80 = arith.constant 0 : i32
      %dma_start3A_81 = tpu.memref_slice %arg8[%add3A_75, %dma_start3A_80] : memref<10752x128xf32, #tpu.memory_space<vmem_shared>> -> memref<80x128xf32, #tpu.memory_space<vmem_shared>>
      %dma_start3A_82 = arith.constant 0 : i32
      %dma_start3A_83 = arith.constant 0 : i32
      %dma_start3A_84 = tpu.memref_slice %arg12[%dma_start3A_82, %dma_start3A_83] : memref<128x128xf32, #tpu.memory_space<vmem>> -> memref<80x128xf32, #tpu.memory_space<vmem>>
      %dma_start3A_85 = arith.constant 0 : i32
      %dma_start3A_86 = tpu.memref_slice %arg8[%add3A_75, %dma_start3A_85] : memref<10752x128xf32, #tpu.memory_space<vmem_shared>> -> memref<80x128xf32, #tpu.memory_space<vmem_shared>>
      tpu.enqueue_dma source(%dma_start3A_86 : memref<80x128xf32, #tpu.memory_space<vmem_shared>>) target(%dma_start3A_84 : memref<80x128xf32, #tpu.memory_space<vmem>>) target_semaphore(%run_scoped3A : memref<!tpu.dma_semaphore, #tpu.memory_space<semaphore_mem>>)
      %dma_wait3A = arith.constant 0 : i32
      %dma_wait3A_87 = arith.constant 0 : i32
      %dma_wait3A_88 = tpu.memref_slice %arg12[%dma_wait3A, %dma_wait3A_87] : memref<128x128xf32, #tpu.memory_space<vmem>> -> memref<80x128xf32, #tpu.memory_space<vmem>>
      %dma_wait3A_89 = arith.constant 0 : i32
      %dma_wait3A_90 = tpu.memref_slice %arg8[%add3A_75, %dma_wait3A_89] : memref<10752x128xf32, #tpu.memory_space<vmem_shared>> -> memref<80x128xf32, #tpu.memory_space<vmem_shared>>
      %dma_wait3A_91 = arith.constant 0 : i32
      %dma_wait3A_92 = arith.constant 0 : i32
      %dma_wait3A_93 = tpu.memref_slice %arg12[%dma_wait3A_91, %dma_wait3A_92] : memref<128x128xf32, #tpu.memory_space<vmem>> -> memref<80x128xf32, #tpu.memory_space<vmem>>
      %dma_wait3A_94 = arith.constant 0 : i32
      %dma_wait3A_95 = tpu.memref_slice %arg8[%add3A_75, %dma_wait3A_94] : memref<10752x128xf32, #tpu.memory_space<vmem_shared>> -> memref<80x128xf32, #tpu.memory_space<vmem_shared>>
      tpu.wait_dma2 semaphore(%run_scoped3A : memref<!tpu.dma_semaphore, #tpu.memory_space<semaphore_mem>>) src(%dma_wait3A_95 : memref<80x128xf32, #tpu.memory_space<vmem_shared>>) dst(%dma_wait3A_93 : memref<80x128xf32, #tpu.memory_space<vmem>>)
      tpu.yield
    }) : () -> ()
    %add3A_76 = arith.constant 256 : i32
    %add3A_77 = arith.addi %mul3A_67, %add3A_76 : i32
    "tpu.region"() ({
      %run_scoped3A = tpu.sem_alloc : memref<!tpu.dma_semaphore, #tpu.memory_space<semaphore_mem>>
      %dma_start3A = arith.constant 0 : i32
      %dma_start3A_78 = arith.constant 0 : i32
      %dma_start3A_79 = tpu.memref_slice %arg12[%dma_start3A, %dma_start3A_78] : memref<128x128xf32, #tpu.memory_space<vmem>> -> memref<80x128xf32, #tpu.memory_space<vmem>>
      %dma_start3A_80 = arith.constant 0 : i32
      %dma_start3A_81 = tpu.memref_slice %arg6[%add3A_77, %dma_start3A_80] : memref<10752x128xf32, #tpu.memory_space<hbm>> -> memref<80x128xf32, #tpu.memory_space<hbm>>
      %dma_start3A_82 = arith.constant 0 : i32
      %dma_start3A_83 = tpu.memref_slice %arg6[%add3A_77, %dma_start3A_82] : memref<10752x128xf32, #tpu.memory_space<hbm>> -> memref<80x128xf32, #tpu.memory_space<hbm>>
      %dma_start3A_84 = arith.constant 0 : i32
      %dma_start3A_85 = arith.constant 0 : i32
      %dma_start3A_86 = tpu.memref_slice %arg12[%dma_start3A_84, %dma_start3A_85] : memref<128x128xf32, #tpu.memory_space<vmem>> -> memref<80x128xf32, #tpu.memory_space<vmem>>
      tpu.enqueue_dma source(%dma_start3A_86 : memref<80x128xf32, #tpu.memory_space<vmem>>) target(%dma_start3A_83 : memref<80x128xf32, #tpu.memory_space<hbm>>) target_semaphore(%run_scoped3A : memref<!tpu.dma_semaphore, #tpu.memory_space<semaphore_mem>>)
      %dma_wait3A = arith.constant 0 : i32
      %dma_wait3A_87 = arith.constant 0 : i32
      %dma_wait3A_88 = tpu.memref_slice %arg12[%dma_wait3A, %dma_wait3A_87] : memref<128x128xf32, #tpu.memory_space<vmem>> -> memref<80x128xf32, #tpu.memory_space<vmem>>
      %dma_wait3A_89 = arith.constant 0 : i32
      %dma_wait3A_90 = tpu.memref_slice %arg6[%add3A_77, %dma_wait3A_89] : memref<10752x128xf32, #tpu.memory_space<hbm>> -> memref<80x128xf32, #tpu.memory_space<hbm>>
      %dma_wait3A_91 = arith.constant 0 : i32
      %dma_wait3A_92 = tpu.memref_slice %arg6[%add3A_77, %dma_wait3A_91] : memref<10752x128xf32, #tpu.memory_space<hbm>> -> memref<80x128xf32, #tpu.memory_space<hbm>>
      %dma_wait3A_93 = arith.constant 0 : i32
      %dma_wait3A_94 = arith.constant 0 : i32
      %dma_wait3A_95 = tpu.memref_slice %arg12[%dma_wait3A_93, %dma_wait3A_94] : memref<128x128xf32, #tpu.memory_space<vmem>> -> memref<80x128xf32, #tpu.memory_space<vmem>>
      tpu.wait_dma2 semaphore(%run_scoped3A : memref<!tpu.dma_semaphore, #tpu.memory_space<semaphore_mem>>) src(%dma_wait3A_95 : memref<80x128xf32, #tpu.memory_space<vmem>>) dst(%dma_wait3A_92 : memref<80x128xf32, #tpu.memory_space<hbm>>)
      tpu.yield
    }) : () -> ()
    return
  }
}

#map = affine_map<(d0, d1) -> (0, 0)>
#map1 = affine_map<(d0, d1) -> (0, 0, 0)>
module attributes {stable_mosaic.version = 14 : i64} {
  func.func @_sc_aggregate(%arg0: i32, %arg1: i32, %arg2: memref<10752x128xf32, #tpu.memory_space<hbm>>, %arg3: memref<32x80x128xi32, #tpu.memory_space<hbm>>, %arg4: memref<32x80x128xi32, #tpu.memory_space<hbm>>, %arg5: memref<2x10752x128xf32, #tpu.memory_space<hbm>>, %arg6: memref<10752x128xf32, #tpu.memory_space<vmem_shared>>, %arg7: memref<40x128xi32, #tpu.memory_space<vmem>>, %arg8: memref<40x128xi32, #tpu.memory_space<vmem>>, %arg9: memref<128x128xf32, #tpu.memory_space<vmem>>, %arg10: memref<128x128xf32, #tpu.memory_space<vmem>>, %arg11: memref<!tpu.dma_semaphore, #tpu.memory_space<semaphore_mem>>, %arg12: memref<!tpu.dma_semaphore, #tpu.memory_space<semaphore_mem>>) attributes {dimension_semantics = [#tpu.dimension_semantics<core_parallel>, #tpu.dimension_semantics<subcore_parallel>], iteration_bounds = array<i64: 2, 16>, scalar_prefetch = 0 : i64, scratch_operands = 7 : i64, tpu.core_type = #tpu.core_type<sc_vector_subcore>, window_params = [{transform_indices = #map}, {transform_indices = #map1}, {transform_indices = #map1}, {transform_indices = #map1}]} {
    %mul3A = arith.constant 2 : i32
    %mul3A_0 = arith.muli %arg1, %mul3A : i32
    %add3A = arith.addi %mul3A_0, %arg0 : i32
    %scan3A = arith.constant 0 : i32
    %scan3A_1 = arith.constant 0 : i32
    %scan3A_2 = arith.constant 32 : i32
    %scan3A_3 = arith.addi %scan3A_1, %scan3A_2 : i32
    %scan3A_4 = arith.constant 1 : i32
    scf.for %scan3A_54 = %scan3A_1 to %scan3A_3 step %scan3A_4  : i32 {
      %broadcast_in_dim3A = arith.constant 0.000000e+00 : f32
      %broadcast_in_dim3A_55 = vector.broadcast %broadcast_in_dim3A : f32 to vector<16xf32>
      %swap3A = arith.index_cast %scan3A_54 : i32 to index
      %swap3A_56 = arith.constant 0 : index
      %swap3A_57 = tpu.vector_load %arg9[%swap3A, %swap3A_56] {strides = array<i32>} : memref<128x128xf32, #tpu.memory_space<vmem>>, vector<1x16xf32>,
      %swap3A_58 = vector.shape_cast %swap3A_57 : vector<1x16xf32> to vector<16xf32>
      %swap3A_59 = vector.shape_cast %broadcast_in_dim3A_55 : vector<16xf32> to vector<1x16xf32>
      tpu.vector_store %arg9[%swap3A, %swap3A_56], %swap3A_59 {strides = array<i32>} : memref<128x128xf32, #tpu.memory_space<vmem>>, vector<1x16xf32>,
      %broadcast_in_dim3A_60 = arith.constant 0.000000e+00 : f32
      %broadcast_in_dim3A_61 = vector.broadcast %broadcast_in_dim3A_60 : f32 to vector<16xf32>
      %swap3A_62 = arith.index_cast %scan3A_54 : i32 to index
      %swap3A_63 = arith.constant 16 : index
      %swap3A_64 = tpu.vector_load %arg9[%swap3A_62, %swap3A_63] {strides = array<i32>} : memref<128x128xf32, #tpu.memory_space<vmem>>, vector<1x16xf32>,
      %swap3A_65 = vector.shape_cast %swap3A_64 : vector<1x16xf32> to vector<16xf32>
      %swap3A_66 = vector.shape_cast %broadcast_in_dim3A_61 : vector<16xf32> to vector<1x16xf32>
      tpu.vector_store %arg9[%swap3A_62, %swap3A_63], %swap3A_66 {strides = array<i32>} : memref<128x128xf32, #tpu.memory_space<vmem>>, vector<1x16xf32>,
      %broadcast_in_dim3A_67 = arith.constant 0.000000e+00 : f32
      %broadcast_in_dim3A_68 = vector.broadcast %broadcast_in_dim3A_67 : f32 to vector<16xf32>
      %swap3A_69 = arith.index_cast %scan3A_54 : i32 to index
      %swap3A_70 = arith.constant 32 : index
      %swap3A_71 = tpu.vector_load %arg9[%swap3A_69, %swap3A_70] {strides = array<i32>} : memref<128x128xf32, #tpu.memory_space<vmem>>, vector<1x16xf32>,
      %swap3A_72 = vector.shape_cast %swap3A_71 : vector<1x16xf32> to vector<16xf32>
      %swap3A_73 = vector.shape_cast %broadcast_in_dim3A_68 : vector<16xf32> to vector<1x16xf32>
      tpu.vector_store %arg9[%swap3A_69, %swap3A_70], %swap3A_73 {strides = array<i32>} : memref<128x128xf32, #tpu.memory_space<vmem>>, vector<1x16xf32>,
      %broadcast_in_dim3A_74 = arith.constant 0.000000e+00 : f32
      %broadcast_in_dim3A_75 = vector.broadcast %broadcast_in_dim3A_74 : f32 to vector<16xf32>
      %swap3A_76 = arith.index_cast %scan3A_54 : i32 to index
      %swap3A_77 = arith.constant 48 : index
      %swap3A_78 = tpu.vector_load %arg9[%swap3A_76, %swap3A_77] {strides = array<i32>} : memref<128x128xf32, #tpu.memory_space<vmem>>, vector<1x16xf32>,
      %swap3A_79 = vector.shape_cast %swap3A_78 : vector<1x16xf32> to vector<16xf32>
      %swap3A_80 = vector.shape_cast %broadcast_in_dim3A_75 : vector<16xf32> to vector<1x16xf32>
      tpu.vector_store %arg9[%swap3A_76, %swap3A_77], %swap3A_80 {strides = array<i32>} : memref<128x128xf32, #tpu.memory_space<vmem>>, vector<1x16xf32>,
      %broadcast_in_dim3A_81 = arith.constant 0.000000e+00 : f32
      %broadcast_in_dim3A_82 = vector.broadcast %broadcast_in_dim3A_81 : f32 to vector<16xf32>
      %swap3A_83 = arith.index_cast %scan3A_54 : i32 to index
      %swap3A_84 = arith.constant 64 : index
      %swap3A_85 = tpu.vector_load %arg9[%swap3A_83, %swap3A_84] {strides = array<i32>} : memref<128x128xf32, #tpu.memory_space<vmem>>, vector<1x16xf32>,
      %swap3A_86 = vector.shape_cast %swap3A_85 : vector<1x16xf32> to vector<16xf32>
      %swap3A_87 = vector.shape_cast %broadcast_in_dim3A_82 : vector<16xf32> to vector<1x16xf32>
      tpu.vector_store %arg9[%swap3A_83, %swap3A_84], %swap3A_87 {strides = array<i32>} : memref<128x128xf32, #tpu.memory_space<vmem>>, vector<1x16xf32>,
      %broadcast_in_dim3A_88 = arith.constant 0.000000e+00 : f32
      %broadcast_in_dim3A_89 = vector.broadcast %broadcast_in_dim3A_88 : f32 to vector<16xf32>
      %swap3A_90 = arith.index_cast %scan3A_54 : i32 to index
      %swap3A_91 = arith.constant 80 : index
      %swap3A_92 = tpu.vector_load %arg9[%swap3A_90, %swap3A_91] {strides = array<i32>} : memref<128x128xf32, #tpu.memory_space<vmem>>, vector<1x16xf32>,
      %swap3A_93 = vector.shape_cast %swap3A_92 : vector<1x16xf32> to vector<16xf32>
      %swap3A_94 = vector.shape_cast %broadcast_in_dim3A_89 : vector<16xf32> to vector<1x16xf32>
      tpu.vector_store %arg9[%swap3A_90, %swap3A_91], %swap3A_94 {strides = array<i32>} : memref<128x128xf32, #tpu.memory_space<vmem>>, vector<1x16xf32>,
      %broadcast_in_dim3A_95 = arith.constant 0.000000e+00 : f32
      %broadcast_in_dim3A_96 = vector.broadcast %broadcast_in_dim3A_95 : f32 to vector<16xf32>
      %swap3A_97 = arith.index_cast %scan3A_54 : i32 to index
      %swap3A_98 = arith.constant 96 : index
      %swap3A_99 = tpu.vector_load %arg9[%swap3A_97, %swap3A_98] {strides = array<i32>} : memref<128x128xf32, #tpu.memory_space<vmem>>, vector<1x16xf32>,
      %swap3A_100 = vector.shape_cast %swap3A_99 : vector<1x16xf32> to vector<16xf32>
      %swap3A_101 = vector.shape_cast %broadcast_in_dim3A_96 : vector<16xf32> to vector<1x16xf32>
      tpu.vector_store %arg9[%swap3A_97, %swap3A_98], %swap3A_101 {strides = array<i32>} : memref<128x128xf32, #tpu.memory_space<vmem>>, vector<1x16xf32>,
      %broadcast_in_dim3A_102 = arith.constant 0.000000e+00 : f32
      %broadcast_in_dim3A_103 = vector.broadcast %broadcast_in_dim3A_102 : f32 to vector<16xf32>
      %swap3A_104 = arith.index_cast %scan3A_54 : i32 to index
      %swap3A_105 = arith.constant 112 : index
      %swap3A_106 = tpu.vector_load %arg9[%swap3A_104, %swap3A_105] {strides = array<i32>} : memref<128x128xf32, #tpu.memory_space<vmem>>, vector<1x16xf32>,
      %swap3A_107 = vector.shape_cast %swap3A_106 : vector<1x16xf32> to vector<16xf32>
      %swap3A_108 = vector.shape_cast %broadcast_in_dim3A_103 : vector<16xf32> to vector<1x16xf32>
      tpu.vector_store %arg9[%swap3A_104, %swap3A_105], %swap3A_108 {strides = array<i32>} : memref<128x128xf32, #tpu.memory_space<vmem>>, vector<1x16xf32>,
    }
    %scan3A_5 = arith.constant 32 : i32
    %mul3A_6 = arith.constant 672 : i32
    %mul3A_7 = arith.muli %arg1, %mul3A_6 : i32
    %scan3A_8 = arith.constant 0 : i32
    %scan3A_9 = arith.constant 0 : i32
    %scan3A_10 = arith.constant 21 : i32
    %scan3A_11 = arith.addi %scan3A_9, %scan3A_10 : i32
    %scan3A_12 = arith.constant 1 : i32
    scf.for %scan3A_54 = %scan3A_9 to %scan3A_11 step %scan3A_12  : i32 {
      %mul3A_55 = arith.constant 32 : i32
      %mul3A_56 = arith.muli %scan3A_54, %mul3A_55 : i32
      %add3A_57 = arith.addi %mul3A_7, %mul3A_56 : i32
      "tpu.region"() ({
        %run_scoped3A = tpu.sem_alloc : memref<!tpu.dma_semaphore, #tpu.memory_space<semaphore_mem>>
        %dma_start3A_58 = arith.constant 0 : i32
        %dma_start3A_59 = arith.constant 0 : i32
        %dma_start3A_60 = tpu.memref_slice %arg9[%dma_start3A_58, %dma_start3A_59] : memref<128x128xf32, #tpu.memory_space<vmem>> -> memref<32x128xf32, #tpu.memory_space<vmem>>
        %dma_start3A_61 = arith.constant 0 : i32
        %dma_start3A_62 = tpu.memref_slice %arg6[%add3A_57, %dma_start3A_61] : memref<10752x128xf32, #tpu.memory_space<vmem_shared>> -> memref<32x128xf32, #tpu.memory_space<vmem_shared>>
        %dma_start3A_63 = arith.constant 0 : i32
        %dma_start3A_64 = tpu.memref_slice %arg6[%add3A_57, %dma_start3A_63] : memref<10752x128xf32, #tpu.memory_space<vmem_shared>> -> memref<32x128xf32, #tpu.memory_space<vmem_shared>>
        %dma_start3A_65 = arith.constant 0 : i32
        %dma_start3A_66 = arith.constant 0 : i32
        %dma_start3A_67 = tpu.memref_slice %arg9[%dma_start3A_65, %dma_start3A_66] : memref<128x128xf32, #tpu.memory_space<vmem>> -> memref<32x128xf32, #tpu.memory_space<vmem>>
        tpu.enqueue_dma source(%dma_start3A_67 : memref<32x128xf32, #tpu.memory_space<vmem>>) target(%dma_start3A_64 : memref<32x128xf32, #tpu.memory_space<vmem_shared>>) target_semaphore(%run_scoped3A : memref<!tpu.dma_semaphore, #tpu.memory_space<semaphore_mem>>)
        %dma_wait3A = arith.constant 0 : i32
        %dma_wait3A_68 = arith.constant 0 : i32
        %dma_wait3A_69 = tpu.memref_slice %arg9[%dma_wait3A, %dma_wait3A_68] : memref<128x128xf32, #tpu.memory_space<vmem>> -> memref<32x128xf32, #tpu.memory_space<vmem>>
        %dma_wait3A_70 = arith.constant 0 : i32
        %dma_wait3A_71 = tpu.memref_slice %arg6[%add3A_57, %dma_wait3A_70] : memref<10752x128xf32, #tpu.memory_space<vmem_shared>> -> memref<32x128xf32, #tpu.memory_space<vmem_shared>>
        %dma_wait3A_72 = arith.constant 0 : i32
        %dma_wait3A_73 = tpu.memref_slice %arg6[%add3A_57, %dma_wait3A_72] : memref<10752x128xf32, #tpu.memory_space<vmem_shared>> -> memref<32x128xf32, #tpu.memory_space<vmem_shared>>
        %dma_wait3A_74 = arith.constant 0 : i32
        %dma_wait3A_75 = arith.constant 0 : i32
        %dma_wait3A_76 = tpu.memref_slice %arg9[%dma_wait3A_74, %dma_wait3A_75] : memref<128x128xf32, #tpu.memory_space<vmem>> -> memref<32x128xf32, #tpu.memory_space<vmem>>
        tpu.wait_dma2 semaphore(%run_scoped3A : memref<!tpu.dma_semaphore, #tpu.memory_space<semaphore_mem>>) src(%dma_wait3A_76 : memref<32x128xf32, #tpu.memory_space<vmem>>) dst(%dma_wait3A_73 : memref<32x128xf32, #tpu.memory_space<vmem_shared>>)
        tpu.yield
      }) : () -> ()
    }
    %scan3A_13 = arith.constant 21 : i32
    %barrier3A = arith.constant 0 : index
    tpu.barrier barrier_id(%barrier3A)
    "tpu.region"() ({
      %run_scoped3A = tpu.sem_alloc : memref<!tpu.dma_semaphore, #tpu.memory_space<semaphore_mem>>
      %dma_start3A_54 = arith.constant 0 : i32
      %dma_start3A_55 = arith.constant 0 : i32
      %dma_start3A_56 = tpu.memref_slice %arg3[%add3A, %dma_start3A_54, %dma_start3A_55] : memref<32x80x128xi32, #tpu.memory_space<hbm>> -> memref<1x40x128xi32, #tpu.memory_space<hbm>>
      %dma_start3A_57 = tpu.memref_squeeze %dma_start3A_56 : memref<1x40x128xi32, #tpu.memory_space<hbm>> -> memref<40x128xi32, #tpu.memory_space<hbm>>
      %dma_start3A_58 = arith.constant 0 : i32
      %dma_start3A_59 = arith.constant 0 : i32
      %dma_start3A_60 = tpu.memref_slice %arg3[%add3A, %dma_start3A_58, %dma_start3A_59] : memref<32x80x128xi32, #tpu.memory_space<hbm>> -> memref<1x40x128xi32, #tpu.memory_space<hbm>>
      %dma_start3A_61 = tpu.memref_squeeze %dma_start3A_60 : memref<1x40x128xi32, #tpu.memory_space<hbm>> -> memref<40x128xi32, #tpu.memory_space<hbm>>
      tpu.enqueue_dma source(%dma_start3A_61 : memref<40x128xi32, #tpu.memory_space<hbm>>) target(%arg7 : memref<40x128xi32, #tpu.memory_space<vmem>>) target_semaphore(%run_scoped3A : memref<!tpu.dma_semaphore, #tpu.memory_space<semaphore_mem>>)
      %dma_wait3A = arith.constant 0 : i32
      %dma_wait3A_62 = arith.constant 0 : i32
      %dma_wait3A_63 = tpu.memref_slice %arg3[%add3A, %dma_wait3A, %dma_wait3A_62] : memref<32x80x128xi32, #tpu.memory_space<hbm>> -> memref<1x40x128xi32, #tpu.memory_space<hbm>>
      %dma_wait3A_64 = tpu.memref_squeeze %dma_wait3A_63 : memref<1x40x128xi32, #tpu.memory_space<hbm>> -> memref<40x128xi32, #tpu.memory_space<hbm>>
      %dma_wait3A_65 = arith.constant 0 : i32
      %dma_wait3A_66 = arith.constant 0 : i32
      %dma_wait3A_67 = tpu.memref_slice %arg3[%add3A, %dma_wait3A_65, %dma_wait3A_66] : memref<32x80x128xi32, #tpu.memory_space<hbm>> -> memref<1x40x128xi32, #tpu.memory_space<hbm>>
      %dma_wait3A_68 = tpu.memref_squeeze %dma_wait3A_67 : memref<1x40x128xi32, #tpu.memory_space<hbm>> -> memref<40x128xi32, #tpu.memory_space<hbm>>
      tpu.wait_dma2 semaphore(%run_scoped3A : memref<!tpu.dma_semaphore, #tpu.memory_space<semaphore_mem>>) src(%dma_wait3A_68 : memref<40x128xi32, #tpu.memory_space<hbm>>) dst(%arg7 : memref<40x128xi32, #tpu.memory_space<vmem>>)
      tpu.yield
    }) : () -> ()
    "tpu.region"() ({
      %run_scoped3A = tpu.sem_alloc : memref<!tpu.dma_semaphore, #tpu.memory_space<semaphore_mem>>
      %dma_start3A_54 = arith.constant 0 : i32
      %dma_start3A_55 = arith.constant 0 : i32
      %dma_start3A_56 = tpu.memref_slice %arg4[%add3A, %dma_start3A_54, %dma_start3A_55] : memref<32x80x128xi32, #tpu.memory_space<hbm>> -> memref<1x40x128xi32, #tpu.memory_space<hbm>>
      %dma_start3A_57 = tpu.memref_squeeze %dma_start3A_56 : memref<1x40x128xi32, #tpu.memory_space<hbm>> -> memref<40x128xi32, #tpu.memory_space<hbm>>
      %dma_start3A_58 = arith.constant 0 : i32
      %dma_start3A_59 = arith.constant 0 : i32
      %dma_start3A_60 = tpu.memref_slice %arg4[%add3A, %dma_start3A_58, %dma_start3A_59] : memref<32x80x128xi32, #tpu.memory_space<hbm>> -> memref<1x40x128xi32, #tpu.memory_space<hbm>>
      %dma_start3A_61 = tpu.memref_squeeze %dma_start3A_60 : memref<1x40x128xi32, #tpu.memory_space<hbm>> -> memref<40x128xi32, #tpu.memory_space<hbm>>
      tpu.enqueue_dma source(%dma_start3A_61 : memref<40x128xi32, #tpu.memory_space<hbm>>) target(%arg8 : memref<40x128xi32, #tpu.memory_space<vmem>>) target_semaphore(%run_scoped3A : memref<!tpu.dma_semaphore, #tpu.memory_space<semaphore_mem>>)
      %dma_wait3A = arith.constant 0 : i32
      %dma_wait3A_62 = arith.constant 0 : i32
      %dma_wait3A_63 = tpu.memref_slice %arg4[%add3A, %dma_wait3A, %dma_wait3A_62] : memref<32x80x128xi32, #tpu.memory_space<hbm>> -> memref<1x40x128xi32, #tpu.memory_space<hbm>>
      %dma_wait3A_64 = tpu.memref_squeeze %dma_wait3A_63 : memref<1x40x128xi32, #tpu.memory_space<hbm>> -> memref<40x128xi32, #tpu.memory_space<hbm>>
      %dma_wait3A_65 = arith.constant 0 : i32
      %dma_wait3A_66 = arith.constant 0 : i32
      %dma_wait3A_67 = tpu.memref_slice %arg4[%add3A, %dma_wait3A_65, %dma_wait3A_66] : memref<32x80x128xi32, #tpu.memory_space<hbm>> -> memref<1x40x128xi32, #tpu.memory_space<hbm>>
      %dma_wait3A_68 = tpu.memref_squeeze %dma_wait3A_67 : memref<1x40x128xi32, #tpu.memory_space<hbm>> -> memref<40x128xi32, #tpu.memory_space<hbm>>
      tpu.wait_dma2 semaphore(%run_scoped3A : memref<!tpu.dma_semaphore, #tpu.memory_space<semaphore_mem>>) src(%dma_wait3A_68 : memref<40x128xi32, #tpu.memory_space<hbm>>) dst(%arg8 : memref<40x128xi32, #tpu.memory_space<vmem>>)
      tpu.yield
    }) : () -> ()
    %dma_start3A = arith.constant 0 : i32
    %dma_start3A_14 = arith.constant 0 : i32
    %dma_start3A_15 = tpu.memref_slice %arg7[%dma_start3A, %dma_start3A_14] : memref<40x128xi32, #tpu.memory_space<vmem>> -> memref<1x128xi32, #tpu.memory_space<vmem>>
    %dma_start3A_16 = tpu.memref_squeeze %dma_start3A_15 : memref<1x128xi32, #tpu.memory_space<vmem>> -> memref<128xi32, #tpu.memory_space<vmem>>
    %dma_start3A_17 = arith.constant 0 : i32
    %dma_start3A_18 = arith.constant 0 : i32
    %dma_start3A_19 = tpu.memref_slice %arg2[%dma_start3A_17, %dma_start3A_18] : memref<10752x128xf32, #tpu.memory_space<hbm>> -> memref<10752x128xf32, #tpu.memory_space<hbm>>
    tpu.enqueue_indirect_dma source(%dma_start3A_19 : memref<10752x128xf32, #tpu.memory_space<hbm>>) target(%arg9 : memref<128x128xf32, #tpu.memory_space<vmem>>) offsets(%dma_start3A_16 : memref<128xi32, #tpu.memory_space<vmem>>) semaphore(%arg11 : memref<!tpu.dma_semaphore, #tpu.memory_space<semaphore_mem>>)
    %scan3A_20 = arith.constant 0 : i32
    %scan3A_21 = arith.constant 0 : i32
    %scan3A_22 = arith.constant 20 : i32
    %scan3A_23 = arith.addi %scan3A_21, %scan3A_22 : i32
    %scan3A_24 = arith.constant 1 : i32
    scf.for %scan3A_54 = %scan3A_21 to %scan3A_23 step %scan3A_24  : i32 {
      %mul3A_55 = arith.constant 2 : i32
      %mul3A_56 = arith.muli %scan3A_54, %mul3A_55 : i32
      %add3A_57 = arith.constant 1 : i32
      %add3A_58 = arith.addi %mul3A_56, %add3A_57 : i32
      %dma_start3A_59 = arith.constant 0 : i32
      %dma_start3A_60 = tpu.memref_slice %arg7[%add3A_58, %dma_start3A_59] : memref<40x128xi32, #tpu.memory_space<vmem>> -> memref<1x128xi32, #tpu.memory_space<vmem>>
      %dma_start3A_61 = tpu.memref_squeeze %dma_start3A_60 : memref<1x128xi32, #tpu.memory_space<vmem>> -> memref<128xi32, #tpu.memory_space<vmem>>
      %dma_start3A_62 = arith.constant 0 : i32
      %dma_start3A_63 = arith.constant 0 : i32
      %dma_start3A_64 = tpu.memref_slice %arg2[%dma_start3A_62, %dma_start3A_63] : memref<10752x128xf32, #tpu.memory_space<hbm>> -> memref<10752x128xf32, #tpu.memory_space<hbm>>
      tpu.enqueue_indirect_dma source(%dma_start3A_64 : memref<10752x128xf32, #tpu.memory_space<hbm>>) target(%arg10 : memref<128x128xf32, #tpu.memory_space<vmem>>) offsets(%dma_start3A_61 : memref<128xi32, #tpu.memory_space<vmem>>) semaphore(%arg12 : memref<!tpu.dma_semaphore, #tpu.memory_space<semaphore_mem>>)
      %dma_wait3A = arith.constant 0 : i32
      %dma_wait3A_65 = tpu.memref_slice %arg7[%mul3A_56, %dma_wait3A] : memref<40x128xi32, #tpu.memory_space<vmem>> -> memref<1x128xi32, #tpu.memory_space<vmem>>
      %dma_wait3A_66 = tpu.memref_squeeze %dma_wait3A_65 : memref<1x128xi32, #tpu.memory_space<vmem>> -> memref<128xi32, #tpu.memory_space<vmem>>
      %dma_wait3A_67 = arith.constant 0 : i32
      %dma_wait3A_68 = arith.constant 0 : i32
      %dma_wait3A_69 = tpu.memref_slice %arg2[%dma_wait3A_67, %dma_wait3A_68] : memref<10752x128xf32, #tpu.memory_space<hbm>> -> memref<10752x128xf32, #tpu.memory_space<hbm>>
      tpu.wait_indirect_dma semaphore(%arg11 : memref<!tpu.dma_semaphore, #tpu.memory_space<semaphore_mem>>) src(%dma_wait3A_69 : memref<10752x128xf32, #tpu.memory_space<hbm>>) dst(%arg9 : memref<128x128xf32, #tpu.memory_space<vmem>>)
      "tpu.region"() ({
        %run_scoped3A = tpu.sem_alloc : memref<!tpu.dma_semaphore, #tpu.memory_space<semaphore_mem>>
        %dma_start3A_82 = arith.constant 0 : i32
        %dma_start3A_83 = tpu.memref_slice %arg8[%mul3A_56, %dma_start3A_82] : memref<40x128xi32, #tpu.memory_space<vmem>> -> memref<1x128xi32, #tpu.memory_space<vmem>>
        %dma_start3A_84 = tpu.memref_squeeze %dma_start3A_83 : memref<1x128xi32, #tpu.memory_space<vmem>> -> memref<128xi32, #tpu.memory_space<vmem>>
        %dma_start3A_85 = arith.constant 0 : i32
        %dma_start3A_86 = arith.constant 0 : i32
        %dma_start3A_87 = tpu.memref_slice %arg6[%dma_start3A_85, %dma_start3A_86] : memref<10752x128xf32, #tpu.memory_space<vmem_shared>> -> memref<10752x128xf32, #tpu.memory_space<vmem_shared>>
        tpu.enqueue_indirect_dma source(%arg9 : memref<128x128xf32, #tpu.memory_space<vmem>>) target(%dma_start3A_87 : memref<10752x128xf32, #tpu.memory_space<vmem_shared>>) offsets(%dma_start3A_84 : memref<128xi32, #tpu.memory_space<vmem>>) semaphore(%run_scoped3A : memref<!tpu.dma_semaphore, #tpu.memory_space<semaphore_mem>>) {add = true}
        %dma_wait3A_88 = arith.constant 0 : i32
        %dma_wait3A_89 = tpu.memref_slice %arg8[%mul3A_56, %dma_wait3A_88] : memref<40x128xi32, #tpu.memory_space<vmem>> -> memref<1x128xi32, #tpu.memory_space<vmem>>
        %dma_wait3A_90 = tpu.memref_squeeze %dma_wait3A_89 : memref<1x128xi32, #tpu.memory_space<vmem>> -> memref<128xi32, #tpu.memory_space<vmem>>
        %dma_wait3A_91 = arith.constant 0 : i32
        %dma_wait3A_92 = arith.constant 0 : i32
        %dma_wait3A_93 = tpu.memref_slice %arg6[%dma_wait3A_91, %dma_wait3A_92] : memref<10752x128xf32, #tpu.memory_space<vmem_shared>> -> memref<10752x128xf32, #tpu.memory_space<vmem_shared>>
        tpu.wait_indirect_dma semaphore(%run_scoped3A : memref<!tpu.dma_semaphore, #tpu.memory_space<semaphore_mem>>) src(%arg9 : memref<128x128xf32, #tpu.memory_space<vmem>>) dst(%dma_wait3A_93 : memref<10752x128xf32, #tpu.memory_space<vmem_shared>>)
        tpu.yield
      }) : () -> ()
      %lt3A = arith.constant 19 : i32
      %lt3A_70 = arith.cmpi slt, %scan3A_54, %lt3A : i32
      %convert_element_type3A = arith.extui %lt3A_70 : i1 to i32
      %cond3A = arith.constant 0 : i32
      %cond3A_71 = arith.cmpi ne, %convert_element_type3A, %cond3A : i32
      scf.if %cond3A_71 {
        %add3A_82 = arith.constant 2 : i32
        %add3A_83 = arith.addi %mul3A_56, %add3A_82 : i32
        %dma_start3A_84 = arith.constant 0 : i32
        %dma_start3A_85 = tpu.memref_slice %arg7[%add3A_83, %dma_start3A_84] : memref<40x128xi32, #tpu.memory_space<vmem>> -> memref<1x128xi32, #tpu.memory_space<vmem>>
        %dma_start3A_86 = tpu.memref_squeeze %dma_start3A_85 : memref<1x128xi32, #tpu.memory_space<vmem>> -> memref<128xi32, #tpu.memory_space<vmem>>
        %dma_start3A_87 = arith.constant 0 : i32
        %dma_start3A_88 = arith.constant 0 : i32
        %dma_start3A_89 = tpu.memref_slice %arg2[%dma_start3A_87, %dma_start3A_88] : memref<10752x128xf32, #tpu.memory_space<hbm>> -> memref<10752x128xf32, #tpu.memory_space<hbm>>
        tpu.enqueue_indirect_dma source(%dma_start3A_89 : memref<10752x128xf32, #tpu.memory_space<hbm>>) target(%arg9 : memref<128x128xf32, #tpu.memory_space<vmem>>) offsets(%dma_start3A_86 : memref<128xi32, #tpu.memory_space<vmem>>) semaphore(%arg11 : memref<!tpu.dma_semaphore, #tpu.memory_space<semaphore_mem>>)
      } else {
      }
      %add3A_72 = arith.constant 1 : i32
      %add3A_73 = arith.addi %mul3A_56, %add3A_72 : i32
      %dma_wait3A_74 = arith.constant 0 : i32
      %dma_wait3A_75 = tpu.memref_slice %arg7[%add3A_73, %dma_wait3A_74] : memref<40x128xi32, #tpu.memory_space<vmem>> -> memref<1x128xi32, #tpu.memory_space<vmem>>
      %dma_wait3A_76 = tpu.memref_squeeze %dma_wait3A_75 : memref<1x128xi32, #tpu.memory_space<vmem>> -> memref<128xi32, #tpu.memory_space<vmem>>
      %dma_wait3A_77 = arith.constant 0 : i32
      %dma_wait3A_78 = arith.constant 0 : i32
      %dma_wait3A_79 = tpu.memref_slice %arg2[%dma_wait3A_77, %dma_wait3A_78] : memref<10752x128xf32, #tpu.memory_space<hbm>> -> memref<10752x128xf32, #tpu.memory_space<hbm>>
      tpu.wait_indirect_dma semaphore(%arg12 : memref<!tpu.dma_semaphore, #tpu.memory_space<semaphore_mem>>) src(%dma_wait3A_79 : memref<10752x128xf32, #tpu.memory_space<hbm>>) dst(%arg10 : memref<128x128xf32, #tpu.memory_space<vmem>>)
      %add3A_80 = arith.constant 1 : i32
      %add3A_81 = arith.addi %mul3A_56, %add3A_80 : i32
      "tpu.region"() ({
        %run_scoped3A = tpu.sem_alloc : memref<!tpu.dma_semaphore, #tpu.memory_space<semaphore_mem>>
        %dma_start3A_82 = arith.constant 0 : i32
        %dma_start3A_83 = tpu.memref_slice %arg8[%add3A_81, %dma_start3A_82] : memref<40x128xi32, #tpu.memory_space<vmem>> -> memref<1x128xi32, #tpu.memory_space<vmem>>
        %dma_start3A_84 = tpu.memref_squeeze %dma_start3A_83 : memref<1x128xi32, #tpu.memory_space<vmem>> -> memref<128xi32, #tpu.memory_space<vmem>>
        %dma_start3A_85 = arith.constant 0 : i32
        %dma_start3A_86 = arith.constant 0 : i32
        %dma_start3A_87 = tpu.memref_slice %arg6[%dma_start3A_85, %dma_start3A_86] : memref<10752x128xf32, #tpu.memory_space<vmem_shared>> -> memref<10752x128xf32, #tpu.memory_space<vmem_shared>>
        tpu.enqueue_indirect_dma source(%arg10 : memref<128x128xf32, #tpu.memory_space<vmem>>) target(%dma_start3A_87 : memref<10752x128xf32, #tpu.memory_space<vmem_shared>>) offsets(%dma_start3A_84 : memref<128xi32, #tpu.memory_space<vmem>>) semaphore(%run_scoped3A : memref<!tpu.dma_semaphore, #tpu.memory_space<semaphore_mem>>) {add = true}
        %dma_wait3A_88 = arith.constant 0 : i32
        %dma_wait3A_89 = tpu.memref_slice %arg8[%add3A_81, %dma_wait3A_88] : memref<40x128xi32, #tpu.memory_space<vmem>> -> memref<1x128xi32, #tpu.memory_space<vmem>>
        %dma_wait3A_90 = tpu.memref_squeeze %dma_wait3A_89 : memref<1x128xi32, #tpu.memory_space<vmem>> -> memref<128xi32, #tpu.memory_space<vmem>>
        %dma_wait3A_91 = arith.constant 0 : i32
        %dma_wait3A_92 = arith.constant 0 : i32
        %dma_wait3A_93 = tpu.memref_slice %arg6[%dma_wait3A_91, %dma_wait3A_92] : memref<10752x128xf32, #tpu.memory_space<vmem_shared>> -> memref<10752x128xf32, #tpu.memory_space<vmem_shared>>
        tpu.wait_indirect_dma semaphore(%run_scoped3A : memref<!tpu.dma_semaphore, #tpu.memory_space<semaphore_mem>>) src(%arg10 : memref<128x128xf32, #tpu.memory_space<vmem>>) dst(%dma_wait3A_93 : memref<10752x128xf32, #tpu.memory_space<vmem_shared>>)
        tpu.yield
      }) : () -> ()
    }
    %scan3A_25 = arith.constant 20 : i32
    "tpu.region"() ({
      %run_scoped3A = tpu.sem_alloc : memref<!tpu.dma_semaphore, #tpu.memory_space<semaphore_mem>>
      %dma_start3A_54 = arith.constant 40 : i32
      %dma_start3A_55 = arith.constant 0 : i32
      %dma_start3A_56 = tpu.memref_slice %arg3[%add3A, %dma_start3A_54, %dma_start3A_55] : memref<32x80x128xi32, #tpu.memory_space<hbm>> -> memref<1x40x128xi32, #tpu.memory_space<hbm>>
      %dma_start3A_57 = tpu.memref_squeeze %dma_start3A_56 : memref<1x40x128xi32, #tpu.memory_space<hbm>> -> memref<40x128xi32, #tpu.memory_space<hbm>>
      %dma_start3A_58 = arith.constant 40 : i32
      %dma_start3A_59 = arith.constant 0 : i32
      %dma_start3A_60 = tpu.memref_slice %arg3[%add3A, %dma_start3A_58, %dma_start3A_59] : memref<32x80x128xi32, #tpu.memory_space<hbm>> -> memref<1x40x128xi32, #tpu.memory_space<hbm>>
      %dma_start3A_61 = tpu.memref_squeeze %dma_start3A_60 : memref<1x40x128xi32, #tpu.memory_space<hbm>> -> memref<40x128xi32, #tpu.memory_space<hbm>>
      tpu.enqueue_dma source(%dma_start3A_61 : memref<40x128xi32, #tpu.memory_space<hbm>>) target(%arg7 : memref<40x128xi32, #tpu.memory_space<vmem>>) target_semaphore(%run_scoped3A : memref<!tpu.dma_semaphore, #tpu.memory_space<semaphore_mem>>)
      %dma_wait3A = arith.constant 40 : i32
      %dma_wait3A_62 = arith.constant 0 : i32
      %dma_wait3A_63 = tpu.memref_slice %arg3[%add3A, %dma_wait3A, %dma_wait3A_62] : memref<32x80x128xi32, #tpu.memory_space<hbm>> -> memref<1x40x128xi32, #tpu.memory_space<hbm>>
      %dma_wait3A_64 = tpu.memref_squeeze %dma_wait3A_63 : memref<1x40x128xi32, #tpu.memory_space<hbm>> -> memref<40x128xi32, #tpu.memory_space<hbm>>
      %dma_wait3A_65 = arith.constant 40 : i32
      %dma_wait3A_66 = arith.constant 0 : i32
      %dma_wait3A_67 = tpu.memref_slice %arg3[%add3A, %dma_wait3A_65, %dma_wait3A_66] : memref<32x80x128xi32, #tpu.memory_space<hbm>> -> memref<1x40x128xi32, #tpu.memory_space<hbm>>
      %dma_wait3A_68 = tpu.memref_squeeze %dma_wait3A_67 : memref<1x40x128xi32, #tpu.memory_space<hbm>> -> memref<40x128xi32, #tpu.memory_space<hbm>>
      tpu.wait_dma2 semaphore(%run_scoped3A : memref<!tpu.dma_semaphore, #tpu.memory_space<semaphore_mem>>) src(%dma_wait3A_68 : memref<40x128xi32, #tpu.memory_space<hbm>>) dst(%arg7 : memref<40x128xi32, #tpu.memory_space<vmem>>)
      tpu.yield
    }) : () -> ()
    "tpu.region"() ({
      %run_scoped3A = tpu.sem_alloc : memref<!tpu.dma_semaphore, #tpu.memory_space<semaphore_mem>>
      %dma_start3A_54 = arith.constant 40 : i32
      %dma_start3A_55 = arith.constant 0 : i32
      %dma_start3A_56 = tpu.memref_slice %arg4[%add3A, %dma_start3A_54, %dma_start3A_55] : memref<32x80x128xi32, #tpu.memory_space<hbm>> -> memref<1x40x128xi32, #tpu.memory_space<hbm>>
      %dma_start3A_57 = tpu.memref_squeeze %dma_start3A_56 : memref<1x40x128xi32, #tpu.memory_space<hbm>> -> memref<40x128xi32, #tpu.memory_space<hbm>>
      %dma_start3A_58 = arith.constant 40 : i32
      %dma_start3A_59 = arith.constant 0 : i32
      %dma_start3A_60 = tpu.memref_slice %arg4[%add3A, %dma_start3A_58, %dma_start3A_59] : memref<32x80x128xi32, #tpu.memory_space<hbm>> -> memref<1x40x128xi32, #tpu.memory_space<hbm>>
      %dma_start3A_61 = tpu.memref_squeeze %dma_start3A_60 : memref<1x40x128xi32, #tpu.memory_space<hbm>> -> memref<40x128xi32, #tpu.memory_space<hbm>>
      tpu.enqueue_dma source(%dma_start3A_61 : memref<40x128xi32, #tpu.memory_space<hbm>>) target(%arg8 : memref<40x128xi32, #tpu.memory_space<vmem>>) target_semaphore(%run_scoped3A : memref<!tpu.dma_semaphore, #tpu.memory_space<semaphore_mem>>)
      %dma_wait3A = arith.constant 40 : i32
      %dma_wait3A_62 = arith.constant 0 : i32
      %dma_wait3A_63 = tpu.memref_slice %arg4[%add3A, %dma_wait3A, %dma_wait3A_62] : memref<32x80x128xi32, #tpu.memory_space<hbm>> -> memref<1x40x128xi32, #tpu.memory_space<hbm>>
      %dma_wait3A_64 = tpu.memref_squeeze %dma_wait3A_63 : memref<1x40x128xi32, #tpu.memory_space<hbm>> -> memref<40x128xi32, #tpu.memory_space<hbm>>
      %dma_wait3A_65 = arith.constant 40 : i32
      %dma_wait3A_66 = arith.constant 0 : i32
      %dma_wait3A_67 = tpu.memref_slice %arg4[%add3A, %dma_wait3A_65, %dma_wait3A_66] : memref<32x80x128xi32, #tpu.memory_space<hbm>> -> memref<1x40x128xi32, #tpu.memory_space<hbm>>
      %dma_wait3A_68 = tpu.memref_squeeze %dma_wait3A_67 : memref<1x40x128xi32, #tpu.memory_space<hbm>> -> memref<40x128xi32, #tpu.memory_space<hbm>>
      tpu.wait_dma2 semaphore(%run_scoped3A : memref<!tpu.dma_semaphore, #tpu.memory_space<semaphore_mem>>) src(%dma_wait3A_68 : memref<40x128xi32, #tpu.memory_space<hbm>>) dst(%arg8 : memref<40x128xi32, #tpu.memory_space<vmem>>)
      tpu.yield
    }) : () -> ()
    %dma_start3A_26 = arith.constant 0 : i32
    %dma_start3A_27 = arith.constant 0 : i32
    %dma_start3A_28 = tpu.memref_slice %arg7[%dma_start3A_26, %dma_start3A_27] : memref<40x128xi32, #tpu.memory_space<vmem>> -> memref<1x128xi32, #tpu.memory_space<vmem>>
    %dma_start3A_29 = tpu.memref_squeeze %dma_start3A_28 : memref<1x128xi32, #tpu.memory_space<vmem>> -> memref<128xi32, #tpu.memory_space<vmem>>
    %dma_start3A_30 = arith.constant 0 : i32
    %dma_start3A_31 = arith.constant 0 : i32
    %dma_start3A_32 = tpu.memref_slice %arg2[%dma_start3A_30, %dma_start3A_31] : memref<10752x128xf32, #tpu.memory_space<hbm>> -> memref<10752x128xf32, #tpu.memory_space<hbm>>
    tpu.enqueue_indirect_dma source(%dma_start3A_32 : memref<10752x128xf32, #tpu.memory_space<hbm>>) target(%arg9 : memref<128x128xf32, #tpu.memory_space<vmem>>) offsets(%dma_start3A_29 : memref<128xi32, #tpu.memory_space<vmem>>) semaphore(%arg11 : memref<!tpu.dma_semaphore, #tpu.memory_space<semaphore_mem>>)
    %scan3A_33 = arith.constant 0 : i32
    %scan3A_34 = arith.constant 0 : i32
    %scan3A_35 = arith.constant 20 : i32
    %scan3A_36 = arith.addi %scan3A_34, %scan3A_35 : i32
    %scan3A_37 = arith.constant 1 : i32
    scf.for %scan3A_54 = %scan3A_34 to %scan3A_36 step %scan3A_37  : i32 {
      %mul3A_55 = arith.constant 2 : i32
      %mul3A_56 = arith.muli %scan3A_54, %mul3A_55 : i32
      %add3A_57 = arith.constant 1 : i32
      %add3A_58 = arith.addi %mul3A_56, %add3A_57 : i32
      %dma_start3A_59 = arith.constant 0 : i32
      %dma_start3A_60 = tpu.memref_slice %arg7[%add3A_58, %dma_start3A_59] : memref<40x128xi32, #tpu.memory_space<vmem>> -> memref<1x128xi32, #tpu.memory_space<vmem>>
      %dma_start3A_61 = tpu.memref_squeeze %dma_start3A_60 : memref<1x128xi32, #tpu.memory_space<vmem>> -> memref<128xi32, #tpu.memory_space<vmem>>
      %dma_start3A_62 = arith.constant 0 : i32
      %dma_start3A_63 = arith.constant 0 : i32
      %dma_start3A_64 = tpu.memref_slice %arg2[%dma_start3A_62, %dma_start3A_63] : memref<10752x128xf32, #tpu.memory_space<hbm>> -> memref<10752x128xf32, #tpu.memory_space<hbm>>
      tpu.enqueue_indirect_dma source(%dma_start3A_64 : memref<10752x128xf32, #tpu.memory_space<hbm>>) target(%arg10 : memref<128x128xf32, #tpu.memory_space<vmem>>) offsets(%dma_start3A_61 : memref<128xi32, #tpu.memory_space<vmem>>) semaphore(%arg12 : memref<!tpu.dma_semaphore, #tpu.memory_space<semaphore_mem>>)
      %dma_wait3A = arith.constant 0 : i32
      %dma_wait3A_65 = tpu.memref_slice %arg7[%mul3A_56, %dma_wait3A] : memref<40x128xi32, #tpu.memory_space<vmem>> -> memref<1x128xi32, #tpu.memory_space<vmem>>
      %dma_wait3A_66 = tpu.memref_squeeze %dma_wait3A_65 : memref<1x128xi32, #tpu.memory_space<vmem>> -> memref<128xi32, #tpu.memory_space<vmem>>
      %dma_wait3A_67 = arith.constant 0 : i32
      %dma_wait3A_68 = arith.constant 0 : i32
      %dma_wait3A_69 = tpu.memref_slice %arg2[%dma_wait3A_67, %dma_wait3A_68] : memref<10752x128xf32, #tpu.memory_space<hbm>> -> memref<10752x128xf32, #tpu.memory_space<hbm>>
      tpu.wait_indirect_dma semaphore(%arg11 : memref<!tpu.dma_semaphore, #tpu.memory_space<semaphore_mem>>) src(%dma_wait3A_69 : memref<10752x128xf32, #tpu.memory_space<hbm>>) dst(%arg9 : memref<128x128xf32, #tpu.memory_space<vmem>>)
      "tpu.region"() ({
        %run_scoped3A = tpu.sem_alloc : memref<!tpu.dma_semaphore, #tpu.memory_space<semaphore_mem>>
        %dma_start3A_82 = arith.constant 0 : i32
        %dma_start3A_83 = tpu.memref_slice %arg8[%mul3A_56, %dma_start3A_82] : memref<40x128xi32, #tpu.memory_space<vmem>> -> memref<1x128xi32, #tpu.memory_space<vmem>>
        %dma_start3A_84 = tpu.memref_squeeze %dma_start3A_83 : memref<1x128xi32, #tpu.memory_space<vmem>> -> memref<128xi32, #tpu.memory_space<vmem>>
        %dma_start3A_85 = arith.constant 0 : i32
        %dma_start3A_86 = arith.constant 0 : i32
        %dma_start3A_87 = tpu.memref_slice %arg6[%dma_start3A_85, %dma_start3A_86] : memref<10752x128xf32, #tpu.memory_space<vmem_shared>> -> memref<10752x128xf32, #tpu.memory_space<vmem_shared>>
        tpu.enqueue_indirect_dma source(%arg9 : memref<128x128xf32, #tpu.memory_space<vmem>>) target(%dma_start3A_87 : memref<10752x128xf32, #tpu.memory_space<vmem_shared>>) offsets(%dma_start3A_84 : memref<128xi32, #tpu.memory_space<vmem>>) semaphore(%run_scoped3A : memref<!tpu.dma_semaphore, #tpu.memory_space<semaphore_mem>>) {add = true}
        %dma_wait3A_88 = arith.constant 0 : i32
        %dma_wait3A_89 = tpu.memref_slice %arg8[%mul3A_56, %dma_wait3A_88] : memref<40x128xi32, #tpu.memory_space<vmem>> -> memref<1x128xi32, #tpu.memory_space<vmem>>
        %dma_wait3A_90 = tpu.memref_squeeze %dma_wait3A_89 : memref<1x128xi32, #tpu.memory_space<vmem>> -> memref<128xi32, #tpu.memory_space<vmem>>
        %dma_wait3A_91 = arith.constant 0 : i32
        %dma_wait3A_92 = arith.constant 0 : i32
        %dma_wait3A_93 = tpu.memref_slice %arg6[%dma_wait3A_91, %dma_wait3A_92] : memref<10752x128xf32, #tpu.memory_space<vmem_shared>> -> memref<10752x128xf32, #tpu.memory_space<vmem_shared>>
        tpu.wait_indirect_dma semaphore(%run_scoped3A : memref<!tpu.dma_semaphore, #tpu.memory_space<semaphore_mem>>) src(%arg9 : memref<128x128xf32, #tpu.memory_space<vmem>>) dst(%dma_wait3A_93 : memref<10752x128xf32, #tpu.memory_space<vmem_shared>>)
        tpu.yield
      }) : () -> ()
      %lt3A = arith.constant 19 : i32
      %lt3A_70 = arith.cmpi slt, %scan3A_54, %lt3A : i32
      %convert_element_type3A = arith.extui %lt3A_70 : i1 to i32
      %cond3A = arith.constant 0 : i32
      %cond3A_71 = arith.cmpi ne, %convert_element_type3A, %cond3A : i32
      scf.if %cond3A_71 {
        %add3A_82 = arith.constant 2 : i32
        %add3A_83 = arith.addi %mul3A_56, %add3A_82 : i32
        %dma_start3A_84 = arith.constant 0 : i32
        %dma_start3A_85 = tpu.memref_slice %arg7[%add3A_83, %dma_start3A_84] : memref<40x128xi32, #tpu.memory_space<vmem>> -> memref<1x128xi32, #tpu.memory_space<vmem>>
        %dma_start3A_86 = tpu.memref_squeeze %dma_start3A_85 : memref<1x128xi32, #tpu.memory_space<vmem>> -> memref<128xi32, #tpu.memory_space<vmem>>
        %dma_start3A_87 = arith.constant 0 : i32
        %dma_start3A_88 = arith.constant 0 : i32
        %dma_start3A_89 = tpu.memref_slice %arg2[%dma_start3A_87, %dma_start3A_88] : memref<10752x128xf32, #tpu.memory_space<hbm>> -> memref<10752x128xf32, #tpu.memory_space<hbm>>
        tpu.enqueue_indirect_dma source(%dma_start3A_89 : memref<10752x128xf32, #tpu.memory_space<hbm>>) target(%arg9 : memref<128x128xf32, #tpu.memory_space<vmem>>) offsets(%dma_start3A_86 : memref<128xi32, #tpu.memory_space<vmem>>) semaphore(%arg11 : memref<!tpu.dma_semaphore, #tpu.memory_space<semaphore_mem>>)
      } else {
      }
      %add3A_72 = arith.constant 1 : i32
      %add3A_73 = arith.addi %mul3A_56, %add3A_72 : i32
      %dma_wait3A_74 = arith.constant 0 : i32
      %dma_wait3A_75 = tpu.memref_slice %arg7[%add3A_73, %dma_wait3A_74] : memref<40x128xi32, #tpu.memory_space<vmem>> -> memref<1x128xi32, #tpu.memory_space<vmem>>
      %dma_wait3A_76 = tpu.memref_squeeze %dma_wait3A_75 : memref<1x128xi32, #tpu.memory_space<vmem>> -> memref<128xi32, #tpu.memory_space<vmem>>
      %dma_wait3A_77 = arith.constant 0 : i32
      %dma_wait3A_78 = arith.constant 0 : i32
      %dma_wait3A_79 = tpu.memref_slice %arg2[%dma_wait3A_77, %dma_wait3A_78] : memref<10752x128xf32, #tpu.memory_space<hbm>> -> memref<10752x128xf32, #tpu.memory_space<hbm>>
      tpu.wait_indirect_dma semaphore(%arg12 : memref<!tpu.dma_semaphore, #tpu.memory_space<semaphore_mem>>) src(%dma_wait3A_79 : memref<10752x128xf32, #tpu.memory_space<hbm>>) dst(%arg10 : memref<128x128xf32, #tpu.memory_space<vmem>>)
      %add3A_80 = arith.constant 1 : i32
      %add3A_81 = arith.addi %mul3A_56, %add3A_80 : i32
      "tpu.region"() ({
        %run_scoped3A = tpu.sem_alloc : memref<!tpu.dma_semaphore, #tpu.memory_space<semaphore_mem>>
        %dma_start3A_82 = arith.constant 0 : i32
        %dma_start3A_83 = tpu.memref_slice %arg8[%add3A_81, %dma_start3A_82] : memref<40x128xi32, #tpu.memory_space<vmem>> -> memref<1x128xi32, #tpu.memory_space<vmem>>
        %dma_start3A_84 = tpu.memref_squeeze %dma_start3A_83 : memref<1x128xi32, #tpu.memory_space<vmem>> -> memref<128xi32, #tpu.memory_space<vmem>>
        %dma_start3A_85 = arith.constant 0 : i32
        %dma_start3A_86 = arith.constant 0 : i32
        %dma_start3A_87 = tpu.memref_slice %arg6[%dma_start3A_85, %dma_start3A_86] : memref<10752x128xf32, #tpu.memory_space<vmem_shared>> -> memref<10752x128xf32, #tpu.memory_space<vmem_shared>>
        tpu.enqueue_indirect_dma source(%arg10 : memref<128x128xf32, #tpu.memory_space<vmem>>) target(%dma_start3A_87 : memref<10752x128xf32, #tpu.memory_space<vmem_shared>>) offsets(%dma_start3A_84 : memref<128xi32, #tpu.memory_space<vmem>>) semaphore(%run_scoped3A : memref<!tpu.dma_semaphore, #tpu.memory_space<semaphore_mem>>) {add = true}
        %dma_wait3A_88 = arith.constant 0 : i32
        %dma_wait3A_89 = tpu.memref_slice %arg8[%add3A_81, %dma_wait3A_88] : memref<40x128xi32, #tpu.memory_space<vmem>> -> memref<1x128xi32, #tpu.memory_space<vmem>>
        %dma_wait3A_90 = tpu.memref_squeeze %dma_wait3A_89 : memref<1x128xi32, #tpu.memory_space<vmem>> -> memref<128xi32, #tpu.memory_space<vmem>>
        %dma_wait3A_91 = arith.constant 0 : i32
        %dma_wait3A_92 = arith.constant 0 : i32
        %dma_wait3A_93 = tpu.memref_slice %arg6[%dma_wait3A_91, %dma_wait3A_92] : memref<10752x128xf32, #tpu.memory_space<vmem_shared>> -> memref<10752x128xf32, #tpu.memory_space<vmem_shared>>
        tpu.wait_indirect_dma semaphore(%run_scoped3A : memref<!tpu.dma_semaphore, #tpu.memory_space<semaphore_mem>>) src(%arg10 : memref<128x128xf32, #tpu.memory_space<vmem>>) dst(%dma_wait3A_93 : memref<10752x128xf32, #tpu.memory_space<vmem_shared>>)
        tpu.yield
      }) : () -> ()
    }
    %scan3A_38 = arith.constant 20 : i32
    %barrier3A_39 = arith.constant 0 : index
    tpu.barrier barrier_id(%barrier3A_39)
    %mul3A_40 = arith.constant 672 : i32
    %mul3A_41 = arith.muli %arg1, %mul3A_40 : i32
    %mul3A_42 = arith.constant 672 : i32
    %mul3A_43 = arith.muli %arg1, %mul3A_42 : i32
    %scan3A_44 = arith.constant 0 : i32
    %scan3A_45 = arith.constant 0 : i32
    %scan3A_46 = arith.constant 5 : i32
    %scan3A_47 = arith.addi %scan3A_45, %scan3A_46 : i32
    %scan3A_48 = arith.constant 1 : i32
    scf.for %scan3A_54 = %scan3A_45 to %scan3A_47 step %scan3A_48  : i32 {
      %mul3A_55 = arith.constant 128 : i32
      %mul3A_56 = arith.muli %scan3A_54, %mul3A_55 : i32
      %add3A_57 = arith.addi %mul3A_41, %mul3A_56 : i32
      "tpu.region"() ({
        %run_scoped3A = tpu.sem_alloc : memref<!tpu.dma_semaphore, #tpu.memory_space<semaphore_mem>>
        %dma_start3A_61 = arith.constant 0 : i32
        %dma_start3A_62 = tpu.memref_slice %arg6[%add3A_57, %dma_start3A_61] : memref<10752x128xf32, #tpu.memory_space<vmem_shared>> -> memref<128x128xf32, #tpu.memory_space<vmem_shared>>
        %dma_start3A_63 = arith.constant 0 : i32
        %dma_start3A_64 = tpu.memref_slice %arg6[%add3A_57, %dma_start3A_63] : memref<10752x128xf32, #tpu.memory_space<vmem_shared>> -> memref<128x128xf32, #tpu.memory_space<vmem_shared>>
        tpu.enqueue_dma source(%dma_start3A_64 : memref<128x128xf32, #tpu.memory_space<vmem_shared>>) target(%arg9 : memref<128x128xf32, #tpu.memory_space<vmem>>) target_semaphore(%run_scoped3A : memref<!tpu.dma_semaphore, #tpu.memory_space<semaphore_mem>>)
        %dma_wait3A = arith.constant 0 : i32
        %dma_wait3A_65 = tpu.memref_slice %arg6[%add3A_57, %dma_wait3A] : memref<10752x128xf32, #tpu.memory_space<vmem_shared>> -> memref<128x128xf32, #tpu.memory_space<vmem_shared>>
        %dma_wait3A_66 = arith.constant 0 : i32
        %dma_wait3A_67 = tpu.memref_slice %arg6[%add3A_57, %dma_wait3A_66] : memref<10752x128xf32, #tpu.memory_space<vmem_shared>> -> memref<128x128xf32, #tpu.memory_space<vmem_shared>>
        tpu.wait_dma2 semaphore(%run_scoped3A : memref<!tpu.dma_semaphore, #tpu.memory_space<semaphore_mem>>) src(%dma_wait3A_67 : memref<128x128xf32, #tpu.memory_space<vmem_shared>>) dst(%arg9 : memref<128x128xf32, #tpu.memory_space<vmem>>)
        tpu.yield
      }) : () -> ()
      %mul3A_58 = arith.constant 128 : i32
      %mul3A_59 = arith.muli %scan3A_54, %mul3A_58 : i32
      %add3A_60 = arith.addi %mul3A_43, %mul3A_59 : i32
      "tpu.region"() ({
        %run_scoped3A = tpu.sem_alloc : memref<!tpu.dma_semaphore, #tpu.memory_space<semaphore_mem>>
        %dma_start3A_61 = arith.constant 0 : i32
        %dma_start3A_62 = tpu.memref_slice %arg5[%arg0, %add3A_60, %dma_start3A_61] : memref<2x10752x128xf32, #tpu.memory_space<hbm>> -> memref<1x128x128xf32, #tpu.memory_space<hbm>>
        %dma_start3A_63 = tpu.memref_squeeze %dma_start3A_62 : memref<1x128x128xf32, #tpu.memory_space<hbm>> -> memref<128x128xf32, #tpu.memory_space<hbm>>
        %dma_start3A_64 = arith.constant 0 : i32
        %dma_start3A_65 = tpu.memref_slice %arg5[%arg0, %add3A_60, %dma_start3A_64] : memref<2x10752x128xf32, #tpu.memory_space<hbm>> -> memref<1x128x128xf32, #tpu.memory_space<hbm>>
        %dma_start3A_66 = tpu.memref_squeeze %dma_start3A_65 : memref<1x128x128xf32, #tpu.memory_space<hbm>> -> memref<128x128xf32, #tpu.memory_space<hbm>>
        tpu.enqueue_dma source(%arg9 : memref<128x128xf32, #tpu.memory_space<vmem>>) target(%dma_start3A_66 : memref<128x128xf32, #tpu.memory_space<hbm>>) target_semaphore(%run_scoped3A : memref<!tpu.dma_semaphore, #tpu.memory_space<semaphore_mem>>)
        %dma_wait3A = arith.constant 0 : i32
        %dma_wait3A_67 = tpu.memref_slice %arg5[%arg0, %add3A_60, %dma_wait3A] : memref<2x10752x128xf32, #tpu.memory_space<hbm>> -> memref<1x128x128xf32, #tpu.memory_space<hbm>>
        %dma_wait3A_68 = tpu.memref_squeeze %dma_wait3A_67 : memref<1x128x128xf32, #tpu.memory_space<hbm>> -> memref<128x128xf32, #tpu.memory_space<hbm>>
        %dma_wait3A_69 = arith.constant 0 : i32
        %dma_wait3A_70 = tpu.memref_slice %arg5[%arg0, %add3A_60, %dma_wait3A_69] : memref<2x10752x128xf32, #tpu.memory_space<hbm>> -> memref<1x128x128xf32, #tpu.memory_space<hbm>>
        %dma_wait3A_71 = tpu.memref_squeeze %dma_wait3A_70 : memref<1x128x128xf32, #tpu.memory_space<hbm>> -> memref<128x128xf32, #tpu.memory_space<hbm>>
        tpu.wait_dma2 semaphore(%run_scoped3A : memref<!tpu.dma_semaphore, #tpu.memory_space<semaphore_mem>>) src(%arg9 : memref<128x128xf32, #tpu.memory_space<vmem>>) dst(%dma_wait3A_71 : memref<128x128xf32, #tpu.memory_space<hbm>>)
        tpu.yield
      }) : () -> ()
    }
    %scan3A_49 = arith.constant 5 : i32
    %add3A_50 = arith.constant 640 : i32
    %add3A_51 = arith.addi %mul3A_41, %add3A_50 : i32
    "tpu.region"() ({
      %run_scoped3A = tpu.sem_alloc : memref<!tpu.dma_semaphore, #tpu.memory_space<semaphore_mem>>
      %dma_start3A_54 = arith.constant 0 : i32
      %dma_start3A_55 = arith.constant 0 : i32
      %dma_start3A_56 = tpu.memref_slice %arg9[%dma_start3A_54, %dma_start3A_55] : memref<128x128xf32, #tpu.memory_space<vmem>> -> memref<32x128xf32, #tpu.memory_space<vmem>>
      %dma_start3A_57 = arith.constant 0 : i32
      %dma_start3A_58 = tpu.memref_slice %arg6[%add3A_51, %dma_start3A_57] : memref<10752x128xf32, #tpu.memory_space<vmem_shared>> -> memref<32x128xf32, #tpu.memory_space<vmem_shared>>
      %dma_start3A_59 = arith.constant 0 : i32
      %dma_start3A_60 = arith.constant 0 : i32
      %dma_start3A_61 = tpu.memref_slice %arg9[%dma_start3A_59, %dma_start3A_60] : memref<128x128xf32, #tpu.memory_space<vmem>> -> memref<32x128xf32, #tpu.memory_space<vmem>>
      %dma_start3A_62 = arith.constant 0 : i32
      %dma_start3A_63 = tpu.memref_slice %arg6[%add3A_51, %dma_start3A_62] : memref<10752x128xf32, #tpu.memory_space<vmem_shared>> -> memref<32x128xf32, #tpu.memory_space<vmem_shared>>
      tpu.enqueue_dma source(%dma_start3A_63 : memref<32x128xf32, #tpu.memory_space<vmem_shared>>) target(%dma_start3A_61 : memref<32x128xf32, #tpu.memory_space<vmem>>) target_semaphore(%run_scoped3A : memref<!tpu.dma_semaphore, #tpu.memory_space<semaphore_mem>>)
      %dma_wait3A = arith.constant 0 : i32
      %dma_wait3A_64 = arith.constant 0 : i32
      %dma_wait3A_65 = tpu.memref_slice %arg9[%dma_wait3A, %dma_wait3A_64] : memref<128x128xf32, #tpu.memory_space<vmem>> -> memref<32x128xf32, #tpu.memory_space<vmem>>
      %dma_wait3A_66 = arith.constant 0 : i32
      %dma_wait3A_67 = tpu.memref_slice %arg6[%add3A_51, %dma_wait3A_66] : memref<10752x128xf32, #tpu.memory_space<vmem_shared>> -> memref<32x128xf32, #tpu.memory_space<vmem_shared>>
      %dma_wait3A_68 = arith.constant 0 : i32
      %dma_wait3A_69 = arith.constant 0 : i32
      %dma_wait3A_70 = tpu.memref_slice %arg9[%dma_wait3A_68, %dma_wait3A_69] : memref<128x128xf32, #tpu.memory_space<vmem>> -> memref<32x128xf32, #tpu.memory_space<vmem>>
      %dma_wait3A_71 = arith.constant 0 : i32
      %dma_wait3A_72 = tpu.memref_slice %arg6[%add3A_51, %dma_wait3A_71] : memref<10752x128xf32, #tpu.memory_space<vmem_shared>> -> memref<32x128xf32, #tpu.memory_space<vmem_shared>>
      tpu.wait_dma2 semaphore(%run_scoped3A : memref<!tpu.dma_semaphore, #tpu.memory_space<semaphore_mem>>) src(%dma_wait3A_72 : memref<32x128xf32, #tpu.memory_space<vmem_shared>>) dst(%dma_wait3A_70 : memref<32x128xf32, #tpu.memory_space<vmem>>)
      tpu.yield
    }) : () -> ()
    %add3A_52 = arith.constant 640 : i32
    %add3A_53 = arith.addi %mul3A_43, %add3A_52 : i32
    "tpu.region"() ({
      %run_scoped3A = tpu.sem_alloc : memref<!tpu.dma_semaphore, #tpu.memory_space<semaphore_mem>>
      %dma_start3A_54 = arith.constant 0 : i32
      %dma_start3A_55 = arith.constant 0 : i32
      %dma_start3A_56 = tpu.memref_slice %arg9[%dma_start3A_54, %dma_start3A_55] : memref<128x128xf32, #tpu.memory_space<vmem>> -> memref<32x128xf32, #tpu.memory_space<vmem>>
      %dma_start3A_57 = arith.constant 0 : i32
      %dma_start3A_58 = tpu.memref_slice %arg5[%arg0, %add3A_53, %dma_start3A_57] : memref<2x10752x128xf32, #tpu.memory_space<hbm>> -> memref<1x32x128xf32, #tpu.memory_space<hbm>>
      %dma_start3A_59 = tpu.memref_squeeze %dma_start3A_58 : memref<1x32x128xf32, #tpu.memory_space<hbm>> -> memref<32x128xf32, #tpu.memory_space<hbm>>
      %dma_start3A_60 = arith.constant 0 : i32
      %dma_start3A_61 = tpu.memref_slice %arg5[%arg0, %add3A_53, %dma_start3A_60] : memref<2x10752x128xf32, #tpu.memory_space<hbm>> -> memref<1x32x128xf32, #tpu.memory_space<hbm>>
      %dma_start3A_62 = tpu.memref_squeeze %dma_start3A_61 : memref<1x32x128xf32, #tpu.memory_space<hbm>> -> memref<32x128xf32, #tpu.memory_space<hbm>>
      %dma_start3A_63 = arith.constant 0 : i32
      %dma_start3A_64 = arith.constant 0 : i32
      %dma_start3A_65 = tpu.memref_slice %arg9[%dma_start3A_63, %dma_start3A_64] : memref<128x128xf32, #tpu.memory_space<vmem>> -> memref<32x128xf32, #tpu.memory_space<vmem>>
      tpu.enqueue_dma source(%dma_start3A_65 : memref<32x128xf32, #tpu.memory_space<vmem>>) target(%dma_start3A_62 : memref<32x128xf32, #tpu.memory_space<hbm>>) target_semaphore(%run_scoped3A : memref<!tpu.dma_semaphore, #tpu.memory_space<semaphore_mem>>)
      %dma_wait3A = arith.constant 0 : i32
      %dma_wait3A_66 = arith.constant 0 : i32
      %dma_wait3A_67 = tpu.memref_slice %arg9[%dma_wait3A, %dma_wait3A_66] : memref<128x128xf32, #tpu.memory_space<vmem>> -> memref<32x128xf32, #tpu.memory_space<vmem>>
      %dma_wait3A_68 = arith.constant 0 : i32
      %dma_wait3A_69 = tpu.memref_slice %arg5[%arg0, %add3A_53, %dma_wait3A_68] : memref<2x10752x128xf32, #tpu.memory_space<hbm>> -> memref<1x32x128xf32, #tpu.memory_space<hbm>>
      %dma_wait3A_70 = tpu.memref_squeeze %dma_wait3A_69 : memref<1x32x128xf32, #tpu.memory_space<hbm>> -> memref<32x128xf32, #tpu.memory_space<hbm>>
      %dma_wait3A_71 = arith.constant 0 : i32
      %dma_wait3A_72 = tpu.memref_slice %arg5[%arg0, %add3A_53, %dma_wait3A_71] : memref<2x10752x128xf32, #tpu.memory_space<hbm>> -> memref<1x32x128xf32, #tpu.memory_space<hbm>>
      %dma_wait3A_73 = tpu.memref_squeeze %dma_wait3A_72 : memref<1x32x128xf32, #tpu.memory_space<hbm>> -> memref<32x128xf32, #tpu.memory_space<hbm>>
      %dma_wait3A_74 = arith.constant 0 : i32
      %dma_wait3A_75 = arith.constant 0 : i32
      %dma_wait3A_76 = tpu.memref_slice %arg9[%dma_wait3A_74, %dma_wait3A_75] : memref<128x128xf32, #tpu.memory_space<vmem>> -> memref<32x128xf32, #tpu.memory_space<vmem>>
      tpu.wait_dma2 semaphore(%run_scoped3A : memref<!tpu.dma_semaphore, #tpu.memory_space<semaphore_mem>>) src(%dma_wait3A_76 : memref<32x128xf32, #tpu.memory_space<vmem>>) dst(%dma_wait3A_73 : memref<32x128xf32, #tpu.memory_space<hbm>>)
      tpu.yield
    }) : () -> ()
    return
  }
}

#map = affine_map<(d0, d1) -> (0, 0)>
#map1 = affine_map<(d0, d1) -> (0, 0, 0)>
module attributes {stable_mosaic.version = 14 : i64} {
  func.func @_sc_aggregate(%arg0: i32, %arg1: i32, %arg2: memref<10752x128xf32, #tpu.memory_space<hbm>>, %arg3: memref<32x80x128xi32, #tpu.memory_space<hbm>>, %arg4: memref<32x80x128xi32, #tpu.memory_space<hbm>>, %arg5: memref<2x10752x128xf32, #tpu.memory_space<hbm>>, %arg6: memref<10752x128xf32, #tpu.memory_space<vmem_shared>>, %arg7: memref<40x128xi32, #tpu.memory_space<vmem>>, %arg8: memref<40x128xi32, #tpu.memory_space<vmem>>, %arg9: memref<128x128xf32, #tpu.memory_space<vmem>>, %arg10: memref<128x128xf32, #tpu.memory_space<vmem>>, %arg11: memref<!tpu.dma_semaphore, #tpu.memory_space<semaphore_mem>>, %arg12: memref<!tpu.dma_semaphore, #tpu.memory_space<semaphore_mem>>) attributes {dimension_semantics = [#tpu.dimension_semantics<core_parallel>, #tpu.dimension_semantics<subcore_parallel>], iteration_bounds = array<i64: 2, 16>, scalar_prefetch = 0 : i64, scratch_operands = 7 : i64, tpu.core_type = #tpu.core_type<sc_vector_subcore>, window_params = [{transform_indices = #map}, {transform_indices = #map1}, {transform_indices = #map1}, {transform_indices = #map1}]} {
    %mul3A = arith.constant 2 : i32
    %mul3A_0 = arith.muli %arg1, %mul3A : i32
    %add3A = arith.addi %mul3A_0, %arg0 : i32
    %scan3A = arith.constant 0 : i32
    %scan3A_1 = arith.constant 0 : i32
    %scan3A_2 = arith.constant 32 : i32
    %scan3A_3 = arith.addi %scan3A_1, %scan3A_2 : i32
    %scan3A_4 = arith.constant 1 : i32
    scf.for %scan3A_54 = %scan3A_1 to %scan3A_3 step %scan3A_4  : i32 {
      %broadcast_in_dim3A = arith.constant 0.000000e+00 : f32
      %broadcast_in_dim3A_55 = vector.broadcast %broadcast_in_dim3A : f32 to vector<16xf32>
      %swap3A = arith.index_cast %scan3A_54 : i32 to index
      %swap3A_56 = arith.constant 0 : index
      %swap3A_57 = tpu.vector_load %arg9[%swap3A, %swap3A_56] {strides = array<i32>} : memref<128x128xf32, #tpu.memory_space<vmem>>, vector<1x16xf32>,
      %swap3A_58 = vector.shape_cast %swap3A_57 : vector<1x16xf32> to vector<16xf32>
      %swap3A_59 = vector.shape_cast %broadcast_in_dim3A_55 : vector<16xf32> to vector<1x16xf32>
      tpu.vector_store %arg9[%swap3A, %swap3A_56], %swap3A_59 {strides = array<i32>} : memref<128x128xf32, #tpu.memory_space<vmem>>, vector<1x16xf32>,
      %broadcast_in_dim3A_60 = arith.constant 0.000000e+00 : f32
      %broadcast_in_dim3A_61 = vector.broadcast %broadcast_in_dim3A_60 : f32 to vector<16xf32>
      %swap3A_62 = arith.index_cast %scan3A_54 : i32 to index
      %swap3A_63 = arith.constant 16 : index
      %swap3A_64 = tpu.vector_load %arg9[%swap3A_62, %swap3A_63] {strides = array<i32>} : memref<128x128xf32, #tpu.memory_space<vmem>>, vector<1x16xf32>,
      %swap3A_65 = vector.shape_cast %swap3A_64 : vector<1x16xf32> to vector<16xf32>
      %swap3A_66 = vector.shape_cast %broadcast_in_dim3A_61 : vector<16xf32> to vector<1x16xf32>
      tpu.vector_store %arg9[%swap3A_62, %swap3A_63], %swap3A_66 {strides = array<i32>} : memref<128x128xf32, #tpu.memory_space<vmem>>, vector<1x16xf32>,
      %broadcast_in_dim3A_67 = arith.constant 0.000000e+00 : f32
      %broadcast_in_dim3A_68 = vector.broadcast %broadcast_in_dim3A_67 : f32 to vector<16xf32>
      %swap3A_69 = arith.index_cast %scan3A_54 : i32 to index
      %swap3A_70 = arith.constant 32 : index
      %swap3A_71 = tpu.vector_load %arg9[%swap3A_69, %swap3A_70] {strides = array<i32>} : memref<128x128xf32, #tpu.memory_space<vmem>>, vector<1x16xf32>,
      %swap3A_72 = vector.shape_cast %swap3A_71 : vector<1x16xf32> to vector<16xf32>
      %swap3A_73 = vector.shape_cast %broadcast_in_dim3A_68 : vector<16xf32> to vector<1x16xf32>
      tpu.vector_store %arg9[%swap3A_69, %swap3A_70], %swap3A_73 {strides = array<i32>} : memref<128x128xf32, #tpu.memory_space<vmem>>, vector<1x16xf32>,
      %broadcast_in_dim3A_74 = arith.constant 0.000000e+00 : f32
      %broadcast_in_dim3A_75 = vector.broadcast %broadcast_in_dim3A_74 : f32 to vector<16xf32>
      %swap3A_76 = arith.index_cast %scan3A_54 : i32 to index
      %swap3A_77 = arith.constant 48 : index
      %swap3A_78 = tpu.vector_load %arg9[%swap3A_76, %swap3A_77] {strides = array<i32>} : memref<128x128xf32, #tpu.memory_space<vmem>>, vector<1x16xf32>,
      %swap3A_79 = vector.shape_cast %swap3A_78 : vector<1x16xf32> to vector<16xf32>
      %swap3A_80 = vector.shape_cast %broadcast_in_dim3A_75 : vector<16xf32> to vector<1x16xf32>
      tpu.vector_store %arg9[%swap3A_76, %swap3A_77], %swap3A_80 {strides = array<i32>} : memref<128x128xf32, #tpu.memory_space<vmem>>, vector<1x16xf32>,
      %broadcast_in_dim3A_81 = arith.constant 0.000000e+00 : f32
      %broadcast_in_dim3A_82 = vector.broadcast %broadcast_in_dim3A_81 : f32 to vector<16xf32>
      %swap3A_83 = arith.index_cast %scan3A_54 : i32 to index
      %swap3A_84 = arith.constant 64 : index
      %swap3A_85 = tpu.vector_load %arg9[%swap3A_83, %swap3A_84] {strides = array<i32>} : memref<128x128xf32, #tpu.memory_space<vmem>>, vector<1x16xf32>,
      %swap3A_86 = vector.shape_cast %swap3A_85 : vector<1x16xf32> to vector<16xf32>
      %swap3A_87 = vector.shape_cast %broadcast_in_dim3A_82 : vector<16xf32> to vector<1x16xf32>
      tpu.vector_store %arg9[%swap3A_83, %swap3A_84], %swap3A_87 {strides = array<i32>} : memref<128x128xf32, #tpu.memory_space<vmem>>, vector<1x16xf32>,
      %broadcast_in_dim3A_88 = arith.constant 0.000000e+00 : f32
      %broadcast_in_dim3A_89 = vector.broadcast %broadcast_in_dim3A_88 : f32 to vector<16xf32>
      %swap3A_90 = arith.index_cast %scan3A_54 : i32 to index
      %swap3A_91 = arith.constant 80 : index
      %swap3A_92 = tpu.vector_load %arg9[%swap3A_90, %swap3A_91] {strides = array<i32>} : memref<128x128xf32, #tpu.memory_space<vmem>>, vector<1x16xf32>,
      %swap3A_93 = vector.shape_cast %swap3A_92 : vector<1x16xf32> to vector<16xf32>
      %swap3A_94 = vector.shape_cast %broadcast_in_dim3A_89 : vector<16xf32> to vector<1x16xf32>
      tpu.vector_store %arg9[%swap3A_90, %swap3A_91], %swap3A_94 {strides = array<i32>} : memref<128x128xf32, #tpu.memory_space<vmem>>, vector<1x16xf32>,
      %broadcast_in_dim3A_95 = arith.constant 0.000000e+00 : f32
      %broadcast_in_dim3A_96 = vector.broadcast %broadcast_in_dim3A_95 : f32 to vector<16xf32>
      %swap3A_97 = arith.index_cast %scan3A_54 : i32 to index
      %swap3A_98 = arith.constant 96 : index
      %swap3A_99 = tpu.vector_load %arg9[%swap3A_97, %swap3A_98] {strides = array<i32>} : memref<128x128xf32, #tpu.memory_space<vmem>>, vector<1x16xf32>,
      %swap3A_100 = vector.shape_cast %swap3A_99 : vector<1x16xf32> to vector<16xf32>
      %swap3A_101 = vector.shape_cast %broadcast_in_dim3A_96 : vector<16xf32> to vector<1x16xf32>
      tpu.vector_store %arg9[%swap3A_97, %swap3A_98], %swap3A_101 {strides = array<i32>} : memref<128x128xf32, #tpu.memory_space<vmem>>, vector<1x16xf32>,
      %broadcast_in_dim3A_102 = arith.constant 0.000000e+00 : f32
      %broadcast_in_dim3A_103 = vector.broadcast %broadcast_in_dim3A_102 : f32 to vector<16xf32>
      %swap3A_104 = arith.index_cast %scan3A_54 : i32 to index
      %swap3A_105 = arith.constant 112 : index
      %swap3A_106 = tpu.vector_load %arg9[%swap3A_104, %swap3A_105] {strides = array<i32>} : memref<128x128xf32, #tpu.memory_space<vmem>>, vector<1x16xf32>,
      %swap3A_107 = vector.shape_cast %swap3A_106 : vector<1x16xf32> to vector<16xf32>
      %swap3A_108 = vector.shape_cast %broadcast_in_dim3A_103 : vector<16xf32> to vector<1x16xf32>
      tpu.vector_store %arg9[%swap3A_104, %swap3A_105], %swap3A_108 {strides = array<i32>} : memref<128x128xf32, #tpu.memory_space<vmem>>, vector<1x16xf32>,
    }
    %scan3A_5 = arith.constant 32 : i32
    %mul3A_6 = arith.constant 672 : i32
    %mul3A_7 = arith.muli %arg1, %mul3A_6 : i32
    %scan3A_8 = arith.constant 0 : i32
    %scan3A_9 = arith.constant 0 : i32
    %scan3A_10 = arith.constant 21 : i32
    %scan3A_11 = arith.addi %scan3A_9, %scan3A_10 : i32
    %scan3A_12 = arith.constant 1 : i32
    scf.for %scan3A_54 = %scan3A_9 to %scan3A_11 step %scan3A_12  : i32 {
      %mul3A_55 = arith.constant 32 : i32
      %mul3A_56 = arith.muli %scan3A_54, %mul3A_55 : i32
      %add3A_57 = arith.addi %mul3A_7, %mul3A_56 : i32
      "tpu.region"() ({
        %run_scoped3A = tpu.sem_alloc : memref<!tpu.dma_semaphore, #tpu.memory_space<semaphore_mem>>
        %dma_start3A_58 = arith.constant 0 : i32
        %dma_start3A_59 = arith.constant 0 : i32
        %dma_start3A_60 = tpu.memref_slice %arg9[%dma_start3A_58, %dma_start3A_59] : memref<128x128xf32, #tpu.memory_space<vmem>> -> memref<32x128xf32, #tpu.memory_space<vmem>>
        %dma_start3A_61 = arith.constant 0 : i32
        %dma_start3A_62 = tpu.memref_slice %arg6[%add3A_57, %dma_start3A_61] : memref<10752x128xf32, #tpu.memory_space<vmem_shared>> -> memref<32x128xf32, #tpu.memory_space<vmem_shared>>
        %dma_start3A_63 = arith.constant 0 : i32
        %dma_start3A_64 = tpu.memref_slice %arg6[%add3A_57, %dma_start3A_63] : memref<10752x128xf32, #tpu.memory_space<vmem_shared>> -> memref<32x128xf32, #tpu.memory_space<vmem_shared>>
        %dma_start3A_65 = arith.constant 0 : i32
        %dma_start3A_66 = arith.constant 0 : i32
        %dma_start3A_67 = tpu.memref_slice %arg9[%dma_start3A_65, %dma_start3A_66] : memref<128x128xf32, #tpu.memory_space<vmem>> -> memref<32x128xf32, #tpu.memory_space<vmem>>
        tpu.enqueue_dma source(%dma_start3A_67 : memref<32x128xf32, #tpu.memory_space<vmem>>) target(%dma_start3A_64 : memref<32x128xf32, #tpu.memory_space<vmem_shared>>) target_semaphore(%run_scoped3A : memref<!tpu.dma_semaphore, #tpu.memory_space<semaphore_mem>>)
        %dma_wait3A = arith.constant 0 : i32
        %dma_wait3A_68 = arith.constant 0 : i32
        %dma_wait3A_69 = tpu.memref_slice %arg9[%dma_wait3A, %dma_wait3A_68] : memref<128x128xf32, #tpu.memory_space<vmem>> -> memref<32x128xf32, #tpu.memory_space<vmem>>
        %dma_wait3A_70 = arith.constant 0 : i32
        %dma_wait3A_71 = tpu.memref_slice %arg6[%add3A_57, %dma_wait3A_70] : memref<10752x128xf32, #tpu.memory_space<vmem_shared>> -> memref<32x128xf32, #tpu.memory_space<vmem_shared>>
        %dma_wait3A_72 = arith.constant 0 : i32
        %dma_wait3A_73 = tpu.memref_slice %arg6[%add3A_57, %dma_wait3A_72] : memref<10752x128xf32, #tpu.memory_space<vmem_shared>> -> memref<32x128xf32, #tpu.memory_space<vmem_shared>>
        %dma_wait3A_74 = arith.constant 0 : i32
        %dma_wait3A_75 = arith.constant 0 : i32
        %dma_wait3A_76 = tpu.memref_slice %arg9[%dma_wait3A_74, %dma_wait3A_75] : memref<128x128xf32, #tpu.memory_space<vmem>> -> memref<32x128xf32, #tpu.memory_space<vmem>>
        tpu.wait_dma2 semaphore(%run_scoped3A : memref<!tpu.dma_semaphore, #tpu.memory_space<semaphore_mem>>) src(%dma_wait3A_76 : memref<32x128xf32, #tpu.memory_space<vmem>>) dst(%dma_wait3A_73 : memref<32x128xf32, #tpu.memory_space<vmem_shared>>)
        tpu.yield
      }) : () -> ()
    }
    %scan3A_13 = arith.constant 21 : i32
    %barrier3A = arith.constant 0 : index
    tpu.barrier barrier_id(%barrier3A)
    "tpu.region"() ({
      %run_scoped3A = tpu.sem_alloc : memref<!tpu.dma_semaphore, #tpu.memory_space<semaphore_mem>>
      %dma_start3A_54 = arith.constant 0 : i32
      %dma_start3A_55 = arith.constant 0 : i32
      %dma_start3A_56 = tpu.memref_slice %arg3[%add3A, %dma_start3A_54, %dma_start3A_55] : memref<32x80x128xi32, #tpu.memory_space<hbm>> -> memref<1x40x128xi32, #tpu.memory_space<hbm>>
      %dma_start3A_57 = tpu.memref_squeeze %dma_start3A_56 : memref<1x40x128xi32, #tpu.memory_space<hbm>> -> memref<40x128xi32, #tpu.memory_space<hbm>>
      %dma_start3A_58 = arith.constant 0 : i32
      %dma_start3A_59 = arith.constant 0 : i32
      %dma_start3A_60 = tpu.memref_slice %arg3[%add3A, %dma_start3A_58, %dma_start3A_59] : memref<32x80x128xi32, #tpu.memory_space<hbm>> -> memref<1x40x128xi32, #tpu.memory_space<hbm>>
      %dma_start3A_61 = tpu.memref_squeeze %dma_start3A_60 : memref<1x40x128xi32, #tpu.memory_space<hbm>> -> memref<40x128xi32, #tpu.memory_space<hbm>>
      tpu.enqueue_dma source(%dma_start3A_61 : memref<40x128xi32, #tpu.memory_space<hbm>>) target(%arg7 : memref<40x128xi32, #tpu.memory_space<vmem>>) target_semaphore(%run_scoped3A : memref<!tpu.dma_semaphore, #tpu.memory_space<semaphore_mem>>)
      %dma_wait3A = arith.constant 0 : i32
      %dma_wait3A_62 = arith.constant 0 : i32
      %dma_wait3A_63 = tpu.memref_slice %arg3[%add3A, %dma_wait3A, %dma_wait3A_62] : memref<32x80x128xi32, #tpu.memory_space<hbm>> -> memref<1x40x128xi32, #tpu.memory_space<hbm>>
      %dma_wait3A_64 = tpu.memref_squeeze %dma_wait3A_63 : memref<1x40x128xi32, #tpu.memory_space<hbm>> -> memref<40x128xi32, #tpu.memory_space<hbm>>
      %dma_wait3A_65 = arith.constant 0 : i32
      %dma_wait3A_66 = arith.constant 0 : i32
      %dma_wait3A_67 = tpu.memref_slice %arg3[%add3A, %dma_wait3A_65, %dma_wait3A_66] : memref<32x80x128xi32, #tpu.memory_space<hbm>> -> memref<1x40x128xi32, #tpu.memory_space<hbm>>
      %dma_wait3A_68 = tpu.memref_squeeze %dma_wait3A_67 : memref<1x40x128xi32, #tpu.memory_space<hbm>> -> memref<40x128xi32, #tpu.memory_space<hbm>>
      tpu.wait_dma2 semaphore(%run_scoped3A : memref<!tpu.dma_semaphore, #tpu.memory_space<semaphore_mem>>) src(%dma_wait3A_68 : memref<40x128xi32, #tpu.memory_space<hbm>>) dst(%arg7 : memref<40x128xi32, #tpu.memory_space<vmem>>)
      tpu.yield
    }) : () -> ()
    "tpu.region"() ({
      %run_scoped3A = tpu.sem_alloc : memref<!tpu.dma_semaphore, #tpu.memory_space<semaphore_mem>>
      %dma_start3A_54 = arith.constant 0 : i32
      %dma_start3A_55 = arith.constant 0 : i32
      %dma_start3A_56 = tpu.memref_slice %arg4[%add3A, %dma_start3A_54, %dma_start3A_55] : memref<32x80x128xi32, #tpu.memory_space<hbm>> -> memref<1x40x128xi32, #tpu.memory_space<hbm>>
      %dma_start3A_57 = tpu.memref_squeeze %dma_start3A_56 : memref<1x40x128xi32, #tpu.memory_space<hbm>> -> memref<40x128xi32, #tpu.memory_space<hbm>>
      %dma_start3A_58 = arith.constant 0 : i32
      %dma_start3A_59 = arith.constant 0 : i32
      %dma_start3A_60 = tpu.memref_slice %arg4[%add3A, %dma_start3A_58, %dma_start3A_59] : memref<32x80x128xi32, #tpu.memory_space<hbm>> -> memref<1x40x128xi32, #tpu.memory_space<hbm>>
      %dma_start3A_61 = tpu.memref_squeeze %dma_start3A_60 : memref<1x40x128xi32, #tpu.memory_space<hbm>> -> memref<40x128xi32, #tpu.memory_space<hbm>>
      tpu.enqueue_dma source(%dma_start3A_61 : memref<40x128xi32, #tpu.memory_space<hbm>>) target(%arg8 : memref<40x128xi32, #tpu.memory_space<vmem>>) target_semaphore(%run_scoped3A : memref<!tpu.dma_semaphore, #tpu.memory_space<semaphore_mem>>)
      %dma_wait3A = arith.constant 0 : i32
      %dma_wait3A_62 = arith.constant 0 : i32
      %dma_wait3A_63 = tpu.memref_slice %arg4[%add3A, %dma_wait3A, %dma_wait3A_62] : memref<32x80x128xi32, #tpu.memory_space<hbm>> -> memref<1x40x128xi32, #tpu.memory_space<hbm>>
      %dma_wait3A_64 = tpu.memref_squeeze %dma_wait3A_63 : memref<1x40x128xi32, #tpu.memory_space<hbm>> -> memref<40x128xi32, #tpu.memory_space<hbm>>
      %dma_wait3A_65 = arith.constant 0 : i32
      %dma_wait3A_66 = arith.constant 0 : i32
      %dma_wait3A_67 = tpu.memref_slice %arg4[%add3A, %dma_wait3A_65, %dma_wait3A_66] : memref<32x80x128xi32, #tpu.memory_space<hbm>> -> memref<1x40x128xi32, #tpu.memory_space<hbm>>
      %dma_wait3A_68 = tpu.memref_squeeze %dma_wait3A_67 : memref<1x40x128xi32, #tpu.memory_space<hbm>> -> memref<40x128xi32, #tpu.memory_space<hbm>>
      tpu.wait_dma2 semaphore(%run_scoped3A : memref<!tpu.dma_semaphore, #tpu.memory_space<semaphore_mem>>) src(%dma_wait3A_68 : memref<40x128xi32, #tpu.memory_space<hbm>>) dst(%arg8 : memref<40x128xi32, #tpu.memory_space<vmem>>)
      tpu.yield
    }) : () -> ()
    %dma_start3A = arith.constant 0 : i32
    %dma_start3A_14 = arith.constant 0 : i32
    %dma_start3A_15 = tpu.memref_slice %arg7[%dma_start3A, %dma_start3A_14] : memref<40x128xi32, #tpu.memory_space<vmem>> -> memref<1x128xi32, #tpu.memory_space<vmem>>
    %dma_start3A_16 = tpu.memref_squeeze %dma_start3A_15 : memref<1x128xi32, #tpu.memory_space<vmem>> -> memref<128xi32, #tpu.memory_space<vmem>>
    %dma_start3A_17 = arith.constant 0 : i32
    %dma_start3A_18 = arith.constant 0 : i32
    %dma_start3A_19 = tpu.memref_slice %arg2[%dma_start3A_17, %dma_start3A_18] : memref<10752x128xf32, #tpu.memory_space<hbm>> -> memref<10752x128xf32, #tpu.memory_space<hbm>>
    tpu.enqueue_indirect_dma source(%dma_start3A_19 : memref<10752x128xf32, #tpu.memory_space<hbm>>) target(%arg9 : memref<128x128xf32, #tpu.memory_space<vmem>>) offsets(%dma_start3A_16 : memref<128xi32, #tpu.memory_space<vmem>>) semaphore(%arg11 : memref<!tpu.dma_semaphore, #tpu.memory_space<semaphore_mem>>)
    %scan3A_20 = arith.constant 0 : i32
    %scan3A_21 = arith.constant 0 : i32
    %scan3A_22 = arith.constant 20 : i32
    %scan3A_23 = arith.addi %scan3A_21, %scan3A_22 : i32
    %scan3A_24 = arith.constant 1 : i32
    scf.for %scan3A_54 = %scan3A_21 to %scan3A_23 step %scan3A_24  : i32 {
      %mul3A_55 = arith.constant 2 : i32
      %mul3A_56 = arith.muli %scan3A_54, %mul3A_55 : i32
      %add3A_57 = arith.constant 1 : i32
      %add3A_58 = arith.addi %mul3A_56, %add3A_57 : i32
      %dma_start3A_59 = arith.constant 0 : i32
      %dma_start3A_60 = tpu.memref_slice %arg7[%add3A_58, %dma_start3A_59] : memref<40x128xi32, #tpu.memory_space<vmem>> -> memref<1x128xi32, #tpu.memory_space<vmem>>
      %dma_start3A_61 = tpu.memref_squeeze %dma_start3A_60 : memref<1x128xi32, #tpu.memory_space<vmem>> -> memref<128xi32, #tpu.memory_space<vmem>>
      %dma_start3A_62 = arith.constant 0 : i32
      %dma_start3A_63 = arith.constant 0 : i32
      %dma_start3A_64 = tpu.memref_slice %arg2[%dma_start3A_62, %dma_start3A_63] : memref<10752x128xf32, #tpu.memory_space<hbm>> -> memref<10752x128xf32, #tpu.memory_space<hbm>>
      tpu.enqueue_indirect_dma source(%dma_start3A_64 : memref<10752x128xf32, #tpu.memory_space<hbm>>) target(%arg10 : memref<128x128xf32, #tpu.memory_space<vmem>>) offsets(%dma_start3A_61 : memref<128xi32, #tpu.memory_space<vmem>>) semaphore(%arg12 : memref<!tpu.dma_semaphore, #tpu.memory_space<semaphore_mem>>)
      %dma_wait3A = arith.constant 0 : i32
      %dma_wait3A_65 = tpu.memref_slice %arg7[%mul3A_56, %dma_wait3A] : memref<40x128xi32, #tpu.memory_space<vmem>> -> memref<1x128xi32, #tpu.memory_space<vmem>>
      %dma_wait3A_66 = tpu.memref_squeeze %dma_wait3A_65 : memref<1x128xi32, #tpu.memory_space<vmem>> -> memref<128xi32, #tpu.memory_space<vmem>>
      %dma_wait3A_67 = arith.constant 0 : i32
      %dma_wait3A_68 = arith.constant 0 : i32
      %dma_wait3A_69 = tpu.memref_slice %arg2[%dma_wait3A_67, %dma_wait3A_68] : memref<10752x128xf32, #tpu.memory_space<hbm>> -> memref<10752x128xf32, #tpu.memory_space<hbm>>
      tpu.wait_indirect_dma semaphore(%arg11 : memref<!tpu.dma_semaphore, #tpu.memory_space<semaphore_mem>>) src(%dma_wait3A_69 : memref<10752x128xf32, #tpu.memory_space<hbm>>) dst(%arg9 : memref<128x128xf32, #tpu.memory_space<vmem>>)
      "tpu.region"() ({
        %run_scoped3A = tpu.sem_alloc : memref<!tpu.dma_semaphore, #tpu.memory_space<semaphore_mem>>
        %dma_start3A_82 = arith.constant 0 : i32
        %dma_start3A_83 = tpu.memref_slice %arg8[%mul3A_56, %dma_start3A_82] : memref<40x128xi32, #tpu.memory_space<vmem>> -> memref<1x128xi32, #tpu.memory_space<vmem>>
        %dma_start3A_84 = tpu.memref_squeeze %dma_start3A_83 : memref<1x128xi32, #tpu.memory_space<vmem>> -> memref<128xi32, #tpu.memory_space<vmem>>
        %dma_start3A_85 = arith.constant 0 : i32
        %dma_start3A_86 = arith.constant 0 : i32
        %dma_start3A_87 = tpu.memref_slice %arg6[%dma_start3A_85, %dma_start3A_86] : memref<10752x128xf32, #tpu.memory_space<vmem_shared>> -> memref<10752x128xf32, #tpu.memory_space<vmem_shared>>
        tpu.enqueue_indirect_dma source(%arg9 : memref<128x128xf32, #tpu.memory_space<vmem>>) target(%dma_start3A_87 : memref<10752x128xf32, #tpu.memory_space<vmem_shared>>) offsets(%dma_start3A_84 : memref<128xi32, #tpu.memory_space<vmem>>) semaphore(%run_scoped3A : memref<!tpu.dma_semaphore, #tpu.memory_space<semaphore_mem>>) {add = true}
        %dma_wait3A_88 = arith.constant 0 : i32
        %dma_wait3A_89 = tpu.memref_slice %arg8[%mul3A_56, %dma_wait3A_88] : memref<40x128xi32, #tpu.memory_space<vmem>> -> memref<1x128xi32, #tpu.memory_space<vmem>>
        %dma_wait3A_90 = tpu.memref_squeeze %dma_wait3A_89 : memref<1x128xi32, #tpu.memory_space<vmem>> -> memref<128xi32, #tpu.memory_space<vmem>>
        %dma_wait3A_91 = arith.constant 0 : i32
        %dma_wait3A_92 = arith.constant 0 : i32
        %dma_wait3A_93 = tpu.memref_slice %arg6[%dma_wait3A_91, %dma_wait3A_92] : memref<10752x128xf32, #tpu.memory_space<vmem_shared>> -> memref<10752x128xf32, #tpu.memory_space<vmem_shared>>
        tpu.wait_indirect_dma semaphore(%run_scoped3A : memref<!tpu.dma_semaphore, #tpu.memory_space<semaphore_mem>>) src(%arg9 : memref<128x128xf32, #tpu.memory_space<vmem>>) dst(%dma_wait3A_93 : memref<10752x128xf32, #tpu.memory_space<vmem_shared>>)
        tpu.yield
      }) : () -> ()
      %lt3A = arith.constant 19 : i32
      %lt3A_70 = arith.cmpi slt, %scan3A_54, %lt3A : i32
      %convert_element_type3A = arith.extui %lt3A_70 : i1 to i32
      %cond3A = arith.constant 0 : i32
      %cond3A_71 = arith.cmpi ne, %convert_element_type3A, %cond3A : i32
      scf.if %cond3A_71 {
        %add3A_82 = arith.constant 2 : i32
        %add3A_83 = arith.addi %mul3A_56, %add3A_82 : i32
        %dma_start3A_84 = arith.constant 0 : i32
        %dma_start3A_85 = tpu.memref_slice %arg7[%add3A_83, %dma_start3A_84] : memref<40x128xi32, #tpu.memory_space<vmem>> -> memref<1x128xi32, #tpu.memory_space<vmem>>
        %dma_start3A_86 = tpu.memref_squeeze %dma_start3A_85 : memref<1x128xi32, #tpu.memory_space<vmem>> -> memref<128xi32, #tpu.memory_space<vmem>>
        %dma_start3A_87 = arith.constant 0 : i32
        %dma_start3A_88 = arith.constant 0 : i32
        %dma_start3A_89 = tpu.memref_slice %arg2[%dma_start3A_87, %dma_start3A_88] : memref<10752x128xf32, #tpu.memory_space<hbm>> -> memref<10752x128xf32, #tpu.memory_space<hbm>>
        tpu.enqueue_indirect_dma source(%dma_start3A_89 : memref<10752x128xf32, #tpu.memory_space<hbm>>) target(%arg9 : memref<128x128xf32, #tpu.memory_space<vmem>>) offsets(%dma_start3A_86 : memref<128xi32, #tpu.memory_space<vmem>>) semaphore(%arg11 : memref<!tpu.dma_semaphore, #tpu.memory_space<semaphore_mem>>)
      } else {
      }
      %add3A_72 = arith.constant 1 : i32
      %add3A_73 = arith.addi %mul3A_56, %add3A_72 : i32
      %dma_wait3A_74 = arith.constant 0 : i32
      %dma_wait3A_75 = tpu.memref_slice %arg7[%add3A_73, %dma_wait3A_74] : memref<40x128xi32, #tpu.memory_space<vmem>> -> memref<1x128xi32, #tpu.memory_space<vmem>>
      %dma_wait3A_76 = tpu.memref_squeeze %dma_wait3A_75 : memref<1x128xi32, #tpu.memory_space<vmem>> -> memref<128xi32, #tpu.memory_space<vmem>>
      %dma_wait3A_77 = arith.constant 0 : i32
      %dma_wait3A_78 = arith.constant 0 : i32
      %dma_wait3A_79 = tpu.memref_slice %arg2[%dma_wait3A_77, %dma_wait3A_78] : memref<10752x128xf32, #tpu.memory_space<hbm>> -> memref<10752x128xf32, #tpu.memory_space<hbm>>
      tpu.wait_indirect_dma semaphore(%arg12 : memref<!tpu.dma_semaphore, #tpu.memory_space<semaphore_mem>>) src(%dma_wait3A_79 : memref<10752x128xf32, #tpu.memory_space<hbm>>) dst(%arg10 : memref<128x128xf32, #tpu.memory_space<vmem>>)
      %add3A_80 = arith.constant 1 : i32
      %add3A_81 = arith.addi %mul3A_56, %add3A_80 : i32
      "tpu.region"() ({
        %run_scoped3A = tpu.sem_alloc : memref<!tpu.dma_semaphore, #tpu.memory_space<semaphore_mem>>
        %dma_start3A_82 = arith.constant 0 : i32
        %dma_start3A_83 = tpu.memref_slice %arg8[%add3A_81, %dma_start3A_82] : memref<40x128xi32, #tpu.memory_space<vmem>> -> memref<1x128xi32, #tpu.memory_space<vmem>>
        %dma_start3A_84 = tpu.memref_squeeze %dma_start3A_83 : memref<1x128xi32, #tpu.memory_space<vmem>> -> memref<128xi32, #tpu.memory_space<vmem>>
        %dma_start3A_85 = arith.constant 0 : i32
        %dma_start3A_86 = arith.constant 0 : i32
        %dma_start3A_87 = tpu.memref_slice %arg6[%dma_start3A_85, %dma_start3A_86] : memref<10752x128xf32, #tpu.memory_space<vmem_shared>> -> memref<10752x128xf32, #tpu.memory_space<vmem_shared>>
        tpu.enqueue_indirect_dma source(%arg10 : memref<128x128xf32, #tpu.memory_space<vmem>>) target(%dma_start3A_87 : memref<10752x128xf32, #tpu.memory_space<vmem_shared>>) offsets(%dma_start3A_84 : memref<128xi32, #tpu.memory_space<vmem>>) semaphore(%run_scoped3A : memref<!tpu.dma_semaphore, #tpu.memory_space<semaphore_mem>>) {add = true}
        %dma_wait3A_88 = arith.constant 0 : i32
        %dma_wait3A_89 = tpu.memref_slice %arg8[%add3A_81, %dma_wait3A_88] : memref<40x128xi32, #tpu.memory_space<vmem>> -> memref<1x128xi32, #tpu.memory_space<vmem>>
        %dma_wait3A_90 = tpu.memref_squeeze %dma_wait3A_89 : memref<1x128xi32, #tpu.memory_space<vmem>> -> memref<128xi32, #tpu.memory_space<vmem>>
        %dma_wait3A_91 = arith.constant 0 : i32
        %dma_wait3A_92 = arith.constant 0 : i32
        %dma_wait3A_93 = tpu.memref_slice %arg6[%dma_wait3A_91, %dma_wait3A_92] : memref<10752x128xf32, #tpu.memory_space<vmem_shared>> -> memref<10752x128xf32, #tpu.memory_space<vmem_shared>>
        tpu.wait_indirect_dma semaphore(%run_scoped3A : memref<!tpu.dma_semaphore, #tpu.memory_space<semaphore_mem>>) src(%arg10 : memref<128x128xf32, #tpu.memory_space<vmem>>) dst(%dma_wait3A_93 : memref<10752x128xf32, #tpu.memory_space<vmem_shared>>)
        tpu.yield
      }) : () -> ()
    }
    %scan3A_25 = arith.constant 20 : i32
    "tpu.region"() ({
      %run_scoped3A = tpu.sem_alloc : memref<!tpu.dma_semaphore, #tpu.memory_space<semaphore_mem>>
      %dma_start3A_54 = arith.constant 40 : i32
      %dma_start3A_55 = arith.constant 0 : i32
      %dma_start3A_56 = tpu.memref_slice %arg3[%add3A, %dma_start3A_54, %dma_start3A_55] : memref<32x80x128xi32, #tpu.memory_space<hbm>> -> memref<1x40x128xi32, #tpu.memory_space<hbm>>
      %dma_start3A_57 = tpu.memref_squeeze %dma_start3A_56 : memref<1x40x128xi32, #tpu.memory_space<hbm>> -> memref<40x128xi32, #tpu.memory_space<hbm>>
      %dma_start3A_58 = arith.constant 40 : i32
      %dma_start3A_59 = arith.constant 0 : i32
      %dma_start3A_60 = tpu.memref_slice %arg3[%add3A, %dma_start3A_58, %dma_start3A_59] : memref<32x80x128xi32, #tpu.memory_space<hbm>> -> memref<1x40x128xi32, #tpu.memory_space<hbm>>
      %dma_start3A_61 = tpu.memref_squeeze %dma_start3A_60 : memref<1x40x128xi32, #tpu.memory_space<hbm>> -> memref<40x128xi32, #tpu.memory_space<hbm>>
      tpu.enqueue_dma source(%dma_start3A_61 : memref<40x128xi32, #tpu.memory_space<hbm>>) target(%arg7 : memref<40x128xi32, #tpu.memory_space<vmem>>) target_semaphore(%run_scoped3A : memref<!tpu.dma_semaphore, #tpu.memory_space<semaphore_mem>>)
      %dma_wait3A = arith.constant 40 : i32
      %dma_wait3A_62 = arith.constant 0 : i32
      %dma_wait3A_63 = tpu.memref_slice %arg3[%add3A, %dma_wait3A, %dma_wait3A_62] : memref<32x80x128xi32, #tpu.memory_space<hbm>> -> memref<1x40x128xi32, #tpu.memory_space<hbm>>
      %dma_wait3A_64 = tpu.memref_squeeze %dma_wait3A_63 : memref<1x40x128xi32, #tpu.memory_space<hbm>> -> memref<40x128xi32, #tpu.memory_space<hbm>>
      %dma_wait3A_65 = arith.constant 40 : i32
      %dma_wait3A_66 = arith.constant 0 : i32
      %dma_wait3A_67 = tpu.memref_slice %arg3[%add3A, %dma_wait3A_65, %dma_wait3A_66] : memref<32x80x128xi32, #tpu.memory_space<hbm>> -> memref<1x40x128xi32, #tpu.memory_space<hbm>>
      %dma_wait3A_68 = tpu.memref_squeeze %dma_wait3A_67 : memref<1x40x128xi32, #tpu.memory_space<hbm>> -> memref<40x128xi32, #tpu.memory_space<hbm>>
      tpu.wait_dma2 semaphore(%run_scoped3A : memref<!tpu.dma_semaphore, #tpu.memory_space<semaphore_mem>>) src(%dma_wait3A_68 : memref<40x128xi32, #tpu.memory_space<hbm>>) dst(%arg7 : memref<40x128xi32, #tpu.memory_space<vmem>>)
      tpu.yield
    }) : () -> ()
    "tpu.region"() ({
      %run_scoped3A = tpu.sem_alloc : memref<!tpu.dma_semaphore, #tpu.memory_space<semaphore_mem>>
      %dma_start3A_54 = arith.constant 40 : i32
      %dma_start3A_55 = arith.constant 0 : i32
      %dma_start3A_56 = tpu.memref_slice %arg4[%add3A, %dma_start3A_54, %dma_start3A_55] : memref<32x80x128xi32, #tpu.memory_space<hbm>> -> memref<1x40x128xi32, #tpu.memory_space<hbm>>
      %dma_start3A_57 = tpu.memref_squeeze %dma_start3A_56 : memref<1x40x128xi32, #tpu.memory_space<hbm>> -> memref<40x128xi32, #tpu.memory_space<hbm>>
      %dma_start3A_58 = arith.constant 40 : i32
      %dma_start3A_59 = arith.constant 0 : i32
      %dma_start3A_60 = tpu.memref_slice %arg4[%add3A, %dma_start3A_58, %dma_start3A_59] : memref<32x80x128xi32, #tpu.memory_space<hbm>> -> memref<1x40x128xi32, #tpu.memory_space<hbm>>
      %dma_start3A_61 = tpu.memref_squeeze %dma_start3A_60 : memref<1x40x128xi32, #tpu.memory_space<hbm>> -> memref<40x128xi32, #tpu.memory_space<hbm>>
      tpu.enqueue_dma source(%dma_start3A_61 : memref<40x128xi32, #tpu.memory_space<hbm>>) target(%arg8 : memref<40x128xi32, #tpu.memory_space<vmem>>) target_semaphore(%run_scoped3A : memref<!tpu.dma_semaphore, #tpu.memory_space<semaphore_mem>>)
      %dma_wait3A = arith.constant 40 : i32
      %dma_wait3A_62 = arith.constant 0 : i32
      %dma_wait3A_63 = tpu.memref_slice %arg4[%add3A, %dma_wait3A, %dma_wait3A_62] : memref<32x80x128xi32, #tpu.memory_space<hbm>> -> memref<1x40x128xi32, #tpu.memory_space<hbm>>
      %dma_wait3A_64 = tpu.memref_squeeze %dma_wait3A_63 : memref<1x40x128xi32, #tpu.memory_space<hbm>> -> memref<40x128xi32, #tpu.memory_space<hbm>>
      %dma_wait3A_65 = arith.constant 40 : i32
      %dma_wait3A_66 = arith.constant 0 : i32
      %dma_wait3A_67 = tpu.memref_slice %arg4[%add3A, %dma_wait3A_65, %dma_wait3A_66] : memref<32x80x128xi32, #tpu.memory_space<hbm>> -> memref<1x40x128xi32, #tpu.memory_space<hbm>>
      %dma_wait3A_68 = tpu.memref_squeeze %dma_wait3A_67 : memref<1x40x128xi32, #tpu.memory_space<hbm>> -> memref<40x128xi32, #tpu.memory_space<hbm>>
      tpu.wait_dma2 semaphore(%run_scoped3A : memref<!tpu.dma_semaphore, #tpu.memory_space<semaphore_mem>>) src(%dma_wait3A_68 : memref<40x128xi32, #tpu.memory_space<hbm>>) dst(%arg8 : memref<40x128xi32, #tpu.memory_space<vmem>>)
      tpu.yield
    }) : () -> ()
    %dma_start3A_26 = arith.constant 0 : i32
    %dma_start3A_27 = arith.constant 0 : i32
    %dma_start3A_28 = tpu.memref_slice %arg7[%dma_start3A_26, %dma_start3A_27] : memref<40x128xi32, #tpu.memory_space<vmem>> -> memref<1x128xi32, #tpu.memory_space<vmem>>
    %dma_start3A_29 = tpu.memref_squeeze %dma_start3A_28 : memref<1x128xi32, #tpu.memory_space<vmem>> -> memref<128xi32, #tpu.memory_space<vmem>>
    %dma_start3A_30 = arith.constant 0 : i32
    %dma_start3A_31 = arith.constant 0 : i32
    %dma_start3A_32 = tpu.memref_slice %arg2[%dma_start3A_30, %dma_start3A_31] : memref<10752x128xf32, #tpu.memory_space<hbm>> -> memref<10752x128xf32, #tpu.memory_space<hbm>>
    tpu.enqueue_indirect_dma source(%dma_start3A_32 : memref<10752x128xf32, #tpu.memory_space<hbm>>) target(%arg9 : memref<128x128xf32, #tpu.memory_space<vmem>>) offsets(%dma_start3A_29 : memref<128xi32, #tpu.memory_space<vmem>>) semaphore(%arg11 : memref<!tpu.dma_semaphore, #tpu.memory_space<semaphore_mem>>)
    %scan3A_33 = arith.constant 0 : i32
    %scan3A_34 = arith.constant 0 : i32
    %scan3A_35 = arith.constant 20 : i32
    %scan3A_36 = arith.addi %scan3A_34, %scan3A_35 : i32
    %scan3A_37 = arith.constant 1 : i32
    scf.for %scan3A_54 = %scan3A_34 to %scan3A_36 step %scan3A_37  : i32 {
      %mul3A_55 = arith.constant 2 : i32
      %mul3A_56 = arith.muli %scan3A_54, %mul3A_55 : i32
      %add3A_57 = arith.constant 1 : i32
      %add3A_58 = arith.addi %mul3A_56, %add3A_57 : i32
      %dma_start3A_59 = arith.constant 0 : i32
      %dma_start3A_60 = tpu.memref_slice %arg7[%add3A_58, %dma_start3A_59] : memref<40x128xi32, #tpu.memory_space<vmem>> -> memref<1x128xi32, #tpu.memory_space<vmem>>
      %dma_start3A_61 = tpu.memref_squeeze %dma_start3A_60 : memref<1x128xi32, #tpu.memory_space<vmem>> -> memref<128xi32, #tpu.memory_space<vmem>>
      %dma_start3A_62 = arith.constant 0 : i32
      %dma_start3A_63 = arith.constant 0 : i32
      %dma_start3A_64 = tpu.memref_slice %arg2[%dma_start3A_62, %dma_start3A_63] : memref<10752x128xf32, #tpu.memory_space<hbm>> -> memref<10752x128xf32, #tpu.memory_space<hbm>>
      tpu.enqueue_indirect_dma source(%dma_start3A_64 : memref<10752x128xf32, #tpu.memory_space<hbm>>) target(%arg10 : memref<128x128xf32, #tpu.memory_space<vmem>>) offsets(%dma_start3A_61 : memref<128xi32, #tpu.memory_space<vmem>>) semaphore(%arg12 : memref<!tpu.dma_semaphore, #tpu.memory_space<semaphore_mem>>)
      %dma_wait3A = arith.constant 0 : i32
      %dma_wait3A_65 = tpu.memref_slice %arg7[%mul3A_56, %dma_wait3A] : memref<40x128xi32, #tpu.memory_space<vmem>> -> memref<1x128xi32, #tpu.memory_space<vmem>>
      %dma_wait3A_66 = tpu.memref_squeeze %dma_wait3A_65 : memref<1x128xi32, #tpu.memory_space<vmem>> -> memref<128xi32, #tpu.memory_space<vmem>>
      %dma_wait3A_67 = arith.constant 0 : i32
      %dma_wait3A_68 = arith.constant 0 : i32
      %dma_wait3A_69 = tpu.memref_slice %arg2[%dma_wait3A_67, %dma_wait3A_68] : memref<10752x128xf32, #tpu.memory_space<hbm>> -> memref<10752x128xf32, #tpu.memory_space<hbm>>
      tpu.wait_indirect_dma semaphore(%arg11 : memref<!tpu.dma_semaphore, #tpu.memory_space<semaphore_mem>>) src(%dma_wait3A_69 : memref<10752x128xf32, #tpu.memory_space<hbm>>) dst(%arg9 : memref<128x128xf32, #tpu.memory_space<vmem>>)
      "tpu.region"() ({
        %run_scoped3A = tpu.sem_alloc : memref<!tpu.dma_semaphore, #tpu.memory_space<semaphore_mem>>
        %dma_start3A_82 = arith.constant 0 : i32
        %dma_start3A_83 = tpu.memref_slice %arg8[%mul3A_56, %dma_start3A_82] : memref<40x128xi32, #tpu.memory_space<vmem>> -> memref<1x128xi32, #tpu.memory_space<vmem>>
        %dma_start3A_84 = tpu.memref_squeeze %dma_start3A_83 : memref<1x128xi32, #tpu.memory_space<vmem>> -> memref<128xi32, #tpu.memory_space<vmem>>
        %dma_start3A_85 = arith.constant 0 : i32
        %dma_start3A_86 = arith.constant 0 : i32
        %dma_start3A_87 = tpu.memref_slice %arg6[%dma_start3A_85, %dma_start3A_86] : memref<10752x128xf32, #tpu.memory_space<vmem_shared>> -> memref<10752x128xf32, #tpu.memory_space<vmem_shared>>
        tpu.enqueue_indirect_dma source(%arg9 : memref<128x128xf32, #tpu.memory_space<vmem>>) target(%dma_start3A_87 : memref<10752x128xf32, #tpu.memory_space<vmem_shared>>) offsets(%dma_start3A_84 : memref<128xi32, #tpu.memory_space<vmem>>) semaphore(%run_scoped3A : memref<!tpu.dma_semaphore, #tpu.memory_space<semaphore_mem>>) {add = true}
        %dma_wait3A_88 = arith.constant 0 : i32
        %dma_wait3A_89 = tpu.memref_slice %arg8[%mul3A_56, %dma_wait3A_88] : memref<40x128xi32, #tpu.memory_space<vmem>> -> memref<1x128xi32, #tpu.memory_space<vmem>>
        %dma_wait3A_90 = tpu.memref_squeeze %dma_wait3A_89 : memref<1x128xi32, #tpu.memory_space<vmem>> -> memref<128xi32, #tpu.memory_space<vmem>>
        %dma_wait3A_91 = arith.constant 0 : i32
        %dma_wait3A_92 = arith.constant 0 : i32
        %dma_wait3A_93 = tpu.memref_slice %arg6[%dma_wait3A_91, %dma_wait3A_92] : memref<10752x128xf32, #tpu.memory_space<vmem_shared>> -> memref<10752x128xf32, #tpu.memory_space<vmem_shared>>
        tpu.wait_indirect_dma semaphore(%run_scoped3A : memref<!tpu.dma_semaphore, #tpu.memory_space<semaphore_mem>>) src(%arg9 : memref<128x128xf32, #tpu.memory_space<vmem>>) dst(%dma_wait3A_93 : memref<10752x128xf32, #tpu.memory_space<vmem_shared>>)
        tpu.yield
      }) : () -> ()
      %lt3A = arith.constant 19 : i32
      %lt3A_70 = arith.cmpi slt, %scan3A_54, %lt3A : i32
      %convert_element_type3A = arith.extui %lt3A_70 : i1 to i32
      %cond3A = arith.constant 0 : i32
      %cond3A_71 = arith.cmpi ne, %convert_element_type3A, %cond3A : i32
      scf.if %cond3A_71 {
        %add3A_82 = arith.constant 2 : i32
        %add3A_83 = arith.addi %mul3A_56, %add3A_82 : i32
        %dma_start3A_84 = arith.constant 0 : i32
        %dma_start3A_85 = tpu.memref_slice %arg7[%add3A_83, %dma_start3A_84] : memref<40x128xi32, #tpu.memory_space<vmem>> -> memref<1x128xi32, #tpu.memory_space<vmem>>
        %dma_start3A_86 = tpu.memref_squeeze %dma_start3A_85 : memref<1x128xi32, #tpu.memory_space<vmem>> -> memref<128xi32, #tpu.memory_space<vmem>>
        %dma_start3A_87 = arith.constant 0 : i32
        %dma_start3A_88 = arith.constant 0 : i32
        %dma_start3A_89 = tpu.memref_slice %arg2[%dma_start3A_87, %dma_start3A_88] : memref<10752x128xf32, #tpu.memory_space<hbm>> -> memref<10752x128xf32, #tpu.memory_space<hbm>>
        tpu.enqueue_indirect_dma source(%dma_start3A_89 : memref<10752x128xf32, #tpu.memory_space<hbm>>) target(%arg9 : memref<128x128xf32, #tpu.memory_space<vmem>>) offsets(%dma_start3A_86 : memref<128xi32, #tpu.memory_space<vmem>>) semaphore(%arg11 : memref<!tpu.dma_semaphore, #tpu.memory_space<semaphore_mem>>)
      } else {
      }
      %add3A_72 = arith.constant 1 : i32
      %add3A_73 = arith.addi %mul3A_56, %add3A_72 : i32
      %dma_wait3A_74 = arith.constant 0 : i32
      %dma_wait3A_75 = tpu.memref_slice %arg7[%add3A_73, %dma_wait3A_74] : memref<40x128xi32, #tpu.memory_space<vmem>> -> memref<1x128xi32, #tpu.memory_space<vmem>>
      %dma_wait3A_76 = tpu.memref_squeeze %dma_wait3A_75 : memref<1x128xi32, #tpu.memory_space<vmem>> -> memref<128xi32, #tpu.memory_space<vmem>>
      %dma_wait3A_77 = arith.constant 0 : i32
      %dma_wait3A_78 = arith.constant 0 : i32
      %dma_wait3A_79 = tpu.memref_slice %arg2[%dma_wait3A_77, %dma_wait3A_78] : memref<10752x128xf32, #tpu.memory_space<hbm>> -> memref<10752x128xf32, #tpu.memory_space<hbm>>
      tpu.wait_indirect_dma semaphore(%arg12 : memref<!tpu.dma_semaphore, #tpu.memory_space<semaphore_mem>>) src(%dma_wait3A_79 : memref<10752x128xf32, #tpu.memory_space<hbm>>) dst(%arg10 : memref<128x128xf32, #tpu.memory_space<vmem>>)
      %add3A_80 = arith.constant 1 : i32
      %add3A_81 = arith.addi %mul3A_56, %add3A_80 : i32
      "tpu.region"() ({
        %run_scoped3A = tpu.sem_alloc : memref<!tpu.dma_semaphore, #tpu.memory_space<semaphore_mem>>
        %dma_start3A_82 = arith.constant 0 : i32
        %dma_start3A_83 = tpu.memref_slice %arg8[%add3A_81, %dma_start3A_82] : memref<40x128xi32, #tpu.memory_space<vmem>> -> memref<1x128xi32, #tpu.memory_space<vmem>>
        %dma_start3A_84 = tpu.memref_squeeze %dma_start3A_83 : memref<1x128xi32, #tpu.memory_space<vmem>> -> memref<128xi32, #tpu.memory_space<vmem>>
        %dma_start3A_85 = arith.constant 0 : i32
        %dma_start3A_86 = arith.constant 0 : i32
        %dma_start3A_87 = tpu.memref_slice %arg6[%dma_start3A_85, %dma_start3A_86] : memref<10752x128xf32, #tpu.memory_space<vmem_shared>> -> memref<10752x128xf32, #tpu.memory_space<vmem_shared>>
        tpu.enqueue_indirect_dma source(%arg10 : memref<128x128xf32, #tpu.memory_space<vmem>>) target(%dma_start3A_87 : memref<10752x128xf32, #tpu.memory_space<vmem_shared>>) offsets(%dma_start3A_84 : memref<128xi32, #tpu.memory_space<vmem>>) semaphore(%run_scoped3A : memref<!tpu.dma_semaphore, #tpu.memory_space<semaphore_mem>>) {add = true}
        %dma_wait3A_88 = arith.constant 0 : i32
        %dma_wait3A_89 = tpu.memref_slice %arg8[%add3A_81, %dma_wait3A_88] : memref<40x128xi32, #tpu.memory_space<vmem>> -> memref<1x128xi32, #tpu.memory_space<vmem>>
        %dma_wait3A_90 = tpu.memref_squeeze %dma_wait3A_89 : memref<1x128xi32, #tpu.memory_space<vmem>> -> memref<128xi32, #tpu.memory_space<vmem>>
        %dma_wait3A_91 = arith.constant 0 : i32
        %dma_wait3A_92 = arith.constant 0 : i32
        %dma_wait3A_93 = tpu.memref_slice %arg6[%dma_wait3A_91, %dma_wait3A_92] : memref<10752x128xf32, #tpu.memory_space<vmem_shared>> -> memref<10752x128xf32, #tpu.memory_space<vmem_shared>>
        tpu.wait_indirect_dma semaphore(%run_scoped3A : memref<!tpu.dma_semaphore, #tpu.memory_space<semaphore_mem>>) src(%arg10 : memref<128x128xf32, #tpu.memory_space<vmem>>) dst(%dma_wait3A_93 : memref<10752x128xf32, #tpu.memory_space<vmem_shared>>)
        tpu.yield
      }) : () -> ()
    }
    %scan3A_38 = arith.constant 20 : i32
    %barrier3A_39 = arith.constant 0 : index
    tpu.barrier barrier_id(%barrier3A_39)
    %mul3A_40 = arith.constant 672 : i32
    %mul3A_41 = arith.muli %arg1, %mul3A_40 : i32
    %mul3A_42 = arith.constant 672 : i32
    %mul3A_43 = arith.muli %arg1, %mul3A_42 : i32
    %scan3A_44 = arith.constant 0 : i32
    %scan3A_45 = arith.constant 0 : i32
    %scan3A_46 = arith.constant 5 : i32
    %scan3A_47 = arith.addi %scan3A_45, %scan3A_46 : i32
    %scan3A_48 = arith.constant 1 : i32
    scf.for %scan3A_54 = %scan3A_45 to %scan3A_47 step %scan3A_48  : i32 {
      %mul3A_55 = arith.constant 128 : i32
      %mul3A_56 = arith.muli %scan3A_54, %mul3A_55 : i32
      %add3A_57 = arith.addi %mul3A_41, %mul3A_56 : i32
      "tpu.region"() ({
        %run_scoped3A = tpu.sem_alloc : memref<!tpu.dma_semaphore, #tpu.memory_space<semaphore_mem>>
        %dma_start3A_61 = arith.constant 0 : i32
        %dma_start3A_62 = tpu.memref_slice %arg6[%add3A_57, %dma_start3A_61] : memref<10752x128xf32, #tpu.memory_space<vmem_shared>> -> memref<128x128xf32, #tpu.memory_space<vmem_shared>>
        %dma_start3A_63 = arith.constant 0 : i32
        %dma_start3A_64 = tpu.memref_slice %arg6[%add3A_57, %dma_start3A_63] : memref<10752x128xf32, #tpu.memory_space<vmem_shared>> -> memref<128x128xf32, #tpu.memory_space<vmem_shared>>
        tpu.enqueue_dma source(%dma_start3A_64 : memref<128x128xf32, #tpu.memory_space<vmem_shared>>) target(%arg9 : memref<128x128xf32, #tpu.memory_space<vmem>>) target_semaphore(%run_scoped3A : memref<!tpu.dma_semaphore, #tpu.memory_space<semaphore_mem>>)
        %dma_wait3A = arith.constant 0 : i32
        %dma_wait3A_65 = tpu.memref_slice %arg6[%add3A_57, %dma_wait3A] : memref<10752x128xf32, #tpu.memory_space<vmem_shared>> -> memref<128x128xf32, #tpu.memory_space<vmem_shared>>
        %dma_wait3A_66 = arith.constant 0 : i32
        %dma_wait3A_67 = tpu.memref_slice %arg6[%add3A_57, %dma_wait3A_66] : memref<10752x128xf32, #tpu.memory_space<vmem_shared>> -> memref<128x128xf32, #tpu.memory_space<vmem_shared>>
        tpu.wait_dma2 semaphore(%run_scoped3A : memref<!tpu.dma_semaphore, #tpu.memory_space<semaphore_mem>>) src(%dma_wait3A_67 : memref<128x128xf32, #tpu.memory_space<vmem_shared>>) dst(%arg9 : memref<128x128xf32, #tpu.memory_space<vmem>>)
        tpu.yield
      }) : () -> ()
      %mul3A_58 = arith.constant 128 : i32
      %mul3A_59 = arith.muli %scan3A_54, %mul3A_58 : i32
      %add3A_60 = arith.addi %mul3A_43, %mul3A_59 : i32
      "tpu.region"() ({
        %run_scoped3A = tpu.sem_alloc : memref<!tpu.dma_semaphore, #tpu.memory_space<semaphore_mem>>
        %dma_start3A_61 = arith.constant 0 : i32
        %dma_start3A_62 = tpu.memref_slice %arg5[%arg0, %add3A_60, %dma_start3A_61] : memref<2x10752x128xf32, #tpu.memory_space<hbm>> -> memref<1x128x128xf32, #tpu.memory_space<hbm>>
        %dma_start3A_63 = tpu.memref_squeeze %dma_start3A_62 : memref<1x128x128xf32, #tpu.memory_space<hbm>> -> memref<128x128xf32, #tpu.memory_space<hbm>>
        %dma_start3A_64 = arith.constant 0 : i32
        %dma_start3A_65 = tpu.memref_slice %arg5[%arg0, %add3A_60, %dma_start3A_64] : memref<2x10752x128xf32, #tpu.memory_space<hbm>> -> memref<1x128x128xf32, #tpu.memory_space<hbm>>
        %dma_start3A_66 = tpu.memref_squeeze %dma_start3A_65 : memref<1x128x128xf32, #tpu.memory_space<hbm>> -> memref<128x128xf32, #tpu.memory_space<hbm>>
        tpu.enqueue_dma source(%arg9 : memref<128x128xf32, #tpu.memory_space<vmem>>) target(%dma_start3A_66 : memref<128x128xf32, #tpu.memory_space<hbm>>) target_semaphore(%run_scoped3A : memref<!tpu.dma_semaphore, #tpu.memory_space<semaphore_mem>>)
        %dma_wait3A = arith.constant 0 : i32
        %dma_wait3A_67 = tpu.memref_slice %arg5[%arg0, %add3A_60, %dma_wait3A] : memref<2x10752x128xf32, #tpu.memory_space<hbm>> -> memref<1x128x128xf32, #tpu.memory_space<hbm>>
        %dma_wait3A_68 = tpu.memref_squeeze %dma_wait3A_67 : memref<1x128x128xf32, #tpu.memory_space<hbm>> -> memref<128x128xf32, #tpu.memory_space<hbm>>
        %dma_wait3A_69 = arith.constant 0 : i32
        %dma_wait3A_70 = tpu.memref_slice %arg5[%arg0, %add3A_60, %dma_wait3A_69] : memref<2x10752x128xf32, #tpu.memory_space<hbm>> -> memref<1x128x128xf32, #tpu.memory_space<hbm>>
        %dma_wait3A_71 = tpu.memref_squeeze %dma_wait3A_70 : memref<1x128x128xf32, #tpu.memory_space<hbm>> -> memref<128x128xf32, #tpu.memory_space<hbm>>
        tpu.wait_dma2 semaphore(%run_scoped3A : memref<!tpu.dma_semaphore, #tpu.memory_space<semaphore_mem>>) src(%arg9 : memref<128x128xf32, #tpu.memory_space<vmem>>) dst(%dma_wait3A_71 : memref<128x128xf32, #tpu.memory_space<hbm>>)
        tpu.yield
      }) : () -> ()
    }
    %scan3A_49 = arith.constant 5 : i32
    %add3A_50 = arith.constant 640 : i32
    %add3A_51 = arith.addi %mul3A_41, %add3A_50 : i32
    "tpu.region"() ({
      %run_scoped3A = tpu.sem_alloc : memref<!tpu.dma_semaphore, #tpu.memory_space<semaphore_mem>>
      %dma_start3A_54 = arith.constant 0 : i32
      %dma_start3A_55 = arith.constant 0 : i32
      %dma_start3A_56 = tpu.memref_slice %arg9[%dma_start3A_54, %dma_start3A_55] : memref<128x128xf32, #tpu.memory_space<vmem>> -> memref<32x128xf32, #tpu.memory_space<vmem>>
      %dma_start3A_57 = arith.constant 0 : i32
      %dma_start3A_58 = tpu.memref_slice %arg6[%add3A_51, %dma_start3A_57] : memref<10752x128xf32, #tpu.memory_space<vmem_shared>> -> memref<32x128xf32, #tpu.memory_space<vmem_shared>>
      %dma_start3A_59 = arith.constant 0 : i32
      %dma_start3A_60 = arith.constant 0 : i32
      %dma_start3A_61 = tpu.memref_slice %arg9[%dma_start3A_59, %dma_start3A_60] : memref<128x128xf32, #tpu.memory_space<vmem>> -> memref<32x128xf32, #tpu.memory_space<vmem>>
      %dma_start3A_62 = arith.constant 0 : i32
      %dma_start3A_63 = tpu.memref_slice %arg6[%add3A_51, %dma_start3A_62] : memref<10752x128xf32, #tpu.memory_space<vmem_shared>> -> memref<32x128xf32, #tpu.memory_space<vmem_shared>>
      tpu.enqueue_dma source(%dma_start3A_63 : memref<32x128xf32, #tpu.memory_space<vmem_shared>>) target(%dma_start3A_61 : memref<32x128xf32, #tpu.memory_space<vmem>>) target_semaphore(%run_scoped3A : memref<!tpu.dma_semaphore, #tpu.memory_space<semaphore_mem>>)
      %dma_wait3A = arith.constant 0 : i32
      %dma_wait3A_64 = arith.constant 0 : i32
      %dma_wait3A_65 = tpu.memref_slice %arg9[%dma_wait3A, %dma_wait3A_64] : memref<128x128xf32, #tpu.memory_space<vmem>> -> memref<32x128xf32, #tpu.memory_space<vmem>>
      %dma_wait3A_66 = arith.constant 0 : i32
      %dma_wait3A_67 = tpu.memref_slice %arg6[%add3A_51, %dma_wait3A_66] : memref<10752x128xf32, #tpu.memory_space<vmem_shared>> -> memref<32x128xf32, #tpu.memory_space<vmem_shared>>
      %dma_wait3A_68 = arith.constant 0 : i32
      %dma_wait3A_69 = arith.constant 0 : i32
      %dma_wait3A_70 = tpu.memref_slice %arg9[%dma_wait3A_68, %dma_wait3A_69] : memref<128x128xf32, #tpu.memory_space<vmem>> -> memref<32x128xf32, #tpu.memory_space<vmem>>
      %dma_wait3A_71 = arith.constant 0 : i32
      %dma_wait3A_72 = tpu.memref_slice %arg6[%add3A_51, %dma_wait3A_71] : memref<10752x128xf32, #tpu.memory_space<vmem_shared>> -> memref<32x128xf32, #tpu.memory_space<vmem_shared>>
      tpu.wait_dma2 semaphore(%run_scoped3A : memref<!tpu.dma_semaphore, #tpu.memory_space<semaphore_mem>>) src(%dma_wait3A_72 : memref<32x128xf32, #tpu.memory_space<vmem_shared>>) dst(%dma_wait3A_70 : memref<32x128xf32, #tpu.memory_space<vmem>>)
      tpu.yield
    }) : () -> ()
    %add3A_52 = arith.constant 640 : i32
    %add3A_53 = arith.addi %mul3A_43, %add3A_52 : i32
    "tpu.region"() ({
      %run_scoped3A = tpu.sem_alloc : memref<!tpu.dma_semaphore, #tpu.memory_space<semaphore_mem>>
      %dma_start3A_54 = arith.constant 0 : i32
      %dma_start3A_55 = arith.constant 0 : i32
      %dma_start3A_56 = tpu.memref_slice %arg9[%dma_start3A_54, %dma_start3A_55] : memref<128x128xf32, #tpu.memory_space<vmem>> -> memref<32x128xf32, #tpu.memory_space<vmem>>
      %dma_start3A_57 = arith.constant 0 : i32
      %dma_start3A_58 = tpu.memref_slice %arg5[%arg0, %add3A_53, %dma_start3A_57] : memref<2x10752x128xf32, #tpu.memory_space<hbm>> -> memref<1x32x128xf32, #tpu.memory_space<hbm>>
      %dma_start3A_59 = tpu.memref_squeeze %dma_start3A_58 : memref<1x32x128xf32, #tpu.memory_space<hbm>> -> memref<32x128xf32, #tpu.memory_space<hbm>>
      %dma_start3A_60 = arith.constant 0 : i32
      %dma_start3A_61 = tpu.memref_slice %arg5[%arg0, %add3A_53, %dma_start3A_60] : memref<2x10752x128xf32, #tpu.memory_space<hbm>> -> memref<1x32x128xf32, #tpu.memory_space<hbm>>
      %dma_start3A_62 = tpu.memref_squeeze %dma_start3A_61 : memref<1x32x128xf32, #tpu.memory_space<hbm>> -> memref<32x128xf32, #tpu.memory_space<hbm>>
      %dma_start3A_63 = arith.constant 0 : i32
      %dma_start3A_64 = arith.constant 0 : i32
      %dma_start3A_65 = tpu.memref_slice %arg9[%dma_start3A_63, %dma_start3A_64] : memref<128x128xf32, #tpu.memory_space<vmem>> -> memref<32x128xf32, #tpu.memory_space<vmem>>
      tpu.enqueue_dma source(%dma_start3A_65 : memref<32x128xf32, #tpu.memory_space<vmem>>) target(%dma_start3A_62 : memref<32x128xf32, #tpu.memory_space<hbm>>) target_semaphore(%run_scoped3A : memref<!tpu.dma_semaphore, #tpu.memory_space<semaphore_mem>>)
      %dma_wait3A = arith.constant 0 : i32
      %dma_wait3A_66 = arith.constant 0 : i32
      %dma_wait3A_67 = tpu.memref_slice %arg9[%dma_wait3A, %dma_wait3A_66] : memref<128x128xf32, #tpu.memory_space<vmem>> -> memref<32x128xf32, #tpu.memory_space<vmem>>
      %dma_wait3A_68 = arith.constant 0 : i32
      %dma_wait3A_69 = tpu.memref_slice %arg5[%arg0, %add3A_53, %dma_wait3A_68] : memref<2x10752x128xf32, #tpu.memory_space<hbm>> -> memref<1x32x128xf32, #tpu.memory_space<hbm>>
      %dma_wait3A_70 = tpu.memref_squeeze %dma_wait3A_69 : memref<1x32x128xf32, #tpu.memory_space<hbm>> -> memref<32x128xf32, #tpu.memory_space<hbm>>
      %dma_wait3A_71 = arith.constant 0 : i32
      %dma_wait3A_72 = tpu.memref_slice %arg5[%arg0, %add3A_53, %dma_wait3A_71] : memref<2x10752x128xf32, #tpu.memory_space<hbm>> -> memref<1x32x128xf32, #tpu.memory_space<hbm>>
      %dma_wait3A_73 = tpu.memref_squeeze %dma_wait3A_72 : memref<1x32x128xf32, #tpu.memory_space<hbm>> -> memref<32x128xf32, #tpu.memory_space<hbm>>
      %dma_wait3A_74 = arith.constant 0 : i32
      %dma_wait3A_75 = arith.constant 0 : i32
      %dma_wait3A_76 = tpu.memref_slice %arg9[%dma_wait3A_74, %dma_wait3A_75] : memref<128x128xf32, #tpu.memory_space<vmem>> -> memref<32x128xf32, #tpu.memory_space<vmem>>
      tpu.wait_dma2 semaphore(%run_scoped3A : memref<!tpu.dma_semaphore, #tpu.memory_space<semaphore_mem>>) src(%dma_wait3A_76 : memref<32x128xf32, #tpu.memory_space<vmem>>) dst(%dma_wait3A_73 : memref<32x128xf32, #tpu.memory_space<hbm>>)
      tpu.yield
    }) : () -> ()
    return
  }
}

#map = affine_map<(d0, d1) -> (0, 0)>
#map1 = affine_map<(d0, d1) -> (0, 0, 0)>
module attributes {stable_mosaic.version = 14 : i64} {
  func.func @_sc_aggregate(%arg0: i32, %arg1: i32, %arg2: memref<10752x128xf32, #tpu.memory_space<hbm>>, %arg3: memref<32x80x128xi32, #tpu.memory_space<hbm>>, %arg4: memref<32x80x128xi32, #tpu.memory_space<hbm>>, %arg5: memref<2x10752x128xf32, #tpu.memory_space<hbm>>, %arg6: memref<10752x128xf32, #tpu.memory_space<vmem_shared>>, %arg7: memref<40x128xi32, #tpu.memory_space<vmem>>, %arg8: memref<40x128xi32, #tpu.memory_space<vmem>>, %arg9: memref<128x128xf32, #tpu.memory_space<vmem>>, %arg10: memref<128x128xf32, #tpu.memory_space<vmem>>, %arg11: memref<!tpu.dma_semaphore, #tpu.memory_space<semaphore_mem>>, %arg12: memref<!tpu.dma_semaphore, #tpu.memory_space<semaphore_mem>>) attributes {dimension_semantics = [#tpu.dimension_semantics<core_parallel>, #tpu.dimension_semantics<subcore_parallel>], iteration_bounds = array<i64: 2, 16>, scalar_prefetch = 0 : i64, scratch_operands = 7 : i64, tpu.core_type = #tpu.core_type<sc_vector_subcore>, window_params = [{transform_indices = #map}, {transform_indices = #map1}, {transform_indices = #map1}, {transform_indices = #map1}]} {
    %mul3A = arith.constant 2 : i32
    %mul3A_0 = arith.muli %arg1, %mul3A : i32
    %add3A = arith.addi %mul3A_0, %arg0 : i32
    %scan3A = arith.constant 0 : i32
    %scan3A_1 = arith.constant 0 : i32
    %scan3A_2 = arith.constant 32 : i32
    %scan3A_3 = arith.addi %scan3A_1, %scan3A_2 : i32
    %scan3A_4 = arith.constant 1 : i32
    scf.for %scan3A_54 = %scan3A_1 to %scan3A_3 step %scan3A_4  : i32 {
      %broadcast_in_dim3A = arith.constant 0.000000e+00 : f32
      %broadcast_in_dim3A_55 = vector.broadcast %broadcast_in_dim3A : f32 to vector<16xf32>
      %swap3A = arith.index_cast %scan3A_54 : i32 to index
      %swap3A_56 = arith.constant 0 : index
      %swap3A_57 = tpu.vector_load %arg9[%swap3A, %swap3A_56] {strides = array<i32>} : memref<128x128xf32, #tpu.memory_space<vmem>>, vector<1x16xf32>,
      %swap3A_58 = vector.shape_cast %swap3A_57 : vector<1x16xf32> to vector<16xf32>
      %swap3A_59 = vector.shape_cast %broadcast_in_dim3A_55 : vector<16xf32> to vector<1x16xf32>
      tpu.vector_store %arg9[%swap3A, %swap3A_56], %swap3A_59 {strides = array<i32>} : memref<128x128xf32, #tpu.memory_space<vmem>>, vector<1x16xf32>,
      %broadcast_in_dim3A_60 = arith.constant 0.000000e+00 : f32
      %broadcast_in_dim3A_61 = vector.broadcast %broadcast_in_dim3A_60 : f32 to vector<16xf32>
      %swap3A_62 = arith.index_cast %scan3A_54 : i32 to index
      %swap3A_63 = arith.constant 16 : index
      %swap3A_64 = tpu.vector_load %arg9[%swap3A_62, %swap3A_63] {strides = array<i32>} : memref<128x128xf32, #tpu.memory_space<vmem>>, vector<1x16xf32>,
      %swap3A_65 = vector.shape_cast %swap3A_64 : vector<1x16xf32> to vector<16xf32>
      %swap3A_66 = vector.shape_cast %broadcast_in_dim3A_61 : vector<16xf32> to vector<1x16xf32>
      tpu.vector_store %arg9[%swap3A_62, %swap3A_63], %swap3A_66 {strides = array<i32>} : memref<128x128xf32, #tpu.memory_space<vmem>>, vector<1x16xf32>,
      %broadcast_in_dim3A_67 = arith.constant 0.000000e+00 : f32
      %broadcast_in_dim3A_68 = vector.broadcast %broadcast_in_dim3A_67 : f32 to vector<16xf32>
      %swap3A_69 = arith.index_cast %scan3A_54 : i32 to index
      %swap3A_70 = arith.constant 32 : index
      %swap3A_71 = tpu.vector_load %arg9[%swap3A_69, %swap3A_70] {strides = array<i32>} : memref<128x128xf32, #tpu.memory_space<vmem>>, vector<1x16xf32>,
      %swap3A_72 = vector.shape_cast %swap3A_71 : vector<1x16xf32> to vector<16xf32>
      %swap3A_73 = vector.shape_cast %broadcast_in_dim3A_68 : vector<16xf32> to vector<1x16xf32>
      tpu.vector_store %arg9[%swap3A_69, %swap3A_70], %swap3A_73 {strides = array<i32>} : memref<128x128xf32, #tpu.memory_space<vmem>>, vector<1x16xf32>,
      %broadcast_in_dim3A_74 = arith.constant 0.000000e+00 : f32
      %broadcast_in_dim3A_75 = vector.broadcast %broadcast_in_dim3A_74 : f32 to vector<16xf32>
      %swap3A_76 = arith.index_cast %scan3A_54 : i32 to index
      %swap3A_77 = arith.constant 48 : index
      %swap3A_78 = tpu.vector_load %arg9[%swap3A_76, %swap3A_77] {strides = array<i32>} : memref<128x128xf32, #tpu.memory_space<vmem>>, vector<1x16xf32>,
      %swap3A_79 = vector.shape_cast %swap3A_78 : vector<1x16xf32> to vector<16xf32>
      %swap3A_80 = vector.shape_cast %broadcast_in_dim3A_75 : vector<16xf32> to vector<1x16xf32>
      tpu.vector_store %arg9[%swap3A_76, %swap3A_77], %swap3A_80 {strides = array<i32>} : memref<128x128xf32, #tpu.memory_space<vmem>>, vector<1x16xf32>,
      %broadcast_in_dim3A_81 = arith.constant 0.000000e+00 : f32
      %broadcast_in_dim3A_82 = vector.broadcast %broadcast_in_dim3A_81 : f32 to vector<16xf32>
      %swap3A_83 = arith.index_cast %scan3A_54 : i32 to index
      %swap3A_84 = arith.constant 64 : index
      %swap3A_85 = tpu.vector_load %arg9[%swap3A_83, %swap3A_84] {strides = array<i32>} : memref<128x128xf32, #tpu.memory_space<vmem>>, vector<1x16xf32>,
      %swap3A_86 = vector.shape_cast %swap3A_85 : vector<1x16xf32> to vector<16xf32>
      %swap3A_87 = vector.shape_cast %broadcast_in_dim3A_82 : vector<16xf32> to vector<1x16xf32>
      tpu.vector_store %arg9[%swap3A_83, %swap3A_84], %swap3A_87 {strides = array<i32>} : memref<128x128xf32, #tpu.memory_space<vmem>>, vector<1x16xf32>,
      %broadcast_in_dim3A_88 = arith.constant 0.000000e+00 : f32
      %broadcast_in_dim3A_89 = vector.broadcast %broadcast_in_dim3A_88 : f32 to vector<16xf32>
      %swap3A_90 = arith.index_cast %scan3A_54 : i32 to index
      %swap3A_91 = arith.constant 80 : index
      %swap3A_92 = tpu.vector_load %arg9[%swap3A_90, %swap3A_91] {strides = array<i32>} : memref<128x128xf32, #tpu.memory_space<vmem>>, vector<1x16xf32>,
      %swap3A_93 = vector.shape_cast %swap3A_92 : vector<1x16xf32> to vector<16xf32>
      %swap3A_94 = vector.shape_cast %broadcast_in_dim3A_89 : vector<16xf32> to vector<1x16xf32>
      tpu.vector_store %arg9[%swap3A_90, %swap3A_91], %swap3A_94 {strides = array<i32>} : memref<128x128xf32, #tpu.memory_space<vmem>>, vector<1x16xf32>,
      %broadcast_in_dim3A_95 = arith.constant 0.000000e+00 : f32
      %broadcast_in_dim3A_96 = vector.broadcast %broadcast_in_dim3A_95 : f32 to vector<16xf32>
      %swap3A_97 = arith.index_cast %scan3A_54 : i32 to index
      %swap3A_98 = arith.constant 96 : index
      %swap3A_99 = tpu.vector_load %arg9[%swap3A_97, %swap3A_98] {strides = array<i32>} : memref<128x128xf32, #tpu.memory_space<vmem>>, vector<1x16xf32>,
      %swap3A_100 = vector.shape_cast %swap3A_99 : vector<1x16xf32> to vector<16xf32>
      %swap3A_101 = vector.shape_cast %broadcast_in_dim3A_96 : vector<16xf32> to vector<1x16xf32>
      tpu.vector_store %arg9[%swap3A_97, %swap3A_98], %swap3A_101 {strides = array<i32>} : memref<128x128xf32, #tpu.memory_space<vmem>>, vector<1x16xf32>,
      %broadcast_in_dim3A_102 = arith.constant 0.000000e+00 : f32
      %broadcast_in_dim3A_103 = vector.broadcast %broadcast_in_dim3A_102 : f32 to vector<16xf32>
      %swap3A_104 = arith.index_cast %scan3A_54 : i32 to index
      %swap3A_105 = arith.constant 112 : index
      %swap3A_106 = tpu.vector_load %arg9[%swap3A_104, %swap3A_105] {strides = array<i32>} : memref<128x128xf32, #tpu.memory_space<vmem>>, vector<1x16xf32>,
      %swap3A_107 = vector.shape_cast %swap3A_106 : vector<1x16xf32> to vector<16xf32>
      %swap3A_108 = vector.shape_cast %broadcast_in_dim3A_103 : vector<16xf32> to vector<1x16xf32>
      tpu.vector_store %arg9[%swap3A_104, %swap3A_105], %swap3A_108 {strides = array<i32>} : memref<128x128xf32, #tpu.memory_space<vmem>>, vector<1x16xf32>,
    }
    %scan3A_5 = arith.constant 32 : i32
    %mul3A_6 = arith.constant 672 : i32
    %mul3A_7 = arith.muli %arg1, %mul3A_6 : i32
    %scan3A_8 = arith.constant 0 : i32
    %scan3A_9 = arith.constant 0 : i32
    %scan3A_10 = arith.constant 21 : i32
    %scan3A_11 = arith.addi %scan3A_9, %scan3A_10 : i32
    %scan3A_12 = arith.constant 1 : i32
    scf.for %scan3A_54 = %scan3A_9 to %scan3A_11 step %scan3A_12  : i32 {
      %mul3A_55 = arith.constant 32 : i32
      %mul3A_56 = arith.muli %scan3A_54, %mul3A_55 : i32
      %add3A_57 = arith.addi %mul3A_7, %mul3A_56 : i32
      "tpu.region"() ({
        %run_scoped3A = tpu.sem_alloc : memref<!tpu.dma_semaphore, #tpu.memory_space<semaphore_mem>>
        %dma_start3A_58 = arith.constant 0 : i32
        %dma_start3A_59 = arith.constant 0 : i32
        %dma_start3A_60 = tpu.memref_slice %arg9[%dma_start3A_58, %dma_start3A_59] : memref<128x128xf32, #tpu.memory_space<vmem>> -> memref<32x128xf32, #tpu.memory_space<vmem>>
        %dma_start3A_61 = arith.constant 0 : i32
        %dma_start3A_62 = tpu.memref_slice %arg6[%add3A_57, %dma_start3A_61] : memref<10752x128xf32, #tpu.memory_space<vmem_shared>> -> memref<32x128xf32, #tpu.memory_space<vmem_shared>>
        %dma_start3A_63 = arith.constant 0 : i32
        %dma_start3A_64 = tpu.memref_slice %arg6[%add3A_57, %dma_start3A_63] : memref<10752x128xf32, #tpu.memory_space<vmem_shared>> -> memref<32x128xf32, #tpu.memory_space<vmem_shared>>
        %dma_start3A_65 = arith.constant 0 : i32
        %dma_start3A_66 = arith.constant 0 : i32
        %dma_start3A_67 = tpu.memref_slice %arg9[%dma_start3A_65, %dma_start3A_66] : memref<128x128xf32, #tpu.memory_space<vmem>> -> memref<32x128xf32, #tpu.memory_space<vmem>>
        tpu.enqueue_dma source(%dma_start3A_67 : memref<32x128xf32, #tpu.memory_space<vmem>>) target(%dma_start3A_64 : memref<32x128xf32, #tpu.memory_space<vmem_shared>>) target_semaphore(%run_scoped3A : memref<!tpu.dma_semaphore, #tpu.memory_space<semaphore_mem>>)
        %dma_wait3A = arith.constant 0 : i32
        %dma_wait3A_68 = arith.constant 0 : i32
        %dma_wait3A_69 = tpu.memref_slice %arg9[%dma_wait3A, %dma_wait3A_68] : memref<128x128xf32, #tpu.memory_space<vmem>> -> memref<32x128xf32, #tpu.memory_space<vmem>>
        %dma_wait3A_70 = arith.constant 0 : i32
        %dma_wait3A_71 = tpu.memref_slice %arg6[%add3A_57, %dma_wait3A_70] : memref<10752x128xf32, #tpu.memory_space<vmem_shared>> -> memref<32x128xf32, #tpu.memory_space<vmem_shared>>
        %dma_wait3A_72 = arith.constant 0 : i32
        %dma_wait3A_73 = tpu.memref_slice %arg6[%add3A_57, %dma_wait3A_72] : memref<10752x128xf32, #tpu.memory_space<vmem_shared>> -> memref<32x128xf32, #tpu.memory_space<vmem_shared>>
        %dma_wait3A_74 = arith.constant 0 : i32
        %dma_wait3A_75 = arith.constant 0 : i32
        %dma_wait3A_76 = tpu.memref_slice %arg9[%dma_wait3A_74, %dma_wait3A_75] : memref<128x128xf32, #tpu.memory_space<vmem>> -> memref<32x128xf32, #tpu.memory_space<vmem>>
        tpu.wait_dma2 semaphore(%run_scoped3A : memref<!tpu.dma_semaphore, #tpu.memory_space<semaphore_mem>>) src(%dma_wait3A_76 : memref<32x128xf32, #tpu.memory_space<vmem>>) dst(%dma_wait3A_73 : memref<32x128xf32, #tpu.memory_space<vmem_shared>>)
        tpu.yield
      }) : () -> ()
    }
    %scan3A_13 = arith.constant 21 : i32
    %barrier3A = arith.constant 0 : index
    tpu.barrier barrier_id(%barrier3A)
    "tpu.region"() ({
      %run_scoped3A = tpu.sem_alloc : memref<!tpu.dma_semaphore, #tpu.memory_space<semaphore_mem>>
      %dma_start3A_54 = arith.constant 0 : i32
      %dma_start3A_55 = arith.constant 0 : i32
      %dma_start3A_56 = tpu.memref_slice %arg3[%add3A, %dma_start3A_54, %dma_start3A_55] : memref<32x80x128xi32, #tpu.memory_space<hbm>> -> memref<1x40x128xi32, #tpu.memory_space<hbm>>
      %dma_start3A_57 = tpu.memref_squeeze %dma_start3A_56 : memref<1x40x128xi32, #tpu.memory_space<hbm>> -> memref<40x128xi32, #tpu.memory_space<hbm>>
      %dma_start3A_58 = arith.constant 0 : i32
      %dma_start3A_59 = arith.constant 0 : i32
      %dma_start3A_60 = tpu.memref_slice %arg3[%add3A, %dma_start3A_58, %dma_start3A_59] : memref<32x80x128xi32, #tpu.memory_space<hbm>> -> memref<1x40x128xi32, #tpu.memory_space<hbm>>
      %dma_start3A_61 = tpu.memref_squeeze %dma_start3A_60 : memref<1x40x128xi32, #tpu.memory_space<hbm>> -> memref<40x128xi32, #tpu.memory_space<hbm>>
      tpu.enqueue_dma source(%dma_start3A_61 : memref<40x128xi32, #tpu.memory_space<hbm>>) target(%arg7 : memref<40x128xi32, #tpu.memory_space<vmem>>) target_semaphore(%run_scoped3A : memref<!tpu.dma_semaphore, #tpu.memory_space<semaphore_mem>>)
      %dma_wait3A = arith.constant 0 : i32
      %dma_wait3A_62 = arith.constant 0 : i32
      %dma_wait3A_63 = tpu.memref_slice %arg3[%add3A, %dma_wait3A, %dma_wait3A_62] : memref<32x80x128xi32, #tpu.memory_space<hbm>> -> memref<1x40x128xi32, #tpu.memory_space<hbm>>
      %dma_wait3A_64 = tpu.memref_squeeze %dma_wait3A_63 : memref<1x40x128xi32, #tpu.memory_space<hbm>> -> memref<40x128xi32, #tpu.memory_space<hbm>>
      %dma_wait3A_65 = arith.constant 0 : i32
      %dma_wait3A_66 = arith.constant 0 : i32
      %dma_wait3A_67 = tpu.memref_slice %arg3[%add3A, %dma_wait3A_65, %dma_wait3A_66] : memref<32x80x128xi32, #tpu.memory_space<hbm>> -> memref<1x40x128xi32, #tpu.memory_space<hbm>>
      %dma_wait3A_68 = tpu.memref_squeeze %dma_wait3A_67 : memref<1x40x128xi32, #tpu.memory_space<hbm>> -> memref<40x128xi32, #tpu.memory_space<hbm>>
      tpu.wait_dma2 semaphore(%run_scoped3A : memref<!tpu.dma_semaphore, #tpu.memory_space<semaphore_mem>>) src(%dma_wait3A_68 : memref<40x128xi32, #tpu.memory_space<hbm>>) dst(%arg7 : memref<40x128xi32, #tpu.memory_space<vmem>>)
      tpu.yield
    }) : () -> ()
    "tpu.region"() ({
      %run_scoped3A = tpu.sem_alloc : memref<!tpu.dma_semaphore, #tpu.memory_space<semaphore_mem>>
      %dma_start3A_54 = arith.constant 0 : i32
      %dma_start3A_55 = arith.constant 0 : i32
      %dma_start3A_56 = tpu.memref_slice %arg4[%add3A, %dma_start3A_54, %dma_start3A_55] : memref<32x80x128xi32, #tpu.memory_space<hbm>> -> memref<1x40x128xi32, #tpu.memory_space<hbm>>
      %dma_start3A_57 = tpu.memref_squeeze %dma_start3A_56 : memref<1x40x128xi32, #tpu.memory_space<hbm>> -> memref<40x128xi32, #tpu.memory_space<hbm>>
      %dma_start3A_58 = arith.constant 0 : i32
      %dma_start3A_59 = arith.constant 0 : i32
      %dma_start3A_60 = tpu.memref_slice %arg4[%add3A, %dma_start3A_58, %dma_start3A_59] : memref<32x80x128xi32, #tpu.memory_space<hbm>> -> memref<1x40x128xi32, #tpu.memory_space<hbm>>
      %dma_start3A_61 = tpu.memref_squeeze %dma_start3A_60 : memref<1x40x128xi32, #tpu.memory_space<hbm>> -> memref<40x128xi32, #tpu.memory_space<hbm>>
      tpu.enqueue_dma source(%dma_start3A_61 : memref<40x128xi32, #tpu.memory_space<hbm>>) target(%arg8 : memref<40x128xi32, #tpu.memory_space<vmem>>) target_semaphore(%run_scoped3A : memref<!tpu.dma_semaphore, #tpu.memory_space<semaphore_mem>>)
      %dma_wait3A = arith.constant 0 : i32
      %dma_wait3A_62 = arith.constant 0 : i32
      %dma_wait3A_63 = tpu.memref_slice %arg4[%add3A, %dma_wait3A, %dma_wait3A_62] : memref<32x80x128xi32, #tpu.memory_space<hbm>> -> memref<1x40x128xi32, #tpu.memory_space<hbm>>
      %dma_wait3A_64 = tpu.memref_squeeze %dma_wait3A_63 : memref<1x40x128xi32, #tpu.memory_space<hbm>> -> memref<40x128xi32, #tpu.memory_space<hbm>>
      %dma_wait3A_65 = arith.constant 0 : i32
      %dma_wait3A_66 = arith.constant 0 : i32
      %dma_wait3A_67 = tpu.memref_slice %arg4[%add3A, %dma_wait3A_65, %dma_wait3A_66] : memref<32x80x128xi32, #tpu.memory_space<hbm>> -> memref<1x40x128xi32, #tpu.memory_space<hbm>>
      %dma_wait3A_68 = tpu.memref_squeeze %dma_wait3A_67 : memref<1x40x128xi32, #tpu.memory_space<hbm>> -> memref<40x128xi32, #tpu.memory_space<hbm>>
      tpu.wait_dma2 semaphore(%run_scoped3A : memref<!tpu.dma_semaphore, #tpu.memory_space<semaphore_mem>>) src(%dma_wait3A_68 : memref<40x128xi32, #tpu.memory_space<hbm>>) dst(%arg8 : memref<40x128xi32, #tpu.memory_space<vmem>>)
      tpu.yield
    }) : () -> ()
    %dma_start3A = arith.constant 0 : i32
    %dma_start3A_14 = arith.constant 0 : i32
    %dma_start3A_15 = tpu.memref_slice %arg7[%dma_start3A, %dma_start3A_14] : memref<40x128xi32, #tpu.memory_space<vmem>> -> memref<1x128xi32, #tpu.memory_space<vmem>>
    %dma_start3A_16 = tpu.memref_squeeze %dma_start3A_15 : memref<1x128xi32, #tpu.memory_space<vmem>> -> memref<128xi32, #tpu.memory_space<vmem>>
    %dma_start3A_17 = arith.constant 0 : i32
    %dma_start3A_18 = arith.constant 0 : i32
    %dma_start3A_19 = tpu.memref_slice %arg2[%dma_start3A_17, %dma_start3A_18] : memref<10752x128xf32, #tpu.memory_space<hbm>> -> memref<10752x128xf32, #tpu.memory_space<hbm>>
    tpu.enqueue_indirect_dma source(%dma_start3A_19 : memref<10752x128xf32, #tpu.memory_space<hbm>>) target(%arg9 : memref<128x128xf32, #tpu.memory_space<vmem>>) offsets(%dma_start3A_16 : memref<128xi32, #tpu.memory_space<vmem>>) semaphore(%arg11 : memref<!tpu.dma_semaphore, #tpu.memory_space<semaphore_mem>>)
    %scan3A_20 = arith.constant 0 : i32
    %scan3A_21 = arith.constant 0 : i32
    %scan3A_22 = arith.constant 20 : i32
    %scan3A_23 = arith.addi %scan3A_21, %scan3A_22 : i32
    %scan3A_24 = arith.constant 1 : i32
    scf.for %scan3A_54 = %scan3A_21 to %scan3A_23 step %scan3A_24  : i32 {
      %mul3A_55 = arith.constant 2 : i32
      %mul3A_56 = arith.muli %scan3A_54, %mul3A_55 : i32
      %add3A_57 = arith.constant 1 : i32
      %add3A_58 = arith.addi %mul3A_56, %add3A_57 : i32
      %dma_start3A_59 = arith.constant 0 : i32
      %dma_start3A_60 = tpu.memref_slice %arg7[%add3A_58, %dma_start3A_59] : memref<40x128xi32, #tpu.memory_space<vmem>> -> memref<1x128xi32, #tpu.memory_space<vmem>>
      %dma_start3A_61 = tpu.memref_squeeze %dma_start3A_60 : memref<1x128xi32, #tpu.memory_space<vmem>> -> memref<128xi32, #tpu.memory_space<vmem>>
      %dma_start3A_62 = arith.constant 0 : i32
      %dma_start3A_63 = arith.constant 0 : i32
      %dma_start3A_64 = tpu.memref_slice %arg2[%dma_start3A_62, %dma_start3A_63] : memref<10752x128xf32, #tpu.memory_space<hbm>> -> memref<10752x128xf32, #tpu.memory_space<hbm>>
      tpu.enqueue_indirect_dma source(%dma_start3A_64 : memref<10752x128xf32, #tpu.memory_space<hbm>>) target(%arg10 : memref<128x128xf32, #tpu.memory_space<vmem>>) offsets(%dma_start3A_61 : memref<128xi32, #tpu.memory_space<vmem>>) semaphore(%arg12 : memref<!tpu.dma_semaphore, #tpu.memory_space<semaphore_mem>>)
      %dma_wait3A = arith.constant 0 : i32
      %dma_wait3A_65 = tpu.memref_slice %arg7[%mul3A_56, %dma_wait3A] : memref<40x128xi32, #tpu.memory_space<vmem>> -> memref<1x128xi32, #tpu.memory_space<vmem>>
      %dma_wait3A_66 = tpu.memref_squeeze %dma_wait3A_65 : memref<1x128xi32, #tpu.memory_space<vmem>> -> memref<128xi32, #tpu.memory_space<vmem>>
      %dma_wait3A_67 = arith.constant 0 : i32
      %dma_wait3A_68 = arith.constant 0 : i32
      %dma_wait3A_69 = tpu.memref_slice %arg2[%dma_wait3A_67, %dma_wait3A_68] : memref<10752x128xf32, #tpu.memory_space<hbm>> -> memref<10752x128xf32, #tpu.memory_space<hbm>>
      tpu.wait_indirect_dma semaphore(%arg11 : memref<!tpu.dma_semaphore, #tpu.memory_space<semaphore_mem>>) src(%dma_wait3A_69 : memref<10752x128xf32, #tpu.memory_space<hbm>>) dst(%arg9 : memref<128x128xf32, #tpu.memory_space<vmem>>)
      "tpu.region"() ({
        %run_scoped3A = tpu.sem_alloc : memref<!tpu.dma_semaphore, #tpu.memory_space<semaphore_mem>>
        %dma_start3A_82 = arith.constant 0 : i32
        %dma_start3A_83 = tpu.memref_slice %arg8[%mul3A_56, %dma_start3A_82] : memref<40x128xi32, #tpu.memory_space<vmem>> -> memref<1x128xi32, #tpu.memory_space<vmem>>
        %dma_start3A_84 = tpu.memref_squeeze %dma_start3A_83 : memref<1x128xi32, #tpu.memory_space<vmem>> -> memref<128xi32, #tpu.memory_space<vmem>>
        %dma_start3A_85 = arith.constant 0 : i32
        %dma_start3A_86 = arith.constant 0 : i32
        %dma_start3A_87 = tpu.memref_slice %arg6[%dma_start3A_85, %dma_start3A_86] : memref<10752x128xf32, #tpu.memory_space<vmem_shared>> -> memref<10752x128xf32, #tpu.memory_space<vmem_shared>>
        tpu.enqueue_indirect_dma source(%arg9 : memref<128x128xf32, #tpu.memory_space<vmem>>) target(%dma_start3A_87 : memref<10752x128xf32, #tpu.memory_space<vmem_shared>>) offsets(%dma_start3A_84 : memref<128xi32, #tpu.memory_space<vmem>>) semaphore(%run_scoped3A : memref<!tpu.dma_semaphore, #tpu.memory_space<semaphore_mem>>) {add = true}
        %dma_wait3A_88 = arith.constant 0 : i32
        %dma_wait3A_89 = tpu.memref_slice %arg8[%mul3A_56, %dma_wait3A_88] : memref<40x128xi32, #tpu.memory_space<vmem>> -> memref<1x128xi32, #tpu.memory_space<vmem>>
        %dma_wait3A_90 = tpu.memref_squeeze %dma_wait3A_89 : memref<1x128xi32, #tpu.memory_space<vmem>> -> memref<128xi32, #tpu.memory_space<vmem>>
        %dma_wait3A_91 = arith.constant 0 : i32
        %dma_wait3A_92 = arith.constant 0 : i32
        %dma_wait3A_93 = tpu.memref_slice %arg6[%dma_wait3A_91, %dma_wait3A_92] : memref<10752x128xf32, #tpu.memory_space<vmem_shared>> -> memref<10752x128xf32, #tpu.memory_space<vmem_shared>>
        tpu.wait_indirect_dma semaphore(%run_scoped3A : memref<!tpu.dma_semaphore, #tpu.memory_space<semaphore_mem>>) src(%arg9 : memref<128x128xf32, #tpu.memory_space<vmem>>) dst(%dma_wait3A_93 : memref<10752x128xf32, #tpu.memory_space<vmem_shared>>)
        tpu.yield
      }) : () -> ()
      %lt3A = arith.constant 19 : i32
      %lt3A_70 = arith.cmpi slt, %scan3A_54, %lt3A : i32
      %convert_element_type3A = arith.extui %lt3A_70 : i1 to i32
      %cond3A = arith.constant 0 : i32
      %cond3A_71 = arith.cmpi ne, %convert_element_type3A, %cond3A : i32
      scf.if %cond3A_71 {
        %add3A_82 = arith.constant 2 : i32
        %add3A_83 = arith.addi %mul3A_56, %add3A_82 : i32
        %dma_start3A_84 = arith.constant 0 : i32
        %dma_start3A_85 = tpu.memref_slice %arg7[%add3A_83, %dma_start3A_84] : memref<40x128xi32, #tpu.memory_space<vmem>> -> memref<1x128xi32, #tpu.memory_space<vmem>>
        %dma_start3A_86 = tpu.memref_squeeze %dma_start3A_85 : memref<1x128xi32, #tpu.memory_space<vmem>> -> memref<128xi32, #tpu.memory_space<vmem>>
        %dma_start3A_87 = arith.constant 0 : i32
        %dma_start3A_88 = arith.constant 0 : i32
        %dma_start3A_89 = tpu.memref_slice %arg2[%dma_start3A_87, %dma_start3A_88] : memref<10752x128xf32, #tpu.memory_space<hbm>> -> memref<10752x128xf32, #tpu.memory_space<hbm>>
        tpu.enqueue_indirect_dma source(%dma_start3A_89 : memref<10752x128xf32, #tpu.memory_space<hbm>>) target(%arg9 : memref<128x128xf32, #tpu.memory_space<vmem>>) offsets(%dma_start3A_86 : memref<128xi32, #tpu.memory_space<vmem>>) semaphore(%arg11 : memref<!tpu.dma_semaphore, #tpu.memory_space<semaphore_mem>>)
      } else {
      }
      %add3A_72 = arith.constant 1 : i32
      %add3A_73 = arith.addi %mul3A_56, %add3A_72 : i32
      %dma_wait3A_74 = arith.constant 0 : i32
      %dma_wait3A_75 = tpu.memref_slice %arg7[%add3A_73, %dma_wait3A_74] : memref<40x128xi32, #tpu.memory_space<vmem>> -> memref<1x128xi32, #tpu.memory_space<vmem>>
      %dma_wait3A_76 = tpu.memref_squeeze %dma_wait3A_75 : memref<1x128xi32, #tpu.memory_space<vmem>> -> memref<128xi32, #tpu.memory_space<vmem>>
      %dma_wait3A_77 = arith.constant 0 : i32
      %dma_wait3A_78 = arith.constant 0 : i32
      %dma_wait3A_79 = tpu.memref_slice %arg2[%dma_wait3A_77, %dma_wait3A_78] : memref<10752x128xf32, #tpu.memory_space<hbm>> -> memref<10752x128xf32, #tpu.memory_space<hbm>>
      tpu.wait_indirect_dma semaphore(%arg12 : memref<!tpu.dma_semaphore, #tpu.memory_space<semaphore_mem>>) src(%dma_wait3A_79 : memref<10752x128xf32, #tpu.memory_space<hbm>>) dst(%arg10 : memref<128x128xf32, #tpu.memory_space<vmem>>)
      %add3A_80 = arith.constant 1 : i32
      %add3A_81 = arith.addi %mul3A_56, %add3A_80 : i32
      "tpu.region"() ({
        %run_scoped3A = tpu.sem_alloc : memref<!tpu.dma_semaphore, #tpu.memory_space<semaphore_mem>>
        %dma_start3A_82 = arith.constant 0 : i32
        %dma_start3A_83 = tpu.memref_slice %arg8[%add3A_81, %dma_start3A_82] : memref<40x128xi32, #tpu.memory_space<vmem>> -> memref<1x128xi32, #tpu.memory_space<vmem>>
        %dma_start3A_84 = tpu.memref_squeeze %dma_start3A_83 : memref<1x128xi32, #tpu.memory_space<vmem>> -> memref<128xi32, #tpu.memory_space<vmem>>
        %dma_start3A_85 = arith.constant 0 : i32
        %dma_start3A_86 = arith.constant 0 : i32
        %dma_start3A_87 = tpu.memref_slice %arg6[%dma_start3A_85, %dma_start3A_86] : memref<10752x128xf32, #tpu.memory_space<vmem_shared>> -> memref<10752x128xf32, #tpu.memory_space<vmem_shared>>
        tpu.enqueue_indirect_dma source(%arg10 : memref<128x128xf32, #tpu.memory_space<vmem>>) target(%dma_start3A_87 : memref<10752x128xf32, #tpu.memory_space<vmem_shared>>) offsets(%dma_start3A_84 : memref<128xi32, #tpu.memory_space<vmem>>) semaphore(%run_scoped3A : memref<!tpu.dma_semaphore, #tpu.memory_space<semaphore_mem>>) {add = true}
        %dma_wait3A_88 = arith.constant 0 : i32
        %dma_wait3A_89 = tpu.memref_slice %arg8[%add3A_81, %dma_wait3A_88] : memref<40x128xi32, #tpu.memory_space<vmem>> -> memref<1x128xi32, #tpu.memory_space<vmem>>
        %dma_wait3A_90 = tpu.memref_squeeze %dma_wait3A_89 : memref<1x128xi32, #tpu.memory_space<vmem>> -> memref<128xi32, #tpu.memory_space<vmem>>
        %dma_wait3A_91 = arith.constant 0 : i32
        %dma_wait3A_92 = arith.constant 0 : i32
        %dma_wait3A_93 = tpu.memref_slice %arg6[%dma_wait3A_91, %dma_wait3A_92] : memref<10752x128xf32, #tpu.memory_space<vmem_shared>> -> memref<10752x128xf32, #tpu.memory_space<vmem_shared>>
        tpu.wait_indirect_dma semaphore(%run_scoped3A : memref<!tpu.dma_semaphore, #tpu.memory_space<semaphore_mem>>) src(%arg10 : memref<128x128xf32, #tpu.memory_space<vmem>>) dst(%dma_wait3A_93 : memref<10752x128xf32, #tpu.memory_space<vmem_shared>>)
        tpu.yield
      }) : () -> ()
    }
    %scan3A_25 = arith.constant 20 : i32
    "tpu.region"() ({
      %run_scoped3A = tpu.sem_alloc : memref<!tpu.dma_semaphore, #tpu.memory_space<semaphore_mem>>
      %dma_start3A_54 = arith.constant 40 : i32
      %dma_start3A_55 = arith.constant 0 : i32
      %dma_start3A_56 = tpu.memref_slice %arg3[%add3A, %dma_start3A_54, %dma_start3A_55] : memref<32x80x128xi32, #tpu.memory_space<hbm>> -> memref<1x40x128xi32, #tpu.memory_space<hbm>>
      %dma_start3A_57 = tpu.memref_squeeze %dma_start3A_56 : memref<1x40x128xi32, #tpu.memory_space<hbm>> -> memref<40x128xi32, #tpu.memory_space<hbm>>
      %dma_start3A_58 = arith.constant 40 : i32
      %dma_start3A_59 = arith.constant 0 : i32
      %dma_start3A_60 = tpu.memref_slice %arg3[%add3A, %dma_start3A_58, %dma_start3A_59] : memref<32x80x128xi32, #tpu.memory_space<hbm>> -> memref<1x40x128xi32, #tpu.memory_space<hbm>>
      %dma_start3A_61 = tpu.memref_squeeze %dma_start3A_60 : memref<1x40x128xi32, #tpu.memory_space<hbm>> -> memref<40x128xi32, #tpu.memory_space<hbm>>
      tpu.enqueue_dma source(%dma_start3A_61 : memref<40x128xi32, #tpu.memory_space<hbm>>) target(%arg7 : memref<40x128xi32, #tpu.memory_space<vmem>>) target_semaphore(%run_scoped3A : memref<!tpu.dma_semaphore, #tpu.memory_space<semaphore_mem>>)
      %dma_wait3A = arith.constant 40 : i32
      %dma_wait3A_62 = arith.constant 0 : i32
      %dma_wait3A_63 = tpu.memref_slice %arg3[%add3A, %dma_wait3A, %dma_wait3A_62] : memref<32x80x128xi32, #tpu.memory_space<hbm>> -> memref<1x40x128xi32, #tpu.memory_space<hbm>>
      %dma_wait3A_64 = tpu.memref_squeeze %dma_wait3A_63 : memref<1x40x128xi32, #tpu.memory_space<hbm>> -> memref<40x128xi32, #tpu.memory_space<hbm>>
      %dma_wait3A_65 = arith.constant 40 : i32
      %dma_wait3A_66 = arith.constant 0 : i32
      %dma_wait3A_67 = tpu.memref_slice %arg3[%add3A, %dma_wait3A_65, %dma_wait3A_66] : memref<32x80x128xi32, #tpu.memory_space<hbm>> -> memref<1x40x128xi32, #tpu.memory_space<hbm>>
      %dma_wait3A_68 = tpu.memref_squeeze %dma_wait3A_67 : memref<1x40x128xi32, #tpu.memory_space<hbm>> -> memref<40x128xi32, #tpu.memory_space<hbm>>
      tpu.wait_dma2 semaphore(%run_scoped3A : memref<!tpu.dma_semaphore, #tpu.memory_space<semaphore_mem>>) src(%dma_wait3A_68 : memref<40x128xi32, #tpu.memory_space<hbm>>) dst(%arg7 : memref<40x128xi32, #tpu.memory_space<vmem>>)
      tpu.yield
    }) : () -> ()
    "tpu.region"() ({
      %run_scoped3A = tpu.sem_alloc : memref<!tpu.dma_semaphore, #tpu.memory_space<semaphore_mem>>
      %dma_start3A_54 = arith.constant 40 : i32
      %dma_start3A_55 = arith.constant 0 : i32
      %dma_start3A_56 = tpu.memref_slice %arg4[%add3A, %dma_start3A_54, %dma_start3A_55] : memref<32x80x128xi32, #tpu.memory_space<hbm>> -> memref<1x40x128xi32, #tpu.memory_space<hbm>>
      %dma_start3A_57 = tpu.memref_squeeze %dma_start3A_56 : memref<1x40x128xi32, #tpu.memory_space<hbm>> -> memref<40x128xi32, #tpu.memory_space<hbm>>
      %dma_start3A_58 = arith.constant 40 : i32
      %dma_start3A_59 = arith.constant 0 : i32
      %dma_start3A_60 = tpu.memref_slice %arg4[%add3A, %dma_start3A_58, %dma_start3A_59] : memref<32x80x128xi32, #tpu.memory_space<hbm>> -> memref<1x40x128xi32, #tpu.memory_space<hbm>>
      %dma_start3A_61 = tpu.memref_squeeze %dma_start3A_60 : memref<1x40x128xi32, #tpu.memory_space<hbm>> -> memref<40x128xi32, #tpu.memory_space<hbm>>
      tpu.enqueue_dma source(%dma_start3A_61 : memref<40x128xi32, #tpu.memory_space<hbm>>) target(%arg8 : memref<40x128xi32, #tpu.memory_space<vmem>>) target_semaphore(%run_scoped3A : memref<!tpu.dma_semaphore, #tpu.memory_space<semaphore_mem>>)
      %dma_wait3A = arith.constant 40 : i32
      %dma_wait3A_62 = arith.constant 0 : i32
      %dma_wait3A_63 = tpu.memref_slice %arg4[%add3A, %dma_wait3A, %dma_wait3A_62] : memref<32x80x128xi32, #tpu.memory_space<hbm>> -> memref<1x40x128xi32, #tpu.memory_space<hbm>>
      %dma_wait3A_64 = tpu.memref_squeeze %dma_wait3A_63 : memref<1x40x128xi32, #tpu.memory_space<hbm>> -> memref<40x128xi32, #tpu.memory_space<hbm>>
      %dma_wait3A_65 = arith.constant 40 : i32
      %dma_wait3A_66 = arith.constant 0 : i32
      %dma_wait3A_67 = tpu.memref_slice %arg4[%add3A, %dma_wait3A_65, %dma_wait3A_66] : memref<32x80x128xi32, #tpu.memory_space<hbm>> -> memref<1x40x128xi32, #tpu.memory_space<hbm>>
      %dma_wait3A_68 = tpu.memref_squeeze %dma_wait3A_67 : memref<1x40x128xi32, #tpu.memory_space<hbm>> -> memref<40x128xi32, #tpu.memory_space<hbm>>
      tpu.wait_dma2 semaphore(%run_scoped3A : memref<!tpu.dma_semaphore, #tpu.memory_space<semaphore_mem>>) src(%dma_wait3A_68 : memref<40x128xi32, #tpu.memory_space<hbm>>) dst(%arg8 : memref<40x128xi32, #tpu.memory_space<vmem>>)
      tpu.yield
    }) : () -> ()
    %dma_start3A_26 = arith.constant 0 : i32
    %dma_start3A_27 = arith.constant 0 : i32
    %dma_start3A_28 = tpu.memref_slice %arg7[%dma_start3A_26, %dma_start3A_27] : memref<40x128xi32, #tpu.memory_space<vmem>> -> memref<1x128xi32, #tpu.memory_space<vmem>>
    %dma_start3A_29 = tpu.memref_squeeze %dma_start3A_28 : memref<1x128xi32, #tpu.memory_space<vmem>> -> memref<128xi32, #tpu.memory_space<vmem>>
    %dma_start3A_30 = arith.constant 0 : i32
    %dma_start3A_31 = arith.constant 0 : i32
    %dma_start3A_32 = tpu.memref_slice %arg2[%dma_start3A_30, %dma_start3A_31] : memref<10752x128xf32, #tpu.memory_space<hbm>> -> memref<10752x128xf32, #tpu.memory_space<hbm>>
    tpu.enqueue_indirect_dma source(%dma_start3A_32 : memref<10752x128xf32, #tpu.memory_space<hbm>>) target(%arg9 : memref<128x128xf32, #tpu.memory_space<vmem>>) offsets(%dma_start3A_29 : memref<128xi32, #tpu.memory_space<vmem>>) semaphore(%arg11 : memref<!tpu.dma_semaphore, #tpu.memory_space<semaphore_mem>>)
    %scan3A_33 = arith.constant 0 : i32
    %scan3A_34 = arith.constant 0 : i32
    %scan3A_35 = arith.constant 20 : i32
    %scan3A_36 = arith.addi %scan3A_34, %scan3A_35 : i32
    %scan3A_37 = arith.constant 1 : i32
    scf.for %scan3A_54 = %scan3A_34 to %scan3A_36 step %scan3A_37  : i32 {
      %mul3A_55 = arith.constant 2 : i32
      %mul3A_56 = arith.muli %scan3A_54, %mul3A_55 : i32
      %add3A_57 = arith.constant 1 : i32
      %add3A_58 = arith.addi %mul3A_56, %add3A_57 : i32
      %dma_start3A_59 = arith.constant 0 : i32
      %dma_start3A_60 = tpu.memref_slice %arg7[%add3A_58, %dma_start3A_59] : memref<40x128xi32, #tpu.memory_space<vmem>> -> memref<1x128xi32, #tpu.memory_space<vmem>>
      %dma_start3A_61 = tpu.memref_squeeze %dma_start3A_60 : memref<1x128xi32, #tpu.memory_space<vmem>> -> memref<128xi32, #tpu.memory_space<vmem>>
      %dma_start3A_62 = arith.constant 0 : i32
      %dma_start3A_63 = arith.constant 0 : i32
      %dma_start3A_64 = tpu.memref_slice %arg2[%dma_start3A_62, %dma_start3A_63] : memref<10752x128xf32, #tpu.memory_space<hbm>> -> memref<10752x128xf32, #tpu.memory_space<hbm>>
      tpu.enqueue_indirect_dma source(%dma_start3A_64 : memref<10752x128xf32, #tpu.memory_space<hbm>>) target(%arg10 : memref<128x128xf32, #tpu.memory_space<vmem>>) offsets(%dma_start3A_61 : memref<128xi32, #tpu.memory_space<vmem>>) semaphore(%arg12 : memref<!tpu.dma_semaphore, #tpu.memory_space<semaphore_mem>>)
      %dma_wait3A = arith.constant 0 : i32
      %dma_wait3A_65 = tpu.memref_slice %arg7[%mul3A_56, %dma_wait3A] : memref<40x128xi32, #tpu.memory_space<vmem>> -> memref<1x128xi32, #tpu.memory_space<vmem>>
      %dma_wait3A_66 = tpu.memref_squeeze %dma_wait3A_65 : memref<1x128xi32, #tpu.memory_space<vmem>> -> memref<128xi32, #tpu.memory_space<vmem>>
      %dma_wait3A_67 = arith.constant 0 : i32
      %dma_wait3A_68 = arith.constant 0 : i32
      %dma_wait3A_69 = tpu.memref_slice %arg2[%dma_wait3A_67, %dma_wait3A_68] : memref<10752x128xf32, #tpu.memory_space<hbm>> -> memref<10752x128xf32, #tpu.memory_space<hbm>>
      tpu.wait_indirect_dma semaphore(%arg11 : memref<!tpu.dma_semaphore, #tpu.memory_space<semaphore_mem>>) src(%dma_wait3A_69 : memref<10752x128xf32, #tpu.memory_space<hbm>>) dst(%arg9 : memref<128x128xf32, #tpu.memory_space<vmem>>)
      "tpu.region"() ({
        %run_scoped3A = tpu.sem_alloc : memref<!tpu.dma_semaphore, #tpu.memory_space<semaphore_mem>>
        %dma_start3A_82 = arith.constant 0 : i32
        %dma_start3A_83 = tpu.memref_slice %arg8[%mul3A_56, %dma_start3A_82] : memref<40x128xi32, #tpu.memory_space<vmem>> -> memref<1x128xi32, #tpu.memory_space<vmem>>
        %dma_start3A_84 = tpu.memref_squeeze %dma_start3A_83 : memref<1x128xi32, #tpu.memory_space<vmem>> -> memref<128xi32, #tpu.memory_space<vmem>>
        %dma_start3A_85 = arith.constant 0 : i32
        %dma_start3A_86 = arith.constant 0 : i32
        %dma_start3A_87 = tpu.memref_slice %arg6[%dma_start3A_85, %dma_start3A_86] : memref<10752x128xf32, #tpu.memory_space<vmem_shared>> -> memref<10752x128xf32, #tpu.memory_space<vmem_shared>>
        tpu.enqueue_indirect_dma source(%arg9 : memref<128x128xf32, #tpu.memory_space<vmem>>) target(%dma_start3A_87 : memref<10752x128xf32, #tpu.memory_space<vmem_shared>>) offsets(%dma_start3A_84 : memref<128xi32, #tpu.memory_space<vmem>>) semaphore(%run_scoped3A : memref<!tpu.dma_semaphore, #tpu.memory_space<semaphore_mem>>) {add = true}
        %dma_wait3A_88 = arith.constant 0 : i32
        %dma_wait3A_89 = tpu.memref_slice %arg8[%mul3A_56, %dma_wait3A_88] : memref<40x128xi32, #tpu.memory_space<vmem>> -> memref<1x128xi32, #tpu.memory_space<vmem>>
        %dma_wait3A_90 = tpu.memref_squeeze %dma_wait3A_89 : memref<1x128xi32, #tpu.memory_space<vmem>> -> memref<128xi32, #tpu.memory_space<vmem>>
        %dma_wait3A_91 = arith.constant 0 : i32
        %dma_wait3A_92 = arith.constant 0 : i32
        %dma_wait3A_93 = tpu.memref_slice %arg6[%dma_wait3A_91, %dma_wait3A_92] : memref<10752x128xf32, #tpu.memory_space<vmem_shared>> -> memref<10752x128xf32, #tpu.memory_space<vmem_shared>>
        tpu.wait_indirect_dma semaphore(%run_scoped3A : memref<!tpu.dma_semaphore, #tpu.memory_space<semaphore_mem>>) src(%arg9 : memref<128x128xf32, #tpu.memory_space<vmem>>) dst(%dma_wait3A_93 : memref<10752x128xf32, #tpu.memory_space<vmem_shared>>)
        tpu.yield
      }) : () -> ()
      %lt3A = arith.constant 19 : i32
      %lt3A_70 = arith.cmpi slt, %scan3A_54, %lt3A : i32
      %convert_element_type3A = arith.extui %lt3A_70 : i1 to i32
      %cond3A = arith.constant 0 : i32
      %cond3A_71 = arith.cmpi ne, %convert_element_type3A, %cond3A : i32
      scf.if %cond3A_71 {
        %add3A_82 = arith.constant 2 : i32
        %add3A_83 = arith.addi %mul3A_56, %add3A_82 : i32
        %dma_start3A_84 = arith.constant 0 : i32
        %dma_start3A_85 = tpu.memref_slice %arg7[%add3A_83, %dma_start3A_84] : memref<40x128xi32, #tpu.memory_space<vmem>> -> memref<1x128xi32, #tpu.memory_space<vmem>>
        %dma_start3A_86 = tpu.memref_squeeze %dma_start3A_85 : memref<1x128xi32, #tpu.memory_space<vmem>> -> memref<128xi32, #tpu.memory_space<vmem>>
        %dma_start3A_87 = arith.constant 0 : i32
        %dma_start3A_88 = arith.constant 0 : i32
        %dma_start3A_89 = tpu.memref_slice %arg2[%dma_start3A_87, %dma_start3A_88] : memref<10752x128xf32, #tpu.memory_space<hbm>> -> memref<10752x128xf32, #tpu.memory_space<hbm>>
        tpu.enqueue_indirect_dma source(%dma_start3A_89 : memref<10752x128xf32, #tpu.memory_space<hbm>>) target(%arg9 : memref<128x128xf32, #tpu.memory_space<vmem>>) offsets(%dma_start3A_86 : memref<128xi32, #tpu.memory_space<vmem>>) semaphore(%arg11 : memref<!tpu.dma_semaphore, #tpu.memory_space<semaphore_mem>>)
      } else {
      }
      %add3A_72 = arith.constant 1 : i32
      %add3A_73 = arith.addi %mul3A_56, %add3A_72 : i32
      %dma_wait3A_74 = arith.constant 0 : i32
      %dma_wait3A_75 = tpu.memref_slice %arg7[%add3A_73, %dma_wait3A_74] : memref<40x128xi32, #tpu.memory_space<vmem>> -> memref<1x128xi32, #tpu.memory_space<vmem>>
      %dma_wait3A_76 = tpu.memref_squeeze %dma_wait3A_75 : memref<1x128xi32, #tpu.memory_space<vmem>> -> memref<128xi32, #tpu.memory_space<vmem>>
      %dma_wait3A_77 = arith.constant 0 : i32
      %dma_wait3A_78 = arith.constant 0 : i32
      %dma_wait3A_79 = tpu.memref_slice %arg2[%dma_wait3A_77, %dma_wait3A_78] : memref<10752x128xf32, #tpu.memory_space<hbm>> -> memref<10752x128xf32, #tpu.memory_space<hbm>>
      tpu.wait_indirect_dma semaphore(%arg12 : memref<!tpu.dma_semaphore, #tpu.memory_space<semaphore_mem>>) src(%dma_wait3A_79 : memref<10752x128xf32, #tpu.memory_space<hbm>>) dst(%arg10 : memref<128x128xf32, #tpu.memory_space<vmem>>)
      %add3A_80 = arith.constant 1 : i32
      %add3A_81 = arith.addi %mul3A_56, %add3A_80 : i32
      "tpu.region"() ({
        %run_scoped3A = tpu.sem_alloc : memref<!tpu.dma_semaphore, #tpu.memory_space<semaphore_mem>>
        %dma_start3A_82 = arith.constant 0 : i32
        %dma_start3A_83 = tpu.memref_slice %arg8[%add3A_81, %dma_start3A_82] : memref<40x128xi32, #tpu.memory_space<vmem>> -> memref<1x128xi32, #tpu.memory_space<vmem>>
        %dma_start3A_84 = tpu.memref_squeeze %dma_start3A_83 : memref<1x128xi32, #tpu.memory_space<vmem>> -> memref<128xi32, #tpu.memory_space<vmem>>
        %dma_start3A_85 = arith.constant 0 : i32
        %dma_start3A_86 = arith.constant 0 : i32
        %dma_start3A_87 = tpu.memref_slice %arg6[%dma_start3A_85, %dma_start3A_86] : memref<10752x128xf32, #tpu.memory_space<vmem_shared>> -> memref<10752x128xf32, #tpu.memory_space<vmem_shared>>
        tpu.enqueue_indirect_dma source(%arg10 : memref<128x128xf32, #tpu.memory_space<vmem>>) target(%dma_start3A_87 : memref<10752x128xf32, #tpu.memory_space<vmem_shared>>) offsets(%dma_start3A_84 : memref<128xi32, #tpu.memory_space<vmem>>) semaphore(%run_scoped3A : memref<!tpu.dma_semaphore, #tpu.memory_space<semaphore_mem>>) {add = true}
        %dma_wait3A_88 = arith.constant 0 : i32
        %dma_wait3A_89 = tpu.memref_slice %arg8[%add3A_81, %dma_wait3A_88] : memref<40x128xi32, #tpu.memory_space<vmem>> -> memref<1x128xi32, #tpu.memory_space<vmem>>
        %dma_wait3A_90 = tpu.memref_squeeze %dma_wait3A_89 : memref<1x128xi32, #tpu.memory_space<vmem>> -> memref<128xi32, #tpu.memory_space<vmem>>
        %dma_wait3A_91 = arith.constant 0 : i32
        %dma_wait3A_92 = arith.constant 0 : i32
        %dma_wait3A_93 = tpu.memref_slice %arg6[%dma_wait3A_91, %dma_wait3A_92] : memref<10752x128xf32, #tpu.memory_space<vmem_shared>> -> memref<10752x128xf32, #tpu.memory_space<vmem_shared>>
        tpu.wait_indirect_dma semaphore(%run_scoped3A : memref<!tpu.dma_semaphore, #tpu.memory_space<semaphore_mem>>) src(%arg10 : memref<128x128xf32, #tpu.memory_space<vmem>>) dst(%dma_wait3A_93 : memref<10752x128xf32, #tpu.memory_space<vmem_shared>>)
        tpu.yield
      }) : () -> ()
    }
    %scan3A_38 = arith.constant 20 : i32
    %barrier3A_39 = arith.constant 0 : index
    tpu.barrier barrier_id(%barrier3A_39)
    %mul3A_40 = arith.constant 672 : i32
    %mul3A_41 = arith.muli %arg1, %mul3A_40 : i32
    %mul3A_42 = arith.constant 672 : i32
    %mul3A_43 = arith.muli %arg1, %mul3A_42 : i32
    %scan3A_44 = arith.constant 0 : i32
    %scan3A_45 = arith.constant 0 : i32
    %scan3A_46 = arith.constant 5 : i32
    %scan3A_47 = arith.addi %scan3A_45, %scan3A_46 : i32
    %scan3A_48 = arith.constant 1 : i32
    scf.for %scan3A_54 = %scan3A_45 to %scan3A_47 step %scan3A_48  : i32 {
      %mul3A_55 = arith.constant 128 : i32
      %mul3A_56 = arith.muli %scan3A_54, %mul3A_55 : i32
      %add3A_57 = arith.addi %mul3A_41, %mul3A_56 : i32
      "tpu.region"() ({
        %run_scoped3A = tpu.sem_alloc : memref<!tpu.dma_semaphore, #tpu.memory_space<semaphore_mem>>
        %dma_start3A_61 = arith.constant 0 : i32
        %dma_start3A_62 = tpu.memref_slice %arg6[%add3A_57, %dma_start3A_61] : memref<10752x128xf32, #tpu.memory_space<vmem_shared>> -> memref<128x128xf32, #tpu.memory_space<vmem_shared>>
        %dma_start3A_63 = arith.constant 0 : i32
        %dma_start3A_64 = tpu.memref_slice %arg6[%add3A_57, %dma_start3A_63] : memref<10752x128xf32, #tpu.memory_space<vmem_shared>> -> memref<128x128xf32, #tpu.memory_space<vmem_shared>>
        tpu.enqueue_dma source(%dma_start3A_64 : memref<128x128xf32, #tpu.memory_space<vmem_shared>>) target(%arg9 : memref<128x128xf32, #tpu.memory_space<vmem>>) target_semaphore(%run_scoped3A : memref<!tpu.dma_semaphore, #tpu.memory_space<semaphore_mem>>)
        %dma_wait3A = arith.constant 0 : i32
        %dma_wait3A_65 = tpu.memref_slice %arg6[%add3A_57, %dma_wait3A] : memref<10752x128xf32, #tpu.memory_space<vmem_shared>> -> memref<128x128xf32, #tpu.memory_space<vmem_shared>>
        %dma_wait3A_66 = arith.constant 0 : i32
        %dma_wait3A_67 = tpu.memref_slice %arg6[%add3A_57, %dma_wait3A_66] : memref<10752x128xf32, #tpu.memory_space<vmem_shared>> -> memref<128x128xf32, #tpu.memory_space<vmem_shared>>
        tpu.wait_dma2 semaphore(%run_scoped3A : memref<!tpu.dma_semaphore, #tpu.memory_space<semaphore_mem>>) src(%dma_wait3A_67 : memref<128x128xf32, #tpu.memory_space<vmem_shared>>) dst(%arg9 : memref<128x128xf32, #tpu.memory_space<vmem>>)
        tpu.yield
      }) : () -> ()
      %mul3A_58 = arith.constant 128 : i32
      %mul3A_59 = arith.muli %scan3A_54, %mul3A_58 : i32
      %add3A_60 = arith.addi %mul3A_43, %mul3A_59 : i32
      "tpu.region"() ({
        %run_scoped3A = tpu.sem_alloc : memref<!tpu.dma_semaphore, #tpu.memory_space<semaphore_mem>>
        %dma_start3A_61 = arith.constant 0 : i32
        %dma_start3A_62 = tpu.memref_slice %arg5[%arg0, %add3A_60, %dma_start3A_61] : memref<2x10752x128xf32, #tpu.memory_space<hbm>> -> memref<1x128x128xf32, #tpu.memory_space<hbm>>
        %dma_start3A_63 = tpu.memref_squeeze %dma_start3A_62 : memref<1x128x128xf32, #tpu.memory_space<hbm>> -> memref<128x128xf32, #tpu.memory_space<hbm>>
        %dma_start3A_64 = arith.constant 0 : i32
        %dma_start3A_65 = tpu.memref_slice %arg5[%arg0, %add3A_60, %dma_start3A_64] : memref<2x10752x128xf32, #tpu.memory_space<hbm>> -> memref<1x128x128xf32, #tpu.memory_space<hbm>>
        %dma_start3A_66 = tpu.memref_squeeze %dma_start3A_65 : memref<1x128x128xf32, #tpu.memory_space<hbm>> -> memref<128x128xf32, #tpu.memory_space<hbm>>
        tpu.enqueue_dma source(%arg9 : memref<128x128xf32, #tpu.memory_space<vmem>>) target(%dma_start3A_66 : memref<128x128xf32, #tpu.memory_space<hbm>>) target_semaphore(%run_scoped3A : memref<!tpu.dma_semaphore, #tpu.memory_space<semaphore_mem>>)
        %dma_wait3A = arith.constant 0 : i32
        %dma_wait3A_67 = tpu.memref_slice %arg5[%arg0, %add3A_60, %dma_wait3A] : memref<2x10752x128xf32, #tpu.memory_space<hbm>> -> memref<1x128x128xf32, #tpu.memory_space<hbm>>
        %dma_wait3A_68 = tpu.memref_squeeze %dma_wait3A_67 : memref<1x128x128xf32, #tpu.memory_space<hbm>> -> memref<128x128xf32, #tpu.memory_space<hbm>>
        %dma_wait3A_69 = arith.constant 0 : i32
        %dma_wait3A_70 = tpu.memref_slice %arg5[%arg0, %add3A_60, %dma_wait3A_69] : memref<2x10752x128xf32, #tpu.memory_space<hbm>> -> memref<1x128x128xf32, #tpu.memory_space<hbm>>
        %dma_wait3A_71 = tpu.memref_squeeze %dma_wait3A_70 : memref<1x128x128xf32, #tpu.memory_space<hbm>> -> memref<128x128xf32, #tpu.memory_space<hbm>>
        tpu.wait_dma2 semaphore(%run_scoped3A : memref<!tpu.dma_semaphore, #tpu.memory_space<semaphore_mem>>) src(%arg9 : memref<128x128xf32, #tpu.memory_space<vmem>>) dst(%dma_wait3A_71 : memref<128x128xf32, #tpu.memory_space<hbm>>)
        tpu.yield
      }) : () -> ()
    }
    %scan3A_49 = arith.constant 5 : i32
    %add3A_50 = arith.constant 640 : i32
    %add3A_51 = arith.addi %mul3A_41, %add3A_50 : i32
    "tpu.region"() ({
      %run_scoped3A = tpu.sem_alloc : memref<!tpu.dma_semaphore, #tpu.memory_space<semaphore_mem>>
      %dma_start3A_54 = arith.constant 0 : i32
      %dma_start3A_55 = arith.constant 0 : i32
      %dma_start3A_56 = tpu.memref_slice %arg9[%dma_start3A_54, %dma_start3A_55] : memref<128x128xf32, #tpu.memory_space<vmem>> -> memref<32x128xf32, #tpu.memory_space<vmem>>
      %dma_start3A_57 = arith.constant 0 : i32
      %dma_start3A_58 = tpu.memref_slice %arg6[%add3A_51, %dma_start3A_57] : memref<10752x128xf32, #tpu.memory_space<vmem_shared>> -> memref<32x128xf32, #tpu.memory_space<vmem_shared>>
      %dma_start3A_59 = arith.constant 0 : i32
      %dma_start3A_60 = arith.constant 0 : i32
      %dma_start3A_61 = tpu.memref_slice %arg9[%dma_start3A_59, %dma_start3A_60] : memref<128x128xf32, #tpu.memory_space<vmem>> -> memref<32x128xf32, #tpu.memory_space<vmem>>
      %dma_start3A_62 = arith.constant 0 : i32
      %dma_start3A_63 = tpu.memref_slice %arg6[%add3A_51, %dma_start3A_62] : memref<10752x128xf32, #tpu.memory_space<vmem_shared>> -> memref<32x128xf32, #tpu.memory_space<vmem_shared>>
      tpu.enqueue_dma source(%dma_start3A_63 : memref<32x128xf32, #tpu.memory_space<vmem_shared>>) target(%dma_start3A_61 : memref<32x128xf32, #tpu.memory_space<vmem>>) target_semaphore(%run_scoped3A : memref<!tpu.dma_semaphore, #tpu.memory_space<semaphore_mem>>)
      %dma_wait3A = arith.constant 0 : i32
      %dma_wait3A_64 = arith.constant 0 : i32
      %dma_wait3A_65 = tpu.memref_slice %arg9[%dma_wait3A, %dma_wait3A_64] : memref<128x128xf32, #tpu.memory_space<vmem>> -> memref<32x128xf32, #tpu.memory_space<vmem>>
      %dma_wait3A_66 = arith.constant 0 : i32
      %dma_wait3A_67 = tpu.memref_slice %arg6[%add3A_51, %dma_wait3A_66] : memref<10752x128xf32, #tpu.memory_space<vmem_shared>> -> memref<32x128xf32, #tpu.memory_space<vmem_shared>>
      %dma_wait3A_68 = arith.constant 0 : i32
      %dma_wait3A_69 = arith.constant 0 : i32
      %dma_wait3A_70 = tpu.memref_slice %arg9[%dma_wait3A_68, %dma_wait3A_69] : memref<128x128xf32, #tpu.memory_space<vmem>> -> memref<32x128xf32, #tpu.memory_space<vmem>>
      %dma_wait3A_71 = arith.constant 0 : i32
      %dma_wait3A_72 = tpu.memref_slice %arg6[%add3A_51, %dma_wait3A_71] : memref<10752x128xf32, #tpu.memory_space<vmem_shared>> -> memref<32x128xf32, #tpu.memory_space<vmem_shared>>
      tpu.wait_dma2 semaphore(%run_scoped3A : memref<!tpu.dma_semaphore, #tpu.memory_space<semaphore_mem>>) src(%dma_wait3A_72 : memref<32x128xf32, #tpu.memory_space<vmem_shared>>) dst(%dma_wait3A_70 : memref<32x128xf32, #tpu.memory_space<vmem>>)
      tpu.yield
    }) : () -> ()
    %add3A_52 = arith.constant 640 : i32
    %add3A_53 = arith.addi %mul3A_43, %add3A_52 : i32
    "tpu.region"() ({
      %run_scoped3A = tpu.sem_alloc : memref<!tpu.dma_semaphore, #tpu.memory_space<semaphore_mem>>
      %dma_start3A_54 = arith.constant 0 : i32
      %dma_start3A_55 = arith.constant 0 : i32
      %dma_start3A_56 = tpu.memref_slice %arg9[%dma_start3A_54, %dma_start3A_55] : memref<128x128xf32, #tpu.memory_space<vmem>> -> memref<32x128xf32, #tpu.memory_space<vmem>>
      %dma_start3A_57 = arith.constant 0 : i32
      %dma_start3A_58 = tpu.memref_slice %arg5[%arg0, %add3A_53, %dma_start3A_57] : memref<2x10752x128xf32, #tpu.memory_space<hbm>> -> memref<1x32x128xf32, #tpu.memory_space<hbm>>
      %dma_start3A_59 = tpu.memref_squeeze %dma_start3A_58 : memref<1x32x128xf32, #tpu.memory_space<hbm>> -> memref<32x128xf32, #tpu.memory_space<hbm>>
      %dma_start3A_60 = arith.constant 0 : i32
      %dma_start3A_61 = tpu.memref_slice %arg5[%arg0, %add3A_53, %dma_start3A_60] : memref<2x10752x128xf32, #tpu.memory_space<hbm>> -> memref<1x32x128xf32, #tpu.memory_space<hbm>>
      %dma_start3A_62 = tpu.memref_squeeze %dma_start3A_61 : memref<1x32x128xf32, #tpu.memory_space<hbm>> -> memref<32x128xf32, #tpu.memory_space<hbm>>
      %dma_start3A_63 = arith.constant 0 : i32
      %dma_start3A_64 = arith.constant 0 : i32
      %dma_start3A_65 = tpu.memref_slice %arg9[%dma_start3A_63, %dma_start3A_64] : memref<128x128xf32, #tpu.memory_space<vmem>> -> memref<32x128xf32, #tpu.memory_space<vmem>>
      tpu.enqueue_dma source(%dma_start3A_65 : memref<32x128xf32, #tpu.memory_space<vmem>>) target(%dma_start3A_62 : memref<32x128xf32, #tpu.memory_space<hbm>>) target_semaphore(%run_scoped3A : memref<!tpu.dma_semaphore, #tpu.memory_space<semaphore_mem>>)
      %dma_wait3A = arith.constant 0 : i32
      %dma_wait3A_66 = arith.constant 0 : i32
      %dma_wait3A_67 = tpu.memref_slice %arg9[%dma_wait3A, %dma_wait3A_66] : memref<128x128xf32, #tpu.memory_space<vmem>> -> memref<32x128xf32, #tpu.memory_space<vmem>>
      %dma_wait3A_68 = arith.constant 0 : i32
      %dma_wait3A_69 = tpu.memref_slice %arg5[%arg0, %add3A_53, %dma_wait3A_68] : memref<2x10752x128xf32, #tpu.memory_space<hbm>> -> memref<1x32x128xf32, #tpu.memory_space<hbm>>
      %dma_wait3A_70 = tpu.memref_squeeze %dma_wait3A_69 : memref<1x32x128xf32, #tpu.memory_space<hbm>> -> memref<32x128xf32, #tpu.memory_space<hbm>>
      %dma_wait3A_71 = arith.constant 0 : i32
      %dma_wait3A_72 = tpu.memref_slice %arg5[%arg0, %add3A_53, %dma_wait3A_71] : memref<2x10752x128xf32, #tpu.memory_space<hbm>> -> memref<1x32x128xf32, #tpu.memory_space<hbm>>
      %dma_wait3A_73 = tpu.memref_squeeze %dma_wait3A_72 : memref<1x32x128xf32, #tpu.memory_space<hbm>> -> memref<32x128xf32, #tpu.memory_space<hbm>>
      %dma_wait3A_74 = arith.constant 0 : i32
      %dma_wait3A_75 = arith.constant 0 : i32
      %dma_wait3A_76 = tpu.memref_slice %arg9[%dma_wait3A_74, %dma_wait3A_75] : memref<128x128xf32, #tpu.memory_space<vmem>> -> memref<32x128xf32, #tpu.memory_space<vmem>>
      tpu.wait_dma2 semaphore(%run_scoped3A : memref<!tpu.dma_semaphore, #tpu.memory_space<semaphore_mem>>) src(%dma_wait3A_76 : memref<32x128xf32, #tpu.memory_space<vmem>>) dst(%dma_wait3A_73 : memref<32x128xf32, #tpu.memory_space<hbm>>)
      tpu.yield
    }) : () -> ()
    return
  }
}

module attributes {stable_mosaic.version = 14 : i64} {
  func.func @_tc_first_body(%arg0: i32, %arg1: memref<512x128xf32, #tpu.memory_space<vmem>>, %arg2: memref<512x128xf32, #tpu.memory_space<vmem>>, %arg3: memref<512x128xf32, #tpu.memory_space<vmem>>, %arg4: memref<128x128xf32, #tpu.memory_space<vmem>>, %arg5: memref<512x128xf32, #tpu.memory_space<vmem>>) attributes {dimension_semantics = [#tpu.dimension_semantics<arbitrary>], iteration_bounds = array<i64: 21>, scalar_prefetch = 0 : i64, scratch_operands = 0 : i64, tpu.core_type = #tpu.core_type<tc>, window_params = [{transform_indices = @transform_0, window_bounds = array<i64: 512, 128>}, {transform_indices = @transform_1, window_bounds = array<i64: 512, 128>}, {transform_indices = @transform_2, window_bounds = array<i64: 512, 128>}, {pipeline_mode = #tpu.pipeline_mode<synchronous>, transform_indices = @transform_3, window_bounds = array<i64: 128, 128>}, {transform_indices = @transform_4, window_bounds = array<i64: 512, 128>}]} {
    %get3A = arith.constant 0 : index
    %get3A_0 = arith.constant 0 : index
    %get3A_1 = vector.load %arg2[%get3A, %get3A_0] : memref<512x128xf32, #tpu.memory_space<vmem>>, vector<512x1xf32>
    %get3A_2 = arith.constant 0 : index
    %get3A_3 = arith.constant 0 : index
    %get3A_4 = vector.load %arg3[%get3A_2, %get3A_3] : memref<512x128xf32, #tpu.memory_space<vmem>>, vector<512x1xf32>
    %add3A = arith.addf %get3A_1, %get3A_4 : vector<512x1xf32>
    %add3A_5 = arith.constant 1.000000e+00 : f32
    %add3A_6 = vector.broadcast %add3A_5 : f32 to vector<512x1xf32>
    %add3A_7 = arith.addf %add3A, %add3A_6 : vector<512x1xf32>
    %rsqrt3A = math.rsqrt %add3A_7 : vector<512x1xf32>
    %get3A_8 = arith.constant 0 : index
    %get3A_9 = arith.constant 0 : index
    %get3A_10 = vector.load %arg1[%get3A_8, %get3A_9] : memref<512x128xf32, #tpu.memory_space<vmem>>, vector<512x128xf32>
    %mul3A = vector.broadcast %rsqrt3A : vector<512x1xf32> to vector<512x128xf32>
    %mul3A_11 = arith.mulf %get3A_10, %mul3A : vector<512x128xf32>
    %get3A_12 = arith.constant 0 : index
    %get3A_13 = arith.constant 0 : index
    %get3A_14 = vector.load %arg4[%get3A_12, %get3A_13] : memref<128x128xf32, #tpu.memory_space<vmem>>, vector<128x128xf32>
    %dot_general3A = arith.constant dense<0.000000e+00> : vector<512x128xf32>
    %dot_general3A_15 = tpu.matmul %mul3A_11, %get3A_14, %dot_general3A {dimension_numbers = #tpu.dot_dimension_numbers<[1], [0], [0], [1], [0, 0, 1, 1], [], []>, transpose_lhs_hint = false} : vector<512x128xf32>, vector<128x128xf32>, vector<512x128xf32> -> vector<512x128xf32>
    %swap3A = arith.constant 0 : index
    %swap3A_16 = arith.constant 0 : index
    %swap3A_17 = vector.load %arg5[%swap3A, %swap3A_16] : memref<512x128xf32, #tpu.memory_space<vmem>>, vector<512x128xf32>
    tpu.vector_store %arg5[%swap3A, %swap3A_16], %dot_general3A_15 {strides = array<i32>} : memref<512x128xf32, #tpu.memory_space<vmem>>, vector<512x128xf32>,
    return
  }
  func.func @transform_0(%arg0: i32) -> (i32, i32) {
    %c0_i32 = arith.constant 0 : i32
    %c0_i32_0 = arith.constant 0 : i32
    return %arg0, %c0_i32 : i32, i32
  }
  func.func @transform_1(%arg0: i32) -> (i32, i32) {
    %c0_i32 = arith.constant 0 : i32
    %c0_i32_0 = arith.constant 0 : i32
    return %arg0, %c0_i32 : i32, i32
  }
  func.func @transform_2(%arg0: i32) -> (i32, i32) {
    %c0_i32 = arith.constant 0 : i32
    %c0_i32_0 = arith.constant 0 : i32
    return %arg0, %c0_i32 : i32, i32
  }
  func.func @transform_3(%arg0: i32) -> (i32, i32) {
    %c0_i32 = arith.constant 0 : i32
    %c0_i32_0 = arith.constant 0 : i32
    %c0_i32_1 = arith.constant 0 : i32
    return %c0_i32, %c0_i32_0 : i32, i32
  }
  func.func @transform_4(%arg0: i32) -> (i32, i32) {
    %c0_i32 = arith.constant 0 : i32
    %c0_i32_0 = arith.constant 0 : i32
    return %arg0, %c0_i32 : i32, i32
  }
}

module attributes {stable_mosaic.version = 14 : i64} {
  func.func @_tc_mid_body(%arg0: i32, %arg1: memref<512x128xf32, #tpu.memory_space<vmem>>, %arg2: memref<512x128xf32, #tpu.memory_space<vmem>>, %arg3: memref<512x128xf32, #tpu.memory_space<vmem>>, %arg4: memref<512x128xf32, #tpu.memory_space<vmem>>, %arg5: memref<512x128xf32, #tpu.memory_space<vmem>>, %arg6: memref<1x128xf32, #tpu.memory_space<vmem>>, %arg7: memref<128x128xf32, #tpu.memory_space<vmem>>, %arg8: memref<512x128xf32, #tpu.memory_space<vmem>>) attributes {dimension_semantics = [#tpu.dimension_semantics<arbitrary>], iteration_bounds = array<i64: 21>, scalar_prefetch = 0 : i64, scratch_operands = 0 : i64, tpu.core_type = #tpu.core_type<tc>, window_params = [{transform_indices = @transform_0, window_bounds = array<i64: 512, 128>}, {transform_indices = @transform_1, window_bounds = array<i64: 512, 128>}, {transform_indices = @transform_2, window_bounds = array<i64: 512, 128>}, {transform_indices = @transform_3, window_bounds = array<i64: 512, 128>}, {transform_indices = @transform_4, window_bounds = array<i64: 512, 128>}, {pipeline_mode = #tpu.pipeline_mode<synchronous>, transform_indices = @transform_5, window_bounds = array<i64: 1, 128>}, {pipeline_mode = #tpu.pipeline_mode<synchronous>, transform_indices = @transform_6, window_bounds = array<i64: 128, 128>}, {transform_indices = @transform_7, window_bounds = array<i64: 512, 128>}]} {
    %get3A = arith.constant 0 : index
    %get3A_0 = arith.constant 0 : index
    %get3A_1 = vector.load %arg4[%get3A, %get3A_0] : memref<512x128xf32, #tpu.memory_space<vmem>>, vector<512x1xf32>
    %get3A_2 = arith.constant 0 : index
    %get3A_3 = arith.constant 0 : index
    %get3A_4 = vector.load %arg5[%get3A_2, %get3A_3] : memref<512x128xf32, #tpu.memory_space<vmem>>, vector<512x1xf32>
    %add3A = arith.addf %get3A_1, %get3A_4 : vector<512x1xf32>
    %add3A_5 = arith.constant 1.000000e+00 : f32
    %add3A_6 = vector.broadcast %add3A_5 : f32 to vector<512x1xf32>
    %add3A_7 = arith.addf %add3A, %add3A_6 : vector<512x1xf32>
    %rsqrt3A = math.rsqrt %add3A_7 : vector<512x1xf32>
    %get3A_8 = arith.constant 0 : index
    %get3A_9 = arith.constant 0 : index
    %get3A_10 = vector.load %arg1[%get3A_8, %get3A_9] : memref<512x128xf32, #tpu.memory_space<vmem>>, vector<512x128xf32>
    %get3A_11 = arith.constant 0 : index
    %get3A_12 = arith.constant 0 : index
    %get3A_13 = vector.load %arg2[%get3A_11, %get3A_12] : memref<512x128xf32, #tpu.memory_space<vmem>>, vector<512x128xf32>
    %add3A_14 = arith.addf %get3A_10, %get3A_13 : vector<512x128xf32>
    %get3A_15 = arith.constant 0 : index
    %get3A_16 = arith.constant 0 : index
    %get3A_17 = vector.load %arg3[%get3A_15, %get3A_16] : memref<512x128xf32, #tpu.memory_space<vmem>>, vector<512x128xf32>
    %add3A_18 = arith.addf %add3A_14, %get3A_17 : vector<512x128xf32>
    %mul3A = vector.broadcast %rsqrt3A : vector<512x1xf32> to vector<512x128xf32>
    %mul3A_19 = arith.mulf %mul3A, %add3A_18 : vector<512x128xf32>
    %get3A_20 = arith.constant 0 : index
    %get3A_21 = arith.constant 0 : index
    %get3A_22 = vector.load %arg6[%get3A_20, %get3A_21] : memref<1x128xf32, #tpu.memory_space<vmem>>, vector<1x128xf32>
    %add3A_23 = vector.broadcast %get3A_22 : vector<1x128xf32> to vector<512x128xf32>
    %add3A_24 = arith.addf %mul3A_19, %add3A_23 : vector<512x128xf32>
    %max3A = arith.constant 0.000000e+00 : f32
    %max3A_25 = vector.broadcast %max3A : f32 to vector<512x128xf32>
    %max3A_26 = arith.maximumf %add3A_24, %max3A_25 : vector<512x128xf32>
    %mul3A_27 = vector.broadcast %rsqrt3A : vector<512x1xf32> to vector<512x128xf32>
    %mul3A_28 = arith.mulf %max3A_26, %mul3A_27 : vector<512x128xf32>
    %get3A_29 = arith.constant 0 : index
    %get3A_30 = arith.constant 0 : index
    %get3A_31 = vector.load %arg7[%get3A_29, %get3A_30] : memref<128x128xf32, #tpu.memory_space<vmem>>, vector<128x128xf32>
    %dot_general3A = arith.constant dense<0.000000e+00> : vector<512x128xf32>
    %dot_general3A_32 = tpu.matmul %mul3A_28, %get3A_31, %dot_general3A {dimension_numbers = #tpu.dot_dimension_numbers<[1], [0], [0], [1], [0, 0, 1, 1], [], []>, transpose_lhs_hint = false} : vector<512x128xf32>, vector<128x128xf32>, vector<512x128xf32> -> vector<512x128xf32>
    %swap3A = arith.constant 0 : index
    %swap3A_33 = arith.constant 0 : index
    %swap3A_34 = vector.load %arg8[%swap3A, %swap3A_33] : memref<512x128xf32, #tpu.memory_space<vmem>>, vector<512x128xf32>
    tpu.vector_store %arg8[%swap3A, %swap3A_33], %dot_general3A_32 {strides = array<i32>} : memref<512x128xf32, #tpu.memory_space<vmem>>, vector<512x128xf32>,
    return
  }
  func.func @transform_0(%arg0: i32) -> (i32, i32) {
    %c0_i32 = arith.constant 0 : i32
    %c0_i32_0 = arith.constant 0 : i32
    return %arg0, %c0_i32 : i32, i32
  }
  func.func @transform_1(%arg0: i32) -> (i32, i32) {
    %c0_i32 = arith.constant 0 : i32
    %c0_i32_0 = arith.constant 0 : i32
    return %arg0, %c0_i32 : i32, i32
  }
  func.func @transform_2(%arg0: i32) -> (i32, i32) {
    %c0_i32 = arith.constant 0 : i32
    %c0_i32_0 = arith.constant 0 : i32
    return %arg0, %c0_i32 : i32, i32
  }
  func.func @transform_3(%arg0: i32) -> (i32, i32) {
    %c0_i32 = arith.constant 0 : i32
    %c0_i32_0 = arith.constant 0 : i32
    return %arg0, %c0_i32 : i32, i32
  }
  func.func @transform_4(%arg0: i32) -> (i32, i32) {
    %c0_i32 = arith.constant 0 : i32
    %c0_i32_0 = arith.constant 0 : i32
    return %arg0, %c0_i32 : i32, i32
  }
  func.func @transform_5(%arg0: i32) -> (i32, i32) {
    %c0_i32 = arith.constant 0 : i32
    %c0_i32_0 = arith.constant 0 : i32
    %c0_i32_1 = arith.constant 0 : i32
    return %c0_i32, %c0_i32_0 : i32, i32
  }
  func.func @transform_6(%arg0: i32) -> (i32, i32) {
    %c0_i32 = arith.constant 0 : i32
    %c0_i32_0 = arith.constant 0 : i32
    %c0_i32_1 = arith.constant 0 : i32
    return %c0_i32, %c0_i32_0 : i32, i32
  }
  func.func @transform_7(%arg0: i32) -> (i32, i32) {
    %c0_i32 = arith.constant 0 : i32
    %c0_i32_0 = arith.constant 0 : i32
    return %arg0, %c0_i32 : i32, i32
  }
}

module attributes {stable_mosaic.version = 14 : i64} {
  func.func @_tc_final_body(%arg0: i32, %arg1: memref<512x128xf32, #tpu.memory_space<vmem>>, %arg2: memref<512x128xf32, #tpu.memory_space<vmem>>, %arg3: memref<512x128xf32, #tpu.memory_space<vmem>>, %arg4: memref<512x128xf32, #tpu.memory_space<vmem>>, %arg5: memref<512x128xf32, #tpu.memory_space<vmem>>, %arg6: memref<1x128xf32, #tpu.memory_space<vmem>>, %arg7: memref<1x4x128xi32, #tpu.memory_space<vmem>>, %arg8: memref<128x128xf32, #tpu.memory_space<vmem>>, %arg9: memref<1x128xf32, #tpu.memory_space<vmem>>, %arg10: memref<1x128xf32, #tpu.memory_space<vmem>>, %arg11: memref<1x128xf32, #tpu.memory_space<vmem>>, %arg12: memref<64x128xf32, #tpu.memory_space<vmem>>, %arg13: memref<64x128xf32, #tpu.memory_space<vmem>>, %arg14: memref<64x128xf32, #tpu.memory_space<vmem>>) attributes {dimension_semantics = [#tpu.dimension_semantics<arbitrary>], iteration_bounds = array<i64: 21>, scalar_prefetch = 0 : i64, scratch_operands = 2 : i64, tpu.core_type = #tpu.core_type<tc>, window_params = [{transform_indices = @transform_0, window_bounds = array<i64: 512, 128>}, {transform_indices = @transform_1, window_bounds = array<i64: 512, 128>}, {transform_indices = @transform_2, window_bounds = array<i64: 512, 128>}, {transform_indices = @transform_3, window_bounds = array<i64: 512, 128>}, {transform_indices = @transform_4, window_bounds = array<i64: 512, 128>}, {pipeline_mode = #tpu.pipeline_mode<synchronous>, transform_indices = @transform_5, window_bounds = array<i64: 1, 128>}, {transform_indices = @transform_6, window_bounds = array<i64: 1, 4, 128>}, {pipeline_mode = #tpu.pipeline_mode<synchronous>, transform_indices = @transform_7, window_bounds = array<i64: 128, 128>}, {pipeline_mode = #tpu.pipeline_mode<synchronous>, transform_indices = @transform_8, window_bounds = array<i64: 1, 128>}, {pipeline_mode = #tpu.pipeline_mode<synchronous>, transform_indices = @transform_9, window_bounds = array<i64: 1, 128>}, {pipeline_mode = #tpu.pipeline_mode<synchronous>, transform_indices = @transform_10, window_bounds = array<i64: 1, 128>}, {pipeline_mode = #tpu.pipeline_mode<synchronous>, transform_indices = @transform_11, window_bounds = array<i64: 64, 128>}]} {
    %eq3A = arith.constant 0 : i32
    %eq3A_0 = arith.cmpi eq, %arg0, %eq3A : i32
    %convert_element_type3A = arith.extui %eq3A_0 : i1 to i32
    %cond3A = arith.constant 0 : i32
    %cond3A_1 = arith.cmpi ne, %convert_element_type3A, %cond3A : i32
    scf.if %cond3A_1 {
      %broadcast_in_dim3A_117 = arith.constant 0.000000e+00 : f32
      %broadcast_in_dim3A_118 = vector.broadcast %broadcast_in_dim3A_117 : f32 to vector<64x128xf32>
      %swap3A_119 = arith.constant 0 : index
      %swap3A_120 = arith.constant 0 : index
      %swap3A_121 = vector.load %arg13[%swap3A_119, %swap3A_120] : memref<64x128xf32, #tpu.memory_space<vmem>>, vector<64x128xf32>
      tpu.vector_store %arg13[%swap3A_119, %swap3A_120], %broadcast_in_dim3A_118 {strides = array<i32>} : memref<64x128xf32, #tpu.memory_space<vmem>>, vector<64x128xf32>,
      %broadcast_in_dim3A_122 = arith.constant 0.000000e+00 : f32
      %broadcast_in_dim3A_123 = vector.broadcast %broadcast_in_dim3A_122 : f32 to vector<64x128xf32>
      %swap3A_124 = arith.constant 0 : index
      %swap3A_125 = arith.constant 0 : index
      %swap3A_126 = vector.load %arg14[%swap3A_124, %swap3A_125] : memref<64x128xf32, #tpu.memory_space<vmem>>, vector<64x128xf32>
      tpu.vector_store %arg14[%swap3A_124, %swap3A_125], %broadcast_in_dim3A_123 {strides = array<i32>} : memref<64x128xf32, #tpu.memory_space<vmem>>, vector<64x128xf32>,
    } else {
    }
    %get3A = arith.constant 0 : index
    %get3A_2 = arith.constant 0 : index
    %get3A_3 = vector.load %arg4[%get3A, %get3A_2] : memref<512x128xf32, #tpu.memory_space<vmem>>, vector<512x1xf32>
    %get3A_4 = arith.constant 0 : index
    %get3A_5 = arith.constant 0 : index
    %get3A_6 = vector.load %arg5[%get3A_4, %get3A_5] : memref<512x128xf32, #tpu.memory_space<vmem>>, vector<512x1xf32>
    %add3A = arith.addf %get3A_3, %get3A_6 : vector<512x1xf32>
    %add3A_7 = arith.constant 1.000000e+00 : f32
    %add3A_8 = vector.broadcast %add3A_7 : f32 to vector<512x1xf32>
    %add3A_9 = arith.addf %add3A, %add3A_8 : vector<512x1xf32>
    %rsqrt3A = math.rsqrt %add3A_9 : vector<512x1xf32>
    %get3A_10 = arith.constant 0 : index
    %get3A_11 = arith.constant 0 : index
    %get3A_12 = vector.load %arg1[%get3A_10, %get3A_11] : memref<512x128xf32, #tpu.memory_space<vmem>>, vector<512x128xf32>
    %get3A_13 = arith.constant 0 : index
    %get3A_14 = arith.constant 0 : index
    %get3A_15 = vector.load %arg2[%get3A_13, %get3A_14] : memref<512x128xf32, #tpu.memory_space<vmem>>, vector<512x128xf32>
    %add3A_16 = arith.addf %get3A_12, %get3A_15 : vector<512x128xf32>
    %get3A_17 = arith.constant 0 : index
    %get3A_18 = arith.constant 0 : index
    %get3A_19 = vector.load %arg3[%get3A_17, %get3A_18] : memref<512x128xf32, #tpu.memory_space<vmem>>, vector<512x128xf32>
    %add3A_20 = arith.addf %add3A_16, %get3A_19 : vector<512x128xf32>
    %mul3A = vector.broadcast %rsqrt3A : vector<512x1xf32> to vector<512x128xf32>
    %mul3A_21 = arith.mulf %mul3A, %add3A_20 : vector<512x128xf32>
    %get3A_22 = arith.constant 0 : index
    %get3A_23 = arith.constant 0 : index
    %get3A_24 = vector.load %arg6[%get3A_22, %get3A_23] : memref<1x128xf32, #tpu.memory_space<vmem>>, vector<1x128xf32>
    %add3A_25 = vector.broadcast %get3A_24 : vector<1x128xf32> to vector<512x128xf32>
    %add3A_26 = arith.addf %mul3A_21, %add3A_25 : vector<512x128xf32>
    %max3A = arith.constant 0.000000e+00 : f32
    %max3A_27 = vector.broadcast %max3A : f32 to vector<512x128xf32>
    %max3A_28 = arith.maximumf %add3A_26, %max3A_27 : vector<512x128xf32>
    %iota3A = tpu.iota {dimensions = array<i32: 0>} : vector<64x128xi32>
    %get3A_29 = arith.constant 0 : index
    %get3A_30 = arith.constant 0 : index
    %get3A_31 = vector.load %arg13[%get3A_29, %get3A_30] : memref<64x128xf32, #tpu.memory_space<vmem>>, vector<64x128xf32>
    %get3A_32 = arith.constant 0 : index
    %get3A_33 = arith.constant 0 : index
    %get3A_34 = vector.load %arg14[%get3A_32, %get3A_33] : memref<64x128xf32, #tpu.memory_space<vmem>>, vector<64x128xf32>
    %get3A_35 = arith.constant 0 : index
    %get3A_36 = arith.constant 0 : index
    %get3A_37 = arith.constant 0 : index
    %get3A_38 = vector.load %arg7[%get3A_35, %get3A_36, %get3A_37] : memref<1x4x128xi32, #tpu.memory_space<vmem>>, vector<1x1x128xi32>
    %get3A_39 = vector.shape_cast %get3A_38 : vector<1x1x128xi32> to vector<128xi32>
    %broadcast_in_dim3A = vector.shape_cast %get3A_39 : vector<128xi32> to vector<1x128xi32>
    %eq3A_40 = vector.broadcast %broadcast_in_dim3A : vector<1x128xi32> to vector<64x128xi32>
    %eq3A_41 = arith.cmpi eq, %iota3A, %eq3A_40 : vector<64x128xi32>
    %convert_element_type3A_42 = arith.extui %eq3A_41 : vector<64x128xi1> to vector<64x128xi32>
    %convert_element_type3A_43 = arith.sitofp %convert_element_type3A_42 : vector<64x128xi32> to vector<64x128xf32>
    %slice3A = vector.extract_strided_slice %max3A_28 {offsets = [0, 0], sizes = [128, 128], strides = [1, 1]} : vector<512x128xf32> to vector<128x128xf32>
    %dot_general3A = arith.constant dense<0.000000e+00> : vector<64x128xf32>
    %dot_general3A_44 = tpu.matmul %convert_element_type3A_43, %slice3A, %dot_general3A {dimension_numbers = #tpu.dot_dimension_numbers<[1], [0], [0], [1], [0, 0, 1, 1], [], []>, transpose_lhs_hint = false} : vector<64x128xf32>, vector<128x128xf32>, vector<64x128xf32> -> vector<64x128xf32>
    %add3A_45 = arith.addf %get3A_31, %dot_general3A_44 : vector<64x128xf32>
    %reduce_sum3A = arith.constant dense<0.000000e+00> : vector<64xf32>
    %reduce_sum3A_46 = vector.multi_reduction <add>, %convert_element_type3A_43, %reduce_sum3A [1] : vector<64x128xf32> to vector<64xf32>
    %broadcast_in_dim3A_47 = vector.shape_cast %reduce_sum3A_46 : vector<64xf32> to vector<64x1xf32>
    %add3A_48 = vector.broadcast %broadcast_in_dim3A_47 : vector<64x1xf32> to vector<64x128xf32>
    %add3A_49 = arith.addf %get3A_34, %add3A_48 : vector<64x128xf32>
    %get3A_50 = arith.constant 0 : index
    %get3A_51 = arith.constant 1 : index
    %get3A_52 = arith.constant 0 : index
    %get3A_53 = vector.load %arg7[%get3A_50, %get3A_51, %get3A_52] : memref<1x4x128xi32, #tpu.memory_space<vmem>>, vector<1x1x128xi32>
    %get3A_54 = vector.shape_cast %get3A_53 : vector<1x1x128xi32> to vector<128xi32>
    %broadcast_in_dim3A_55 = vector.shape_cast %get3A_54 : vector<128xi32> to vector<1x128xi32>
    %eq3A_56 = vector.broadcast %broadcast_in_dim3A_55 : vector<1x128xi32> to vector<64x128xi32>
    %eq3A_57 = arith.cmpi eq, %iota3A, %eq3A_56 : vector<64x128xi32>
    %convert_element_type3A_58 = arith.extui %eq3A_57 : vector<64x128xi1> to vector<64x128xi32>
    %convert_element_type3A_59 = arith.sitofp %convert_element_type3A_58 : vector<64x128xi32> to vector<64x128xf32>
    %slice3A_60 = vector.extract_strided_slice %max3A_28 {offsets = [128, 0], sizes = [128, 128], strides = [1, 1]} : vector<512x128xf32> to vector<128x128xf32>
    %dot_general3A_61 = arith.constant dense<0.000000e+00> : vector<64x128xf32>
    %dot_general3A_62 = tpu.matmul %convert_element_type3A_59, %slice3A_60, %dot_general3A_61 {dimension_numbers = #tpu.dot_dimension_numbers<[1], [0], [0], [1], [0, 0, 1, 1], [], []>, transpose_lhs_hint = false} : vector<64x128xf32>, vector<128x128xf32>, vector<64x128xf32> -> vector<64x128xf32>
    %add3A_63 = arith.addf %add3A_45, %dot_general3A_62 : vector<64x128xf32>
    %reduce_sum3A_64 = arith.constant dense<0.000000e+00> : vector<64xf32>
    %reduce_sum3A_65 = vector.multi_reduction <add>, %convert_element_type3A_59, %reduce_sum3A_64 [1] : vector<64x128xf32> to vector<64xf32>
    %broadcast_in_dim3A_66 = vector.shape_cast %reduce_sum3A_65 : vector<64xf32> to vector<64x1xf32>
    %add3A_67 = vector.broadcast %broadcast_in_dim3A_66 : vector<64x1xf32> to vector<64x128xf32>
    %add3A_68 = arith.addf %add3A_49, %add3A_67 : vector<64x128xf32>
    %get3A_69 = arith.constant 0 : index
    %get3A_70 = arith.constant 2 : index
    %get3A_71 = arith.constant 0 : index
    %get3A_72 = vector.load %arg7[%get3A_69, %get3A_70, %get3A_71] : memref<1x4x128xi32, #tpu.memory_space<vmem>>, vector<1x1x128xi32>
    %get3A_73 = vector.shape_cast %get3A_72 : vector<1x1x128xi32> to vector<128xi32>
    %broadcast_in_dim3A_74 = vector.shape_cast %get3A_73 : vector<128xi32> to vector<1x128xi32>
    %eq3A_75 = vector.broadcast %broadcast_in_dim3A_74 : vector<1x128xi32> to vector<64x128xi32>
    %eq3A_76 = arith.cmpi eq, %iota3A, %eq3A_75 : vector<64x128xi32>
    %convert_element_type3A_77 = arith.extui %eq3A_76 : vector<64x128xi1> to vector<64x128xi32>
    %convert_element_type3A_78 = arith.sitofp %convert_element_type3A_77 : vector<64x128xi32> to vector<64x128xf32>
    %slice3A_79 = vector.extract_strided_slice %max3A_28 {offsets = [256, 0], sizes = [128, 128], strides = [1, 1]} : vector<512x128xf32> to vector<128x128xf32>
    %dot_general3A_80 = arith.constant dense<0.000000e+00> : vector<64x128xf32>
    %dot_general3A_81 = tpu.matmul %convert_element_type3A_78, %slice3A_79, %dot_general3A_80 {dimension_numbers = #tpu.dot_dimension_numbers<[1], [0], [0], [1], [0, 0, 1, 1], [], []>, transpose_lhs_hint = false} : vector<64x128xf32>, vector<128x128xf32>, vector<64x128xf32> -> vector<64x128xf32>
    %add3A_82 = arith.addf %add3A_63, %dot_general3A_81 : vector<64x128xf32>
    %reduce_sum3A_83 = arith.constant dense<0.000000e+00> : vector<64xf32>
    %reduce_sum3A_84 = vector.multi_reduction <add>, %convert_element_type3A_78, %reduce_sum3A_83 [1] : vector<64x128xf32> to vector<64xf32>
    %broadcast_in_dim3A_85 = vector.shape_cast %reduce_sum3A_84 : vector<64xf32> to vector<64x1xf32>
    %add3A_86 = vector.broadcast %broadcast_in_dim3A_85 : vector<64x1xf32> to vector<64x128xf32>
    %add3A_87 = arith.addf %add3A_68, %add3A_86 : vector<64x128xf32>
    %get3A_88 = arith.constant 0 : index
    %get3A_89 = arith.constant 3 : index
    %get3A_90 = arith.constant 0 : index
    %get3A_91 = vector.load %arg7[%get3A_88, %get3A_89, %get3A_90] : memref<1x4x128xi32, #tpu.memory_space<vmem>>, vector<1x1x128xi32>
    %get3A_92 = vector.shape_cast %get3A_91 : vector<1x1x128xi32> to vector<128xi32>
    %broadcast_in_dim3A_93 = vector.shape_cast %get3A_92 : vector<128xi32> to vector<1x128xi32>
    %eq3A_94 = vector.broadcast %broadcast_in_dim3A_93 : vector<1x128xi32> to vector<64x128xi32>
    %eq3A_95 = arith.cmpi eq, %iota3A, %eq3A_94 : vector<64x128xi32>
    %convert_element_type3A_96 = arith.extui %eq3A_95 : vector<64x128xi1> to vector<64x128xi32>
    %convert_element_type3A_97 = arith.sitofp %convert_element_type3A_96 : vector<64x128xi32> to vector<64x128xf32>
    %slice3A_98 = vector.extract_strided_slice %max3A_28 {offsets = [384, 0], sizes = [128, 128], strides = [1, 1]} : vector<512x128xf32> to vector<128x128xf32>
    %dot_general3A_99 = arith.constant dense<0.000000e+00> : vector<64x128xf32>
    %dot_general3A_100 = tpu.matmul %convert_element_type3A_97, %slice3A_98, %dot_general3A_99 {dimension_numbers = #tpu.dot_dimension_numbers<[1], [0], [0], [1], [0, 0, 1, 1], [], []>, transpose_lhs_hint = false} : vector<64x128xf32>, vector<128x128xf32>, vector<64x128xf32> -> vector<64x128xf32>
    %add3A_101 = arith.addf %add3A_82, %dot_general3A_100 : vector<64x128xf32>
    %reduce_sum3A_102 = arith.constant dense<0.000000e+00> : vector<64xf32>
    %reduce_sum3A_103 = vector.multi_reduction <add>, %convert_element_type3A_97, %reduce_sum3A_102 [1] : vector<64x128xf32> to vector<64xf32>
    %broadcast_in_dim3A_104 = vector.shape_cast %reduce_sum3A_103 : vector<64xf32> to vector<64x1xf32>
    %add3A_105 = vector.broadcast %broadcast_in_dim3A_104 : vector<64x1xf32> to vector<64x128xf32>
    %add3A_106 = arith.addf %add3A_87, %add3A_105 : vector<64x128xf32>
    %swap3A = arith.constant 0 : index
    %swap3A_107 = arith.constant 0 : index
    %swap3A_108 = vector.load %arg13[%swap3A, %swap3A_107] : memref<64x128xf32, #tpu.memory_space<vmem>>, vector<64x128xf32>
    tpu.vector_store %arg13[%swap3A, %swap3A_107], %add3A_101 {strides = array<i32>} : memref<64x128xf32, #tpu.memory_space<vmem>>, vector<64x128xf32>,
    %swap3A_109 = arith.constant 0 : index
    %swap3A_110 = arith.constant 0 : index
    %swap3A_111 = vector.load %arg14[%swap3A_109, %swap3A_110] : memref<64x128xf32, #tpu.memory_space<vmem>>, vector<64x128xf32>
    tpu.vector_store %arg14[%swap3A_109, %swap3A_110], %add3A_106 {strides = array<i32>} : memref<64x128xf32, #tpu.memory_space<vmem>>, vector<64x128xf32>,
    %eq3A_112 = arith.constant 20 : i32
    %eq3A_113 = arith.cmpi eq, %arg0, %eq3A_112 : i32
    %convert_element_type3A_114 = arith.extui %eq3A_113 : i1 to i32
    %cond3A_115 = arith.constant 0 : i32
    %cond3A_116 = arith.cmpi ne, %convert_element_type3A_114, %cond3A_115 : i32
    scf.if %cond3A_116 {
      %get3A_117 = arith.constant 0 : index
      %get3A_118 = arith.constant 0 : index
      %get3A_119 = vector.load %arg13[%get3A_117, %get3A_118] : memref<64x128xf32, #tpu.memory_space<vmem>>, vector<64x128xf32>
      %get3A_120 = arith.constant 0 : index
      %get3A_121 = arith.constant 0 : index
      %get3A_122 = vector.load %arg14[%get3A_120, %get3A_121] : memref<64x128xf32, #tpu.memory_space<vmem>>, vector<64x128xf32>
      %max3A_123 = arith.constant 1.000000e+00 : f32
      %max3A_124 = vector.broadcast %max3A_123 : f32 to vector<64x128xf32>
      %max3A_125 = arith.maximumf %get3A_122, %max3A_124 : vector<64x128xf32>
      %div3A = arith.divf %get3A_119, %max3A_125 : vector<64x128xf32>
      %get3A_126 = arith.constant 0 : index
      %get3A_127 = arith.constant 0 : index
      %get3A_128 = vector.load %arg8[%get3A_126, %get3A_127] : memref<128x128xf32, #tpu.memory_space<vmem>>, vector<128x128xf32>
      %dot_general3A_129 = arith.constant dense<0.000000e+00> : vector<64x128xf32>
      %dot_general3A_130 = tpu.matmul %div3A, %get3A_128, %dot_general3A_129 {dimension_numbers = #tpu.dot_dimension_numbers<[1], [0], [0], [1], [0, 0, 1, 1], [], []>, transpose_lhs_hint = false} : vector<64x128xf32>, vector<128x128xf32>, vector<64x128xf32> -> vector<64x128xf32>
      %get3A_131 = arith.constant 0 : index
      %get3A_132 = arith.constant 0 : index
      %get3A_133 = vector.load %arg9[%get3A_131, %get3A_132] : memref<1x128xf32, #tpu.memory_space<vmem>>, vector<1x128xf32>
      %add3A_134 = vector.broadcast %get3A_133 : vector<1x128xf32> to vector<64x128xf32>
      %add3A_135 = arith.addf %dot_general3A_130, %add3A_134 : vector<64x128xf32>
      %max3A_136 = arith.constant 0.000000e+00 : f32
      %max3A_137 = vector.broadcast %max3A_136 : f32 to vector<64x128xf32>
      %max3A_138 = arith.maximumf %add3A_135, %max3A_137 : vector<64x128xf32>
      %get3A_139 = arith.constant 0 : index
      %get3A_140 = arith.constant 0 : index
      %get3A_141 = vector.load %arg10[%get3A_139, %get3A_140] : memref<1x128xf32, #tpu.memory_space<vmem>>, vector<1x128xf32>
      %mul3A_142 = vector.broadcast %get3A_141 : vector<1x128xf32> to vector<64x128xf32>
      %mul3A_143 = arith.mulf %max3A_138, %mul3A_142 : vector<64x128xf32>
      %reduce_sum3A_144 = arith.constant dense<0.000000e+00> : vector<64xf32>
      %reduce_sum3A_145 = vector.multi_reduction <add>, %mul3A_143, %reduce_sum3A_144 [1] : vector<64x128xf32> to vector<64xf32>
      %broadcast_in_dim3A_146 = vector.shape_cast %reduce_sum3A_145 : vector<64xf32> to vector<64x1xf32>
      %broadcast_in_dim3A_147 = vector.shape_cast %broadcast_in_dim3A_146 : vector<64x1xf32> to vector<64x1xf32>
      %broadcast_in_dim3A_148 = vector.broadcast %broadcast_in_dim3A_147 : vector<64x1xf32> to vector<64x128xf32>
      %get3A_149 = arith.constant 0 : index
      %get3A_150 = arith.constant 0 : index
      %get3A_151 = vector.load %arg11[%get3A_149, %get3A_150] : memref<1x128xf32, #tpu.memory_space<vmem>>, vector<1x128xf32>
      %add3A_152 = vector.broadcast %get3A_151 : vector<1x128xf32> to vector<64x128xf32>
      %add3A_153 = arith.addf %broadcast_in_dim3A_148, %add3A_152 : vector<64x128xf32>
      %swap3A_154 = arith.constant 0 : index
      %swap3A_155 = arith.constant 0 : index
      %swap3A_156 = vector.load %arg12[%swap3A_154, %swap3A_155] : memref<64x128xf32, #tpu.memory_space<vmem>>, vector<64x128xf32>
      tpu.vector_store %arg12[%swap3A_154, %swap3A_155], %add3A_153 {strides = array<i32>} : memref<64x128xf32, #tpu.memory_space<vmem>>, vector<64x128xf32>,
    } else {
    }
    return
  }
  func.func @transform_0(%arg0: i32) -> (i32, i32) {
    %c0_i32 = arith.constant 0 : i32
    %c0_i32_0 = arith.constant 0 : i32
    return %arg0, %c0_i32 : i32, i32
  }
  func.func @transform_1(%arg0: i32) -> (i32, i32) {
    %c0_i32 = arith.constant 0 : i32
    %c0_i32_0 = arith.constant 0 : i32
    return %arg0, %c0_i32 : i32, i32
  }
  func.func @transform_2(%arg0: i32) -> (i32, i32) {
    %c0_i32 = arith.constant 0 : i32
    %c0_i32_0 = arith.constant 0 : i32
    return %arg0, %c0_i32 : i32, i32
  }
  func.func @transform_3(%arg0: i32) -> (i32, i32) {
    %c0_i32 = arith.constant 0 : i32
    %c0_i32_0 = arith.constant 0 : i32
    return %arg0, %c0_i32 : i32, i32
  }
  func.func @transform_4(%arg0: i32) -> (i32, i32) {
    %c0_i32 = arith.constant 0 : i32
    %c0_i32_0 = arith.constant 0 : i32
    return %arg0, %c0_i32 : i32, i32
  }
  func.func @transform_5(%arg0: i32) -> (i32, i32) {
    %c0_i32 = arith.constant 0 : i32
    %c0_i32_0 = arith.constant 0 : i32
    %c0_i32_1 = arith.constant 0 : i32
    return %c0_i32, %c0_i32_0 : i32, i32
  }
  func.func @transform_6(%arg0: i32) -> (i32, i32, i32) {
    %c0_i32 = arith.constant 0 : i32
    %c0_i32_0 = arith.constant 0 : i32
    %c0_i32_1 = arith.constant 0 : i32
    return %arg0, %c0_i32, %c0_i32_0 : i32, i32, i32
  }
  func.func @transform_7(%arg0: i32) -> (i32, i32) {
    %c0_i32 = arith.constant 0 : i32
    %c0_i32_0 = arith.constant 0 : i32
    %c0_i32_1 = arith.constant 0 : i32
    return %c0_i32, %c0_i32_0 : i32, i32
  }
  func.func @transform_8(%arg0: i32) -> (i32, i32) {
    %c0_i32 = arith.constant 0 : i32
    %c0_i32_0 = arith.constant 0 : i32
    %c0_i32_1 = arith.constant 0 : i32
    return %c0_i32, %c0_i32_0 : i32, i32
  }
  func.func @transform_9(%arg0: i32) -> (i32, i32) {
    %c0_i32 = arith.constant 0 : i32
    %c0_i32_0 = arith.constant 0 : i32
    %c0_i32_1 = arith.constant 0 : i32
    return %c0_i32, %c0_i32_0 : i32, i32
  }
  func.func @transform_10(%arg0: i32) -> (i32, i32) {
    %c0_i32 = arith.constant 0 : i32
    %c0_i32_0 = arith.constant 0 : i32
    %c0_i32_1 = arith.constant 0 : i32
    return %c0_i32, %c0_i32_0 : i32, i32
  }
  func.func @transform_11(%arg0: i32) -> (i32, i32) {
    %c0_i32 = arith.constant 0 : i32
    %c0_i32_0 = arith.constant 0 : i32
    %c0_i32_1 = arith.constant 0 : i32
    return %c0_i32, %c0_i32_0 : i32, i32
  }
}

</mosaic_0001>

<sc_bundles>
// kernel: kernel.10.cloned.1.call-start
scs
__scs_entry_jumppad:
0x0: {  	(pc) =	sbr.rel $0x88, $3  }
0x1: {  	(tag) =	ssettag $0x0;
	lr =	simm.s32 $0x1  }
0x2: {  	[smem:$0x3F93] =	sst lr;
	_ =	strace $0xD0000000  }
0x3: {  	_ = 	snop  }
0x4: {  	_ = 	snop  }
0x5: {  	_ = 	snop  }
0x6: {  	_ = 	snop  }
0x7: {  	_ = 	snop  }
__scs_overlays_trampoline_lowered:
0x8: {  	[smem:$0x3FA2] =	sst s0  }
0x9: {  	[smem:$0x3FA3] =	sst s1  }
0xa: {  	[smem:$0x3FA4] =	sst s2  }
0xb: {  	[smem:$0x3FA5] =	sst s3  }
0xc: {  	[smem:$0x3FA6] =	sst s4  }
0xd: {  	[smem:$0x3FA7] =	sst s5  }
0xe: {  	[smem:$0x3FA8] =	sst s6  }
0xf: {  	[smem:$0x3FA9] =	sst s7  }
0x10: {  	[smem:$0x3FAA] =	sst s8  }
0x11: {  	[smem:$0x3FAB] =	sst s9;
	s0 =	simm.s32 @!p0 $0x0  }
0x12: {  	s1 =	sld [smem:$0x3F91];
	s0 =	simm.s32 @p0 $0x1  }
0x13: {  	[smem:$0x3FAC] =	sst s0;
	s0 =	simm.s32 @!p1 $0x0  }
0x14: {  	s2 =	sld [smem:$0x3F90];
	s0 =	simm.s32 @p1 $0x1  }
0x15: {  	[smem:$0x3FAD] =	sst s0;
	s0 =	simm.s32 @!p2 $0x0  }
0x16: {  	s3 =	sld [smem:$0x3FDB];
	s0 =	simm.s32 @p2 $0x1  }
0x17: {  	s4 =	simm.s32 $0x1BF5;
	[smem:$0x3FAF] =	sst s0  }
0x18: {  	s0 =	sld [smem:$0x3F92];
	_ =	swait.ge [sflag:s4], $0x0  }
0x19: {  	s7 =	sld [smem:$0x3F93]  }
0x1a: {  	s8 =	sadd.s32 $0xFFFFE003, lr  }
0x1b: {  	s9 =	sadd.s32 $0xFFFFFEF7, lr;
	s5 =	simm.s32 $0xFFFFFFFF;
	p2 =	slt.u32 s8, $0xFFFFF086  }
0x1c: {  	p1 =	slt.u32 s9, $0xF7A;
	s5 =	simm.s32 @!p2 $0x0  }
0x1d: {  	s5 =	simm.s32 @p1 $0x1;
	p0 =	seq.s32 s7, s2  }
0x1e: {  	s7 =	smul.u32 @!p0 $0xF7A, s2;
	p2 =	seq.s32 @!p0 s5, $0x0  }
0x1f: {  	s9 =	smul.u32 $0xF7A, s1;
	s8 =	simm.s32 @!p0 $0x1BF5;
	p2 =	por !p2, p0  }
0x20: {  	[sflag:s8] =	ssyncset.s32 @!p0 $0xFFFFF086;
	s6 =	sadd.s32 @!p0 s3, s7;
	s7 =	simm.s32 @!p0 $0x108  }
0x21: {  	s3 =	sadd.s32 s3, s9;
	s6 =	sadd.s32 @!p0 $0x88, s6;
	s7 =	simm.s32 @p2 $0x1082  }
0x22: {  	[simem:s7], [sflag:s8] =	dma.local @!p0 [hbm:s6], $0xF7A  }
0x23: {  	s9 =	sor.u32 $0xD0000000, s2;
	s6 =	simm.s32 $0x108;
	_ =	swait.ge @!p0 [sflag:s8], $0x0  }
0x24: {  	s3 =	sadd.s32 $0x88, s3;
	s6 =	simm.s32 @!p1 $0x1082;
	[sflag:s4] =	ssyncset.s32 $0xFFFFF086  }
0x25: {  	[simem:s6], [sflag:s4] =	dma.local [hbm:s3], $0xF7A  }
0x26: {  	[smem:$0x3F93] =	sst s1;
	(tag) =	ssettag s2;
	_ =	strace s9  }
0x27: {  	s1 =	sld [smem:$0x3FA3]  }
0x28: {  	s2 =	sld [smem:$0x3FA4]  }
0x29: {  	s4 =	sld [smem:$0x3FA6]  }
0x2a: {  	p0 =	seq.s32 s5, $0x0;
	s5 =	sld [smem:$0x3FA7]  }
0x2b: {  	s6 =	sld [smem:$0x3FA8]  }
0x2c: {  	s7 =	sld [smem:$0x3FA9]  }
0x2d: {  	s3 =	simm.s32 $0x108;
	s8 =	sld [smem:$0x3FAA]  }
0x2e: {  	s3 =	simm.s32 @!p0 $0x1082;
	s9 =	sld [smem:$0x3FAB]  }
0x2f: {  	lr =	sadd.s32 s0, s3;
	s0 =	sld [smem:$0x3FA2]  }
0x30: {  	s3 =	sld [smem:$0x3FA5]  }
0x31: {  	[smem:$0x3FAE] =	sst s10  }
0x32: {  	s10 =	sld [smem:$0x3FAC];
	_ =	sdelay $0x3  }
0x33: {  	p0 =	seq.s32 s10, $0x1;
	s10 =	sld [smem:$0x3FAE];
	_ =	sdelay $0x3  }
0x34: {  	[smem:$0x3FAE] =	sst s10  }
0x35: {  	s10 =	sld [smem:$0x3FAD];
	_ =	sdelay $0x3  }
0x36: {  	p1 =	seq.s32 s10, $0x1;
	s10 =	sld [smem:$0x3FAE];
	_ =	sdelay $0x3  }
0x37: {  	[smem:$0x3FAE] =	sst s10  }
0x38: {  	s10 =	sld [smem:$0x3FAF]  }
0x39: {  	_ = 	snop;
	(pc) =	sbr.ind lr, $3  }
0x3a: {  	_ = 	snop  }
0x3b: {  	_ = 	snop  }
0x3c: {  	p2 =	seq.s32 s10, $0x1;
	s10 =	sld [smem:$0x3FAE]  }
0x3d: {  	_ =	shalt  }
0x3e: {  	_ =	shalt  }
0x3f: {  	_ =	shalt  }
0x40: {  	_ =	shalt  }
0x41: {  	_ =	shalt  }
0x42: {  	_ =	shalt  }
0x43: {  	_ =	shalt  }
0x44: {  	_ =	shalt  }
0x45: {  	_ =	shalt  }
0x46: {  	_ =	shalt  }
0x47: {  	_ =	shalt  }
0x48: {  	_ =	shalt  }
0x49: {  	_ =	shalt  }
0x4a: {  	_ =	shalt  }
0x4b: {  	_ =	shalt  }
0x4c: {  	_ =	shalt  }
0x4d: {  	_ =	shalt  }
0x4e: {  	_ =	shalt  }
0x4f: {  	_ =	shalt  }
0x50: {  	_ =	shalt  }
0x51: {  	_ =	shalt  }
0x52: {  	_ =	shalt  }
0x53: {  	_ =	shalt  }
0x54: {  	_ =	shalt  }
0x55: {  	_ =	shalt  }
0x56: {  	_ =	shalt  }
0x57: {  	_ =	shalt  }
0x58: {  	_ =	shalt  }
0x59: {  	_ =	shalt  }
0x5a: {  	_ =	shalt  }
0x5b: {  	_ =	shalt  }
0x5c: {  	_ =	shalt  }
0x5d: {  	_ =	shalt  }
0x5e: {  	_ =	shalt  }
0x5f: {  	_ =	shalt  }
0x60: {  	_ =	shalt  }
0x61: {  	_ =	shalt  }
0x62: {  	_ =	shalt  }
0x63: {  	_ =	shalt  }
0x64: {  	_ =	shalt  }
0x65: {  	_ =	shalt  }
0x66: {  	_ =	shalt  }
0x67: {  	_ =	shalt  }
0x68: {  	_ =	shalt  }
0x69: {  	_ =	shalt  }
0x6a: {  	_ =	shalt  }
0x6b: {  	_ =	shalt  }
0x6c: {  	_ =	shalt  }
0x6d: {  	_ =	shalt  }
0x6e: {  	_ =	shalt  }
0x6f: {  	_ =	shalt  }
0x70: {  	_ =	shalt  }
0x71: {  	_ =	shalt  }
0x72: {  	_ =	shalt  }
0x73: {  	_ =	shalt  }
0x74: {  	_ =	shalt  }
0x75: {  	_ =	shalt  }
0x76: {  	_ =	shalt  }
0x77: {  	_ =	shalt  }
0x78: {  	_ =	shalt  }
0x79: {  	_ =	shalt  }
0x7a: {  	_ =	shalt  }
0x7b: {  	_ =	shalt  }
0x7c: {  	_ =	shalt  }
0x7d: {  	_ =	shalt  }
0x7e: {  	_ =	shalt  }
0x7f: {  	_ =	shalt  }
0x80: {  	_ =	shalt  }
0x81: {  	_ =	shalt  }
0x82: {  	_ =	shalt  }
0x83: {  	_ =	shalt  }
0x84: {  	_ =	shalt  }
0x85: {  	_ =	shalt  }
0x86: {  	_ =	shalt  }
0x87: {  	_ =	shalt  }
.Lfunc_end0:
.L_simem_size_0:
called_computation_lowered:
.L_overlay_start_0:
0x88: {  	s2 =	sld [smem:$0x3FD9]  }
0x89: {  	s3 =	sld [smem:$0x3FFE];
	_ =	sdelay $0x1  }
0x8a: {  	s1 =	srdreg.scid  }
0x8b: {  	s0 =	sand.u32 $0x1, s1  }
0x8c: {  	s17 =	sshll.u32 s0, $0xA;
	s2 =	sadd.s32 s3, s2  }
0x8d: {  	s2 =	sadd.s32 s2, s17  }
0x8e: {  	[smem:$0x3FBA] =	sst s2  }
0x8f: {  	_ = 	snop  }
0x90: {  	s2 =	sld [smem:$0x3FC6];
	(tm) =	ssettm $0x1  }
0x91: {  	s18 =	sld [smem:$0x3FFB];
	_ =	sdelay $0x3  }
0x92: {  	_ =	strace s18  }
0x93: {  	s3 =	sld [smem:$0x3FFC];
	_ =	sdelay $0x3  }
0x94: {  	_ =	strace s3  }
0x95: {  	s3 =	sld [smem:$0x3FFD];
	_ =	sdelay $0x3  }
0x96: {  	_ =	strace s3  }
0x97: {  	_ =	strace $0x8FFFFFFF  }
0x98: {  	s19 =	sld [smem:$0x3FDB];
	_ =	sdelay $0x1  }
0x99: {  	s4 =	simm.s32 $_scs_section_size  }
0x9a: {  	s5 =	simm.s32 $_size__tile_overlayer_lowered;
	s6 =	simm.s32 $_tile_overlayer_lowered  }
0x9b: {  	s22 =	simm.s32 $0x1BFF;
	s21 =	sshll.u32 s6, $0x1;
	s3 =	sadd.s32 s4, s19  }
0x9c: {  	s7 =	simm.s32 $0x0;
	s20 =	sshll.u32 s5, $0x1;
	s5 =	sadd.s32 s21, s3  }
0x9d: {  	[timem:s7], [sflag:s22] =	dma.local [hbm:s5], s20  }
0x9e: {  	_ =	swait.ge [sflag:s22], s20  }
0x9f: {  	s4 =	ssub.s32 $0x0, s20;
	[sflag:s22] =	ssyncset.done $0x0  }
0xa0: {  	[sflag:s22] =	ssyncadd.s32 s4;
	_ =	sdelay $0x1  }
0xa1: {  	s23 =	simm.s32 $0x1B8B  }
0xa2: {  	_ =	swait.ge [sflag:s23], $0x1  }
0xa3: {  	[sflag:s23] =	ssyncset.done $0x0  }
0xa4: {  	s25 =	simm.s32 $0x1B8E;
	s24 =	sld [smem:$0x3FFE];
	[sflag:s23] =	ssyncadd.s32 $0xFFFFFFFF  }
0xa5: {  	s26 =	simm.s32 $execute0_lowered;
	[smem:$0x3FD2] =	sst s25  }
0xa6: {  	s5 =	sshll.u32 s26, $0x1;
	_ =	strace $0x80000046;
	[dreg:$0x1] =	wrdreg $0xFFFFFFFF  }
0xa7: {  	s28 =	simm.s32 $_size_execute0_lowered;
	s3 =	sadd.s32 s3, s5;
	[dreg:$0x0] =	wrdreg $0x0  }
0xa8: {  	s5 =	sshll.u32 s28, $0x1;
	[dreg:$0x2] =	wrdreg s3  }
0xa9: {  	[dreg:$0x3] =	wrdreg s5  }
0xaa: {  	[dreg:$0x4] =	wrdreg $0xC0  }
0xab: {  	_ =	task [dreg:s7], $0x5FFFF  }
0xac: {  	[dreg:$0x1] =	wrdreg $0xFFFFFFFF  }
0xad: {  	[dreg:$0x0] =	wrdreg $0x60  }
0xae: {  	[dreg:$0x2] =	wrdreg s2  }
0xaf: {  	[dreg:$0x3] =	wrdreg s24  }
0xb0: {  	[dreg:$0x4] =	wrdreg $0x0  }
0xb1: {  	[dreg:$0x5] =	wrdreg $0x9  }
0xb2: {  	_ =	task.clear_ibuf [dreg:s7], $0x6FFFF;
	_ =	strace $0x90000046  }
0xb3: {  	s29 =	simm.s32 $0x9;
	_ =	strace $0x80000048  }
0xb4: {  	_ =	swait.ge [sflag:s29], $0x1  }
0xb5: {  	[sflag:s29] =	ssyncadd.s32 $0xFFFFFFFF  }
0xb6: {  	_ =	strace $0x90000048  }
0xb7: {  	_ =	sfence  }
0xb8: {  	s30 =	sld [smem:$0x0];
	_ =	sdelay $0x2  }
0xb9: {  	s31 =	sshll.u32 s1, $0xD;
	s1 =	sshrl.u32 s1, $0x2  }
0xba: {  	s3 =	sand.u32 $0x4000, s31;
	s1 =	sadd.s32 s1, s30  }
0xbb: {  	s0 =	sor.u32 s3, s0;
	s1 =	sshll.u32 s1, $0x11  }
0xbc: {  	s0 =	sor.u32 s1, s0  }
0xbd: {  	s0 =	sadd.s32 $0x8F2B, s0  }
0xbe: {  	[sflag:s0] =	ssyncadd.remote.s32 $0x1  }
0xbf: {  	_ =	sfence.sel $0xFFFF  }
0xc0: {  	[dreg:$0x0] =	wrdreg $0xFFFFFFFF;
	(pc) =	sbr.abs _section_cstart, $3  }
0xc1: {  	[dreg:$0x1] =	wrdreg $0xFFFFFFFF  }
0xc2: {  	_ =	task.clear_ibuf [dreg:s7], $0x2FFFF;
	_ =	strace $0x9FFFFFFF  }
0xc3: {  	(tm) =	ssettm $0x7FFFFFFF  }
tec
execute0_lowered:
.L_overlay_start_1:
0x0: {  	(tag) =	ssettag $0x1  }
0x1: {  	s1 =	rddreg [dreg:$0x0]  }
0x2: {  	s0 =	srdreg.scid;
	s4 =	rddreg [dreg:$0x1]  }
0x3: {  	s11 =	stileid.u32;
	s3 =	rddreg [dreg:$0x2];
	s7 =	simm.s32 $0x0  }
0x4: {  	s0 =	sand.u32 $0x1, s0;
	s2 =	sshll.u32 s11, $0x1;
	s21 =	smul.u32 $0x15000, s11  }
0x5: {  	s2 =	sor.u32 s0, s2;
	s9 =	ssub.s32 $0x2, s0;
	s0 =	smul.u32 $0x150000, s0  }
0x6: {  	[smem:$0x7FF] =	sst s7;
	s8 =	sadd.s32 $0x69600, s4;
	s5 =	smul.u32 $0x2800, s2  }
0x7: {  	s6 =	smul.u32 $0x180, s2;
	s10 =	sshrl.u32 s9, $0x1;
	s12 =	sadd.s32 $0x14000, s21  }
0x8: {  	s13 =	smul.u32 $0x150, s2;
	s15 =	sadd.s32 $0x4000, s21;
	s17 =	sadd.s32 $0x8000, s21  }
0x9: {  	s18 =	sadd.s32 $0xC000, s21;
	s7 =	sadd.s32 $0x10000, s21;
	s31 =	smul.u32 $0x1500, s2  }
0xa: {  	s9 =	ssub.s32 s9, s10;
	s22 =	sadd.s32 s0, s12;
	s23 =	sadd.s32 s0, s21  }
0xb: {  	s14 =	sadd.s32 s0, s15;
	s25 =	sadd.s32 s0, s17;
	s26 =	sadd.s32 s0, s18  }
0xc: {  	s0 =	sadd.s32 s0, s7;
	s5 =	sshrl.u32 s5, $0x3;
	s6 =	sadd.s32 s6, s4  }
0xd: {  	s10 =	sshrl.u32 s22, $0x3;
	s5 =	sadd.s32 s5, s4;
	s4 =	sadd.s32 $0x15600, s4  }
0xe: {  	s16 =	sadd.s32 $0x100, s13;
	s24 =	sshrl.u32 s14, $0x3;
	s10 =	sadd.s32 s4, s10  }
0xf: {  	s14 =	sadd.s32 s8, s31;
	[dreg:$0x4] =	wrdreg s10;
	s10 =	sshrl.u32 s23, $0x3  }
0x10: {  	s30 =	sshrl.u32 s26, $0x3;
	[dreg:$0xb] =	wrdreg s14;
	s10 =	sadd.s32 s4, s10  }
0x11: {  	s0 =	sshrl.u32 s0, $0x3;
	[dreg:$0x5] =	wrdreg s10;
	s10 =	sadd.s32 s4, s24  }
0x12: {  	s0 =	sadd.s32 s4, s0;
	[dreg:$0x6] =	wrdreg s10;
	s10 =	sshrl.u32 s25, $0x3  }
0x13: {  	s13 =	sadd.s32 $0x80, s13;
	[dreg:$0x9] =	wrdreg s0;
	s10 =	sadd.s32 s4, s10  }
0x14: {  	[dreg:$0x7] =	wrdreg s10;
	s10 =	sadd.s32 s4, s30;
	s4 =	sshll.u32 s16, $0x4  }
0x15: {  	s19 =	sshll.u32 s13, $0x4;
	[dreg:$0x8] =	wrdreg s10;
	s0 =	sadd.s32 s8, s4  }
0x16: {  	[dreg:$0xa] =	wrdreg s0;
	s0 =	sadd.s32 s8, s19  }
0x17: {  	s20 =	sadd.s32 $0x5600, s6;
	[dreg:$0xc] =	wrdreg s0  }
0x18: {  	s21 =	sadd.s32 $0x8600, s6;
	_ =	strace $0x80000047;
	[dreg:$0xd] =	wrdreg s20  }
0x19: {  	s23 =	sadd.s32 $0xB600, s5;
	[dreg:$0xe] =	wrdreg s21  }
0x1a: {  	s24 =	sadd.s32 $0xB880, s5;
	[dreg:$0xf] =	wrdreg s23  }
0x1b: {  	s26 =	sadd.s32 s12, s3;
	s25 =	sshll.u32 s16, $0x7;
	[dreg:$0x10] =	wrdreg s24  }
0x1c: {  	s22 =	smul.u32 $0x2A000, s2;
	s2 =	sadd.s32 s25, s3;
	[dreg:$0x11] =	wrdreg s26  }
0x1d: {  	s11 =	smul.u32 $0x54000, s11;
	s30 =	smax.u32 s9, $0x1;
	[dreg:$0x12] =	wrdreg s2  }
0x1e: {  	s31 =	sadd.s32 s15, s3;
	[dreg:$0x14] =	wrdreg s30  }
0x1f: {  	s11 =	sshrl.u32 s11, $0x2;
	s5 =	sadd.s32 s18, s3;
	[dreg:$0x15] =	wrdreg s31  }
0x20: {  	s7 =	sadd.s32 s7, s3;
	s8 =	sadd.s32 s11, s3;
	[dreg:$0x17] =	wrdreg s5  }
0x21: {  	s9 =	sadd.s32 $0x1000, s8;
	[dreg:$0x18] =	wrdreg s7  }
0x22: {  	s10 =	sadd.s32 $0x2000, s8;
	[dreg:$0x1a] =	wrdreg s9  }
0x23: {  	s11 =	sadd.s32 $0x3000, s8;
	[dreg:$0x1b] =	wrdreg s10  }
0x24: {  	s12 =	sadd.s32 $0x4000, s8;
	[dreg:$0x1c] =	wrdreg s11  }
0x25: {  	s6 =	sshll.u32 s13, $0x7;
	s13 =	sadd.s32 $0x5000, s8;
	[dreg:$0x1d] =	wrdreg s12  }
0x26: {  	s28 =	simm.s32 $0x1;
	s14 =	sadd.s32 $0x6000, s8;
	[dreg:$0x1e] =	wrdreg s13  }
0x27: {  	s29 =	simm.s32 $0x0;
	s15 =	sadd.s32 $0x7000, s8;
	[dreg:$0x1f] =	wrdreg s14  }
0x28: {  	s4 =	simm.s32 $0x7E;
	s16 =	sadd.s32 $0x8000, s8;
	[smem:$0x7EF] =	sst s15  }
0x29: {  	s0 =	sshrl.u32 s22, $0x2;
	s18 =	sadd.s32 $0xA000, s8;
	[smem:$0x7F0] =	sst s16  }
0x2a: {  	s19 =	sadd.s32 $0xB000, s8;
	s22 =	sadd.s32 $0xE000, s8;
	[smem:$0x7F2] =	sst s18  }
0x2b: {  	s25 =	sadd.s32 $0x11000, s8;
	s0 =	sadd.s32 s0, s3;
	[smem:$0x7F3] =	sst s19  }
0x2c: {  	s2 =	sadd.s32 s17, s3;
	s17 =	sadd.s32 $0x9000, s8;
	[smem:$0x7F6] =	sst s22  }
0x2d: {  	s20 =	sadd.s32 $0xC000, s8;
	s21 =	sadd.s32 $0xD000, s8;
	[smem:$0x7F9] =	sst s25  }
0x2e: {  	s23 =	sadd.s32 $0xF000, s8;
	s24 =	sadd.s32 $0x10000, s8;
	[smem:$0x7FC] =	sst s8  }
0x2f: {  	s26 =	sadd.s32 $0x12000, s8;
	s30 =	sadd.s32 $0x13000, s8;
	[dreg:$0x13] =	wrdreg s0  }
0x30: {  	s31 =	sadd.s32 $0x14000, s8;
	s22 =	simm.s32 $0x3;
	[dreg:$0x16] =	wrdreg s2  }
0x31: {  	s25 =	simm.s32 $0x17800;
	s7 =	simm.s32 $0x1B900;
	[smem:$0x7F1] =	sst s17  }
0x32: {  	s8 =	simm.s32 $0x1B980;
	s9 =	simm.s32 $0x1BA00;
	[smem:$0x7F4] =	sst s20  }
0x33: {  	s10 =	simm.s32 $0x1BA80;
	s11 =	simm.s32 $0x1BB00;
	[smem:$0x7F5] =	sst s21  }
0x34: {  	s12 =	simm.s32 $0x1BB80;
	s13 =	simm.s32 $0x1BC00;
	[smem:$0x7F7] =	sst s23  }
0x35: {  	s14 =	simm.s32 $0x1BC80;
	s15 =	simm.s32 $0x1BD00;
	[smem:$0x7F8] =	sst s24  }
0x36: {  	s16 =	simm.s32 $0x1BD80;
	s18 =	simm.s32 $0x1BE80;
	[smem:$0x7FA] =	sst s26  }
0x37: {  	s19 =	simm.s32 $0x1BF00;
	s0 =	sadd.s32 s6, s3;
	[smem:$0x7FB] =	sst s30  }
0x38: {  	[smem:$0x7FD] =	sst s31;
	s21 =	simm.s32 $0x15000;
	s24 =	simm.s32 $0x80  }
0x39: {  	s26 =	simm.s32 $0x2;
	s6 =	simm.s32 $0x1B880;
	s17 =	simm.s32 $0x1BE00  }
0x3a: {  	v0 =	vimm.f32 $0.0e+00;
	v1 =	vimm.f32 $1.000000000e+00;
	s20 =	simm.s32 $0x1BF80;
	s23 =	simm.s32 $0x1C000;
	[dreg:$0x19] =	wrdreg s0  }
.LBB2_1:
0x3b: {  	s30 =	simm.s32 $0x0;
	s31 =	simm.s32 $0x200  }
.LBB2_2:
0x3c: {  	p0 =	sne.s32 s31, $0x3E00;
	[tilespmem:s30+$0x15070] =	vst v0  }
0x3d: {  	[tilespmem:s30+$0x15000] =	vst v0  }
0x3e: {  	[tilespmem:s30+$0x15010] =	vst v0  }
.Ltmp0:
0x3f: {  	[tilespmem:s30+$0x15020] =	vst v0;
	(pc) =	sbr.rel @p0 .LBB2_2-.Ltmp0, $4  }
0x40: {  	[tilespmem:s30+$0x15030] =	vst v0  }
0x41: {  	[tilespmem:s30+$0x15040] =	vst v0  }
0x42: {  	[tilespmem:s30+$0x15050] =	vst v0  }
0x43: {  	[tilespmem:s30+$0x15060] =	vst v0;
	s30 =	sshra.s32 s31, $0x2;
	s31 =	sadd.s32 $0x200, s31  }
0x44: {  	[tilespmem:s30+$0x15070] =	vst v0  }
0x45: {  	[tilespmem:s30+$0x15000] =	vst v0  }
0x46: {  	[tilespmem:s30+$0x15010] =	vst v0  }
0x47: {  	[tilespmem:s30+$0x15020] =	vst v0  }
0x48: {  	[tilespmem:s30+$0x15030] =	vst v0  }
0x49: {  	[tilespmem:s30+$0x15040] =	vst v0  }
0x4a: {  	[tilespmem:s30+$0x15050] =	vst v0  }
0x4b: {  	[tilespmem:s30+$0x15060] =	vst v0;
	s30 =	simm.s32 $0x0;
	s31 =	simm.s32 $0x200  }
.LBB2_4:
0x4c: {  	p0 =	sne.s32 s31, $0xFE00;
	[tilespmem:s30+$0x17870] =	vst v1  }
0x4d: {  	[tilespmem:s30+$0x17800] =	vst v1  }
0x4e: {  	[tilespmem:s30+$0x17810] =	vst v1  }
.Ltmp1:
0x4f: {  	[tilespmem:s30+$0x17820] =	vst v1;
	(pc) =	sbr.rel @p0 .LBB2_4-.Ltmp1, $4  }
0x50: {  	[tilespmem:s30+$0x17830] =	vst v1  }
0x51: {  	[tilespmem:s30+$0x17840] =	vst v1  }
0x52: {  	[tilespmem:s30+$0x17850] =	vst v1  }
0x53: {  	[tilespmem:s30+$0x17860] =	vst v1;
	s30 =	sshra.s32 s31, $0x2;
	s31 =	sadd.s32 $0x200, s31  }
0x54: {  	[tilespmem:s30+$0x17870] =	vst v1  }
0x55: {  	[tilespmem:s30+$0x17800] =	vst v1  }
0x56: {  	[tilespmem:s30+$0x17810] =	vst v1  }
0x57: {  	[tilespmem:s30+$0x17820] =	vst v1  }
0x58: {  	[tilespmem:s30+$0x17830] =	vst v1  }
0x59: {  	[tilespmem:s30+$0x17840] =	vst v1;
	s2 =	sld [smem:$0x7FC]  }
0x5a: {  	[tilespmem:s30+$0x17850] =	vst v1  }
0x5b: {  	[tilespmem:s30+$0x17860] =	vst v1  }
0x5c: {  	[spmem:s2] =	stream.linear.scatter [tilespmem:s21], [sflag:$0x3], $0x1000, $0x38;
	[tilespmem:$0x1CC00] =	vst v63  }
0x5d: {  	_ =	swait.ge [sflag:s22], $0x1000  }
0x5e: {  	[sflag:s22] =	ssyncset.done $0x0  }
0x5f: {  	s0 =	rddreg [dreg:$0x1a];
	[sflag:s22] =	ssyncadd.s32 $0xFFFFF000  }
0x60: {  	[spmem:s0] =	stream.linear.scatter [tilespmem:s21], [sflag:$0x3], $0x1000, $0x38;
	[tilespmem:$0x1CC00] =	vst v63  }
0x61: {  	_ =	swait.ge [sflag:s22], $0x1000  }
0x62: {  	[sflag:s22] =	ssyncset.done $0x0  }
0x63: {  	s5 =	rddreg [dreg:$0x1b];
	[sflag:s22] =	ssyncadd.s32 $0xFFFFF000  }
0x64: {  	[spmem:s5] =	stream.linear.scatter [tilespmem:s21], [sflag:$0x3], $0x1000, $0x38;
	[tilespmem:$0x1CC00] =	vst v63  }
0x65: {  	_ =	swait.ge [sflag:s22], $0x1000  }
0x66: {  	[sflag:s22] =	ssyncset.done $0x0  }
0x67: {  	s5 =	rddreg [dreg:$0x1c];
	[sflag:s22] =	ssyncadd.s32 $0xFFFFF000  }
0x68: {  	[spmem:s5] =	stream.linear.scatter [tilespmem:s21], [sflag:$0x3], $0x1000, $0x38;
	[tilespmem:$0x1CC00] =	vst v63  }
0x69: {  	_ =	swait.ge [sflag:s22], $0x1000  }
0x6a: {  	[sflag:s22] =	ssyncset.done $0x0  }
0x6b: {  	s5 =	rddreg [dreg:$0x1d];
	[sflag:s22] =	ssyncadd.s32 $0xFFFFF000  }
0x6c: {  	[spmem:s5] =	stream.linear.scatter [tilespmem:s21], [sflag:$0x3], $0x1000, $0x38;
	[tilespmem:$0x1CC00] =	vst v63  }
0x6d: {  	_ =	swait.ge [sflag:s22], $0x1000  }
0x6e: {  	[sflag:s22] =	ssyncset.done $0x0  }
0x6f: {  	s5 =	rddreg [dreg:$0x1e];
	[sflag:s22] =	ssyncadd.s32 $0xFFFFF000  }
0x70: {  	[spmem:s5] =	stream.linear.scatter [tilespmem:s21], [sflag:$0x3], $0x1000, $0x38;
	[tilespmem:$0x1CC00] =	vst v63  }
0x71: {  	_ =	swait.ge [sflag:s22], $0x1000  }
0x72: {  	[sflag:s22] =	ssyncset.done $0x0  }
0x73: {  	s5 =	rddreg [dreg:$0x1f];
	[sflag:s22] =	ssyncadd.s32 $0xFFFFF000  }
0x74: {  	[spmem:s5] =	stream.linear.scatter [tilespmem:s21], [sflag:$0x3], $0x1000, $0x38;
	[tilespmem:$0x1CC00] =	vst v63  }
0x75: {  	_ =	swait.ge [sflag:s22], $0x1000  }
0x76: {  	s5 =	sld [smem:$0x7EF]  }
0x77: {  	[sflag:s22] =	ssyncset.done $0x0  }
0x78: {  	[sflag:s22] =	ssyncadd.s32 $0xFFFFF000  }
0x79: {  	[spmem:s5] =	stream.linear.scatter [tilespmem:s21], [sflag:$0x3], $0x1000, $0x38;
	[tilespmem:$0x1CC00] =	vst v63  }
0x7a: {  	_ =	swait.ge [sflag:s22], $0x1000  }
0x7b: {  	s5 =	sld [smem:$0x7F0]  }
0x7c: {  	[sflag:s22] =	ssyncset.done $0x0  }
0x7d: {  	[sflag:s22] =	ssyncadd.s32 $0xFFFFF000  }
0x7e: {  	[spmem:s5] =	stream.linear.scatter [tilespmem:s21], [sflag:$0x3], $0x1000, $0x38;
	[tilespmem:$0x1CC00] =	vst v63  }
0x7f: {  	_ =	swait.ge [sflag:s22], $0x1000  }
0x80: {  	s5 =	sld [smem:$0x7F1]  }
0x81: {  	[sflag:s22] =	ssyncset.done $0x0  }
0x82: {  	[sflag:s22] =	ssyncadd.s32 $0xFFFFF000  }
0x83: {  	[spmem:s5] =	stream.linear.scatter [tilespmem:s21], [sflag:$0x3], $0x1000, $0x38;
	[tilespmem:$0x1CC00] =	vst v63  }
0x84: {  	_ =	swait.ge [sflag:s22], $0x1000  }
0x85: {  	s5 =	sld [smem:$0x7F2]  }
0x86: {  	[sflag:s22] =	ssyncset.done $0x0  }
0x87: {  	[sflag:s22] =	ssyncadd.s32 $0xFFFFF000  }
0x88: {  	[spmem:s5] =	stream.linear.scatter [tilespmem:s21], [sflag:$0x3], $0x1000, $0x38;
	[tilespmem:$0x1CC00] =	vst v63  }
0x89: {  	_ =	swait.ge [sflag:s22], $0x1000  }
0x8a: {  	s5 =	sld [smem:$0x7F3]  }
0x8b: {  	[sflag:s22] =	ssyncset.done $0x0  }
0x8c: {  	[sflag:s22] =	ssyncadd.s32 $0xFFFFF000  }
0x8d: {  	[spmem:s5] =	stream.linear.scatter [tilespmem:s21], [sflag:$0x3], $0x1000, $0x38;
	[tilespmem:$0x1CC00] =	vst v63  }
0x8e: {  	_ =	swait.ge [sflag:s22], $0x1000  }
0x8f: {  	s5 =	sld [smem:$0x7F4]  }
0x90: {  	[sflag:s22] =	ssyncset.done $0x0  }
0x91: {  	[sflag:s22] =	ssyncadd.s32 $0xFFFFF000  }
0x92: {  	[spmem:s5] =	stream.linear.scatter [tilespmem:s21], [sflag:$0x3], $0x1000, $0x38;
	[tilespmem:$0x1CC00] =	vst v63  }
0x93: {  	_ =	swait.ge [sflag:s22], $0x1000  }
0x94: {  	s5 =	sld [smem:$0x7F5]  }
0x95: {  	[sflag:s22] =	ssyncset.done $0x0  }
0x96: {  	[sflag:s22] =	ssyncadd.s32 $0xFFFFF000  }
0x97: {  	[spmem:s5] =	stream.linear.scatter [tilespmem:s21], [sflag:$0x3], $0x1000, $0x38;
	[tilespmem:$0x1CC00] =	vst v63  }
0x98: {  	_ =	swait.ge [sflag:s22], $0x1000  }
0x99: {  	s5 =	sld [smem:$0x7F6]  }
0x9a: {  	[sflag:s22] =	ssyncset.done $0x0  }
0x9b: {  	[sflag:s22] =	ssyncadd.s32 $0xFFFFF000  }
0x9c: {  	[spmem:s5] =	stream.linear.scatter [tilespmem:s21], [sflag:$0x3], $0x1000, $0x38;
	[tilespmem:$0x1CC00] =	vst v63  }
0x9d: {  	_ =	swait.ge [sflag:s22], $0x1000  }
0x9e: {  	s5 =	sld [smem:$0x7F7]  }
0x9f: {  	[sflag:s22] =	ssyncset.done $0x0  }
0xa0: {  	[sflag:s22] =	ssyncadd.s32 $0xFFFFF000  }
0xa1: {  	[spmem:s5] =	stream.linear.scatter [tilespmem:s21], [sflag:$0x3], $0x1000, $0x38;
	[tilespmem:$0x1CC00] =	vst v63  }
0xa2: {  	_ =	swait.ge [sflag:s22], $0x1000  }
0xa3: {  	s5 =	sld [smem:$0x7F8]  }
0xa4: {  	[sflag:s22] =	ssyncset.done $0x0  }
0xa5: {  	[sflag:s22] =	ssyncadd.s32 $0xFFFFF000  }
0xa6: {  	[spmem:s5] =	stream.linear.scatter [tilespmem:s21], [sflag:$0x3], $0x1000, $0x38;
	[tilespmem:$0x1CC00] =	vst v63  }
0xa7: {  	_ =	swait.ge [sflag:s22], $0x1000  }
0xa8: {  	s5 =	sld [smem:$0x7F9]  }
0xa9: {  	[sflag:s22] =	ssyncset.done $0x0  }
0xaa: {  	[sflag:s22] =	ssyncadd.s32 $0xFFFFF000  }
0xab: {  	[spmem:s5] =	stream.linear.scatter [tilespmem:s21], [sflag:$0x3], $0x1000, $0x38;
	[tilespmem:$0x1CC00] =	vst v63  }
0xac: {  	_ =	swait.ge [sflag:s22], $0x1000  }
0xad: {  	s5 =	sld [smem:$0x7FA]  }
0xae: {  	[sflag:s22] =	ssyncset.done $0x0  }
0xaf: {  	[sflag:s22] =	ssyncadd.s32 $0xFFFFF000  }
0xb0: {  	[spmem:s5] =	stream.linear.scatter [tilespmem:s21], [sflag:$0x3], $0x1000, $0x38;
	[tilespmem:$0x1CC00] =	vst v63  }
0xb1: {  	_ =	swait.ge [sflag:s22], $0x1000  }
0xb2: {  	s5 =	sld [smem:$0x7FB]  }
0xb3: {  	[sflag:s22] =	ssyncset.done $0x0  }
0xb4: {  	[sflag:s22] =	ssyncadd.s32 $0xFFFFF000  }
0xb5: {  	[spmem:s5] =	stream.linear.scatter [tilespmem:s21], [sflag:$0x3], $0x1000, $0x38;
	[tilespmem:$0x1CC00] =	vst v63  }
0xb6: {  	_ =	swait.ge [sflag:s22], $0x1000  }
0xb7: {  	s5 =	sld [smem:$0x7FD]  }
0xb8: {  	[sflag:s22] =	ssyncset.done $0x0  }
0xb9: {  	[sflag:s22] =	ssyncadd.s32 $0xFFFFF000  }
0xba: {  	[spmem:s5] =	stream.linear.scatter [tilespmem:s21], [sflag:$0x3], $0x1000, $0x38;
	[tilespmem:$0x1CC00] =	vst v63  }
0xbb: {  	_ =	swait.ge [sflag:s22], $0x1000  }
0xbc: {  	s30 =	simm.s32 $0x0;
	[sflag:s22] =	ssyncset.done $0x0  }
0xbd: {  	s5 =	simm.s32 $0x16000;
	s0 =	rddreg [dreg:$0xd];
	[sflag:s22] =	ssyncadd.s32 $0xFFFFF000  }
0xbe: {  	[tilespmem:s5], [sflag:$0x3] =	stream.linear.gather [hbm4b:s0+s30], $0xC00, $0x38;
	[tilespmem:$0x1CC00] =	vst v63  }
0xbf: {  	_ =	swait.ge [sflag:s22], $0xC00  }
0xc0: {  	[sflag:s22] =	ssyncset.done $0x0  }
0xc1: {  	s5 =	simm.s32 $0x16C00;
	s0 =	rddreg [dreg:$0xe];
	[sflag:s22] =	ssyncadd.s32 $0xFFFFF400  }
0xc2: {  	[tilespmem:s5], [sflag:$0x3] =	stream.linear.gather [hbm4b:s0+s30], $0xC00, $0x38;
	[tilespmem:$0x1CC00] =	vst v63  }
0xc3: {  	_ =	swait.ge [sflag:s22], $0xC00  }
0xc4: {  	[sflag:s22] =	ssyncset.done $0x0  }
0xc5: {  	[sflag:s22] =	ssyncadd.s32 $0xFFFFF400  }
0xc6: {  	[bflag:$0x0] =	sbarrier.arrive $0xFFFF  }
0xc7: {  	s5 =	simm.s32 $0x1B800;
	s0 =	rddreg [dreg:$0xf]  }
0xc8: {  	[tilespmem:s5], [sflag:$0x3] =	stream.linear.gather [hbm4b:s0+s30], $0x1400, $0x38;
	[tilespmem:$0x1CC00] =	vst v63  }
0xc9: {  	_ =	swait.ge [sflag:s22], $0x1400  }
0xca: {  	[sflag:s22] =	ssyncset.done $0x0  }
0xcb: {  	[sflag:s22] =	ssyncadd.s32 $0xFFFFEC00  }
0xcc: {  	[spmem:s3] =	stream.indirect.scatter.add.f32 [tilespmem:s25], [sflag:$0x1], $0x80, s5, s24, $0xb8;
	[tilespmem:$0x1CC00] =	vst v63  }
0xcd: {  	_ = 	snop  }
0xce: {  	[spmem:s3] =	stream.indirect.scatter.add.f32 [tilespmem:s25], [sflag:$0x2], $0x80, s6, s24, $0xb8;
	[tilespmem:$0x1CC00] =	vst v63  }
0xcf: {  	_ = 	snop  }
0xd0: {  	[spmem:s3] =	stream.indirect.scatter.add.f32 [tilespmem:s25], [sflag:$0x1], $0x80, s7, s24, $0xb8;
	[tilespmem:$0x1CC00] =	vst v63  }
0xd1: {  	_ = 	snop  }
0xd2: {  	[spmem:s3] =	stream.indirect.scatter.add.f32 [tilespmem:s25], [sflag:$0x2], $0x80, s8, s24, $0xb8;
	[tilespmem:$0x1CC00] =	vst v63  }
0xd3: {  	_ = 	snop  }
0xd4: {  	[spmem:s3] =	stream.indirect.scatter.add.f32 [tilespmem:s25], [sflag:$0x1], $0x80, s9, s24, $0xb8;
	[tilespmem:$0x1CC00] =	vst v63  }
0xd5: {  	_ = 	snop  }
0xd6: {  	[spmem:s3] =	stream.indirect.scatter.add.f32 [tilespmem:s25], [sflag:$0x2], $0x80, s10, s24, $0xb8;
	[tilespmem:$0x1CC00] =	vst v63  }
0xd7: {  	_ = 	snop  }
0xd8: {  	[spmem:s3] =	stream.indirect.scatter.add.f32 [tilespmem:s25], [sflag:$0x1], $0x80, s11, s24, $0xb8;
	[tilespmem:$0x1CC00] =	vst v63  }
0xd9: {  	_ = 	snop  }
0xda: {  	[spmem:s3] =	stream.indirect.scatter.add.f32 [tilespmem:s25], [sflag:$0x2], $0x80, s12, s24, $0xb8;
	[tilespmem:$0x1CC00] =	vst v63  }
0xdb: {  	_ =	swait.ge [sflag:s28], $0x4000  }
0xdc: {  	[sflag:s28] =	ssyncset.done $0x0  }
0xdd: {  	[sflag:s28] =	ssyncadd.s32 $0xFFFFC000  }
0xde: {  	_ =	swait.ge [sflag:s26], $0x4000  }
0xdf: {  	[sflag:s26] =	ssyncset.done $0x0  }
0xe0: {  	[sflag:s26] =	ssyncadd.s32 $0xFFFFC000  }
0xe1: {  	_ =	swait.ge [sflag:s28], $0x4000  }
0xe2: {  	[sflag:s28] =	ssyncset.done $0x0  }
0xe3: {  	[sflag:s28] =	ssyncadd.s32 $0xFFFFC000  }
0xe4: {  	_ =	swait.ge [sflag:s26], $0x4000  }
0xe5: {  	[sflag:s26] =	ssyncset.done $0x0  }
0xe6: {  	[sflag:s26] =	ssyncadd.s32 $0xFFFFC000  }
0xe7: {  	_ =	swait.ge [sflag:s28], $0x4000  }
0xe8: {  	[sflag:s28] =	ssyncset.done $0x0  }
0xe9: {  	[sflag:s28] =	ssyncadd.s32 $0xFFFFC000  }
0xea: {  	_ =	swait.ge [sflag:s26], $0x4000  }
0xeb: {  	[sflag:s26] =	ssyncset.done $0x0  }
0xec: {  	[sflag:s26] =	ssyncadd.s32 $0xFFFFC000  }
0xed: {  	_ =	swait.ge [sflag:s28], $0x4000  }
0xee: {  	[sflag:s28] =	ssyncset.done $0x0  }
0xef: {  	[sflag:s28] =	ssyncadd.s32 $0xFFFFC000  }
0xf0: {  	_ =	swait.ge [sflag:s26], $0x4000  }
0xf1: {  	[sflag:s26] =	ssyncset.done $0x0  }
0xf2: {  	[sflag:s26] =	ssyncadd.s32 $0xFFFFC000  }
0xf3: {  	[spmem:s3] =	stream.indirect.scatter.add.f32 [tilespmem:s25], [sflag:$0x1], $0x80, s13, s24, $0xb8;
	[tilespmem:$0x1CC00] =	vst v63  }
0xf4: {  	_ = 	snop  }
0xf5: {  	[spmem:s3] =	stream.indirect.scatter.add.f32 [tilespmem:s25], [sflag:$0x2], $0x80, s14, s24, $0xb8;
	[tilespmem:$0x1CC00] =	vst v63  }
0xf6: {  	_ = 	snop  }
0xf7: {  	[spmem:s3] =	stream.indirect.scatter.add.f32 [tilespmem:s25], [sflag:$0x1], $0x80, s15, s24, $0xb8;
	[tilespmem:$0x1CC00] =	vst v63  }
0xf8: {  	_ = 	snop  }
0xf9: {  	[spmem:s3] =	stream.indirect.scatter.add.f32 [tilespmem:s25], [sflag:$0x2], $0x80, s16, s24, $0xb8;
	[tilespmem:$0x1CC00] =	vst v63  }
0xfa: {  	_ = 	snop  }
0xfb: {  	[spmem:s3] =	stream.indirect.scatter.add.f32 [tilespmem:s25], [sflag:$0x1], $0x80, s17, s24, $0xb8;
	[tilespmem:$0x1CC00] =	vst v63  }
0xfc: {  	_ = 	snop  }
0xfd: {  	[spmem:s3] =	stream.indirect.scatter.add.f32 [tilespmem:s25], [sflag:$0x2], $0x80, s18, s24, $0xb8;
	[tilespmem:$0x1CC00] =	vst v63  }
0xfe: {  	_ = 	snop  }
0xff: {  	[spmem:s3] =	stream.indirect.scatter.add.f32 [tilespmem:s25], [sflag:$0x1], $0x80, s19, s24, $0xb8;
	[tilespmem:$0x1CC00] =	vst v63  }
0x100: {  	_ = 	snop  }
0x101: {  	[spmem:s3] =	stream.indirect.scatter.add.f32 [tilespmem:s25], [sflag:$0x2], $0x80, s20, s24, $0xb8;
	[tilespmem:$0x1CC00] =	vst v63  }
0x102: {  	_ =	swait.ge [sflag:s28], $0x4000  }
0x103: {  	[sflag:s28] =	ssyncset.done $0x0  }
0x104: {  	[sflag:s28] =	ssyncadd.s32 $0xFFFFC000  }
0x105: {  	_ =	swait.ge [sflag:s26], $0x4000  }
0x106: {  	[sflag:s26] =	ssyncset.done $0x0  }
0x107: {  	[sflag:s26] =	ssyncadd.s32 $0xFFFFC000  }
0x108: {  	_ =	swait.ge [sflag:s28], $0x4000  }
0x109: {  	[sflag:s28] =	ssyncset.done $0x0  }
0x10a: {  	[sflag:s28] =	ssyncadd.s32 $0xFFFFC000  }
0x10b: {  	_ =	swait.ge [sflag:s26], $0x4000  }
0x10c: {  	[sflag:s26] =	ssyncset.done $0x0  }
0x10d: {  	[sflag:s26] =	ssyncadd.s32 $0xFFFFC000  }
0x10e: {  	_ =	swait.ge [sflag:s28], $0x4000  }
0x10f: {  	[sflag:s28] =	ssyncset.done $0x0  }
0x110: {  	[sflag:s28] =	ssyncadd.s32 $0xFFFFC000  }
0x111: {  	_ =	swait.ge [sflag:s26], $0x4000  }
0x112: {  	[sflag:s26] =	ssyncset.done $0x0  }
0x113: {  	[sflag:s26] =	ssyncadd.s32 $0xFFFFC000  }
0x114: {  	_ =	swait.ge [sflag:s28], $0x4000  }
0x115: {  	[sflag:s28] =	ssyncset.done $0x0  }
0x116: {  	[sflag:s28] =	ssyncadd.s32 $0xFFFFC000  }
0x117: {  	_ =	swait.ge [sflag:s26], $0x4000  }
0x118: {  	[sflag:s26] =	ssyncset.done $0x0  }
0x119: {  	[sflag:s26] =	ssyncadd.s32 $0xFFFFC000  }
0x11a: {  	[spmem:s3] =	stream.indirect.scatter.add.f32 [tilespmem:s25], [sflag:$0x1], $0x80, s23, s24, $0xb8;
	[tilespmem:$0x1CC00] =	vst v63  }
0x11b: {  	s31 =	simm.s32 $0x1C080  }
0x11c: {  	[spmem:s3] =	stream.indirect.scatter.add.f32 [tilespmem:s25], [sflag:$0x2], $0x80, s31, s24, $0xb8;
	[tilespmem:$0x1CC00] =	vst v63  }
0x11d: {  	s0 =	simm.s32 $0x1C100  }
0x11e: {  	[spmem:s3] =	stream.indirect.scatter.add.f32 [tilespmem:s25], [sflag:$0x1], $0x80, s0, s24, $0xb8;
	[tilespmem:$0x1CC00] =	vst v63  }
0x11f: {  	s0 =	simm.s32 $0x1C180  }
0x120: {  	[spmem:s3] =	stream.indirect.scatter.add.f32 [tilespmem:s25], [sflag:$0x2], $0x80, s0, s24, $0xb8;
	[tilespmem:$0x1CC00] =	vst v63  }
0x121: {  	s0 =	simm.s32 $0x1C200  }
0x122: {  	[spmem:s3] =	stream.indirect.scatter.add.f32 [tilespmem:s25], [sflag:$0x1], $0x80, s0, s24, $0xb8;
	[tilespmem:$0x1CC00] =	vst v63  }
0x123: {  	s0 =	simm.s32 $0x1C280  }
0x124: {  	[spmem:s3] =	stream.indirect.scatter.add.f32 [tilespmem:s25], [sflag:$0x2], $0x80, s0, s24, $0xb8;
	[tilespmem:$0x1CC00] =	vst v63  }
0x125: {  	s0 =	simm.s32 $0x1C300  }
0x126: {  	[spmem:s3] =	stream.indirect.scatter.add.f32 [tilespmem:s25], [sflag:$0x1], $0x80, s0, s24, $0xb8;
	[tilespmem:$0x1CC00] =	vst v63  }
0x127: {  	s0 =	simm.s32 $0x1C380  }
0x128: {  	[spmem:s3] =	stream.indirect.scatter.add.f32 [tilespmem:s25], [sflag:$0x2], $0x80, s0, s24, $0xb8;
	[tilespmem:$0x1CC00] =	vst v63  }
0x129: {  	_ =	swait.ge [sflag:s28], $0x4000  }
0x12a: {  	[sflag:s28] =	ssyncset.done $0x0  }
0x12b: {  	[sflag:s28] =	ssyncadd.s32 $0xFFFFC000  }
0x12c: {  	_ =	swait.ge [sflag:s26], $0x4000  }
0x12d: {  	[sflag:s26] =	ssyncset.done $0x0  }
0x12e: {  	[sflag:s26] =	ssyncadd.s32 $0xFFFFC000  }
0x12f: {  	_ =	swait.ge [sflag:s28], $0x4000  }
0x130: {  	[sflag:s28] =	ssyncset.done $0x0  }
0x131: {  	[sflag:s28] =	ssyncadd.s32 $0xFFFFC000  }
0x132: {  	_ =	swait.ge [sflag:s26], $0x4000  }
0x133: {  	[sflag:s26] =	ssyncset.done $0x0  }
0x134: {  	[sflag:s26] =	ssyncadd.s32 $0xFFFFC000  }
0x135: {  	_ =	swait.ge [sflag:s28], $0x4000  }
0x136: {  	[sflag:s28] =	ssyncset.done $0x0  }
0x137: {  	[sflag:s28] =	ssyncadd.s32 $0xFFFFC000  }
0x138: {  	_ =	swait.ge [sflag:s26], $0x4000  }
0x139: {  	[sflag:s26] =	ssyncset.done $0x0  }
0x13a: {  	[sflag:s26] =	ssyncadd.s32 $0xFFFFC000  }
0x13b: {  	_ =	swait.ge [sflag:s28], $0x4000  }
0x13c: {  	[sflag:s28] =	ssyncset.done $0x0  }
0x13d: {  	[sflag:s28] =	ssyncadd.s32 $0xFFFFC000  }
0x13e: {  	_ =	swait.ge [sflag:s26], $0x4000  }
0x13f: {  	[sflag:s26] =	ssyncset.done $0x0  }
0x140: {  	s0 =	simm.s32 $0x1C400;
	[sflag:s26] =	ssyncadd.s32 $0xFFFFC000  }
0x141: {  	[spmem:s3] =	stream.indirect.scatter.add.f32 [tilespmem:s25], [sflag:$0x1], $0x80, s0, s24, $0xb8;
	[tilespmem:$0x1CC00] =	vst v63  }
0x142: {  	s0 =	simm.s32 $0x1C480  }
0x143: {  	[spmem:s3] =	stream.indirect.scatter.add.f32 [tilespmem:s25], [sflag:$0x2], $0x80, s0, s24, $0xb8;
	[tilespmem:$0x1CC00] =	vst v63  }
0x144: {  	s0 =	simm.s32 $0x1C500  }
0x145: {  	[spmem:s3] =	stream.indirect.scatter.add.f32 [tilespmem:s25], [sflag:$0x1], $0x80, s0, s24, $0xb8;
	[tilespmem:$0x1CC00] =	vst v63  }
0x146: {  	s0 =	simm.s32 $0x1C580  }
0x147: {  	[spmem:s3] =	stream.indirect.scatter.add.f32 [tilespmem:s25], [sflag:$0x2], $0x80, s0, s24, $0xb8;
	[tilespmem:$0x1CC00] =	vst v63  }
0x148: {  	s0 =	simm.s32 $0x1C600  }
0x149: {  	[spmem:s3] =	stream.indirect.scatter.add.f32 [tilespmem:s25], [sflag:$0x1], $0x80, s0, s24, $0xb8;
	[tilespmem:$0x1CC00] =	vst v63  }
0x14a: {  	s0 =	simm.s32 $0x1C680  }
0x14b: {  	[spmem:s3] =	stream.indirect.scatter.add.f32 [tilespmem:s25], [sflag:$0x2], $0x80, s0, s24, $0xb8;
	[tilespmem:$0x1CC00] =	vst v63  }
0x14c: {  	s0 =	simm.s32 $0x1C700  }
0x14d: {  	[spmem:s3] =	stream.indirect.scatter.add.f32 [tilespmem:s25], [sflag:$0x1], $0x80, s0, s24, $0xb8;
	[tilespmem:$0x1CC00] =	vst v63  }
0x14e: {  	s0 =	simm.s32 $0x1C780  }
0x14f: {  	[spmem:s3] =	stream.indirect.scatter.add.f32 [tilespmem:s25], [sflag:$0x2], $0x80, s0, s24, $0xb8;
	[tilespmem:$0x1CC00] =	vst v63  }
0x150: {  	_ =	swait.ge [sflag:s28], $0x4000  }
0x151: {  	[sflag:s28] =	ssyncset.done $0x0  }
0x152: {  	[sflag:s28] =	ssyncadd.s32 $0xFFFFC000  }
0x153: {  	_ =	swait.ge [sflag:s26], $0x4000  }
0x154: {  	[sflag:s26] =	ssyncset.done $0x0  }
0x155: {  	[sflag:s26] =	ssyncadd.s32 $0xFFFFC000  }
0x156: {  	_ =	swait.ge [sflag:s28], $0x4000  }
0x157: {  	[sflag:s28] =	ssyncset.done $0x0  }
0x158: {  	[sflag:s28] =	ssyncadd.s32 $0xFFFFC000  }
0x159: {  	_ =	swait.ge [sflag:s26], $0x4000  }
0x15a: {  	[sflag:s26] =	ssyncset.done $0x0  }
0x15b: {  	[sflag:s26] =	ssyncadd.s32 $0xFFFFC000  }
0x15c: {  	_ =	swait.ge [sflag:s28], $0x4000  }
0x15d: {  	[sflag:s28] =	ssyncset.done $0x0  }
0x15e: {  	[sflag:s28] =	ssyncadd.s32 $0xFFFFC000  }
0x15f: {  	_ =	swait.ge [sflag:s26], $0x4000  }
0x160: {  	[sflag:s26] =	ssyncset.done $0x0  }
0x161: {  	[sflag:s26] =	ssyncadd.s32 $0xFFFFC000  }
0x162: {  	_ =	swait.ge [sflag:s28], $0x4000  }
0x163: {  	[sflag:s28] =	ssyncset.done $0x0  }
0x164: {  	[sflag:s28] =	ssyncadd.s32 $0xFFFFC000  }
0x165: {  	_ =	swait.ge [sflag:s26], $0x4000  }
0x166: {  	[sflag:s26] =	ssyncset.done $0x0  }
0x167: {  	s0 =	simm.s32 $0x1C800;
	[sflag:s26] =	ssyncadd.s32 $0xFFFFC000  }
0x168: {  	[spmem:s3] =	stream.indirect.scatter.add.f32 [tilespmem:s25], [sflag:$0x1], $0x80, s0, s24, $0xb8;
	[tilespmem:$0x1CC00] =	vst v63  }
0x169: {  	s0 =	simm.s32 $0x1C880  }
0x16a: {  	[spmem:s3] =	stream.indirect.scatter.add.f32 [tilespmem:s25], [sflag:$0x2], $0x80, s0, s24, $0xb8;
	[tilespmem:$0x1CC00] =	vst v63  }
0x16b: {  	s0 =	simm.s32 $0x1C900  }
0x16c: {  	[spmem:s3] =	stream.indirect.scatter.add.f32 [tilespmem:s25], [sflag:$0x1], $0x80, s0, s24, $0xb8;
	[tilespmem:$0x1CC00] =	vst v63  }
0x16d: {  	s0 =	simm.s32 $0x1C980  }
0x16e: {  	[spmem:s3] =	stream.indirect.scatter.add.f32 [tilespmem:s25], [sflag:$0x2], $0x80, s0, s24, $0xb8;
	[tilespmem:$0x1CC00] =	vst v63  }
0x16f: {  	s0 =	simm.s32 $0x1CA00  }
0x170: {  	[spmem:s3] =	stream.indirect.scatter.add.f32 [tilespmem:s25], [sflag:$0x1], $0x80, s0, s24, $0xb8;
	[tilespmem:$0x1CC00] =	vst v63  }
0x171: {  	s0 =	simm.s32 $0x1CA80  }
0x172: {  	[spmem:s3] =	stream.indirect.scatter.add.f32 [tilespmem:s25], [sflag:$0x2], $0x80, s0, s24, $0xb8;
	[tilespmem:$0x1CC00] =	vst v63  }
0x173: {  	s0 =	simm.s32 $0x1CB00  }
0x174: {  	[spmem:s3] =	stream.indirect.scatter.add.f32 [tilespmem:s25], [sflag:$0x1], $0x80, s0, s24, $0xb8;
	[tilespmem:$0x1CC00] =	vst v63  }
0x175: {  	s0 =	simm.s32 $0x1CB80  }
0x176: {  	[spmem:s3] =	stream.indirect.scatter.add.f32 [tilespmem:s25], [sflag:$0x2], $0x80, s0, s24, $0xb8;
	[tilespmem:$0x1CC00] =	vst v63  }
0x177: {  	_ =	swait.ge [sflag:s28], $0x4000  }
0x178: {  	[sflag:s28] =	ssyncset.done $0x0  }
0x179: {  	[sflag:s28] =	ssyncadd.s32 $0xFFFFC000  }
0x17a: {  	_ =	swait.ge [sflag:s26], $0x4000  }
0x17b: {  	[sflag:s26] =	ssyncset.done $0x0  }
0x17c: {  	[sflag:s26] =	ssyncadd.s32 $0xFFFFC000  }
0x17d: {  	_ =	swait.ge [sflag:s28], $0x4000  }
0x17e: {  	[sflag:s28] =	ssyncset.done $0x0  }
0x17f: {  	[sflag:s28] =	ssyncadd.s32 $0xFFFFC000  }
0x180: {  	_ =	swait.ge [sflag:s26], $0x4000  }
0x181: {  	[sflag:s26] =	ssyncset.done $0x0  }
0x182: {  	[sflag:s26] =	ssyncadd.s32 $0xFFFFC000  }
0x183: {  	_ =	swait.ge [sflag:s28], $0x4000  }
0x184: {  	[sflag:s28] =	ssyncset.done $0x0  }
0x185: {  	[sflag:s28] =	ssyncadd.s32 $0xFFFFC000  }
0x186: {  	_ =	swait.ge [sflag:s26], $0x4000  }
0x187: {  	[sflag:s26] =	ssyncset.done $0x0  }
0x188: {  	[sflag:s26] =	ssyncadd.s32 $0xFFFFC000  }
0x189: {  	_ =	swait.ge [sflag:s28], $0x4000  }
0x18a: {  	[sflag:s28] =	ssyncset.done $0x0  }
0x18b: {  	[sflag:s28] =	ssyncadd.s32 $0xFFFFC000  }
0x18c: {  	_ =	swait.ge [sflag:s26], $0x4000  }
0x18d: {  	[sflag:s26] =	ssyncset.done $0x0  }
0x18e: {  	s0 =	rddreg [dreg:$0x10];
	[sflag:s26] =	ssyncadd.s32 $0xFFFFC000  }
0x18f: {  	[tilespmem:s5], [sflag:$0x3] =	stream.linear.gather [hbm4b:s0+s30], $0x1400, $0x38;
	[tilespmem:$0x1CC00] =	vst v63  }
0x190: {  	_ =	swait.ge [sflag:s22], $0x1400  }
0x191: {  	[sflag:s22] =	ssyncset.done $0x0  }
0x192: {  	[sflag:s22] =	ssyncadd.s32 $0xFFFFEC00  }
0x193: {  	[spmem:s3] =	stream.indirect.scatter.add.f32 [tilespmem:s25], [sflag:$0x1], $0x80, s5, s24, $0xb8;
	[tilespmem:$0x1CC00] =	vst v63  }
0x194: {  	_ = 	snop  }
0x195: {  	[spmem:s3] =	stream.indirect.scatter.add.f32 [tilespmem:s25], [sflag:$0x2], $0x80, s6, s24, $0xb8;
	[tilespmem:$0x1CC00] =	vst v63  }
0x196: {  	_ = 	snop  }
0x197: {  	[spmem:s3] =	stream.indirect.scatter.add.f32 [tilespmem:s25], [sflag:$0x1], $0x80, s7, s24, $0xb8;
	[tilespmem:$0x1CC00] =	vst v63  }
0x198: {  	_ = 	snop  }
0x199: {  	[spmem:s3] =	stream.indirect.scatter.add.f32 [tilespmem:s25], [sflag:$0x2], $0x80, s8, s24, $0xb8;
	[tilespmem:$0x1CC00] =	vst v63  }
0x19a: {  	_ = 	snop  }
0x19b: {  	[spmem:s3] =	stream.indirect.scatter.add.f32 [tilespmem:s25], [sflag:$0x1], $0x80, s9, s24, $0xb8;
	[tilespmem:$0x1CC00] =	vst v63  }
0x19c: {  	_ = 	snop  }
0x19d: {  	[spmem:s3] =	stream.indirect.scatter.add.f32 [tilespmem:s25], [sflag:$0x2], $0x80, s10, s24, $0xb8;
	[tilespmem:$0x1CC00] =	vst v63  }
0x19e: {  	_ = 	snop  }
0x19f: {  	[spmem:s3] =	stream.indirect.scatter.add.f32 [tilespmem:s25], [sflag:$0x1], $0x80, s11, s24, $0xb8;
	[tilespmem:$0x1CC00] =	vst v63  }
0x1a0: {  	_ = 	snop  }
0x1a1: {  	[spmem:s3] =	stream.indirect.scatter.add.f32 [tilespmem:s25], [sflag:$0x2], $0x80, s12, s24, $0xb8;
	[tilespmem:$0x1CC00] =	vst v63  }
0x1a2: {  	_ =	swait.ge [sflag:s28], $0x4000  }
0x1a3: {  	[sflag:s28] =	ssyncset.done $0x0  }
0x1a4: {  	[sflag:s28] =	ssyncadd.s32 $0xFFFFC000  }
0x1a5: {  	_ =	swait.ge [sflag:s26], $0x4000  }
0x1a6: {  	[sflag:s26] =	ssyncset.done $0x0  }
0x1a7: {  	[sflag:s26] =	ssyncadd.s32 $0xFFFFC000  }
0x1a8: {  	_ =	swait.ge [sflag:s28], $0x4000  }
0x1a9: {  	[sflag:s28] =	ssyncset.done $0x0  }
0x1aa: {  	[sflag:s28] =	ssyncadd.s32 $0xFFFFC000  }
0x1ab: {  	_ =	swait.ge [sflag:s26], $0x4000  }
0x1ac: {  	[sflag:s26] =	ssyncset.done $0x0  }
0x1ad: {  	[sflag:s26] =	ssyncadd.s32 $0xFFFFC000  }
0x1ae: {  	_ =	swait.ge [sflag:s28], $0x4000  }
0x1af: {  	[sflag:s28] =	ssyncset.done $0x0  }
0x1b0: {  	[sflag:s28] =	ssyncadd.s32 $0xFFFFC000  }
0x1b1: {  	_ =	swait.ge [sflag:s26], $0x4000  }
0x1b2: {  	[sflag:s26] =	ssyncset.done $0x0  }
0x1b3: {  	[sflag:s26] =	ssyncadd.s32 $0xFFFFC000  }
0x1b4: {  	_ =	swait.ge [sflag:s28], $0x4000  }
0x1b5: {  	[sflag:s28] =	ssyncset.done $0x0  }
0x1b6: {  	[sflag:s28] =	ssyncadd.s32 $0xFFFFC000  }
0x1b7: {  	_ =	swait.ge [sflag:s26], $0x4000  }
0x1b8: {  	[sflag:s26] =	ssyncset.done $0x0  }
0x1b9: {  	[sflag:s26] =	ssyncadd.s32 $0xFFFFC000  }
0x1ba: {  	[spmem:s3] =	stream.indirect.scatter.add.f32 [tilespmem:s25], [sflag:$0x1], $0x80, s13, s24, $0xb8;
	[tilespmem:$0x1CC00] =	vst v63  }
0x1bb: {  	_ = 	snop  }
0x1bc: {  	[spmem:s3] =	stream.indirect.scatter.add.f32 [tilespmem:s25], [sflag:$0x2], $0x80, s14, s24, $0xb8;
	[tilespmem:$0x1CC00] =	vst v63  }
0x1bd: {  	_ = 	snop  }
0x1be: {  	[spmem:s3] =	stream.indirect.scatter.add.f32 [tilespmem:s25], [sflag:$0x1], $0x80, s15, s24, $0xb8;
	[tilespmem:$0x1CC00] =	vst v63  }
0x1bf: {  	_ = 	snop  }
0x1c0: {  	[spmem:s3] =	stream.indirect.scatter.add.f32 [tilespmem:s25], [sflag:$0x2], $0x80, s16, s24, $0xb8;
	[tilespmem:$0x1CC00] =	vst v63  }
0x1c1: {  	_ = 	snop  }
0x1c2: {  	[spmem:s3] =	stream.indirect.scatter.add.f32 [tilespmem:s25], [sflag:$0x1], $0x80, s17, s24, $0xb8;
	[tilespmem:$0x1CC00] =	vst v63  }
0x1c3: {  	_ = 	snop  }
0x1c4: {  	[spmem:s3] =	stream.indirect.scatter.add.f32 [tilespmem:s25], [sflag:$0x2], $0x80, s18, s24, $0xb8;
	[tilespmem:$0x1CC00] =	vst v63  }
0x1c5: {  	_ = 	snop  }
0x1c6: {  	[spmem:s3] =	stream.indirect.scatter.add.f32 [tilespmem:s25], [sflag:$0x1], $0x80, s19, s24, $0xb8;
	[tilespmem:$0x1CC00] =	vst v63  }
0x1c7: {  	_ = 	snop  }
0x1c8: {  	[spmem:s3] =	stream.indirect.scatter.add.f32 [tilespmem:s25], [sflag:$0x2], $0x80, s20, s24, $0xb8;
	[tilespmem:$0x1CC00] =	vst v63  }
0x1c9: {  	_ =	swait.ge [sflag:s28], $0x4000  }
0x1ca: {  	[sflag:s28] =	ssyncset.done $0x0  }
0x1cb: {  	[sflag:s28] =	ssyncadd.s32 $0xFFFFC000  }
0x1cc: {  	_ =	swait.ge [sflag:s26], $0x4000  }
0x1cd: {  	[sflag:s26] =	ssyncset.done $0x0  }
0x1ce: {  	[sflag:s26] =	ssyncadd.s32 $0xFFFFC000  }
0x1cf: {  	_ =	swait.ge [sflag:s28], $0x4000  }
0x1d0: {  	[sflag:s28] =	ssyncset.done $0x0  }
0x1d1: {  	[sflag:s28] =	ssyncadd.s32 $0xFFFFC000  }
0x1d2: {  	_ =	swait.ge [sflag:s26], $0x4000  }
0x1d3: {  	[sflag:s26] =	ssyncset.done $0x0  }
0x1d4: {  	[sflag:s26] =	ssyncadd.s32 $0xFFFFC000  }
0x1d5: {  	_ =	swait.ge [sflag:s28], $0x4000  }
0x1d6: {  	[sflag:s28] =	ssyncset.done $0x0  }
0x1d7: {  	[sflag:s28] =	ssyncadd.s32 $0xFFFFC000  }
0x1d8: {  	_ =	swait.ge [sflag:s26], $0x4000  }
0x1d9: {  	[sflag:s26] =	ssyncset.done $0x0  }
0x1da: {  	[sflag:s26] =	ssyncadd.s32 $0xFFFFC000  }
0x1db: {  	_ =	swait.ge [sflag:s28], $0x4000  }
0x1dc: {  	[sflag:s28] =	ssyncset.done $0x0  }
0x1dd: {  	[sflag:s28] =	ssyncadd.s32 $0xFFFFC000  }
0x1de: {  	_ =	swait.ge [sflag:s26], $0x4000  }
0x1df: {  	[sflag:s26] =	ssyncset.done $0x0  }
0x1e0: {  	[sflag:s26] =	ssyncadd.s32 $0xFFFFC000  }
0x1e1: {  	[spmem:s3] =	stream.indirect.scatter.add.f32 [tilespmem:s25], [sflag:$0x1], $0x80, s23, s24, $0xb8;
	[tilespmem:$0x1CC00] =	vst v63  }
0x1e2: {  	_ = 	snop  }
0x1e3: {  	[spmem:s3] =	stream.indirect.scatter.add.f32 [tilespmem:s25], [sflag:$0x2], $0x80, s31, s24, $0xb8;
	[tilespmem:$0x1CC00] =	vst v63  }
0x1e4: {  	s5 =	simm.s32 $0x1C100  }
0x1e5: {  	[spmem:s3] =	stream.indirect.scatter.add.f32 [tilespmem:s25], [sflag:$0x1], $0x80, s5, s24, $0xb8;
	[tilespmem:$0x1CC00] =	vst v63  }
0x1e6: {  	s5 =	simm.s32 $0x1C180  }
0x1e7: {  	[spmem:s3] =	stream.indirect.scatter.add.f32 [tilespmem:s25], [sflag:$0x2], $0x80, s5, s24, $0xb8;
	[tilespmem:$0x1CC00] =	vst v63  }
0x1e8: {  	s5 =	simm.s32 $0x1C200  }
0x1e9: {  	[spmem:s3] =	stream.indirect.scatter.add.f32 [tilespmem:s25], [sflag:$0x1], $0x80, s5, s24, $0xb8;
	[tilespmem:$0x1CC00] =	vst v63  }
0x1ea: {  	s5 =	simm.s32 $0x1C280  }
0x1eb: {  	[spmem:s3] =	stream.indirect.scatter.add.f32 [tilespmem:s25], [sflag:$0x2], $0x80, s5, s24, $0xb8;
	[tilespmem:$0x1CC00] =	vst v63  }
0x1ec: {  	s5 =	simm.s32 $0x1C300  }
0x1ed: {  	[spmem:s3] =	stream.indirect.scatter.add.f32 [tilespmem:s25], [sflag:$0x1], $0x80, s5, s24, $0xb8;
	[tilespmem:$0x1CC00] =	vst v63  }
0x1ee: {  	s5 =	simm.s32 $0x1C380  }
0x1ef: {  	[spmem:s3] =	stream.indirect.scatter.add.f32 [tilespmem:s25], [sflag:$0x2], $0x80, s5, s24, $0xb8;
	[tilespmem:$0x1CC00] =	vst v63  }
0x1f0: {  	_ =	swait.ge [sflag:s28], $0x4000  }
0x1f1: {  	[sflag:s28] =	ssyncset.done $0x0  }
0x1f2: {  	[sflag:s28] =	ssyncadd.s32 $0xFFFFC000  }
0x1f3: {  	_ =	swait.ge [sflag:s26], $0x4000  }
0x1f4: {  	[sflag:s26] =	ssyncset.done $0x0  }
0x1f5: {  	[sflag:s26] =	ssyncadd.s32 $0xFFFFC000  }
0x1f6: {  	_ =	swait.ge [sflag:s28], $0x4000  }
0x1f7: {  	[sflag:s28] =	ssyncset.done $0x0  }
0x1f8: {  	[sflag:s28] =	ssyncadd.s32 $0xFFFFC000  }
0x1f9: {  	_ =	swait.ge [sflag:s26], $0x4000  }
0x1fa: {  	[sflag:s26] =	ssyncset.done $0x0  }
0x1fb: {  	[sflag:s26] =	ssyncadd.s32 $0xFFFFC000  }
0x1fc: {  	_ =	swait.ge [sflag:s28], $0x4000  }
0x1fd: {  	[sflag:s28] =	ssyncset.done $0x0  }
0x1fe: {  	[sflag:s28] =	ssyncadd.s32 $0xFFFFC000  }
0x1ff: {  	_ =	swait.ge [sflag:s26], $0x4000  }
0x200: {  	[sflag:s26] =	ssyncset.done $0x0  }
0x201: {  	[sflag:s26] =	ssyncadd.s32 $0xFFFFC000  }
0x202: {  	_ =	swait.ge [sflag:s28], $0x4000  }
0x203: {  	[sflag:s28] =	ssyncset.done $0x0  }
0x204: {  	[sflag:s28] =	ssyncadd.s32 $0xFFFFC000  }
0x205: {  	_ =	swait.ge [sflag:s26], $0x4000  }
0x206: {  	[sflag:s26] =	ssyncset.done $0x0  }
0x207: {  	s5 =	simm.s32 $0x1C400;
	[sflag:s26] =	ssyncadd.s32 $0xFFFFC000  }
0x208: {  	[spmem:s3] =	stream.indirect.scatter.add.f32 [tilespmem:s25], [sflag:$0x1], $0x80, s5, s24, $0xb8;
	[tilespmem:$0x1CC00] =	vst v63  }
0x209: {  	s5 =	simm.s32 $0x1C480  }
0x20a: {  	[spmem:s3] =	stream.indirect.scatter.add.f32 [tilespmem:s25], [sflag:$0x2], $0x80, s5, s24, $0xb8;
	[tilespmem:$0x1CC00] =	vst v63  }
0x20b: {  	s5 =	simm.s32 $0x1C500  }
0x20c: {  	[spmem:s3] =	stream.indirect.scatter.add.f32 [tilespmem:s25], [sflag:$0x1], $0x80, s5, s24, $0xb8;
	[tilespmem:$0x1CC00] =	vst v63  }
0x20d: {  	s5 =	simm.s32 $0x1C580  }
0x20e: {  	[spmem:s3] =	stream.indirect.scatter.add.f32 [tilespmem:s25], [sflag:$0x2], $0x80, s5, s24, $0xb8;
	[tilespmem:$0x1CC00] =	vst v63  }
0x20f: {  	s5 =	simm.s32 $0x1C600  }
0x210: {  	[spmem:s3] =	stream.indirect.scatter.add.f32 [tilespmem:s25], [sflag:$0x1], $0x80, s5, s24, $0xb8;
	[tilespmem:$0x1CC00] =	vst v63  }
0x211: {  	s5 =	simm.s32 $0x1C680  }
0x212: {  	[spmem:s3] =	stream.indirect.scatter.add.f32 [tilespmem:s25], [sflag:$0x2], $0x80, s5, s24, $0xb8;
	[tilespmem:$0x1CC00] =	vst v63  }
0x213: {  	s5 =	simm.s32 $0x1C700  }
0x214: {  	[spmem:s3] =	stream.indirect.scatter.add.f32 [tilespmem:s25], [sflag:$0x1], $0x80, s5, s24, $0xb8;
	[tilespmem:$0x1CC00] =	vst v63  }
0x215: {  	s5 =	simm.s32 $0x1C780  }
0x216: {  	[spmem:s3] =	stream.indirect.scatter.add.f32 [tilespmem:s25], [sflag:$0x2], $0x80, s5, s24, $0xb8;
	[tilespmem:$0x1CC00] =	vst v63  }
0x217: {  	_ =	swait.ge [sflag:s28], $0x4000  }
0x218: {  	[sflag:s28] =	ssyncset.done $0x0  }
0x219: {  	[sflag:s28] =	ssyncadd.s32 $0xFFFFC000  }
0x21a: {  	_ =	swait.ge [sflag:s26], $0x4000  }
0x21b: {  	[sflag:s26] =	ssyncset.done $0x0  }
0x21c: {  	[sflag:s26] =	ssyncadd.s32 $0xFFFFC000  }
0x21d: {  	_ =	swait.ge [sflag:s28], $0x4000  }
0x21e: {  	[sflag:s28] =	ssyncset.done $0x0  }
0x21f: {  	[sflag:s28] =	ssyncadd.s32 $0xFFFFC000  }
0x220: {  	_ =	swait.ge [sflag:s26], $0x4000  }
0x221: {  	[sflag:s26] =	ssyncset.done $0x0  }
0x222: {  	[sflag:s26] =	ssyncadd.s32 $0xFFFFC000  }
0x223: {  	_ =	swait.ge [sflag:s28], $0x4000  }
0x224: {  	[sflag:s28] =	ssyncset.done $0x0  }
0x225: {  	[sflag:s28] =	ssyncadd.s32 $0xFFFFC000  }
0x226: {  	_ =	swait.ge [sflag:s26], $0x4000  }
0x227: {  	[sflag:s26] =	ssyncset.done $0x0  }
0x228: {  	[sflag:s26] =	ssyncadd.s32 $0xFFFFC000  }
0x229: {  	_ =	swait.ge [sflag:s28], $0x4000  }
0x22a: {  	[sflag:s28] =	ssyncset.done $0x0  }
0x22b: {  	[sflag:s28] =	ssyncadd.s32 $0xFFFFC000  }
0x22c: {  	_ =	swait.ge [sflag:s26], $0x4000  }
0x22d: {  	[sflag:s26] =	ssyncset.done $0x0  }
0x22e: {  	s5 =	simm.s32 $0x1C800;
	[sflag:s26] =	ssyncadd.s32 $0xFFFFC000  }
0x22f: {  	[spmem:s3] =	stream.indirect.scatter.add.f32 [tilespmem:s25], [sflag:$0x1], $0x80, s5, s24, $0xb8;
	[tilespmem:$0x1CC00] =	vst v63  }
0x230: {  	s5 =	simm.s32 $0x1C880  }
0x231: {  	[spmem:s3] =	stream.indirect.scatter.add.f32 [tilespmem:s25], [sflag:$0x2], $0x80, s5, s24, $0xb8;
	[tilespmem:$0x1CC00] =	vst v63  }
0x232: {  	s5 =	simm.s32 $0x1C900  }
0x233: {  	[spmem:s3] =	stream.indirect.scatter.add.f32 [tilespmem:s25], [sflag:$0x1], $0x80, s5, s24, $0xb8;
	[tilespmem:$0x1CC00] =	vst v63  }
0x234: {  	s5 =	simm.s32 $0x1C980  }
0x235: {  	[spmem:s3] =	stream.indirect.scatter.add.f32 [tilespmem:s25], [sflag:$0x2], $0x80, s5, s24, $0xb8;
	[tilespmem:$0x1CC00] =	vst v63  }
0x236: {  	s5 =	simm.s32 $0x1CA00  }
0x237: {  	[spmem:s3] =	stream.indirect.scatter.add.f32 [tilespmem:s25], [sflag:$0x1], $0x80, s5, s24, $0xb8;
	[tilespmem:$0x1CC00] =	vst v63  }
0x238: {  	s5 =	simm.s32 $0x1CA80  }
0x239: {  	[spmem:s3] =	stream.indirect.scatter.add.f32 [tilespmem:s25], [sflag:$0x2], $0x80, s5, s24, $0xb8;
	[tilespmem:$0x1CC00] =	vst v63  }
0x23a: {  	s5 =	simm.s32 $0x1CB00  }
0x23b: {  	[spmem:s3] =	stream.indirect.scatter.add.f32 [tilespmem:s25], [sflag:$0x1], $0x80, s5, s24, $0xb8;
	[tilespmem:$0x1CC00] =	vst v63  }
0x23c: {  	s5 =	simm.s32 $0x1CB80  }
0x23d: {  	[spmem:s3] =	stream.indirect.scatter.add.f32 [tilespmem:s25], [sflag:$0x2], $0x80, s5, s24, $0xb8;
	[tilespmem:$0x1CC00] =	vst v63  }
0x23e: {  	_ =	swait.ge [sflag:s28], $0x4000  }
0x23f: {  	[sflag:s28] =	ssyncset.done $0x0  }
0x240: {  	[sflag:s28] =	ssyncadd.s32 $0xFFFFC000  }
0x241: {  	_ =	swait.ge [sflag:s26], $0x4000  }
0x242: {  	[sflag:s26] =	ssyncset.done $0x0  }
0x243: {  	[sflag:s26] =	ssyncadd.s32 $0xFFFFC000  }
0x244: {  	_ =	swait.ge [sflag:s28], $0x4000  }
0x245: {  	[sflag:s28] =	ssyncset.done $0x0  }
0x246: {  	[sflag:s28] =	ssyncadd.s32 $0xFFFFC000  }
0x247: {  	_ =	swait.ge [sflag:s26], $0x4000  }
0x248: {  	[sflag:s26] =	ssyncset.done $0x0  }
0x249: {  	[sflag:s26] =	ssyncadd.s32 $0xFFFFC000  }
0x24a: {  	_ =	swait.ge [sflag:s28], $0x4000  }
0x24b: {  	[sflag:s28] =	ssyncset.done $0x0  }
0x24c: {  	[sflag:s28] =	ssyncadd.s32 $0xFFFFC000  }
0x24d: {  	_ =	swait.ge [sflag:s26], $0x4000  }
0x24e: {  	[sflag:s26] =	ssyncset.done $0x0  }
0x24f: {  	[sflag:s26] =	ssyncadd.s32 $0xFFFFC000  }
0x250: {  	_ =	swait.ge [sflag:s28], $0x4000  }
0x251: {  	[sflag:s28] =	ssyncset.done $0x0  }
0x252: {  	[sflag:s28] =	ssyncadd.s32 $0xFFFFC000  }
0x253: {  	_ =	swait.ge [sflag:s26], $0x4000  }
0x254: {  	[sflag:s26] =	ssyncset.done $0x0  }
0x255: {  	[sflag:s26] =	ssyncadd.s32 $0xFFFFC000  }
0x256: {  	[bflag:$0x0] =	sbarrier.arrive $0xFFFF  }
0x257: {  	[tilespmem:s25], [sflag:$0x3] =	stream.linear.gather [spmem:s2], $0x4000, $0x38;
	[tilespmem:$0x1CC00] =	vst v63  }
0x258: {  	_ =	swait.ge [sflag:s22], $0x4000  }
0x259: {  	[sflag:s22] =	ssyncset.done $0x0  }
0x25a: {  	s5 =	rddreg [dreg:$0x5];
	[sflag:s22] =	ssyncadd.s32 $0xFFFFC000  }
0x25b: {  	[hbm4b:s5+s30] =	stream.linear.scatter [tilespmem:s25], [sflag:$0x3], $0x4000, $0x38;
	[tilespmem:$0x1CC00] =	vst v63  }
0x25c: {  	_ =	swait.ge [sflag:s22], $0x4000  }
0x25d: {  	[sflag:s22] =	ssyncset.done $0x0  }
0x25e: {  	s5 =	rddreg [dreg:$0x15];
	[sflag:s22] =	ssyncadd.s32 $0xFFFFC000  }
0x25f: {  	[tilespmem:s25], [sflag:$0x3] =	stream.linear.gather [spmem:s5], $0x4000, $0x38;
	[tilespmem:$0x1CC00] =	vst v63  }
0x260: {  	_ =	swait.ge [sflag:s22], $0x4000  }
0x261: {  	[sflag:s22] =	ssyncset.done $0x0  }
0x262: {  	s5 =	rddreg [dreg:$0x6];
	[sflag:s22] =	ssyncadd.s32 $0xFFFFC000  }
0x263: {  	[hbm4b:s5+s30] =	stream.linear.scatter [tilespmem:s25], [sflag:$0x3], $0x4000, $0x38;
	[tilespmem:$0x1CC00] =	vst v63  }
0x264: {  	_ =	swait.ge [sflag:s22], $0x4000  }
0x265: {  	[sflag:s22] =	ssyncset.done $0x0  }
0x266: {  	s5 =	rddreg [dreg:$0x16];
	[sflag:s22] =	ssyncadd.s32 $0xFFFFC000  }
0x267: {  	[tilespmem:s25], [sflag:$0x3] =	stream.linear.gather [spmem:s5], $0x4000, $0x38;
	[tilespmem:$0x1CC00] =	vst v63  }
0x268: {  	_ =	swait.ge [sflag:s22], $0x4000  }
0x269: {  	[sflag:s22] =	ssyncset.done $0x0  }
0x26a: {  	s5 =	rddreg [dreg:$0x7];
	[sflag:s22] =	ssyncadd.s32 $0xFFFFC000  }
0x26b: {  	[hbm4b:s5+s30] =	stream.linear.scatter [tilespmem:s25], [sflag:$0x3], $0x4000, $0x38;
	[tilespmem:$0x1CC00] =	vst v63  }
0x26c: {  	_ =	swait.ge [sflag:s22], $0x4000  }
0x26d: {  	[sflag:s22] =	ssyncset.done $0x0  }
0x26e: {  	s5 =	rddreg [dreg:$0x17];
	[sflag:s22] =	ssyncadd.s32 $0xFFFFC000  }
0x26f: {  	[tilespmem:s25], [sflag:$0x3] =	stream.linear.gather [spmem:s5], $0x4000, $0x38;
	[tilespmem:$0x1CC00] =	vst v63  }
0x270: {  	_ =	swait.ge [sflag:s22], $0x4000  }
0x271: {  	[sflag:s22] =	ssyncset.done $0x0  }
0x272: {  	s5 =	rddreg [dreg:$0x8];
	[sflag:s22] =	ssyncadd.s32 $0xFFFFC000  }
0x273: {  	[hbm4b:s5+s30] =	stream.linear.scatter [tilespmem:s25], [sflag:$0x3], $0x4000, $0x38;
	[tilespmem:$0x1CC00] =	vst v63  }
0x274: {  	_ =	swait.ge [sflag:s22], $0x4000  }
0x275: {  	[sflag:s22] =	ssyncset.done $0x0  }
0x276: {  	s5 =	rddreg [dreg:$0x18];
	[sflag:s22] =	ssyncadd.s32 $0xFFFFC000  }
0x277: {  	[tilespmem:s25], [sflag:$0x3] =	stream.linear.gather [spmem:s5], $0x4000, $0x38;
	[tilespmem:$0x1CC00] =	vst v63  }
0x278: {  	_ =	swait.ge [sflag:s22], $0x4000  }
0x279: {  	[sflag:s22] =	ssyncset.done $0x0  }
0x27a: {  	s5 =	rddreg [dreg:$0x9];
	[sflag:s22] =	ssyncadd.s32 $0xFFFFC000  }
0x27b: {  	[hbm4b:s5+s30] =	stream.linear.scatter [tilespmem:s25], [sflag:$0x3], $0x4000, $0x38;
	[tilespmem:$0x1CC00] =	vst v63  }
0x27c: {  	_ =	swait.ge [sflag:s22], $0x4000  }
0x27d: {  	[sflag:s22] =	ssyncset.done $0x0  }
0x27e: {  	s5 =	rddreg [dreg:$0x11];
	[sflag:s22] =	ssyncadd.s32 $0xFFFFC000  }
0x27f: {  	[tilespmem:s25], [sflag:$0x3] =	stream.linear.gather [spmem:s5], $0x1000, $0x38;
	[tilespmem:$0x1CC00] =	vst v63  }
0x280: {  	_ =	swait.ge [sflag:s22], $0x1000  }
0x281: {  	[sflag:s22] =	ssyncset.done $0x0  }
0x282: {  	s5 =	rddreg [dreg:$0x4];
	[sflag:s22] =	ssyncadd.s32 $0xFFFFF000  }
0x283: {  	[hbm4b:s5+s30] =	stream.linear.scatter [tilespmem:s25], [sflag:$0x3], $0x1000, $0x38;
	[tilespmem:$0x1CC00] =	vst v63  }
0x284: {  	_ =	swait.ge [sflag:s22], $0x1000  }
0x285: {  	[sflag:s22] =	ssyncset.done $0x0  }
0x286: {  	[sflag:s22] =	ssyncadd.s32 $0xFFFFF000  }
0x287: {  	[bflag:$0x0] =	sbarrier.arrive $0xFFFF  }
0x288: {  	[spmem:s2] =	stream.linear.scatter [tilespmem:s21], [sflag:$0x3], $0x1000, $0x38;
	[tilespmem:$0x1CC00] =	vst v63  }
0x289: {  	_ =	swait.ge [sflag:s22], $0x1000  }
0x28a: {  	[sflag:s22] =	ssyncset.done $0x0  }
0x28b: {  	s2 =	rddreg [dreg:$0x1a];
	[sflag:s22] =	ssyncadd.s32 $0xFFFFF000  }
0x28c: {  	[spmem:s2] =	stream.linear.scatter [tilespmem:s21], [sflag:$0x3], $0x1000, $0x38;
	[tilespmem:$0x1CC00] =	vst v63  }
0x28d: {  	_ =	swait.ge [sflag:s22], $0x1000  }
0x28e: {  	[sflag:s22] =	ssyncset.done $0x0  }
0x28f: {  	s5 =	rddreg [dreg:$0x1b];
	[sflag:s22] =	ssyncadd.s32 $0xFFFFF000  }
0x290: {  	[spmem:s5] =	stream.linear.scatter [tilespmem:s21], [sflag:$0x3], $0x1000, $0x38;
	[tilespmem:$0x1CC00] =	vst v63  }
0x291: {  	_ =	swait.ge [sflag:s22], $0x1000  }
0x292: {  	[sflag:s22] =	ssyncset.done $0x0  }
0x293: {  	s2 =	rddreg [dreg:$0x1c];
	[sflag:s22] =	ssyncadd.s32 $0xFFFFF000  }
0x294: {  	[spmem:s2] =	stream.linear.scatter [tilespmem:s21], [sflag:$0x3], $0x1000, $0x38;
	[tilespmem:$0x1CC00] =	vst v63  }
0x295: {  	_ =	swait.ge [sflag:s22], $0x1000  }
0x296: {  	[sflag:s22] =	ssyncset.done $0x0  }
0x297: {  	s5 =	rddreg [dreg:$0x1d];
	[sflag:s22] =	ssyncadd.s32 $0xFFFFF000  }
0x298: {  	[spmem:s5] =	stream.linear.scatter [tilespmem:s21], [sflag:$0x3], $0x1000, $0x38;
	[tilespmem:$0x1CC00] =	vst v63  }
0x299: {  	_ =	swait.ge [sflag:s22], $0x1000  }
0x29a: {  	[sflag:s22] =	ssyncset.done $0x0  }
0x29b: {  	s2 =	rddreg [dreg:$0x1e];
	[sflag:s22] =	ssyncadd.s32 $0xFFFFF000  }
0x29c: {  	[spmem:s2] =	stream.linear.scatter [tilespmem:s21], [sflag:$0x3], $0x1000, $0x38;
	[tilespmem:$0x1CC00] =	vst v63  }
0x29d: {  	_ =	swait.ge [sflag:s22], $0x1000  }
0x29e: {  	[sflag:s22] =	ssyncset.done $0x0  }
0x29f: {  	s5 =	rddreg [dreg:$0x1f];
	[sflag:s22] =	ssyncadd.s32 $0xFFFFF000  }
0x2a0: {  	[spmem:s5] =	stream.linear.scatter [tilespmem:s21], [sflag:$0x3], $0x1000, $0x38;
	[tilespmem:$0x1CC00] =	vst v63  }
0x2a1: {  	_ =	swait.ge [sflag:s22], $0x1000  }
0x2a2: {  	s2 =	sld [smem:$0x7EF]  }
0x2a3: {  	[sflag:s22] =	ssyncset.done $0x0  }
0x2a4: {  	[sflag:s22] =	ssyncadd.s32 $0xFFFFF000  }
0x2a5: {  	[spmem:s2] =	stream.linear.scatter [tilespmem:s21], [sflag:$0x3], $0x1000, $0x38;
	[tilespmem:$0x1CC00] =	vst v63  }
0x2a6: {  	_ =	swait.ge [sflag:s22], $0x1000  }
0x2a7: {  	s5 =	sld [smem:$0x7F0]  }
0x2a8: {  	[sflag:s22] =	ssyncset.done $0x0  }
0x2a9: {  	[sflag:s22] =	ssyncadd.s32 $0xFFFFF000  }
0x2aa: {  	[spmem:s5] =	stream.linear.scatter [tilespmem:s21], [sflag:$0x3], $0x1000, $0x38;
	[tilespmem:$0x1CC00] =	vst v63  }
0x2ab: {  	_ =	swait.ge [sflag:s22], $0x1000  }
0x2ac: {  	s2 =	sld [smem:$0x7F1]  }
0x2ad: {  	[sflag:s22] =	ssyncset.done $0x0  }
0x2ae: {  	[sflag:s22] =	ssyncadd.s32 $0xFFFFF000  }
0x2af: {  	[spmem:s2] =	stream.linear.scatter [tilespmem:s21], [sflag:$0x3], $0x1000, $0x38;
	[tilespmem:$0x1CC00] =	vst v63  }
0x2b0: {  	_ =	swait.ge [sflag:s22], $0x1000  }
0x2b1: {  	s5 =	sld [smem:$0x7F2]  }
0x2b2: {  	[sflag:s22] =	ssyncset.done $0x0  }
0x2b3: {  	[sflag:s22] =	ssyncadd.s32 $0xFFFFF000  }
0x2b4: {  	[spmem:s5] =	stream.linear.scatter [tilespmem:s21], [sflag:$0x3], $0x1000, $0x38;
	[tilespmem:$0x1CC00] =	vst v63  }
0x2b5: {  	_ =	swait.ge [sflag:s22], $0x1000  }
0x2b6: {  	s2 =	sld [smem:$0x7F3]  }
0x2b7: {  	[sflag:s22] =	ssyncset.done $0x0  }
0x2b8: {  	[sflag:s22] =	ssyncadd.s32 $0xFFFFF000  }
0x2b9: {  	[spmem:s2] =	stream.linear.scatter [tilespmem:s21], [sflag:$0x3], $0x1000, $0x38;
	[tilespmem:$0x1CC00] =	vst v63  }
0x2ba: {  	_ =	swait.ge [sflag:s22], $0x1000  }
0x2bb: {  	s5 =	sld [smem:$0x7F4]  }
0x2bc: {  	[sflag:s22] =	ssyncset.done $0x0  }
0x2bd: {  	[sflag:s22] =	ssyncadd.s32 $0xFFFFF000  }
0x2be: {  	[spmem:s5] =	stream.linear.scatter [tilespmem:s21], [sflag:$0x3], $0x1000, $0x38;
	[tilespmem:$0x1CC00] =	vst v63  }
0x2bf: {  	_ =	swait.ge [sflag:s22], $0x1000  }
0x2c0: {  	s2 =	sld [smem:$0x7F5]  }
0x2c1: {  	[sflag:s22] =	ssyncset.done $0x0  }
0x2c2: {  	[sflag:s22] =	ssyncadd.s32 $0xFFFFF000  }
0x2c3: {  	[spmem:s2] =	stream.linear.scatter [tilespmem:s21], [sflag:$0x3], $0x1000, $0x38;
	[tilespmem:$0x1CC00] =	vst v63  }
0x2c4: {  	_ =	swait.ge [sflag:s22], $0x1000  }
0x2c5: {  	s5 =	sld [smem:$0x7F6]  }
0x2c6: {  	[sflag:s22] =	ssyncset.done $0x0  }
0x2c7: {  	[sflag:s22] =	ssyncadd.s32 $0xFFFFF000  }
0x2c8: {  	[spmem:s5] =	stream.linear.scatter [tilespmem:s21], [sflag:$0x3], $0x1000, $0x38;
	[tilespmem:$0x1CC00] =	vst v63  }
0x2c9: {  	_ =	swait.ge [sflag:s22], $0x1000  }
0x2ca: {  	s2 =	sld [smem:$0x7F7]  }
0x2cb: {  	[sflag:s22] =	ssyncset.done $0x0  }
0x2cc: {  	[sflag:s22] =	ssyncadd.s32 $0xFFFFF000  }
0x2cd: {  	[spmem:s2] =	stream.linear.scatter [tilespmem:s21], [sflag:$0x3], $0x1000, $0x38;
	[tilespmem:$0x1CC00] =	vst v63  }
0x2ce: {  	_ =	swait.ge [sflag:s22], $0x1000  }
0x2cf: {  	s5 =	sld [smem:$0x7F8]  }
0x2d0: {  	[sflag:s22] =	ssyncset.done $0x0  }
0x2d1: {  	[sflag:s22] =	ssyncadd.s32 $0xFFFFF000  }
0x2d2: {  	[spmem:s5] =	stream.linear.scatter [tilespmem:s21], [sflag:$0x3], $0x1000, $0x38;
	[tilespmem:$0x1CC00] =	vst v63  }
0x2d3: {  	_ =	swait.ge [sflag:s22], $0x1000  }
0x2d4: {  	s2 =	sld [smem:$0x7F9]  }
0x2d5: {  	[sflag:s22] =	ssyncset.done $0x0  }
0x2d6: {  	[sflag:s22] =	ssyncadd.s32 $0xFFFFF000  }
0x2d7: {  	[spmem:s2] =	stream.linear.scatter [tilespmem:s21], [sflag:$0x3], $0x1000, $0x38;
	[tilespmem:$0x1CC00] =	vst v63  }
0x2d8: {  	_ =	swait.ge [sflag:s22], $0x1000  }
0x2d9: {  	s5 =	sld [smem:$0x7FA]  }
0x2da: {  	[sflag:s22] =	ssyncset.done $0x0  }
0x2db: {  	[sflag:s22] =	ssyncadd.s32 $0xFFFFF000  }
0x2dc: {  	[spmem:s5] =	stream.linear.scatter [tilespmem:s21], [sflag:$0x3], $0x1000, $0x38;
	[tilespmem:$0x1CC00] =	vst v63  }
0x2dd: {  	_ =	swait.ge [sflag:s22], $0x1000  }
0x2de: {  	s2 =	sld [smem:$0x7FB]  }
0x2df: {  	[sflag:s22] =	ssyncset.done $0x0  }
0x2e0: {  	[sflag:s22] =	ssyncadd.s32 $0xFFFFF000  }
0x2e1: {  	[spmem:s2] =	stream.linear.scatter [tilespmem:s21], [sflag:$0x3], $0x1000, $0x38;
	[tilespmem:$0x1CC00] =	vst v63  }
0x2e2: {  	_ =	swait.ge [sflag:s22], $0x1000  }
0x2e3: {  	s5 =	sld [smem:$0x7FD]  }
0x2e4: {  	[sflag:s22] =	ssyncset.done $0x0  }
0x2e5: {  	[sflag:s22] =	ssyncadd.s32 $0xFFFFF000  }
0x2e6: {  	[spmem:s5] =	stream.linear.scatter [tilespmem:s21], [sflag:$0x3], $0x1000, $0x38;
	[tilespmem:$0x1CC00] =	vst v63  }
0x2e7: {  	_ =	swait.ge [sflag:s22], $0x1000  }
0x2e8: {  	[sflag:s22] =	ssyncset.done $0x0  }
0x2e9: {  	[sflag:s22] =	ssyncadd.s32 $0xFFFFF000  }
0x2ea: {  	s30 =	simm.s32 $0x16000;
	[bflag:$0x0] =	sbarrier.arrive $0xFFFF  }
0x2eb: {  	[tilespmem:s25], [sflag:$0x1] =	stream.indirect.gather [hbm4b:s1+s4], $0x80, s30, s4, $0xb8;
	[tilespmem:$0x1CC00] =	vst v63  }
0x2ec: {  	_ =	swait.ge [sflag:s28], $0x3F00  }
0x2ed: {  	[sflag:s28] =	ssyncset.done $0x0  }
0x2ee: {  	s30 =	simm.s32 $0x16C00;
	[sflag:s28] =	ssyncadd.s32 $0xFFFFC100  }
0x2ef: {  	[spmem:s3] =	stream.indirect.scatter.add.f32 [tilespmem:s25], [sflag:$0x3], $0x80, s30, s4, $0xb8;
	[tilespmem:$0x1CC00] =	vst v63  }
0x2f0: {  	_ =	swait.ge [sflag:s22], $0x3F00  }
0x2f1: {  	s31 =	simm.s32 $0x400;
	s30 =	simm.s32 $0x80;
	[sflag:s22] =	ssyncset.done $0x0  }
.LBB2_6:
0x2f2: {  	s2 =	sadd.s32 $0x16000, s30  }
0x2f3: {  	[sflag:s22] =	ssyncadd.s32 $0xFFFFC100;
	s0 =	smov.u32 s31;
	s5 =	sadd.s32 $0x200, s31  }
0x2f4: {  	[tilespmem:s25], [sflag:$0x1] =	stream.indirect.gather [hbm4b:s1+s4], $0x80, s2, s4, $0xb8;
	[tilespmem:$0x1CC00] =	vst v63  }
0x2f5: {  	p0 =	sne.s32 s31, $0x2E00;
	_ =	swait.ge [sflag:s28], $0x3F00  }
.Ltmp2:
0x2f6: {  	[sflag:s28] =	ssyncset.done $0x0;
	(pc) =	sbr.rel @p0 .LBB2_6-.Ltmp2, $4  }
0x2f7: {  	s2 =	sadd.s32 $0x16C00, s30;
	[sflag:s28] =	ssyncadd.s32 $0xFFFFC100  }
0x2f8: {  	[spmem:s3] =	stream.indirect.scatter.add.f32 [tilespmem:s25], [sflag:$0x3], $0x80, s2, s4, $0xb8;
	[tilespmem:$0x1CC00] =	vst v63  }
0x2f9: {  	_ =	swait.ge [sflag:s22], $0x3F00  }
0x2fa: {  	s30 =	sshra.s32 s0, $0x2;
	s31 =	smov.u32 s5;
	[sflag:s22] =	ssyncset.done $0x0  }
0x2fb: {  	s0 =	sadd.s32 $0x16000, s30;
	[sflag:s22] =	ssyncadd.s32 $0xFFFFC100  }
0x2fc: {  	[tilespmem:s25], [sflag:$0x1] =	stream.indirect.gather [hbm4b:s1+s4], $0x80, s0, s4, $0xb8;
	[tilespmem:$0x1CC00] =	vst v63  }
0x2fd: {  	_ =	swait.ge [sflag:s28], $0x3F00  }
0x2fe: {  	[sflag:s28] =	ssyncset.done $0x0  }
0x2ff: {  	s2 =	sadd.s32 $0x16C00, s30;
	[sflag:s28] =	ssyncadd.s32 $0xFFFFC100  }
0x300: {  	[spmem:s3] =	stream.indirect.scatter.add.f32 [tilespmem:s25], [sflag:$0x3], $0x80, s2, s4, $0xb8;
	[tilespmem:$0x1CC00] =	vst v63  }
0x301: {  	_ =	swait.ge [sflag:s22], $0x3F00  }
0x302: {  	[sflag:s22] =	ssyncset.done $0x0  }
0x303: {  	[sflag:s22] =	ssyncadd.s32 $0xFFFFC100  }
0x304: {  	[bflag:$0x0] =	sbarrier.arrive $0xFFFF  }
0x305: {  	s5 =	rddreg [dreg:$0x13]  }
0x306: {  	[tilespmem:s25], [sflag:$0x3] =	stream.linear.gather [spmem:s5], $0x4000, $0x38;
	[tilespmem:$0x1CC00] =	vst v63  }
0x307: {  	_ =	swait.ge [sflag:s22], $0x4000  }
0x308: {  	[sflag:s22] =	ssyncset.done $0x0  }
0x309: {  	s0 =	simm.s32 $0x0;
	s2 =	rddreg [dreg:$0xb];
	[sflag:s22] =	ssyncadd.s32 $0xFFFFC000  }
0x30a: {  	[hbm4b:s2+s0] =	stream.linear.scatter [tilespmem:s25], [sflag:$0x3], $0x4000, $0x38;
	[tilespmem:$0x1CC00] =	vst v63  }
0x30b: {  	_ =	swait.ge [sflag:s22], $0x4000  }
0x30c: {  	[sflag:s22] =	ssyncset.done $0x0  }
0x30d: {  	s30 =	rddreg [dreg:$0x19];
	[sflag:s22] =	ssyncadd.s32 $0xFFFFC000  }
0x30e: {  	[tilespmem:s25], [sflag:$0x3] =	stream.linear.gather [spmem:s30], $0x4000, $0x38;
	[tilespmem:$0x1CC00] =	vst v63  }
0x30f: {  	_ =	swait.ge [sflag:s22], $0x4000  }
0x310: {  	[sflag:s22] =	ssyncset.done $0x0  }
0x311: {  	s31 =	rddreg [dreg:$0xc];
	[sflag:s22] =	ssyncadd.s32 $0xFFFFC000  }
0x312: {  	[hbm4b:s31+s0] =	stream.linear.scatter [tilespmem:s25], [sflag:$0x3], $0x4000, $0x38;
	[tilespmem:$0x1CC00] =	vst v63  }
0x313: {  	_ =	swait.ge [sflag:s22], $0x4000  }
0x314: {  	[sflag:s22] =	ssyncset.done $0x0  }
0x315: {  	s5 =	rddreg [dreg:$0x12];
	[sflag:s22] =	ssyncadd.s32 $0xFFFFC000  }
0x316: {  	[tilespmem:s25], [sflag:$0x3] =	stream.linear.gather [spmem:s5], $0x2800, $0x38;
	[tilespmem:$0x1CC00] =	vst v63  }
0x317: {  	_ =	swait.ge [sflag:s22], $0x2800  }
0x318: {  	[sflag:s22] =	ssyncset.done $0x0  }
0x319: {  	s30 =	rddreg [dreg:$0xa];
	[sflag:s22] =	ssyncadd.s32 $0xFFFFD800  }
0x31a: {  	[hbm4b:s30+s0] =	stream.linear.scatter [tilespmem:s25], [sflag:$0x3], $0x2800, $0x38;
	[tilespmem:$0x1CC00] =	vst v63  }
0x31b: {  	_ =	swait.ge [sflag:s22], $0x2800  }
0x31c: {  	s29 =	sadd.s32 $0x1, s29;
	s31 =	rddreg [dreg:$0x14]  }
0x31d: {  	p0 =	sne.s32 s29, s31  }
.Ltmp3:
0x31e: {  	_ = 	snop;
	(pc) =	sbr.rel @p0 .LBB2_1-.Ltmp3, $3  }
0x31f: {  	_ =	sdelay $0x1  }
0x320: {  	[sflag:s22] =	ssyncset.done $0x0  }
0x321: {  	[sflag:s22] =	ssyncadd.s32 $0xFFFFD800  }
0x322: {  	_ =	sfence.sel $0x180000  }
0x323: {  	[bflag:$0x0] =	sbarrier.arrive $0xFFFF  }
0x324: {  	_ =	strace $0x90000047  }
0x325: {  	s0 =	stileid.u32;
	[bflag:$0x2] =	sbarrier.arrive $0xFFFF  }
0x326: {  	p0 =	sne.s32 s0, $0x0;
	s0 =	rddreg [dreg:$0x3]  }
0x327: {  	s0 =	sadd.s32 @!p0 $0x100000, s0  }
0x328: {  	[sflag:s0] =	ssyncadd.tile.s32 @!p0 $0x1;
	_ =	shalt  }
.Lfunc_end2:
_tile_overlayer_lowered:
.L_overlay_start_2:
0x329: {  	(tag) =	ssettag $0x2  }
0x32a: {  	s0 =	rddreg [dreg:$0x0];
	s2 =	stileid.u32  }
0x32b: {  	s1 =	rddreg [dreg:$0x1];
	p0 =	sne.s32 s2, $0x0  }
0x32c: {  	s3 =	rddreg [dreg:$0x2];
	[bflag:$0x3] =	sbarrier.arrive $0xFFFF;
	s2 =	simm.s32 @!p0 $0x1C03  }
0x32d: {  	[timem:s3], [sflag:s2] =	dma.local @!p0 [hbm:s0], s1  }
0x32e: {  	s0 =	simm.s32 @!p0 $0x3  }
0x32f: {  	_ =	swait.ge @!p0 [sflag:s0], s1  }
0x330: {  	s1 =	ssub.s32 @!p0 $0x0, s1;
	[sflag:s0] =	ssyncset.done @!p0 $0x0  }
0x331: {  	[sflag:s0] =	ssyncadd.s32 @!p0 s1  }
0x332: {  	[bflag:$0x3] =	sbarrier.arrive $0xFFFF  }
0x333: {  	_ =	shalt  }

// kernel: kernel.13.cloned.1.call-start
scs
__scs_entry_jumppad:
0x0: {  	(pc) =	sbr.rel $0x88, $3  }
0x1: {  	(tag) =	ssettag $0x0;
	lr =	simm.s32 $0x1  }
0x2: {  	[smem:$0x3F93] =	sst lr;
	_ =	strace $0xD0000000  }
0x3: {  	_ = 	snop  }
0x4: {  	_ = 	snop  }
0x5: {  	_ = 	snop  }
0x6: {  	_ = 	snop  }
0x7: {  	_ = 	snop  }
__scs_overlays_trampoline_lowered:
0x8: {  	[smem:$0x3FA2] =	sst s0  }
0x9: {  	[smem:$0x3FA3] =	sst s1  }
0xa: {  	[smem:$0x3FA4] =	sst s2  }
0xb: {  	[smem:$0x3FA5] =	sst s3  }
0xc: {  	[smem:$0x3FA6] =	sst s4  }
0xd: {  	[smem:$0x3FA7] =	sst s5  }
0xe: {  	[smem:$0x3FA8] =	sst s6  }
0xf: {  	[smem:$0x3FA9] =	sst s7  }
0x10: {  	[smem:$0x3FAA] =	sst s8  }
0x11: {  	[smem:$0x3FAB] =	sst s9;
	s0 =	simm.s32 @!p0 $0x0  }
0x12: {  	s1 =	sld [smem:$0x3F91];
	s0 =	simm.s32 @p0 $0x1  }
0x13: {  	[smem:$0x3FAC] =	sst s0;
	s0 =	simm.s32 @!p1 $0x0  }
0x14: {  	s2 =	sld [smem:$0x3F90];
	s0 =	simm.s32 @p1 $0x1  }
0x15: {  	[smem:$0x3FAD] =	sst s0;
	s0 =	simm.s32 @!p2 $0x0  }
0x16: {  	s3 =	sld [smem:$0x3FDB];
	s0 =	simm.s32 @p2 $0x1  }
0x17: {  	s4 =	simm.s32 $0x1BF5;
	[smem:$0x3FAF] =	sst s0  }
0x18: {  	s0 =	sld [smem:$0x3F92];
	_ =	swait.ge [sflag:s4], $0x0  }
0x19: {  	s7 =	sld [smem:$0x3F93]  }
0x1a: {  	s8 =	sadd.s32 $0xFFFFE003, lr  }
0x1b: {  	s9 =	sadd.s32 $0xFFFFFEF7, lr;
	s5 =	simm.s32 $0xFFFFFFFF;
	p2 =	slt.u32 s8, $0xFFFFF086  }
0x1c: {  	p1 =	slt.u32 s9, $0xF7A;
	s5 =	simm.s32 @!p2 $0x0  }
0x1d: {  	s5 =	simm.s32 @p1 $0x1;
	p0 =	seq.s32 s7, s2  }
0x1e: {  	s7 =	smul.u32 @!p0 $0xF7A, s2;
	p2 =	seq.s32 @!p0 s5, $0x0  }
0x1f: {  	s9 =	smul.u32 $0xF7A, s1;
	s8 =	simm.s32 @!p0 $0x1BF5;
	p2 =	por !p2, p0  }
0x20: {  	[sflag:s8] =	ssyncset.s32 @!p0 $0xFFFFF086;
	s6 =	sadd.s32 @!p0 s3, s7;
	s7 =	simm.s32 @!p0 $0x108  }
0x21: {  	s3 =	sadd.s32 s3, s9;
	s6 =	sadd.s32 @!p0 $0x88, s6;
	s7 =	simm.s32 @p2 $0x1082  }
0x22: {  	[simem:s7], [sflag:s8] =	dma.local @!p0 [hbm:s6], $0xF7A  }
0x23: {  	s9 =	sor.u32 $0xD0000000, s2;
	s6 =	simm.s32 $0x108;
	_ =	swait.ge @!p0 [sflag:s8], $0x0  }
0x24: {  	s3 =	sadd.s32 $0x88, s3;
	s6 =	simm.s32 @!p1 $0x1082;
	[sflag:s4] =	ssyncset.s32 $0xFFFFF086  }
0x25: {  	[simem:s6], [sflag:s4] =	dma.local [hbm:s3], $0xF7A  }
0x26: {  	[smem:$0x3F93] =	sst s1;
	(tag) =	ssettag s2;
	_ =	strace s9  }
0x27: {  	s1 =	sld [smem:$0x3FA3]  }
0x28: {  	s2 =	sld [smem:$0x3FA4]  }
0x29: {  	s4 =	sld [smem:$0x3FA6]  }
0x2a: {  	p0 =	seq.s32 s5, $0x0;
	s5 =	sld [smem:$0x3FA7]  }
0x2b: {  	s6 =	sld [smem:$0x3FA8]  }
0x2c: {  	s7 =	sld [smem:$0x3FA9]  }
0x2d: {  	s3 =	simm.s32 $0x108;
	s8 =	sld [smem:$0x3FAA]  }
0x2e: {  	s3 =	simm.s32 @!p0 $0x1082;
	s9 =	sld [smem:$0x3FAB]  }
0x2f: {  	lr =	sadd.s32 s0, s3;
	s0 =	sld [smem:$0x3FA2]  }
0x30: {  	s3 =	sld [smem:$0x3FA5]  }
0x31: {  	[smem:$0x3FAE] =	sst s10  }
0x32: {  	s10 =	sld [smem:$0x3FAC];
	_ =	sdelay $0x3  }
0x33: {  	p0 =	seq.s32 s10, $0x1;
	s10 =	sld [smem:$0x3FAE];
	_ =	sdelay $0x3  }
0x34: {  	[smem:$0x3FAE] =	sst s10  }
0x35: {  	s10 =	sld [smem:$0x3FAD];
	_ =	sdelay $0x3  }
0x36: {  	p1 =	seq.s32 s10, $0x1;
	s10 =	sld [smem:$0x3FAE];
	_ =	sdelay $0x3  }
0x37: {  	[smem:$0x3FAE] =	sst s10  }
0x38: {  	s10 =	sld [smem:$0x3FAF]  }
0x39: {  	_ = 	snop;
	(pc) =	sbr.ind lr, $3  }
0x3a: {  	_ = 	snop  }
0x3b: {  	_ = 	snop  }
0x3c: {  	p2 =	seq.s32 s10, $0x1;
	s10 =	sld [smem:$0x3FAE]  }
0x3d: {  	_ =	shalt  }
0x3e: {  	_ =	shalt  }
0x3f: {  	_ =	shalt  }
0x40: {  	_ =	shalt  }
0x41: {  	_ =	shalt  }
0x42: {  	_ =	shalt  }
0x43: {  	_ =	shalt  }
0x44: {  	_ =	shalt  }
0x45: {  	_ =	shalt  }
0x46: {  	_ =	shalt  }
0x47: {  	_ =	shalt  }
0x48: {  	_ =	shalt  }
0x49: {  	_ =	shalt  }
0x4a: {  	_ =	shalt  }
0x4b: {  	_ =	shalt  }
0x4c: {  	_ =	shalt  }
0x4d: {  	_ =	shalt  }
0x4e: {  	_ =	shalt  }
0x4f: {  	_ =	shalt  }
0x50: {  	_ =	shalt  }
0x51: {  	_ =	shalt  }
0x52: {  	_ =	shalt  }
0x53: {  	_ =	shalt  }
0x54: {  	_ =	shalt  }
0x55: {  	_ =	shalt  }
0x56: {  	_ =	shalt  }
0x57: {  	_ =	shalt  }
0x58: {  	_ =	shalt  }
0x59: {  	_ =	shalt  }
0x5a: {  	_ =	shalt  }
0x5b: {  	_ =	shalt  }
0x5c: {  	_ =	shalt  }
0x5d: {  	_ =	shalt  }
0x5e: {  	_ =	shalt  }
0x5f: {  	_ =	shalt  }
0x60: {  	_ =	shalt  }
0x61: {  	_ =	shalt  }
0x62: {  	_ =	shalt  }
0x63: {  	_ =	shalt  }
0x64: {  	_ =	shalt  }
0x65: {  	_ =	shalt  }
0x66: {  	_ =	shalt  }
0x67: {  	_ =	shalt  }
0x68: {  	_ =	shalt  }
0x69: {  	_ =	shalt  }
0x6a: {  	_ =	shalt  }
0x6b: {  	_ =	shalt  }
0x6c: {  	_ =	shalt  }
0x6d: {  	_ =	shalt  }
0x6e: {  	_ =	shalt  }
0x6f: {  	_ =	shalt  }
0x70: {  	_ =	shalt  }
0x71: {  	_ =	shalt  }
0x72: {  	_ =	shalt  }
0x73: {  	_ =	shalt  }
0x74: {  	_ =	shalt  }
0x75: {  	_ =	shalt  }
0x76: {  	_ =	shalt  }
0x77: {  	_ =	shalt  }
0x78: {  	_ =	shalt  }
0x79: {  	_ =	shalt  }
0x7a: {  	_ =	shalt  }
0x7b: {  	_ =	shalt  }
0x7c: {  	_ =	shalt  }
0x7d: {  	_ =	shalt  }
0x7e: {  	_ =	shalt  }
0x7f: {  	_ =	shalt  }
0x80: {  	_ =	shalt  }
0x81: {  	_ =	shalt  }
0x82: {  	_ =	shalt  }
0x83: {  	_ =	shalt  }
0x84: {  	_ =	shalt  }
0x85: {  	_ =	shalt  }
0x86: {  	_ =	shalt  }
0x87: {  	_ =	shalt  }
.Lfunc_end0:
.L_simem_size_0:
called_computation.1_lowered:
.L_overlay_start_0:
0x88: {  	s2 =	sld [smem:$0x3FD9]  }
0x89: {  	s3 =	sld [smem:$0x3FFE];
	_ =	sdelay $0x1  }
0x8a: {  	s1 =	srdreg.scid  }
0x8b: {  	s0 =	sand.u32 $0x1, s1  }
0x8c: {  	s16 =	sshll.u32 s0, $0xA;
	s2 =	sadd.s32 s3, s2  }
0x8d: {  	s2 =	sadd.s32 s2, s16  }
0x8e: {  	[smem:$0x3FBA] =	sst s2  }
0x8f: {  	_ = 	snop  }
0x90: {  	(tm) =	ssettm $0x1  }
0x91: {  	s17 =	sld [smem:$0x3FFB];
	_ =	sdelay $0x3  }
0x92: {  	_ =	strace s17  }
0x93: {  	s2 =	sld [smem:$0x3FFC];
	_ =	sdelay $0x3  }
0x94: {  	_ =	strace s2  }
0x95: {  	s2 =	sld [smem:$0x3FFD];
	_ =	sdelay $0x3  }
0x96: {  	_ =	strace s2  }
0x97: {  	_ =	strace $0x8FFFFFFF  }
0x98: {  	s18 =	sld [smem:$0x3FDB];
	_ =	sdelay $0x1  }
0x99: {  	s19 =	simm.s32 $_scs_section_size  }
0x9a: {  	s4 =	simm.s32 $_size__tile_overlayer_lowered;
	s5 =	simm.s32 $_tile_overlayer_lowered  }
0x9b: {  	s22 =	simm.s32 $0x1BFF;
	s21 =	sshll.u32 s5, $0x1;
	s2 =	sadd.s32 s19, s18  }
0x9c: {  	s6 =	simm.s32 $0x0;
	s20 =	sshll.u32 s4, $0x1;
	s4 =	sadd.s32 s21, s2  }
0x9d: {  	[timem:s6], [sflag:s22] =	dma.local [hbm:s4], s20  }
0x9e: {  	_ =	swait.ge [sflag:s22], s20  }
0x9f: {  	s3 =	ssub.s32 $0x0, s20;
	[sflag:s22] =	ssyncset.done $0x0  }
0xa0: {  	[sflag:s22] =	ssyncadd.s32 s3;
	_ =	sdelay $0x1  }
0xa1: {  	s23 =	simm.s32 $0x1B8B  }
0xa2: {  	_ =	swait.ge [sflag:s23], $0x1  }
0xa3: {  	[sflag:s23] =	ssyncset.done $0x0  }
0xa4: {  	s25 =	simm.s32 $0x1B8E;
	s24 =	sld [smem:$0x3FFE];
	[sflag:s23] =	ssyncadd.s32 $0xFFFFFFFF  }
0xa5: {  	s26 =	simm.s32 $execute0_lowered;
	[smem:$0x3FD2] =	sst s25  }
0xa6: {  	s4 =	sshll.u32 s26, $0x1;
	_ =	strace $0x80000049;
	[dreg:$0x1] =	wrdreg $0xFFFFFFFF  }
0xa7: {  	s28 =	simm.s32 $_size_execute0_lowered;
	s2 =	sadd.s32 s2, s4;
	[dreg:$0x0] =	wrdreg $0x0  }
0xa8: {  	s4 =	sshll.u32 s28, $0x1;
	[dreg:$0x2] =	wrdreg s2  }
0xa9: {  	[dreg:$0x3] =	wrdreg s4  }
0xaa: {  	[dreg:$0x4] =	wrdreg $0xC0  }
0xab: {  	_ =	task [dreg:s6], $0x5FFFF  }
0xac: {  	[dreg:$0x1] =	wrdreg $0xFFFFFFFF  }
0xad: {  	[dreg:$0x0] =	wrdreg $0x60  }
0xae: {  	[dreg:$0x2] =	wrdreg s24  }
0xaf: {  	[dreg:$0x3] =	wrdreg $0x0  }
0xb0: {  	[dreg:$0x4] =	wrdreg $0x9  }
0xb1: {  	_ =	task.clear_ibuf [dreg:s6], $0x5FFFF;
	_ =	strace $0x90000049  }
0xb2: {  	s29 =	simm.s32 $0x9;
	_ =	strace $0x8000004B  }
0xb3: {  	_ =	swait.ge [sflag:s29], $0x1  }
0xb4: {  	[sflag:s29] =	ssyncadd.s32 $0xFFFFFFFF  }
0xb5: {  	_ =	strace $0x9000004B  }
0xb6: {  	_ =	sfence  }
0xb7: {  	s30 =	sld [smem:$0x0];
	_ =	sdelay $0x2  }
0xb8: {  	s31 =	sshll.u32 s1, $0xD;
	s1 =	sshrl.u32 s1, $0x2  }
0xb9: {  	s3 =	sand.u32 $0x4000, s31;
	s1 =	sadd.s32 s1, s30  }
0xba: {  	s0 =	sor.u32 s3, s0;
	s1 =	sshll.u32 s1, $0x11  }
0xbb: {  	s0 =	sor.u32 s1, s0  }
0xbc: {  	s0 =	sadd.s32 $0x8F2B, s0  }
0xbd: {  	[sflag:s0] =	ssyncadd.remote.s32 $0x1  }
0xbe: {  	_ =	sfence.sel $0xFFFF  }
0xbf: {  	[dreg:$0x0] =	wrdreg $0xFFFFFFFF;
	(pc) =	sbr.abs _section_cstart, $3  }
0xc0: {  	[dreg:$0x1] =	wrdreg $0xFFFFFFFF  }
0xc1: {  	_ =	task.clear_ibuf [dreg:s6], $0x2FFFF;
	_ =	strace $0x9FFFFFFF  }
0xc2: {  	(tm) =	ssettm $0x7FFFFFFF  }
0xc3: {  	_ =	shalt  }
tec
execute0_lowered:
.L_overlay_start_1:
0x0: {  	(tag) =	ssettag $0x1  }
0x1: {  	s0 =	rddreg [dreg:$0x0]  }
0x2: {  	s1 =	rddreg [dreg:$0x1]  }
0x3: {  	s2 =	simm.s32 $0x0;
	s5 =	srdreg.scid;
	s12 =	stileid.u32  }
0x4: {  	[smem:$0x7FF] =	sst s2;
	s4 =	sadd.s32 $0x69600, s0;
	s3 =	sadd.s32 $0x93600, s0  }
0x5: {  	s6 =	sadd.s32 $0xB600, s0;
	s7 =	sand.u32 $0x1, s5;
	s9 =	smul.u32 $0x54000, s12  }
0x6: {  	s21 =	sshll.u32 s12, $0x1;
	s0 =	sadd.s32 $0x9D600, s0;
	s23 =	smul.u32 $0x15000, s12  }
0x7: {  	s8 =	ssub.s32 $0x2, s7;
	s5 =	sor.u32 s7, s21;
	s7 =	smul.u32 $0x150000, s7  }
0x8: {  	_ =	strace $0x8000004A;
	s10 =	sshrl.u32 s8, $0x1;
	s11 =	smul.u32 $0x2800, s5  }
0x9: {  	s22 =	sshrl.u32 s9, $0x2;
	s12 =	sadd.s32 $0x14000, s23;
	s30 =	sadd.s32 $0x4000, s23  }
0xa: {  	s15 =	sadd.s32 $0x8000, s23;
	s16 =	sadd.s32 $0xC000, s23;
	s9 =	sadd.s32 $0x10000, s23  }
0xb: {  	s8 =	ssub.s32 s8, s10;
	s5 =	sadd.s32 s22, s1;
	s26 =	sadd.s32 s7, s12  }
0xc: {  	s28 =	sadd.s32 s12, s1;
	s17 =	sadd.s32 s7, s15;
	s18 =	sadd.s32 s7, s16  }
0xd: {  	s21 =	sadd.s32 s30, s1;
	s22 =	sadd.s32 s15, s1;
	[dreg:$0x7] =	wrdreg s28  }
0xe: {  	s15 =	simm.s32 $0x17800;
	s24 =	sshrl.u32 s11, $0x3;
	[dreg:$0x13] =	wrdreg s21  }
0xf: {  	s29 =	smax.u32 s8, $0x1;
	s31 =	sadd.s32 $0x1000, s5;
	[dreg:$0x14] =	wrdreg s22  }
0x10: {  	s8 =	sadd.s32 s7, s23;
	s12 =	sadd.s32 $0x2000, s5;
	[dreg:$0x9] =	wrdreg s29  }
0x11: {  	s13 =	sadd.s32 $0x3000, s5;
	s20 =	sadd.s32 $0x4000, s5;
	[dreg:$0xa] =	wrdreg s31  }
0x12: {  	s23 =	sadd.s32 s16, s1;
	s28 =	sadd.s32 $0x7000, s5;
	[dreg:$0xb] =	wrdreg s12  }
0x13: {  	s16 =	simm.s32 $0x3;
	s21 =	simm.s32 $0x1;
	[dreg:$0xc] =	wrdreg s13  }
0x14: {  	s22 =	simm.s32 $0x2;
	s11 =	sadd.s32 s3, s24;
	[dreg:$0x12] =	wrdreg s20  }
0x15: {  	s25 =	sadd.s32 $0x280, s24;
	s10 =	sadd.s32 s6, s24;
	[dreg:$0x15] =	wrdreg s23  }
0x16: {  	s24 =	sadd.s32 s9, s1;
	[dreg:$0x19] =	wrdreg s28;
	s29 =	sadd.s32 $0x8000, s5  }
0x17: {  	s31 =	sadd.s32 $0xA000, s5;
	s12 =	sadd.s32 $0x12000, s5;
	s13 =	sadd.s32 $0x13000, s5  }
0x18: {  	s20 =	simm.s32 $0x1B800;
	s23 =	simm.s32 $0x16380;
	[dreg:$0x3] =	wrdreg s11  }
0x19: {  	[dreg:$0x4] =	wrdreg s10;
	s3 =	sadd.s32 s3, s25;
	s6 =	sadd.s32 s6, s25  }
0x1a: {  	s11 =	sadd.s32 s7, s30;
	s7 =	sadd.s32 s7, s9;
	[dreg:$0x16] =	wrdreg s24  }
0x1b: {  	s10 =	sshrl.u32 s17, $0x3;
	s25 =	sadd.s32 $0x5000, s5;
	[dreg:$0x1a] =	wrdreg s29  }
0x1c: {  	s30 =	sadd.s32 $0x9000, s5;
	[dreg:$0x1c] =	wrdreg s31;
	s9 =	sadd.s32 $0xF000, s5  }
0x1d: {  	s17 =	simm.s32 $0x15000;
	s24 =	simm.s32 $0x17700;
	[dreg:$0x5] =	wrdreg s3  }
0x1e: {  	[dreg:$0x6] =	wrdreg s6;
	s3 =	sshrl.u32 s26, $0x3;
	s6 =	sshrl.u32 s8, $0x3  }
0x1f: {  	s8 =	sshrl.u32 s11, $0x3;
	s11 =	sshrl.u32 s18, $0x3;
	[dreg:$0x17] =	wrdreg s25  }
0x20: {  	s7 =	sshrl.u32 s7, $0x3;
	s10 =	sadd.s32 s0, s10;
	[dreg:$0x1b] =	wrdreg s30  }
0x21: {  	s26 =	sadd.s32 $0x6000, s5;
	s18 =	simm.s32 $0x16400;
	[dreg:$0xf] =	wrdreg s10  }
0x22: {  	s25 =	simm.s32 $0x17780;
	s3 =	sadd.s32 s0, s3;
	[dreg:$0x18] =	wrdreg s26  }
0x23: {  	s6 =	sadd.s32 s0, s6;
	s14 =	sadd.s32 s0, s8;
	[dreg:$0x8] =	wrdreg s3  }
0x24: {  	s19 =	sadd.s32 s0, s11;
	s0 =	sadd.s32 s0, s7;
	[dreg:$0xd] =	wrdreg s6  }
0x25: {  	s7 =	sadd.s32 $0xD000, s5;
	s8 =	sadd.s32 $0xE000, s5;
	[dreg:$0xe] =	wrdreg s14  }
0x26: {  	s10 =	sadd.s32 $0x10000, s5;
	s11 =	sadd.s32 $0x11000, s5;
	[dreg:$0x10] =	wrdreg s19  }
0x27: {  	s26 =	simm.s32 $0x0;
	[dreg:$0x11] =	wrdreg s0;
	s3 =	sadd.s32 $0xB000, s5  }
0x28: {  	v0 =	vimm.f32 $0.0e+00;
	s6 =	sadd.s32 $0xC000, s5;
	s14 =	sadd.s32 $0x14000, s5;
	s19 =	simm.s32 $0x80  }
.LBB2_1:
0x29: {  	s28 =	simm.s32 $0x0;
	s29 =	simm.s32 $0x200  }
.LBB2_2:
0x2a: {  	p0 =	sne.s32 s29, $0x3E00;
	[tilespmem:s28+$0x17870] =	vst v0  }
0x2b: {  	[tilespmem:s28+$0x17800] =	vst v0  }
0x2c: {  	[tilespmem:s28+$0x17810] =	vst v0  }
.Ltmp0:
0x2d: {  	[tilespmem:s28+$0x17820] =	vst v0;
	(pc) =	sbr.rel @p0 .LBB2_2-.Ltmp0, $4  }
0x2e: {  	[tilespmem:s28+$0x17830] =	vst v0  }
0x2f: {  	[tilespmem:s28+$0x17840] =	vst v0  }
0x30: {  	[tilespmem:s28+$0x17850] =	vst v0  }
0x31: {  	[tilespmem:s28+$0x17860] =	vst v0;
	s28 =	sshra.s32 s29, $0x2;
	s29 =	sadd.s32 $0x200, s29  }
0x32: {  	[tilespmem:s28+$0x17870] =	vst v0  }
0x33: {  	[tilespmem:s28+$0x17800] =	vst v0  }
0x34: {  	[tilespmem:s28+$0x17810] =	vst v0  }
0x35: {  	[tilespmem:s28+$0x17820] =	vst v0  }
0x36: {  	[tilespmem:s28+$0x17830] =	vst v0  }
0x37: {  	[tilespmem:s28+$0x17840] =	vst v0  }
0x38: {  	[tilespmem:s28+$0x17850] =	vst v0  }
0x39: {  	[tilespmem:s28+$0x17860] =	vst v0  }
0x3a: {  	[spmem:s5] =	stream.linear.scatter [tilespmem:s15], [sflag:$0x3], $0x1000, $0x38;
	[tilespmem:$0x1F800] =	vst v63  }
0x3b: {  	_ =	swait.ge [sflag:s16], $0x1000  }
0x3c: {  	[sflag:s16] =	ssyncset.done $0x0  }
0x3d: {  	s0 =	rddreg [dreg:$0xa];
	[sflag:s16] =	ssyncadd.s32 $0xFFFFF000  }
0x3e: {  	[spmem:s0] =	stream.linear.scatter [tilespmem:s15], [sflag:$0x3], $0x1000, $0x38;
	[tilespmem:$0x1F800] =	vst v63  }
0x3f: {  	_ =	swait.ge [sflag:s16], $0x1000  }
0x40: {  	[sflag:s16] =	ssyncset.done $0x0  }
0x41: {  	s31 =	rddreg [dreg:$0xb];
	[sflag:s16] =	ssyncadd.s32 $0xFFFFF000  }
0x42: {  	[spmem:s31] =	stream.linear.scatter [tilespmem:s15], [sflag:$0x3], $0x1000, $0x38;
	[tilespmem:$0x1F800] =	vst v63  }
0x43: {  	_ =	swait.ge [sflag:s16], $0x1000  }
0x44: {  	[sflag:s16] =	ssyncset.done $0x0  }
0x45: {  	s30 =	rddreg [dreg:$0xc];
	[sflag:s16] =	ssyncadd.s32 $0xFFFFF000  }
0x46: {  	[spmem:s30] =	stream.linear.scatter [tilespmem:s15], [sflag:$0x3], $0x1000, $0x38;
	[tilespmem:$0x1F800] =	vst v63  }
0x47: {  	_ =	swait.ge [sflag:s16], $0x1000  }
0x48: {  	[sflag:s16] =	ssyncset.done $0x0  }
0x49: {  	s31 =	rddreg [dreg:$0x12];
	[sflag:s16] =	ssyncadd.s32 $0xFFFFF000  }
0x4a: {  	[spmem:s31] =	stream.linear.scatter [tilespmem:s15], [sflag:$0x3], $0x1000, $0x38;
	[tilespmem:$0x1F800] =	vst v63  }
0x4b: {  	_ =	swait.ge [sflag:s16], $0x1000  }
0x4c: {  	[sflag:s16] =	ssyncset.done $0x0  }
0x4d: {  	s30 =	rddreg [dreg:$0x17];
	[sflag:s16] =	ssyncadd.s32 $0xFFFFF000  }
0x4e: {  	[spmem:s30] =	stream.linear.scatter [tilespmem:s15], [sflag:$0x3], $0x1000, $0x38;
	[tilespmem:$0x1F800] =	vst v63  }
0x4f: {  	_ =	swait.ge [sflag:s16], $0x1000  }
0x50: {  	[sflag:s16] =	ssyncset.done $0x0  }
0x51: {  	s31 =	rddreg [dreg:$0x18];
	[sflag:s16] =	ssyncadd.s32 $0xFFFFF000  }
0x52: {  	[spmem:s31] =	stream.linear.scatter [tilespmem:s15], [sflag:$0x3], $0x1000, $0x38;
	[tilespmem:$0x1F800] =	vst v63  }
0x53: {  	_ =	swait.ge [sflag:s16], $0x1000  }
0x54: {  	[sflag:s16] =	ssyncset.done $0x0  }
0x55: {  	s30 =	rddreg [dreg:$0x19];
	[sflag:s16] =	ssyncadd.s32 $0xFFFFF000  }
0x56: {  	[spmem:s30] =	stream.linear.scatter [tilespmem:s15], [sflag:$0x3], $0x1000, $0x38;
	[tilespmem:$0x1F800] =	vst v63  }
0x57: {  	_ =	swait.ge [sflag:s16], $0x1000  }
0x58: {  	[sflag:s16] =	ssyncset.done $0x0  }
0x59: {  	s31 =	rddreg [dreg:$0x1a];
	[sflag:s16] =	ssyncadd.s32 $0xFFFFF000  }
0x5a: {  	[spmem:s31] =	stream.linear.scatter [tilespmem:s15], [sflag:$0x3], $0x1000, $0x38;
	[tilespmem:$0x1F800] =	vst v63  }
0x5b: {  	_ =	swait.ge [sflag:s16], $0x1000  }
0x5c: {  	[sflag:s16] =	ssyncset.done $0x0  }
0x5d: {  	s30 =	rddreg [dreg:$0x1b];
	[sflag:s16] =	ssyncadd.s32 $0xFFFFF000  }
0x5e: {  	[spmem:s30] =	stream.linear.scatter [tilespmem:s15], [sflag:$0x3], $0x1000, $0x38;
	[tilespmem:$0x1F800] =	vst v63  }
0x5f: {  	_ =	swait.ge [sflag:s16], $0x1000  }
0x60: {  	[sflag:s16] =	ssyncset.done $0x0  }
0x61: {  	s31 =	rddreg [dreg:$0x1c];
	[sflag:s16] =	ssyncadd.s32 $0xFFFFF000  }
0x62: {  	[spmem:s31] =	stream.linear.scatter [tilespmem:s15], [sflag:$0x3], $0x1000, $0x38;
	[tilespmem:$0x1F800] =	vst v63  }
0x63: {  	_ =	swait.ge [sflag:s16], $0x1000  }
0x64: {  	[sflag:s16] =	ssyncset.done $0x0  }
0x65: {  	[sflag:s16] =	ssyncadd.s32 $0xFFFFF000  }
0x66: {  	[spmem:s3] =	stream.linear.scatter [tilespmem:s15], [sflag:$0x3], $0x1000, $0x38;
	[tilespmem:$0x1F800] =	vst v63  }
0x67: {  	_ =	swait.ge [sflag:s16], $0x1000  }
0x68: {  	[sflag:s16] =	ssyncset.done $0x0  }
0x69: {  	[sflag:s16] =	ssyncadd.s32 $0xFFFFF000  }
0x6a: {  	[spmem:s6] =	stream.linear.scatter [tilespmem:s15], [sflag:$0x3], $0x1000, $0x38;
	[tilespmem:$0x1F800] =	vst v63  }
0x6b: {  	_ =	swait.ge [sflag:s16], $0x1000  }
0x6c: {  	[sflag:s16] =	ssyncset.done $0x0  }
0x6d: {  	[sflag:s16] =	ssyncadd.s32 $0xFFFFF000  }
0x6e: {  	[spmem:s7] =	stream.linear.scatter [tilespmem:s15], [sflag:$0x3], $0x1000, $0x38;
	[tilespmem:$0x1F800] =	vst v63  }
0x6f: {  	_ =	swait.ge [sflag:s16], $0x1000  }
0x70: {  	[sflag:s16] =	ssyncset.done $0x0  }
0x71: {  	[sflag:s16] =	ssyncadd.s32 $0xFFFFF000  }
0x72: {  	[spmem:s8] =	stream.linear.scatter [tilespmem:s15], [sflag:$0x3], $0x1000, $0x38;
	[tilespmem:$0x1F800] =	vst v63  }
0x73: {  	_ =	swait.ge [sflag:s16], $0x1000  }
0x74: {  	[sflag:s16] =	ssyncset.done $0x0  }
0x75: {  	[sflag:s16] =	ssyncadd.s32 $0xFFFFF000  }
0x76: {  	[spmem:s9] =	stream.linear.scatter [tilespmem:s15], [sflag:$0x3], $0x1000, $0x38;
	[tilespmem:$0x1F800] =	vst v63  }
0x77: {  	_ =	swait.ge [sflag:s16], $0x1000  }
0x78: {  	[sflag:s16] =	ssyncset.done $0x0  }
0x79: {  	[sflag:s16] =	ssyncadd.s32 $0xFFFFF000  }
0x7a: {  	[spmem:s10] =	stream.linear.scatter [tilespmem:s15], [sflag:$0x3], $0x1000, $0x38;
	[tilespmem:$0x1F800] =	vst v63  }
0x7b: {  	_ =	swait.ge [sflag:s16], $0x1000  }
0x7c: {  	[sflag:s16] =	ssyncset.done $0x0  }
0x7d: {  	[sflag:s16] =	ssyncadd.s32 $0xFFFFF000  }
0x7e: {  	[spmem:s11] =	stream.linear.scatter [tilespmem:s15], [sflag:$0x3], $0x1000, $0x38;
	[tilespmem:$0x1F800] =	vst v63  }
0x7f: {  	_ =	swait.ge [sflag:s16], $0x1000  }
0x80: {  	[sflag:s16] =	ssyncset.done $0x0  }
0x81: {  	[sflag:s16] =	ssyncadd.s32 $0xFFFFF000  }
0x82: {  	[spmem:s12] =	stream.linear.scatter [tilespmem:s15], [sflag:$0x3], $0x1000, $0x38;
	[tilespmem:$0x1F800] =	vst v63  }
0x83: {  	_ =	swait.ge [sflag:s16], $0x1000  }
0x84: {  	[sflag:s16] =	ssyncset.done $0x0  }
0x85: {  	[sflag:s16] =	ssyncadd.s32 $0xFFFFF000  }
0x86: {  	[spmem:s13] =	stream.linear.scatter [tilespmem:s15], [sflag:$0x3], $0x1000, $0x38;
	[tilespmem:$0x1F800] =	vst v63  }
0x87: {  	_ =	swait.ge [sflag:s16], $0x1000  }
0x88: {  	[sflag:s16] =	ssyncset.done $0x0  }
0x89: {  	[sflag:s16] =	ssyncadd.s32 $0xFFFFF000  }
0x8a: {  	[spmem:s14] =	stream.linear.scatter [tilespmem:s15], [sflag:$0x3], $0x1000, $0x38;
	[tilespmem:$0x1F800] =	vst v63  }
0x8b: {  	_ =	swait.ge [sflag:s16], $0x1000  }
0x8c: {  	[sflag:s16] =	ssyncset.done $0x0  }
0x8d: {  	[sflag:s16] =	ssyncadd.s32 $0xFFFFF000  }
0x8e: {  	[bflag:$0x0] =	sbarrier.arrive $0xFFFF  }
0x8f: {  	s28 =	simm.s32 $0x0;
	s30 =	rddreg [dreg:$0x3]  }
0x90: {  	[tilespmem:s17], [sflag:$0x3] =	stream.linear.gather [hbm4b:s30+s28], $0x1400, $0x38;
	[tilespmem:$0x1F800] =	vst v63  }
0x91: {  	_ =	swait.ge [sflag:s16], $0x1400  }
0x92: {  	[sflag:s16] =	ssyncset.done $0x0  }
0x93: {  	s31 =	rddreg [dreg:$0x4];
	[sflag:s16] =	ssyncadd.s32 $0xFFFFEC00  }
0x94: {  	[tilespmem:s18], [sflag:$0x3] =	stream.linear.gather [hbm4b:s31+s28], $0x1400, $0x38;
	[tilespmem:$0x1F800] =	vst v63  }
0x95: {  	_ =	swait.ge [sflag:s16], $0x1400  }
0x96: {  	[sflag:s16] =	ssyncset.done $0x0  }
0x97: {  	[sflag:s16] =	ssyncadd.s32 $0xFFFFEC00  }
0x98: {  	[tilespmem:s15], [sflag:$0x1] =	stream.indirect.gather [hbm4b:s4+s19], $0x80, s17, s19, $0xb8;
	[tilespmem:$0x1F800] =	vst v63  }
0x99: {  	s28 =	simm.s32 $0x15080  }
0x9a: {  	[tilespmem:s20], [sflag:$0x2] =	stream.indirect.gather [hbm4b:s4+s19], $0x80, s28, s19, $0xb8;
	[tilespmem:$0x1F800] =	vst v63  }
0x9b: {  	_ =	swait.ge [sflag:s21], $0x4000  }
0x9c: {  	[sflag:s21] =	ssyncset.done $0x0  }
0x9d: {  	s28 =	simm.s32 $0x16400;
	[sflag:s21] =	ssyncadd.s32 $0xFFFFC000  }
0x9e: {  	[spmem:s1] =	stream.indirect.scatter.add.f32 [tilespmem:s15], [sflag:$0x3], $0x80, s28, s19, $0xb8;
	[tilespmem:$0x1F800] =	vst v63  }
0x9f: {  	_ =	swait.ge [sflag:s16], $0x4000  }
0xa0: {  	[sflag:s16] =	ssyncset.done $0x0  }
0xa1: {  	s28 =	simm.s32 $0x15100;
	[sflag:s16] =	ssyncadd.s32 $0xFFFFC000  }
0xa2: {  	[tilespmem:s15], [sflag:$0x1] =	stream.indirect.gather [hbm4b:s4+s19], $0x80, s28, s19, $0xb8;
	[tilespmem:$0x1F800] =	vst v63  }
0xa3: {  	_ =	swait.ge [sflag:s22], $0x4000  }
0xa4: {  	[sflag:s22] =	ssyncset.done $0x0  }
0xa5: {  	s28 =	simm.s32 $0x16480;
	[sflag:s22] =	ssyncadd.s32 $0xFFFFC000  }
0xa6: {  	[spmem:s1] =	stream.indirect.scatter.add.f32 [tilespmem:s20], [sflag:$0x3], $0x80, s28, s19, $0xb8;
	[tilespmem:$0x1F800] =	vst v63  }
0xa7: {  	_ =	swait.ge [sflag:s16], $0x4000  }
0xa8: {  	s29 =	simm.s32 $0x800;
	s28 =	simm.s32 $0x100;
	[sflag:s16] =	ssyncset.done $0x0  }
.LBB2_4:
0xa9: {  	s30 =	sadd.s32 $0x15080, s28  }
0xaa: {  	[sflag:s16] =	ssyncadd.s32 $0xFFFFC000;
	s31 =	smov.u32 s29;
	s0 =	sadd.s32 $0x400, s29  }
0xab: {  	[tilespmem:s20], [sflag:$0x2] =	stream.indirect.gather [hbm4b:s4+s19], $0x80, s30, s19, $0xb8;
	[tilespmem:$0x1F800] =	vst v63  }
0xac: {  	p0 =	sne.s32 s29, $0x4800;
	_ =	swait.ge [sflag:s21], $0x4000  }
0xad: {  	[sflag:s21] =	ssyncset.done $0x0  }
0xae: {  	s29 =	sadd.s32 $0x16400, s28;
	[sflag:s21] =	ssyncadd.s32 $0xFFFFC000  }
0xaf: {  	[spmem:s1] =	stream.indirect.scatter.add.f32 [tilespmem:s15], [sflag:$0x3], $0x80, s29, s19, $0xb8;
	[tilespmem:$0x1F800] =	vst v63  }
0xb0: {  	_ =	swait.ge [sflag:s16], $0x4000  }
0xb1: {  	[sflag:s16] =	ssyncset.done $0x0  }
0xb2: {  	s29 =	sadd.s32 $0x15100, s28;
	[sflag:s16] =	ssyncadd.s32 $0xFFFFC000  }
0xb3: {  	[tilespmem:s15], [sflag:$0x1] =	stream.indirect.gather [hbm4b:s4+s19], $0x80, s29, s19, $0xb8;
	[tilespmem:$0x1F800] =	vst v63  }
0xb4: {  	_ =	swait.ge [sflag:s22], $0x4000  }
.Ltmp1:
0xb5: {  	[sflag:s22] =	ssyncset.done $0x0;
	(pc) =	sbr.rel @p0 .LBB2_4-.Ltmp1, $4  }
0xb6: {  	s28 =	sadd.s32 $0x16480, s28;
	[sflag:s22] =	ssyncadd.s32 $0xFFFFC000  }
0xb7: {  	[spmem:s1] =	stream.indirect.scatter.add.f32 [tilespmem:s20], [sflag:$0x3], $0x80, s28, s19, $0xb8;
	[tilespmem:$0x1F800] =	vst v63  }
0xb8: {  	_ =	swait.ge [sflag:s16], $0x4000  }
0xb9: {  	s29 =	smov.u32 s0;
	s28 =	sshra.s32 s31, $0x2;
	[sflag:s16] =	ssyncset.done $0x0  }
0xba: {  	s0 =	sadd.s32 $0x15080, s28;
	[sflag:s16] =	ssyncadd.s32 $0xFFFFC000  }
0xbb: {  	[tilespmem:s20], [sflag:$0x2] =	stream.indirect.gather [hbm4b:s4+s19], $0x80, s0, s19, $0xb8;
	[tilespmem:$0x1F800] =	vst v63  }
0xbc: {  	_ =	swait.ge [sflag:s21], $0x4000  }
0xbd: {  	[sflag:s21] =	ssyncset.done $0x0  }
0xbe: {  	s30 =	sadd.s32 $0x16400, s28;
	[sflag:s21] =	ssyncadd.s32 $0xFFFFC000  }
0xbf: {  	[spmem:s1] =	stream.indirect.scatter.add.f32 [tilespmem:s15], [sflag:$0x3], $0x80, s30, s19, $0xb8;
	[tilespmem:$0x1F800] =	vst v63  }
0xc0: {  	_ =	swait.ge [sflag:s16], $0x4000  }
0xc1: {  	[sflag:s16] =	ssyncset.done $0x0  }
0xc2: {  	s31 =	sadd.s32 $0x15100, s28;
	[sflag:s16] =	ssyncadd.s32 $0xFFFFC000  }
0xc3: {  	[tilespmem:s15], [sflag:$0x1] =	stream.indirect.gather [hbm4b:s4+s19], $0x80, s31, s19, $0xb8;
	[tilespmem:$0x1F800] =	vst v63  }
0xc4: {  	_ =	swait.ge [sflag:s22], $0x4000  }
0xc5: {  	[sflag:s22] =	ssyncset.done $0x0  }
0xc6: {  	s30 =	sadd.s32 $0x16480, s28;
	[sflag:s22] =	ssyncadd.s32 $0xFFFFC000  }
0xc7: {  	[spmem:s1] =	stream.indirect.scatter.add.f32 [tilespmem:s20], [sflag:$0x3], $0x80, s30, s19, $0xb8;
	[tilespmem:$0x1F800] =	vst v63  }
0xc8: {  	_ =	swait.ge [sflag:s16], $0x4000  }
0xc9: {  	[sflag:s16] =	ssyncset.done $0x0  }
0xca: {  	[sflag:s16] =	ssyncadd.s32 $0xFFFFC000  }
0xcb: {  	[tilespmem:s20], [sflag:$0x2] =	stream.indirect.gather [hbm4b:s4+s19], $0x80, s23, s19, $0xb8;
	[tilespmem:$0x1F800] =	vst v63  }
0xcc: {  	_ =	swait.ge [sflag:s21], $0x4000  }
0xcd: {  	[sflag:s21] =	ssyncset.done $0x0  }
0xce: {  	[sflag:s21] =	ssyncadd.s32 $0xFFFFC000  }
0xcf: {  	[spmem:s1] =	stream.indirect.scatter.add.f32 [tilespmem:s15], [sflag:$0x3], $0x80, s24, s19, $0xb8;
	[tilespmem:$0x1F800] =	vst v63  }
0xd0: {  	_ =	swait.ge [sflag:s16], $0x4000  }
0xd1: {  	[sflag:s16] =	ssyncset.done $0x0  }
0xd2: {  	[sflag:s16] =	ssyncadd.s32 $0xFFFFC000  }
0xd3: {  	_ =	swait.ge [sflag:s22], $0x4000  }
0xd4: {  	[sflag:s22] =	ssyncset.done $0x0  }
0xd5: {  	[sflag:s22] =	ssyncadd.s32 $0xFFFFC000  }
0xd6: {  	[spmem:s1] =	stream.indirect.scatter.add.f32 [tilespmem:s20], [sflag:$0x3], $0x80, s25, s19, $0xb8;
	[tilespmem:$0x1F800] =	vst v63  }
0xd7: {  	_ =	swait.ge [sflag:s16], $0x4000  }
0xd8: {  	[sflag:s16] =	ssyncset.done $0x0  }
0xd9: {  	s31 =	simm.s32 $0x0;
	s28 =	rddreg [dreg:$0x5];
	[sflag:s16] =	ssyncadd.s32 $0xFFFFC000  }
0xda: {  	[tilespmem:s17], [sflag:$0x3] =	stream.linear.gather [hbm4b:s28+s31], $0x1400, $0x38;
	[tilespmem:$0x1F800] =	vst v63  }
0xdb: {  	_ =	swait.ge [sflag:s16], $0x1400  }
0xdc: {  	[sflag:s16] =	ssyncset.done $0x0  }
0xdd: {  	s28 =	rddreg [dreg:$0x6];
	[sflag:s16] =	ssyncadd.s32 $0xFFFFEC00  }
0xde: {  	[tilespmem:s18], [sflag:$0x3] =	stream.linear.gather [hbm4b:s28+s31], $0x1400, $0x38;
	[tilespmem:$0x1F800] =	vst v63  }
0xdf: {  	_ =	swait.ge [sflag:s16], $0x1400  }
0xe0: {  	[sflag:s16] =	ssyncset.done $0x0  }
0xe1: {  	[sflag:s16] =	ssyncadd.s32 $0xFFFFEC00  }
0xe2: {  	[tilespmem:s15], [sflag:$0x1] =	stream.indirect.gather [hbm4b:s4+s19], $0x80, s17, s19, $0xb8;
	[tilespmem:$0x1F800] =	vst v63  }
0xe3: {  	s30 =	simm.s32 $0x15080  }
0xe4: {  	[tilespmem:s20], [sflag:$0x2] =	stream.indirect.gather [hbm4b:s4+s19], $0x80, s30, s19, $0xb8;
	[tilespmem:$0x1F800] =	vst v63  }
0xe5: {  	_ =	swait.ge [sflag:s21], $0x4000  }
0xe6: {  	[sflag:s21] =	ssyncset.done $0x0  }
0xe7: {  	s31 =	simm.s32 $0x16400;
	[sflag:s21] =	ssyncadd.s32 $0xFFFFC000  }
0xe8: {  	[spmem:s1] =	stream.indirect.scatter.add.f32 [tilespmem:s15], [sflag:$0x3], $0x80, s31, s19, $0xb8;
	[tilespmem:$0x1F800] =	vst v63  }
0xe9: {  	_ =	swait.ge [sflag:s16], $0x4000  }
0xea: {  	[sflag:s16] =	ssyncset.done $0x0  }
0xeb: {  	s30 =	simm.s32 $0x15100;
	[sflag:s16] =	ssyncadd.s32 $0xFFFFC000  }
0xec: {  	[tilespmem:s15], [sflag:$0x1] =	stream.indirect.gather [hbm4b:s4+s19], $0x80, s30, s19, $0xb8;
	[tilespmem:$0x1F800] =	vst v63  }
0xed: {  	_ =	swait.ge [sflag:s22], $0x4000  }
0xee: {  	[sflag:s22] =	ssyncset.done $0x0  }
0xef: {  	s31 =	simm.s32 $0x16480;
	[sflag:s22] =	ssyncadd.s32 $0xFFFFC000  }
0xf0: {  	[spmem:s1] =	stream.indirect.scatter.add.f32 [tilespmem:s20], [sflag:$0x3], $0x80, s31, s19, $0xb8;
	[tilespmem:$0x1F800] =	vst v63  }
0xf1: {  	_ =	swait.ge [sflag:s16], $0x4000  }
0xf2: {  	s29 =	simm.s32 $0x800;
	s28 =	simm.s32 $0x100;
	[sflag:s16] =	ssyncset.done $0x0  }
.LBB2_6:
0xf3: {  	s0 =	sadd.s32 $0x15080, s28  }
0xf4: {  	[sflag:s16] =	ssyncadd.s32 $0xFFFFC000;
	s30 =	smov.u32 s29;
	s31 =	sadd.s32 $0x400, s29  }
0xf5: {  	[tilespmem:s20], [sflag:$0x2] =	stream.indirect.gather [hbm4b:s4+s19], $0x80, s0, s19, $0xb8;
	[tilespmem:$0x1F800] =	vst v63  }
0xf6: {  	p0 =	sne.s32 s29, $0x4800;
	_ =	swait.ge [sflag:s21], $0x4000  }
0xf7: {  	[sflag:s21] =	ssyncset.done $0x0  }
0xf8: {  	s0 =	sadd.s32 $0x16400, s28;
	[sflag:s21] =	ssyncadd.s32 $0xFFFFC000  }
0xf9: {  	[spmem:s1] =	stream.indirect.scatter.add.f32 [tilespmem:s15], [sflag:$0x3], $0x80, s0, s19, $0xb8;
	[tilespmem:$0x1F800] =	vst v63  }
0xfa: {  	_ =	swait.ge [sflag:s16], $0x4000  }
0xfb: {  	[sflag:s16] =	ssyncset.done $0x0  }
0xfc: {  	s0 =	sadd.s32 $0x15100, s28;
	[sflag:s16] =	ssyncadd.s32 $0xFFFFC000  }
0xfd: {  	[tilespmem:s15], [sflag:$0x1] =	stream.indirect.gather [hbm4b:s4+s19], $0x80, s0, s19, $0xb8;
	[tilespmem:$0x1F800] =	vst v63  }
0xfe: {  	_ =	swait.ge [sflag:s22], $0x4000  }
.Ltmp2:
0xff: {  	[sflag:s22] =	ssyncset.done $0x0;
	(pc) =	sbr.rel @p0 .LBB2_6-.Ltmp2, $4  }
0x100: {  	s0 =	sadd.s32 $0x16480, s28;
	[sflag:s22] =	ssyncadd.s32 $0xFFFFC000  }
0x101: {  	[spmem:s1] =	stream.indirect.scatter.add.f32 [tilespmem:s20], [sflag:$0x3], $0x80, s0, s19, $0xb8;
	[tilespmem:$0x1F800] =	vst v63  }
0x102: {  	_ =	swait.ge [sflag:s16], $0x4000  }
0x103: {  	s29 =	smov.u32 s31;
	s28 =	sshra.s32 s30, $0x2;
	[sflag:s16] =	ssyncset.done $0x0  }
0x104: {  	s0 =	sadd.s32 $0x15080, s28;
	[sflag:s16] =	ssyncadd.s32 $0xFFFFC000  }
0x105: {  	[tilespmem:s20], [sflag:$0x2] =	stream.indirect.gather [hbm4b:s4+s19], $0x80, s0, s19, $0xb8;
	[tilespmem:$0x1F800] =	vst v63  }
0x106: {  	_ =	swait.ge [sflag:s21], $0x4000  }
0x107: {  	[sflag:s21] =	ssyncset.done $0x0  }
0x108: {  	s29 =	sadd.s32 $0x16400, s28;
	[sflag:s21] =	ssyncadd.s32 $0xFFFFC000  }
0x109: {  	[spmem:s1] =	stream.indirect.scatter.add.f32 [tilespmem:s15], [sflag:$0x3], $0x80, s29, s19, $0xb8;
	[tilespmem:$0x1F800] =	vst v63  }
0x10a: {  	_ =	swait.ge [sflag:s16], $0x4000  }
0x10b: {  	[sflag:s16] =	ssyncset.done $0x0  }
0x10c: {  	s30 =	sadd.s32 $0x15100, s28;
	[sflag:s16] =	ssyncadd.s32 $0xFFFFC000  }
0x10d: {  	[tilespmem:s15], [sflag:$0x1] =	stream.indirect.gather [hbm4b:s4+s19], $0x80, s30, s19, $0xb8;
	[tilespmem:$0x1F800] =	vst v63  }
0x10e: {  	_ =	swait.ge [sflag:s22], $0x4000  }
0x10f: {  	[sflag:s22] =	ssyncset.done $0x0  }
0x110: {  	s31 =	sadd.s32 $0x16480, s28;
	[sflag:s22] =	ssyncadd.s32 $0xFFFFC000  }
0x111: {  	[spmem:s1] =	stream.indirect.scatter.add.f32 [tilespmem:s20], [sflag:$0x3], $0x80, s31, s19, $0xb8;
	[tilespmem:$0x1F800] =	vst v63  }
0x112: {  	_ =	swait.ge [sflag:s16], $0x4000  }
0x113: {  	[sflag:s16] =	ssyncset.done $0x0  }
0x114: {  	[sflag:s16] =	ssyncadd.s32 $0xFFFFC000  }
0x115: {  	[tilespmem:s20], [sflag:$0x2] =	stream.indirect.gather [hbm4b:s4+s19], $0x80, s23, s19, $0xb8;
	[tilespmem:$0x1F800] =	vst v63  }
0x116: {  	_ =	swait.ge [sflag:s21], $0x4000  }
0x117: {  	[sflag:s21] =	ssyncset.done $0x0  }
0x118: {  	[sflag:s21] =	ssyncadd.s32 $0xFFFFC000  }
0x119: {  	[spmem:s1] =	stream.indirect.scatter.add.f32 [tilespmem:s15], [sflag:$0x3], $0x80, s24, s19, $0xb8;
	[tilespmem:$0x1F800] =	vst v63  }
0x11a: {  	_ =	swait.ge [sflag:s16], $0x4000  }
0x11b: {  	[sflag:s16] =	ssyncset.done $0x0  }
0x11c: {  	[sflag:s16] =	ssyncadd.s32 $0xFFFFC000  }
0x11d: {  	_ =	swait.ge [sflag:s22], $0x4000  }
0x11e: {  	[sflag:s22] =	ssyncset.done $0x0  }
0x11f: {  	[sflag:s22] =	ssyncadd.s32 $0xFFFFC000  }
0x120: {  	[spmem:s1] =	stream.indirect.scatter.add.f32 [tilespmem:s20], [sflag:$0x3], $0x80, s25, s19, $0xb8;
	[tilespmem:$0x1F800] =	vst v63  }
0x121: {  	_ =	swait.ge [sflag:s16], $0x4000  }
0x122: {  	[sflag:s16] =	ssyncset.done $0x0  }
0x123: {  	[sflag:s16] =	ssyncadd.s32 $0xFFFFC000  }
0x124: {  	[bflag:$0x0] =	sbarrier.arrive $0xFFFF  }
0x125: {  	[tilespmem:s15], [sflag:$0x3] =	stream.linear.gather [spmem:s5], $0x4000, $0x38;
	[tilespmem:$0x1F800] =	vst v63  }
0x126: {  	_ =	swait.ge [sflag:s16], $0x4000  }
0x127: {  	[sflag:s16] =	ssyncset.done $0x0  }
0x128: {  	s28 =	rddreg [dreg:$0xd];
	[sflag:s16] =	ssyncadd.s32 $0xFFFFC000  }
0x129: {  	[hbm4b:s28+s2] =	stream.linear.scatter [tilespmem:s15], [sflag:$0x3], $0x4000, $0x38;
	[tilespmem:$0x1F800] =	vst v63  }
0x12a: {  	_ =	swait.ge [sflag:s16], $0x4000  }
0x12b: {  	[sflag:s16] =	ssyncset.done $0x0  }
0x12c: {  	s29 =	rddreg [dreg:$0x13];
	[sflag:s16] =	ssyncadd.s32 $0xFFFFC000  }
0x12d: {  	[tilespmem:s15], [sflag:$0x3] =	stream.linear.gather [spmem:s29], $0x4000, $0x38;
	[tilespmem:$0x1F800] =	vst v63  }
0x12e: {  	_ =	swait.ge [sflag:s16], $0x4000  }
0x12f: {  	[sflag:s16] =	ssyncset.done $0x0  }
0x130: {  	s30 =	rddreg [dreg:$0xe];
	[sflag:s16] =	ssyncadd.s32 $0xFFFFC000  }
0x131: {  	[hbm4b:s30+s2] =	stream.linear.scatter [tilespmem:s15], [sflag:$0x3], $0x4000, $0x38;
	[tilespmem:$0x1F800] =	vst v63  }
0x132: {  	_ =	swait.ge [sflag:s16], $0x4000  }
0x133: {  	[sflag:s16] =	ssyncset.done $0x0  }
0x134: {  	s31 =	rddreg [dreg:$0x14];
	[sflag:s16] =	ssyncadd.s32 $0xFFFFC000  }
0x135: {  	[tilespmem:s15], [sflag:$0x3] =	stream.linear.gather [spmem:s31], $0x4000, $0x38;
	[tilespmem:$0x1F800] =	vst v63  }
0x136: {  	_ =	swait.ge [sflag:s16], $0x4000  }
0x137: {  	[sflag:s16] =	ssyncset.done $0x0  }
0x138: {  	s28 =	rddreg [dreg:$0xf];
	[sflag:s16] =	ssyncadd.s32 $0xFFFFC000  }
0x139: {  	[hbm4b:s28+s2] =	stream.linear.scatter [tilespmem:s15], [sflag:$0x3], $0x4000, $0x38;
	[tilespmem:$0x1F800] =	vst v63  }
0x13a: {  	_ =	swait.ge [sflag:s16], $0x4000  }
0x13b: {  	[sflag:s16] =	ssyncset.done $0x0  }
0x13c: {  	s29 =	rddreg [dreg:$0x15];
	[sflag:s16] =	ssyncadd.s32 $0xFFFFC000  }
0x13d: {  	[tilespmem:s15], [sflag:$0x3] =	stream.linear.gather [spmem:s29], $0x4000, $0x38;
	[tilespmem:$0x1F800] =	vst v63  }
0x13e: {  	_ =	swait.ge [sflag:s16], $0x4000  }
0x13f: {  	[sflag:s16] =	ssyncset.done $0x0  }
0x140: {  	s30 =	rddreg [dreg:$0x10];
	[sflag:s16] =	ssyncadd.s32 $0xFFFFC000  }
0x141: {  	[hbm4b:s30+s2] =	stream.linear.scatter [tilespmem:s15], [sflag:$0x3], $0x4000, $0x38;
	[tilespmem:$0x1F800] =	vst v63  }
0x142: {  	_ =	swait.ge [sflag:s16], $0x4000  }
0x143: {  	[sflag:s16] =	ssyncset.done $0x0  }
0x144: {  	s31 =	rddreg [dreg:$0x16];
	[sflag:s16] =	ssyncadd.s32 $0xFFFFC000  }
0x145: {  	[tilespmem:s15], [sflag:$0x3] =	stream.linear.gather [spmem:s31], $0x4000, $0x38;
	[tilespmem:$0x1F800] =	vst v63  }
0x146: {  	_ =	swait.ge [sflag:s16], $0x4000  }
0x147: {  	[sflag:s16] =	ssyncset.done $0x0  }
0x148: {  	s28 =	rddreg [dreg:$0x11];
	[sflag:s16] =	ssyncadd.s32 $0xFFFFC000  }
0x149: {  	[hbm4b:s28+s2] =	stream.linear.scatter [tilespmem:s15], [sflag:$0x3], $0x4000, $0x38;
	[tilespmem:$0x1F800] =	vst v63  }
0x14a: {  	_ =	swait.ge [sflag:s16], $0x4000  }
0x14b: {  	[sflag:s16] =	ssyncset.done $0x0  }
0x14c: {  	s29 =	rddreg [dreg:$0x7];
	[sflag:s16] =	ssyncadd.s32 $0xFFFFC000  }
0x14d: {  	[tilespmem:s15], [sflag:$0x3] =	stream.linear.gather [spmem:s29], $0x1000, $0x38;
	[tilespmem:$0x1F800] =	vst v63  }
0x14e: {  	_ =	swait.ge [sflag:s16], $0x1000  }
0x14f: {  	[sflag:s16] =	ssyncset.done $0x0  }
0x150: {  	s30 =	rddreg [dreg:$0x8];
	[sflag:s16] =	ssyncadd.s32 $0xFFFFF000  }
0x151: {  	[hbm4b:s30+s2] =	stream.linear.scatter [tilespmem:s15], [sflag:$0x3], $0x1000, $0x38;
	[tilespmem:$0x1F800] =	vst v63  }
0x152: {  	_ =	swait.ge [sflag:s16], $0x1000  }
0x153: {  	s26 =	sadd.s32 $0x1, s26;
	s31 =	rddreg [dreg:$0x9]  }
0x154: {  	p0 =	sne.s32 s26, s31  }
.Ltmp3:
0x155: {  	_ = 	snop;
	(pc) =	sbr.rel @p0 .LBB2_1-.Ltmp3, $3  }
0x156: {  	_ =	sdelay $0x1  }
0x157: {  	[sflag:s16] =	ssyncset.done $0x0  }
0x158: {  	[sflag:s16] =	ssyncadd.s32 $0xFFFFF000  }
0x159: {  	_ =	sfence.sel $0x180000  }
0x15a: {  	[bflag:$0x0] =	sbarrier.arrive $0xFFFF  }
0x15b: {  	_ =	strace $0x9000004A  }
0x15c: {  	s0 =	stileid.u32;
	[bflag:$0x2] =	sbarrier.arrive $0xFFFF  }
0x15d: {  	p0 =	sne.s32 s0, $0x0;
	s0 =	rddreg [dreg:$0x2]  }
0x15e: {  	s0 =	sadd.s32 @!p0 $0x100000, s0  }
0x15f: {  	[sflag:s0] =	ssyncadd.tile.s32 @!p0 $0x1;
	_ =	shalt  }
.Lfunc_end2:
_tile_overlayer_lowered:
.L_overlay_start_2:
0x160: {  	(tag) =	ssettag $0x2  }
0x161: {  	s0 =	rddreg [dreg:$0x0];
	s2 =	stileid.u32  }
0x162: {  	s1 =	rddreg [dreg:$0x1];
	p0 =	sne.s32 s2, $0x0  }
0x163: {  	s3 =	rddreg [dreg:$0x2];
	[bflag:$0x3] =	sbarrier.arrive $0xFFFF;
	s2 =	simm.s32 @!p0 $0x1C03  }
0x164: {  	[timem:s3], [sflag:s2] =	dma.local @!p0 [hbm:s0], s1  }
0x165: {  	s0 =	simm.s32 @!p0 $0x3  }
0x166: {  	_ =	swait.ge @!p0 [sflag:s0], s1  }
0x167: {  	s1 =	ssub.s32 @!p0 $0x0, s1;
	[sflag:s0] =	ssyncset.done @!p0 $0x0  }
0x168: {  	[sflag:s0] =	ssyncadd.s32 @!p0 s1  }
0x169: {  	[bflag:$0x3] =	sbarrier.arrive $0xFFFF  }
0x16a: {  	_ =	shalt  }

// kernel: kernel.16.cloned.1.call-start
scs
__scs_entry_jumppad:
0x0: {  	(pc) =	sbr.rel $0x88, $3  }
0x1: {  	(tag) =	ssettag $0x0;
	lr =	simm.s32 $0x1  }
0x2: {  	[smem:$0x3F93] =	sst lr;
	_ =	strace $0xD0000000  }
0x3: {  	_ = 	snop  }
0x4: {  	_ = 	snop  }
0x5: {  	_ = 	snop  }
0x6: {  	_ = 	snop  }
0x7: {  	_ = 	snop  }
__scs_overlays_trampoline_lowered:
0x8: {  	[smem:$0x3FA2] =	sst s0  }
0x9: {  	[smem:$0x3FA3] =	sst s1  }
0xa: {  	[smem:$0x3FA4] =	sst s2  }
0xb: {  	[smem:$0x3FA5] =	sst s3  }
0xc: {  	[smem:$0x3FA6] =	sst s4  }
0xd: {  	[smem:$0x3FA7] =	sst s5  }
0xe: {  	[smem:$0x3FA8] =	sst s6  }
0xf: {  	[smem:$0x3FA9] =	sst s7  }
0x10: {  	[smem:$0x3FAA] =	sst s8  }
0x11: {  	[smem:$0x3FAB] =	sst s9;
	s0 =	simm.s32 @!p0 $0x0  }
0x12: {  	s1 =	sld [smem:$0x3F91];
	s0 =	simm.s32 @p0 $0x1  }
0x13: {  	[smem:$0x3FAC] =	sst s0;
	s0 =	simm.s32 @!p1 $0x0  }
0x14: {  	s2 =	sld [smem:$0x3F90];
	s0 =	simm.s32 @p1 $0x1  }
0x15: {  	[smem:$0x3FAD] =	sst s0;
	s0 =	simm.s32 @!p2 $0x0  }
0x16: {  	s3 =	sld [smem:$0x3FDB];
	s0 =	simm.s32 @p2 $0x1  }
0x17: {  	s4 =	simm.s32 $0x1BF5;
	[smem:$0x3FAF] =	sst s0  }
0x18: {  	s0 =	sld [smem:$0x3F92];
	_ =	swait.ge [sflag:s4], $0x0  }
0x19: {  	s7 =	sld [smem:$0x3F93]  }
0x1a: {  	s8 =	sadd.s32 $0xFFFFE003, lr  }
0x1b: {  	s9 =	sadd.s32 $0xFFFFFEF7, lr;
	s5 =	simm.s32 $0xFFFFFFFF;
	p2 =	slt.u32 s8, $0xFFFFF086  }
0x1c: {  	p1 =	slt.u32 s9, $0xF7A;
	s5 =	simm.s32 @!p2 $0x0  }
0x1d: {  	s5 =	simm.s32 @p1 $0x1;
	p0 =	seq.s32 s7, s2  }
0x1e: {  	s7 =	smul.u32 @!p0 $0xF7A, s2;
	p2 =	seq.s32 @!p0 s5, $0x0  }
0x1f: {  	s9 =	smul.u32 $0xF7A, s1;
	s8 =	simm.s32 @!p0 $0x1BF5;
	p2 =	por !p2, p0  }
0x20: {  	[sflag:s8] =	ssyncset.s32 @!p0 $0xFFFFF086;
	s6 =	sadd.s32 @!p0 s3, s7;
	s7 =	simm.s32 @!p0 $0x108  }
0x21: {  	s3 =	sadd.s32 s3, s9;
	s6 =	sadd.s32 @!p0 $0x88, s6;
	s7 =	simm.s32 @p2 $0x1082  }
0x22: {  	[simem:s7], [sflag:s8] =	dma.local @!p0 [hbm:s6], $0xF7A  }
0x23: {  	s9 =	sor.u32 $0xD0000000, s2;
	s6 =	simm.s32 $0x108;
	_ =	swait.ge @!p0 [sflag:s8], $0x0  }
0x24: {  	s3 =	sadd.s32 $0x88, s3;
	s6 =	simm.s32 @!p1 $0x1082;
	[sflag:s4] =	ssyncset.s32 $0xFFFFF086  }
0x25: {  	[simem:s6], [sflag:s4] =	dma.local [hbm:s3], $0xF7A  }
0x26: {  	[smem:$0x3F93] =	sst s1;
	(tag) =	ssettag s2;
	_ =	strace s9  }
0x27: {  	s1 =	sld [smem:$0x3FA3]  }
0x28: {  	s2 =	sld [smem:$0x3FA4]  }
0x29: {  	s4 =	sld [smem:$0x3FA6]  }
0x2a: {  	p0 =	seq.s32 s5, $0x0;
	s5 =	sld [smem:$0x3FA7]  }
0x2b: {  	s6 =	sld [smem:$0x3FA8]  }
0x2c: {  	s7 =	sld [smem:$0x3FA9]  }
0x2d: {  	s3 =	simm.s32 $0x108;
	s8 =	sld [smem:$0x3FAA]  }
0x2e: {  	s3 =	simm.s32 @!p0 $0x1082;
	s9 =	sld [smem:$0x3FAB]  }
0x2f: {  	lr =	sadd.s32 s0, s3;
	s0 =	sld [smem:$0x3FA2]  }
0x30: {  	s3 =	sld [smem:$0x3FA5]  }
0x31: {  	[smem:$0x3FAE] =	sst s10  }
0x32: {  	s10 =	sld [smem:$0x3FAC];
	_ =	sdelay $0x3  }
0x33: {  	p0 =	seq.s32 s10, $0x1;
	s10 =	sld [smem:$0x3FAE];
	_ =	sdelay $0x3  }
0x34: {  	[smem:$0x3FAE] =	sst s10  }
0x35: {  	s10 =	sld [smem:$0x3FAD];
	_ =	sdelay $0x3  }
0x36: {  	p1 =	seq.s32 s10, $0x1;
	s10 =	sld [smem:$0x3FAE];
	_ =	sdelay $0x3  }
0x37: {  	[smem:$0x3FAE] =	sst s10  }
0x38: {  	s10 =	sld [smem:$0x3FAF]  }
0x39: {  	_ = 	snop;
	(pc) =	sbr.ind lr, $3  }
0x3a: {  	_ = 	snop  }
0x3b: {  	_ = 	snop  }
0x3c: {  	p2 =	seq.s32 s10, $0x1;
	s10 =	sld [smem:$0x3FAE]  }
0x3d: {  	_ =	shalt  }
0x3e: {  	_ =	shalt  }
0x3f: {  	_ =	shalt  }
0x40: {  	_ =	shalt  }
0x41: {  	_ =	shalt  }
0x42: {  	_ =	shalt  }
0x43: {  	_ =	shalt  }
0x44: {  	_ =	shalt  }
0x45: {  	_ =	shalt  }
0x46: {  	_ =	shalt  }
0x47: {  	_ =	shalt  }
0x48: {  	_ =	shalt  }
0x49: {  	_ =	shalt  }
0x4a: {  	_ =	shalt  }
0x4b: {  	_ =	shalt  }
0x4c: {  	_ =	shalt  }
0x4d: {  	_ =	shalt  }
0x4e: {  	_ =	shalt  }
0x4f: {  	_ =	shalt  }
0x50: {  	_ =	shalt  }
0x51: {  	_ =	shalt  }
0x52: {  	_ =	shalt  }
0x53: {  	_ =	shalt  }
0x54: {  	_ =	shalt  }
0x55: {  	_ =	shalt  }
0x56: {  	_ =	shalt  }
0x57: {  	_ =	shalt  }
0x58: {  	_ =	shalt  }
0x59: {  	_ =	shalt  }
0x5a: {  	_ =	shalt  }
0x5b: {  	_ =	shalt  }
0x5c: {  	_ =	shalt  }
0x5d: {  	_ =	shalt  }
0x5e: {  	_ =	shalt  }
0x5f: {  	_ =	shalt  }
0x60: {  	_ =	shalt  }
0x61: {  	_ =	shalt  }
0x62: {  	_ =	shalt  }
0x63: {  	_ =	shalt  }
0x64: {  	_ =	shalt  }
0x65: {  	_ =	shalt  }
0x66: {  	_ =	shalt  }
0x67: {  	_ =	shalt  }
0x68: {  	_ =	shalt  }
0x69: {  	_ =	shalt  }
0x6a: {  	_ =	shalt  }
0x6b: {  	_ =	shalt  }
0x6c: {  	_ =	shalt  }
0x6d: {  	_ =	shalt  }
0x6e: {  	_ =	shalt  }
0x6f: {  	_ =	shalt  }
0x70: {  	_ =	shalt  }
0x71: {  	_ =	shalt  }
0x72: {  	_ =	shalt  }
0x73: {  	_ =	shalt  }
0x74: {  	_ =	shalt  }
0x75: {  	_ =	shalt  }
0x76: {  	_ =	shalt  }
0x77: {  	_ =	shalt  }
0x78: {  	_ =	shalt  }
0x79: {  	_ =	shalt  }
0x7a: {  	_ =	shalt  }
0x7b: {  	_ =	shalt  }
0x7c: {  	_ =	shalt  }
0x7d: {  	_ =	shalt  }
0x7e: {  	_ =	shalt  }
0x7f: {  	_ =	shalt  }
0x80: {  	_ =	shalt  }
0x81: {  	_ =	shalt  }
0x82: {  	_ =	shalt  }
0x83: {  	_ =	shalt  }
0x84: {  	_ =	shalt  }
0x85: {  	_ =	shalt  }
0x86: {  	_ =	shalt  }
0x87: {  	_ =	shalt  }
.Lfunc_end0:
.L_simem_size_0:
called_computation.2_lowered:
.L_overlay_start_0:
0x88: {  	s2 =	sld [smem:$0x3FD9]  }
0x89: {  	s3 =	sld [smem:$0x3FFE];
	_ =	sdelay $0x1  }
0x8a: {  	s1 =	srdreg.scid  }
0x8b: {  	s0 =	sand.u32 $0x1, s1  }
0x8c: {  	s16 =	sshll.u32 s0, $0xA;
	s2 =	sadd.s32 s3, s2  }
0x8d: {  	s2 =	sadd.s32 s2, s16  }
0x8e: {  	[smem:$0x3FBA] =	sst s2  }
0x8f: {  	_ = 	snop  }
0x90: {  	(tm) =	ssettm $0x1  }
0x91: {  	s17 =	sld [smem:$0x3FFB];
	_ =	sdelay $0x3  }
0x92: {  	_ =	strace s17  }
0x93: {  	s2 =	sld [smem:$0x3FFC];
	_ =	sdelay $0x3  }
0x94: {  	_ =	strace s2  }
0x95: {  	s2 =	sld [smem:$0x3FFD];
	_ =	sdelay $0x3  }
0x96: {  	_ =	strace s2  }
0x97: {  	_ =	strace $0x8FFFFFFF  }
0x98: {  	s18 =	sld [smem:$0x3FDB];
	_ =	sdelay $0x1  }
0x99: {  	s19 =	simm.s32 $_scs_section_size  }
0x9a: {  	s4 =	simm.s32 $_size__tile_overlayer_lowered;
	s5 =	simm.s32 $_tile_overlayer_lowered  }
0x9b: {  	s22 =	simm.s32 $0x1BFF;
	s21 =	sshll.u32 s5, $0x1;
	s2 =	sadd.s32 s19, s18  }
0x9c: {  	s6 =	simm.s32 $0x0;
	s20 =	sshll.u32 s4, $0x1;
	s4 =	sadd.s32 s21, s2  }
0x9d: {  	[timem:s6], [sflag:s22] =	dma.local [hbm:s4], s20  }
0x9e: {  	_ =	swait.ge [sflag:s22], s20  }
0x9f: {  	s3 =	ssub.s32 $0x0, s20;
	[sflag:s22] =	ssyncset.done $0x0  }
0xa0: {  	[sflag:s22] =	ssyncadd.s32 s3;
	_ =	sdelay $0x1  }
0xa1: {  	s23 =	simm.s32 $0x1B8B  }
0xa2: {  	_ =	swait.ge [sflag:s23], $0x1  }
0xa3: {  	[sflag:s23] =	ssyncset.done $0x0  }
0xa4: {  	s25 =	simm.s32 $0x1B8E;
	s24 =	sld [smem:$0x3FFE];
	[sflag:s23] =	ssyncadd.s32 $0xFFFFFFFF  }
0xa5: {  	s26 =	simm.s32 $execute0_lowered;
	[smem:$0x3FD2] =	sst s25  }
0xa6: {  	s4 =	sshll.u32 s26, $0x1;
	_ =	strace $0x8000004C;
	[dreg:$0x1] =	wrdreg $0xFFFFFFFF  }
0xa7: {  	s28 =	simm.s32 $_size_execute0_lowered;
	s2 =	sadd.s32 s2, s4;
	[dreg:$0x0] =	wrdreg $0x0  }
0xa8: {  	s4 =	sshll.u32 s28, $0x1;
	[dreg:$0x2] =	wrdreg s2  }
0xa9: {  	[dreg:$0x3] =	wrdreg s4  }
0xaa: {  	[dreg:$0x4] =	wrdreg $0xC0  }
0xab: {  	_ =	task [dreg:s6], $0x5FFFF  }
0xac: {  	[dreg:$0x1] =	wrdreg $0xFFFFFFFF  }
0xad: {  	[dreg:$0x0] =	wrdreg $0x60  }
0xae: {  	[dreg:$0x2] =	wrdreg s24  }
0xaf: {  	[dreg:$0x3] =	wrdreg $0x0  }
0xb0: {  	[dreg:$0x4] =	wrdreg $0x9  }
0xb1: {  	_ =	task.clear_ibuf [dreg:s6], $0x5FFFF;
	_ =	strace $0x9000004C  }
0xb2: {  	s29 =	simm.s32 $0x9;
	_ =	strace $0x8000004E  }
0xb3: {  	_ =	swait.ge [sflag:s29], $0x1  }
0xb4: {  	[sflag:s29] =	ssyncadd.s32 $0xFFFFFFFF  }
0xb5: {  	_ =	strace $0x9000004E  }
0xb6: {  	_ =	sfence  }
0xb7: {  	s30 =	sld [smem:$0x0];
	_ =	sdelay $0x2  }
0xb8: {  	s31 =	sshll.u32 s1, $0xD;
	s1 =	sshrl.u32 s1, $0x2  }
0xb9: {  	s3 =	sand.u32 $0x4000, s31;
	s1 =	sadd.s32 s1, s30  }
0xba: {  	s0 =	sor.u32 s3, s0;
	s1 =	sshll.u32 s1, $0x11  }
0xbb: {  	s0 =	sor.u32 s1, s0  }
0xbc: {  	s0 =	sadd.s32 $0x8F2B, s0  }
0xbd: {  	[sflag:s0] =	ssyncadd.remote.s32 $0x1  }
0xbe: {  	_ =	sfence.sel $0xFFFF  }
0xbf: {  	[dreg:$0x0] =	wrdreg $0xFFFFFFFF;
	(pc) =	sbr.abs _section_cstart, $3  }
0xc0: {  	[dreg:$0x1] =	wrdreg $0xFFFFFFFF  }
0xc1: {  	_ =	task.clear_ibuf [dreg:s6], $0x2FFFF;
	_ =	strace $0x9FFFFFFF  }
0xc2: {  	(tm) =	ssettm $0x7FFFFFFF  }
0xc3: {  	_ =	shalt  }
tec
execute0_lowered:
.L_overlay_start_1:
0x0: {  	(tag) =	ssettag $0x1  }
0x1: {  	s0 =	rddreg [dreg:$0x0]  }
0x2: {  	s1 =	rddreg [dreg:$0x1]  }
0x3: {  	s2 =	simm.s32 $0x0;
	s5 =	srdreg.scid;
	s12 =	stileid.u32  }
0x4: {  	[smem:$0x7FF] =	sst s2;
	s4 =	sadd.s32 $0x69600, s0;
	s3 =	sadd.s32 $0x93600, s0  }
0x5: {  	s6 =	sadd.s32 $0xB600, s0;
	s7 =	sand.u32 $0x1, s5;
	s9 =	smul.u32 $0x54000, s12  }
0x6: {  	s21 =	sshll.u32 s12, $0x1;
	s0 =	sadd.s32 $0x9D600, s0;
	s23 =	smul.u32 $0x15000, s12  }
0x7: {  	s8 =	ssub.s32 $0x2, s7;
	s5 =	sor.u32 s7, s21;
	s7 =	smul.u32 $0x150000, s7  }
0x8: {  	_ =	strace $0x8000004D;
	s10 =	sshrl.u32 s8, $0x1;
	s11 =	smul.u32 $0x2800, s5  }
0x9: {  	s22 =	sshrl.u32 s9, $0x2;
	s12 =	sadd.s32 $0x14000, s23;
	s30 =	sadd.s32 $0x4000, s23  }
0xa: {  	s15 =	sadd.s32 $0x8000, s23;
	s16 =	sadd.s32 $0xC000, s23;
	s9 =	sadd.s32 $0x10000, s23  }
0xb: {  	s8 =	ssub.s32 s8, s10;
	s5 =	sadd.s32 s22, s1;
	s26 =	sadd.s32 s7, s12  }
0xc: {  	s28 =	sadd.s32 s12, s1;
	s17 =	sadd.s32 s7, s15;
	s18 =	sadd.s32 s7, s16  }
0xd: {  	s21 =	sadd.s32 s30, s1;
	s22 =	sadd.s32 s15, s1;
	[dreg:$0x7] =	wrdreg s28  }
0xe: {  	s15 =	simm.s32 $0x17800;
	s24 =	sshrl.u32 s11, $0x3;
	[dreg:$0x13] =	wrdreg s21  }
0xf: {  	s29 =	smax.u32 s8, $0x1;
	s31 =	sadd.s32 $0x1000, s5;
	[dreg:$0x14] =	wrdreg s22  }
0x10: {  	s8 =	sadd.s32 s7, s23;
	s12 =	sadd.s32 $0x2000, s5;
	[dreg:$0x9] =	wrdreg s29  }
0x11: {  	s13 =	sadd.s32 $0x3000, s5;
	s20 =	sadd.s32 $0x4000, s5;
	[dreg:$0xa] =	wrdreg s31  }
0x12: {  	s23 =	sadd.s32 s16, s1;
	s28 =	sadd.s32 $0x7000, s5;
	[dreg:$0xb] =	wrdreg s12  }
0x13: {  	s16 =	simm.s32 $0x3;
	s21 =	simm.s32 $0x1;
	[dreg:$0xc] =	wrdreg s13  }
0x14: {  	s22 =	simm.s32 $0x2;
	s11 =	sadd.s32 s3, s24;
	[dreg:$0x12] =	wrdreg s20  }
0x15: {  	s25 =	sadd.s32 $0x280, s24;
	s10 =	sadd.s32 s6, s24;
	[dreg:$0x15] =	wrdreg s23  }
0x16: {  	s24 =	sadd.s32 s9, s1;
	[dreg:$0x19] =	wrdreg s28;
	s29 =	sadd.s32 $0x8000, s5  }
0x17: {  	s31 =	sadd.s32 $0xA000, s5;
	s12 =	sadd.s32 $0x12000, s5;
	s13 =	sadd.s32 $0x13000, s5  }
0x18: {  	s20 =	simm.s32 $0x1B800;
	s23 =	simm.s32 $0x16380;
	[dreg:$0x3] =	wrdreg s11  }
0x19: {  	[dreg:$0x4] =	wrdreg s10;
	s3 =	sadd.s32 s3, s25;
	s6 =	sadd.s32 s6, s25  }
0x1a: {  	s11 =	sadd.s32 s7, s30;
	s7 =	sadd.s32 s7, s9;
	[dreg:$0x16] =	wrdreg s24  }
0x1b: {  	s10 =	sshrl.u32 s17, $0x3;
	s25 =	sadd.s32 $0x5000, s5;
	[dreg:$0x1a] =	wrdreg s29  }
0x1c: {  	s30 =	sadd.s32 $0x9000, s5;
	[dreg:$0x1c] =	wrdreg s31;
	s9 =	sadd.s32 $0xF000, s5  }
0x1d: {  	s17 =	simm.s32 $0x15000;
	s24 =	simm.s32 $0x17700;
	[dreg:$0x5] =	wrdreg s3  }
0x1e: {  	[dreg:$0x6] =	wrdreg s6;
	s3 =	sshrl.u32 s26, $0x3;
	s6 =	sshrl.u32 s8, $0x3  }
0x1f: {  	s8 =	sshrl.u32 s11, $0x3;
	s11 =	sshrl.u32 s18, $0x3;
	[dreg:$0x17] =	wrdreg s25  }
0x20: {  	s7 =	sshrl.u32 s7, $0x3;
	s10 =	sadd.s32 s0, s10;
	[dreg:$0x1b] =	wrdreg s30  }
0x21: {  	s26 =	sadd.s32 $0x6000, s5;
	s18 =	simm.s32 $0x16400;
	[dreg:$0xf] =	wrdreg s10  }
0x22: {  	s25 =	simm.s32 $0x17780;
	s3 =	sadd.s32 s0, s3;
	[dreg:$0x18] =	wrdreg s26  }
0x23: {  	s6 =	sadd.s32 s0, s6;
	s14 =	sadd.s32 s0, s8;
	[dreg:$0x8] =	wrdreg s3  }
0x24: {  	s19 =	sadd.s32 s0, s11;
	s0 =	sadd.s32 s0, s7;
	[dreg:$0xd] =	wrdreg s6  }
0x25: {  	s7 =	sadd.s32 $0xD000, s5;
	s8 =	sadd.s32 $0xE000, s5;
	[dreg:$0xe] =	wrdreg s14  }
0x26: {  	s10 =	sadd.s32 $0x10000, s5;
	s11 =	sadd.s32 $0x11000, s5;
	[dreg:$0x10] =	wrdreg s19  }
0x27: {  	s26 =	simm.s32 $0x0;
	[dreg:$0x11] =	wrdreg s0;
	s3 =	sadd.s32 $0xB000, s5  }
0x28: {  	v0 =	vimm.f32 $0.0e+00;
	s6 =	sadd.s32 $0xC000, s5;
	s14 =	sadd.s32 $0x14000, s5;
	s19 =	simm.s32 $0x80  }
.LBB2_1:
0x29: {  	s28 =	simm.s32 $0x0;
	s29 =	simm.s32 $0x200  }
.LBB2_2:
0x2a: {  	p0 =	sne.s32 s29, $0x3E00;
	[tilespmem:s28+$0x17870] =	vst v0  }
0x2b: {  	[tilespmem:s28+$0x17800] =	vst v0  }
0x2c: {  	[tilespmem:s28+$0x17810] =	vst v0  }
.Ltmp0:
0x2d: {  	[tilespmem:s28+$0x17820] =	vst v0;
	(pc) =	sbr.rel @p0 .LBB2_2-.Ltmp0, $4  }
0x2e: {  	[tilespmem:s28+$0x17830] =	vst v0  }
0x2f: {  	[tilespmem:s28+$0x17840] =	vst v0  }
0x30: {  	[tilespmem:s28+$0x17850] =	vst v0  }
0x31: {  	[tilespmem:s28+$0x17860] =	vst v0;
	s28 =	sshra.s32 s29, $0x2;
	s29 =	sadd.s32 $0x200, s29  }
0x32: {  	[tilespmem:s28+$0x17870] =	vst v0  }
0x33: {  	[tilespmem:s28+$0x17800] =	vst v0  }
0x34: {  	[tilespmem:s28+$0x17810] =	vst v0  }
0x35: {  	[tilespmem:s28+$0x17820] =	vst v0  }
0x36: {  	[tilespmem:s28+$0x17830] =	vst v0  }
0x37: {  	[tilespmem:s28+$0x17840] =	vst v0  }
0x38: {  	[tilespmem:s28+$0x17850] =	vst v0  }
0x39: {  	[tilespmem:s28+$0x17860] =	vst v0  }
0x3a: {  	[spmem:s5] =	stream.linear.scatter [tilespmem:s15], [sflag:$0x3], $0x1000, $0x38;
	[tilespmem:$0x1F800] =	vst v63  }
0x3b: {  	_ =	swait.ge [sflag:s16], $0x1000  }
0x3c: {  	[sflag:s16] =	ssyncset.done $0x0  }
0x3d: {  	s0 =	rddreg [dreg:$0xa];
	[sflag:s16] =	ssyncadd.s32 $0xFFFFF000  }
0x3e: {  	[spmem:s0] =	stream.linear.scatter [tilespmem:s15], [sflag:$0x3], $0x1000, $0x38;
	[tilespmem:$0x1F800] =	vst v63  }
0x3f: {  	_ =	swait.ge [sflag:s16], $0x1000  }
0x40: {  	[sflag:s16] =	ssyncset.done $0x0  }
0x41: {  	s31 =	rddreg [dreg:$0xb];
	[sflag:s16] =	ssyncadd.s32 $0xFFFFF000  }
0x42: {  	[spmem:s31] =	stream.linear.scatter [tilespmem:s15], [sflag:$0x3], $0x1000, $0x38;
	[tilespmem:$0x1F800] =	vst v63  }
0x43: {  	_ =	swait.ge [sflag:s16], $0x1000  }
0x44: {  	[sflag:s16] =	ssyncset.done $0x0  }
0x45: {  	s30 =	rddreg [dreg:$0xc];
	[sflag:s16] =	ssyncadd.s32 $0xFFFFF000  }
0x46: {  	[spmem:s30] =	stream.linear.scatter [tilespmem:s15], [sflag:$0x3], $0x1000, $0x38;
	[tilespmem:$0x1F800] =	vst v63  }
0x47: {  	_ =	swait.ge [sflag:s16], $0x1000  }
0x48: {  	[sflag:s16] =	ssyncset.done $0x0  }
0x49: {  	s31 =	rddreg [dreg:$0x12];
	[sflag:s16] =	ssyncadd.s32 $0xFFFFF000  }
0x4a: {  	[spmem:s31] =	stream.linear.scatter [tilespmem:s15], [sflag:$0x3], $0x1000, $0x38;
	[tilespmem:$0x1F800] =	vst v63  }
0x4b: {  	_ =	swait.ge [sflag:s16], $0x1000  }
0x4c: {  	[sflag:s16] =	ssyncset.done $0x0  }
0x4d: {  	s30 =	rddreg [dreg:$0x17];
	[sflag:s16] =	ssyncadd.s32 $0xFFFFF000  }
0x4e: {  	[spmem:s30] =	stream.linear.scatter [tilespmem:s15], [sflag:$0x3], $0x1000, $0x38;
	[tilespmem:$0x1F800] =	vst v63  }
0x4f: {  	_ =	swait.ge [sflag:s16], $0x1000  }
0x50: {  	[sflag:s16] =	ssyncset.done $0x0  }
0x51: {  	s31 =	rddreg [dreg:$0x18];
	[sflag:s16] =	ssyncadd.s32 $0xFFFFF000  }
0x52: {  	[spmem:s31] =	stream.linear.scatter [tilespmem:s15], [sflag:$0x3], $0x1000, $0x38;
	[tilespmem:$0x1F800] =	vst v63  }
0x53: {  	_ =	swait.ge [sflag:s16], $0x1000  }
0x54: {  	[sflag:s16] =	ssyncset.done $0x0  }
0x55: {  	s30 =	rddreg [dreg:$0x19];
	[sflag:s16] =	ssyncadd.s32 $0xFFFFF000  }
0x56: {  	[spmem:s30] =	stream.linear.scatter [tilespmem:s15], [sflag:$0x3], $0x1000, $0x38;
	[tilespmem:$0x1F800] =	vst v63  }
0x57: {  	_ =	swait.ge [sflag:s16], $0x1000  }
0x58: {  	[sflag:s16] =	ssyncset.done $0x0  }
0x59: {  	s31 =	rddreg [dreg:$0x1a];
	[sflag:s16] =	ssyncadd.s32 $0xFFFFF000  }
0x5a: {  	[spmem:s31] =	stream.linear.scatter [tilespmem:s15], [sflag:$0x3], $0x1000, $0x38;
	[tilespmem:$0x1F800] =	vst v63  }
0x5b: {  	_ =	swait.ge [sflag:s16], $0x1000  }
0x5c: {  	[sflag:s16] =	ssyncset.done $0x0  }
0x5d: {  	s30 =	rddreg [dreg:$0x1b];
	[sflag:s16] =	ssyncadd.s32 $0xFFFFF000  }
0x5e: {  	[spmem:s30] =	stream.linear.scatter [tilespmem:s15], [sflag:$0x3], $0x1000, $0x38;
	[tilespmem:$0x1F800] =	vst v63  }
0x5f: {  	_ =	swait.ge [sflag:s16], $0x1000  }
0x60: {  	[sflag:s16] =	ssyncset.done $0x0  }
0x61: {  	s31 =	rddreg [dreg:$0x1c];
	[sflag:s16] =	ssyncadd.s32 $0xFFFFF000  }
0x62: {  	[spmem:s31] =	stream.linear.scatter [tilespmem:s15], [sflag:$0x3], $0x1000, $0x38;
	[tilespmem:$0x1F800] =	vst v63  }
0x63: {  	_ =	swait.ge [sflag:s16], $0x1000  }
0x64: {  	[sflag:s16] =	ssyncset.done $0x0  }
0x65: {  	[sflag:s16] =	ssyncadd.s32 $0xFFFFF000  }
0x66: {  	[spmem:s3] =	stream.linear.scatter [tilespmem:s15], [sflag:$0x3], $0x1000, $0x38;
	[tilespmem:$0x1F800] =	vst v63  }
0x67: {  	_ =	swait.ge [sflag:s16], $0x1000  }
0x68: {  	[sflag:s16] =	ssyncset.done $0x0  }
0x69: {  	[sflag:s16] =	ssyncadd.s32 $0xFFFFF000  }
0x6a: {  	[spmem:s6] =	stream.linear.scatter [tilespmem:s15], [sflag:$0x3], $0x1000, $0x38;
	[tilespmem:$0x1F800] =	vst v63  }
0x6b: {  	_ =	swait.ge [sflag:s16], $0x1000  }
0x6c: {  	[sflag:s16] =	ssyncset.done $0x0  }
0x6d: {  	[sflag:s16] =	ssyncadd.s32 $0xFFFFF000  }
0x6e: {  	[spmem:s7] =	stream.linear.scatter [tilespmem:s15], [sflag:$0x3], $0x1000, $0x38;
	[tilespmem:$0x1F800] =	vst v63  }
0x6f: {  	_ =	swait.ge [sflag:s16], $0x1000  }
0x70: {  	[sflag:s16] =	ssyncset.done $0x0  }
0x71: {  	[sflag:s16] =	ssyncadd.s32 $0xFFFFF000  }
0x72: {  	[spmem:s8] =	stream.linear.scatter [tilespmem:s15], [sflag:$0x3], $0x1000, $0x38;
	[tilespmem:$0x1F800] =	vst v63  }
0x73: {  	_ =	swait.ge [sflag:s16], $0x1000  }
0x74: {  	[sflag:s16] =	ssyncset.done $0x0  }
0x75: {  	[sflag:s16] =	ssyncadd.s32 $0xFFFFF000  }
0x76: {  	[spmem:s9] =	stream.linear.scatter [tilespmem:s15], [sflag:$0x3], $0x1000, $0x38;
	[tilespmem:$0x1F800] =	vst v63  }
0x77: {  	_ =	swait.ge [sflag:s16], $0x1000  }
0x78: {  	[sflag:s16] =	ssyncset.done $0x0  }
0x79: {  	[sflag:s16] =	ssyncadd.s32 $0xFFFFF000  }
0x7a: {  	[spmem:s10] =	stream.linear.scatter [tilespmem:s15], [sflag:$0x3], $0x1000, $0x38;
	[tilespmem:$0x1F800] =	vst v63  }
0x7b: {  	_ =	swait.ge [sflag:s16], $0x1000  }
0x7c: {  	[sflag:s16] =	ssyncset.done $0x0  }
0x7d: {  	[sflag:s16] =	ssyncadd.s32 $0xFFFFF000  }
0x7e: {  	[spmem:s11] =	stream.linear.scatter [tilespmem:s15], [sflag:$0x3], $0x1000, $0x38;
	[tilespmem:$0x1F800] =	vst v63  }
0x7f: {  	_ =	swait.ge [sflag:s16], $0x1000  }
0x80: {  	[sflag:s16] =	ssyncset.done $0x0  }
0x81: {  	[sflag:s16] =	ssyncadd.s32 $0xFFFFF000  }
0x82: {  	[spmem:s12] =	stream.linear.scatter [tilespmem:s15], [sflag:$0x3], $0x1000, $0x38;
	[tilespmem:$0x1F800] =	vst v63  }
0x83: {  	_ =	swait.ge [sflag:s16], $0x1000  }
0x84: {  	[sflag:s16] =	ssyncset.done $0x0  }
0x85: {  	[sflag:s16] =	ssyncadd.s32 $0xFFFFF000  }
0x86: {  	[spmem:s13] =	stream.linear.scatter [tilespmem:s15], [sflag:$0x3], $0x1000, $0x38;
	[tilespmem:$0x1F800] =	vst v63  }
0x87: {  	_ =	swait.ge [sflag:s16], $0x1000  }
0x88: {  	[sflag:s16] =	ssyncset.done $0x0  }
0x89: {  	[sflag:s16] =	ssyncadd.s32 $0xFFFFF000  }
0x8a: {  	[spmem:s14] =	stream.linear.scatter [tilespmem:s15], [sflag:$0x3], $0x1000, $0x38;
	[tilespmem:$0x1F800] =	vst v63  }
0x8b: {  	_ =	swait.ge [sflag:s16], $0x1000  }
0x8c: {  	[sflag:s16] =	ssyncset.done $0x0  }
0x8d: {  	[sflag:s16] =	ssyncadd.s32 $0xFFFFF000  }
0x8e: {  	[bflag:$0x0] =	sbarrier.arrive $0xFFFF  }
0x8f: {  	s28 =	simm.s32 $0x0;
	s30 =	rddreg [dreg:$0x3]  }
0x90: {  	[tilespmem:s17], [sflag:$0x3] =	stream.linear.gather [hbm4b:s30+s28], $0x1400, $0x38;
	[tilespmem:$0x1F800] =	vst v63  }
0x91: {  	_ =	swait.ge [sflag:s16], $0x1400  }
0x92: {  	[sflag:s16] =	ssyncset.done $0x0  }
0x93: {  	s31 =	rddreg [dreg:$0x4];
	[sflag:s16] =	ssyncadd.s32 $0xFFFFEC00  }
0x94: {  	[tilespmem:s18], [sflag:$0x3] =	stream.linear.gather [hbm4b:s31+s28], $0x1400, $0x38;
	[tilespmem:$0x1F800] =	vst v63  }
0x95: {  	_ =	swait.ge [sflag:s16], $0x1400  }
0x96: {  	[sflag:s16] =	ssyncset.done $0x0  }
0x97: {  	[sflag:s16] =	ssyncadd.s32 $0xFFFFEC00  }
0x98: {  	[tilespmem:s15], [sflag:$0x1] =	stream.indirect.gather [hbm4b:s4+s19], $0x80, s17, s19, $0xb8;
	[tilespmem:$0x1F800] =	vst v63  }
0x99: {  	s28 =	simm.s32 $0x15080  }
0x9a: {  	[tilespmem:s20], [sflag:$0x2] =	stream.indirect.gather [hbm4b:s4+s19], $0x80, s28, s19, $0xb8;
	[tilespmem:$0x1F800] =	vst v63  }
0x9b: {  	_ =	swait.ge [sflag:s21], $0x4000  }
0x9c: {  	[sflag:s21] =	ssyncset.done $0x0  }
0x9d: {  	s28 =	simm.s32 $0x16400;
	[sflag:s21] =	ssyncadd.s32 $0xFFFFC000  }
0x9e: {  	[spmem:s1] =	stream.indirect.scatter.add.f32 [tilespmem:s15], [sflag:$0x3], $0x80, s28, s19, $0xb8;
	[tilespmem:$0x1F800] =	vst v63  }
0x9f: {  	_ =	swait.ge [sflag:s16], $0x4000  }
0xa0: {  	[sflag:s16] =	ssyncset.done $0x0  }
0xa1: {  	s28 =	simm.s32 $0x15100;
	[sflag:s16] =	ssyncadd.s32 $0xFFFFC000  }
0xa2: {  	[tilespmem:s15], [sflag:$0x1] =	stream.indirect.gather [hbm4b:s4+s19], $0x80, s28, s19, $0xb8;
	[tilespmem:$0x1F800] =	vst v63  }
0xa3: {  	_ =	swait.ge [sflag:s22], $0x4000  }
0xa4: {  	[sflag:s22] =	ssyncset.done $0x0  }
0xa5: {  	s28 =	simm.s32 $0x16480;
	[sflag:s22] =	ssyncadd.s32 $0xFFFFC000  }
0xa6: {  	[spmem:s1] =	stream.indirect.scatter.add.f32 [tilespmem:s20], [sflag:$0x3], $0x80, s28, s19, $0xb8;
	[tilespmem:$0x1F800] =	vst v63  }
0xa7: {  	_ =	swait.ge [sflag:s16], $0x4000  }
0xa8: {  	s29 =	simm.s32 $0x800;
	s28 =	simm.s32 $0x100;
	[sflag:s16] =	ssyncset.done $0x0  }
.LBB2_4:
0xa9: {  	s30 =	sadd.s32 $0x15080, s28  }
0xaa: {  	[sflag:s16] =	ssyncadd.s32 $0xFFFFC000;
	s31 =	smov.u32 s29;
	s0 =	sadd.s32 $0x400, s29  }
0xab: {  	[tilespmem:s20], [sflag:$0x2] =	stream.indirect.gather [hbm4b:s4+s19], $0x80, s30, s19, $0xb8;
	[tilespmem:$0x1F800] =	vst v63  }
0xac: {  	p0 =	sne.s32 s29, $0x4800;
	_ =	swait.ge [sflag:s21], $0x4000  }
0xad: {  	[sflag:s21] =	ssyncset.done $0x0  }
0xae: {  	s29 =	sadd.s32 $0x16400, s28;
	[sflag:s21] =	ssyncadd.s32 $0xFFFFC000  }
0xaf: {  	[spmem:s1] =	stream.indirect.scatter.add.f32 [tilespmem:s15], [sflag:$0x3], $0x80, s29, s19, $0xb8;
	[tilespmem:$0x1F800] =	vst v63  }
0xb0: {  	_ =	swait.ge [sflag:s16], $0x4000  }
0xb1: {  	[sflag:s16] =	ssyncset.done $0x0  }
0xb2: {  	s29 =	sadd.s32 $0x15100, s28;
	[sflag:s16] =	ssyncadd.s32 $0xFFFFC000  }
0xb3: {  	[tilespmem:s15], [sflag:$0x1] =	stream.indirect.gather [hbm4b:s4+s19], $0x80, s29, s19, $0xb8;
	[tilespmem:$0x1F800] =	vst v63  }
0xb4: {  	_ =	swait.ge [sflag:s22], $0x4000  }
.Ltmp1:
0xb5: {  	[sflag:s22] =	ssyncset.done $0x0;
	(pc) =	sbr.rel @p0 .LBB2_4-.Ltmp1, $4  }
0xb6: {  	s28 =	sadd.s32 $0x16480, s28;
	[sflag:s22] =	ssyncadd.s32 $0xFFFFC000  }
0xb7: {  	[spmem:s1] =	stream.indirect.scatter.add.f32 [tilespmem:s20], [sflag:$0x3], $0x80, s28, s19, $0xb8;
	[tilespmem:$0x1F800] =	vst v63  }
0xb8: {  	_ =	swait.ge [sflag:s16], $0x4000  }
0xb9: {  	s29 =	smov.u32 s0;
	s28 =	sshra.s32 s31, $0x2;
	[sflag:s16] =	ssyncset.done $0x0  }
0xba: {  	s0 =	sadd.s32 $0x15080, s28;
	[sflag:s16] =	ssyncadd.s32 $0xFFFFC000  }
0xbb: {  	[tilespmem:s20], [sflag:$0x2] =	stream.indirect.gather [hbm4b:s4+s19], $0x80, s0, s19, $0xb8;
	[tilespmem:$0x1F800] =	vst v63  }
0xbc: {  	_ =	swait.ge [sflag:s21], $0x4000  }
0xbd: {  	[sflag:s21] =	ssyncset.done $0x0  }
0xbe: {  	s30 =	sadd.s32 $0x16400, s28;
	[sflag:s21] =	ssyncadd.s32 $0xFFFFC000  }
0xbf: {  	[spmem:s1] =	stream.indirect.scatter.add.f32 [tilespmem:s15], [sflag:$0x3], $0x80, s30, s19, $0xb8;
	[tilespmem:$0x1F800] =	vst v63  }
0xc0: {  	_ =	swait.ge [sflag:s16], $0x4000  }
0xc1: {  	[sflag:s16] =	ssyncset.done $0x0  }
0xc2: {  	s31 =	sadd.s32 $0x15100, s28;
	[sflag:s16] =	ssyncadd.s32 $0xFFFFC000  }
0xc3: {  	[tilespmem:s15], [sflag:$0x1] =	stream.indirect.gather [hbm4b:s4+s19], $0x80, s31, s19, $0xb8;
	[tilespmem:$0x1F800] =	vst v63  }
0xc4: {  	_ =	swait.ge [sflag:s22], $0x4000  }
0xc5: {  	[sflag:s22] =	ssyncset.done $0x0  }
0xc6: {  	s30 =	sadd.s32 $0x16480, s28;
	[sflag:s22] =	ssyncadd.s32 $0xFFFFC000  }
0xc7: {  	[spmem:s1] =	stream.indirect.scatter.add.f32 [tilespmem:s20], [sflag:$0x3], $0x80, s30, s19, $0xb8;
	[tilespmem:$0x1F800] =	vst v63  }
0xc8: {  	_ =	swait.ge [sflag:s16], $0x4000  }
0xc9: {  	[sflag:s16] =	ssyncset.done $0x0  }
0xca: {  	[sflag:s16] =	ssyncadd.s32 $0xFFFFC000  }
0xcb: {  	[tilespmem:s20], [sflag:$0x2] =	stream.indirect.gather [hbm4b:s4+s19], $0x80, s23, s19, $0xb8;
	[tilespmem:$0x1F800] =	vst v63  }
0xcc: {  	_ =	swait.ge [sflag:s21], $0x4000  }
0xcd: {  	[sflag:s21] =	ssyncset.done $0x0  }
0xce: {  	[sflag:s21] =	ssyncadd.s32 $0xFFFFC000  }
0xcf: {  	[spmem:s1] =	stream.indirect.scatter.add.f32 [tilespmem:s15], [sflag:$0x3], $0x80, s24, s19, $0xb8;
	[tilespmem:$0x1F800] =	vst v63  }
0xd0: {  	_ =	swait.ge [sflag:s16], $0x4000  }
0xd1: {  	[sflag:s16] =	ssyncset.done $0x0  }
0xd2: {  	[sflag:s16] =	ssyncadd.s32 $0xFFFFC000  }
0xd3: {  	_ =	swait.ge [sflag:s22], $0x4000  }
0xd4: {  	[sflag:s22] =	ssyncset.done $0x0  }
0xd5: {  	[sflag:s22] =	ssyncadd.s32 $0xFFFFC000  }
0xd6: {  	[spmem:s1] =	stream.indirect.scatter.add.f32 [tilespmem:s20], [sflag:$0x3], $0x80, s25, s19, $0xb8;
	[tilespmem:$0x1F800] =	vst v63  }
0xd7: {  	_ =	swait.ge [sflag:s16], $0x4000  }
0xd8: {  	[sflag:s16] =	ssyncset.done $0x0  }
0xd9: {  	s31 =	simm.s32 $0x0;
	s28 =	rddreg [dreg:$0x5];
	[sflag:s16] =	ssyncadd.s32 $0xFFFFC000  }
0xda: {  	[tilespmem:s17], [sflag:$0x3] =	stream.linear.gather [hbm4b:s28+s31], $0x1400, $0x38;
	[tilespmem:$0x1F800] =	vst v63  }
0xdb: {  	_ =	swait.ge [sflag:s16], $0x1400  }
0xdc: {  	[sflag:s16] =	ssyncset.done $0x0  }
0xdd: {  	s28 =	rddreg [dreg:$0x6];
	[sflag:s16] =	ssyncadd.s32 $0xFFFFEC00  }
0xde: {  	[tilespmem:s18], [sflag:$0x3] =	stream.linear.gather [hbm4b:s28+s31], $0x1400, $0x38;
	[tilespmem:$0x1F800] =	vst v63  }
0xdf: {  	_ =	swait.ge [sflag:s16], $0x1400  }
0xe0: {  	[sflag:s16] =	ssyncset.done $0x0  }
0xe1: {  	[sflag:s16] =	ssyncadd.s32 $0xFFFFEC00  }
0xe2: {  	[tilespmem:s15], [sflag:$0x1] =	stream.indirect.gather [hbm4b:s4+s19], $0x80, s17, s19, $0xb8;
	[tilespmem:$0x1F800] =	vst v63  }
0xe3: {  	s30 =	simm.s32 $0x15080  }
0xe4: {  	[tilespmem:s20], [sflag:$0x2] =	stream.indirect.gather [hbm4b:s4+s19], $0x80, s30, s19, $0xb8;
	[tilespmem:$0x1F800] =	vst v63  }
0xe5: {  	_ =	swait.ge [sflag:s21], $0x4000  }
0xe6: {  	[sflag:s21] =	ssyncset.done $0x0  }
0xe7: {  	s31 =	simm.s32 $0x16400;
	[sflag:s21] =	ssyncadd.s32 $0xFFFFC000  }
0xe8: {  	[spmem:s1] =	stream.indirect.scatter.add.f32 [tilespmem:s15], [sflag:$0x3], $0x80, s31, s19, $0xb8;
	[tilespmem:$0x1F800] =	vst v63  }
0xe9: {  	_ =	swait.ge [sflag:s16], $0x4000  }
0xea: {  	[sflag:s16] =	ssyncset.done $0x0  }
0xeb: {  	s30 =	simm.s32 $0x15100;
	[sflag:s16] =	ssyncadd.s32 $0xFFFFC000  }
0xec: {  	[tilespmem:s15], [sflag:$0x1] =	stream.indirect.gather [hbm4b:s4+s19], $0x80, s30, s19, $0xb8;
	[tilespmem:$0x1F800] =	vst v63  }
0xed: {  	_ =	swait.ge [sflag:s22], $0x4000  }
0xee: {  	[sflag:s22] =	ssyncset.done $0x0  }
0xef: {  	s31 =	simm.s32 $0x16480;
	[sflag:s22] =	ssyncadd.s32 $0xFFFFC000  }
0xf0: {  	[spmem:s1] =	stream.indirect.scatter.add.f32 [tilespmem:s20], [sflag:$0x3], $0x80, s31, s19, $0xb8;
	[tilespmem:$0x1F800] =	vst v63  }
0xf1: {  	_ =	swait.ge [sflag:s16], $0x4000  }
0xf2: {  	s29 =	simm.s32 $0x800;
	s28 =	simm.s32 $0x100;
	[sflag:s16] =	ssyncset.done $0x0  }
.LBB2_6:
0xf3: {  	s0 =	sadd.s32 $0x15080, s28  }
0xf4: {  	[sflag:s16] =	ssyncadd.s32 $0xFFFFC000;
	s30 =	smov.u32 s29;
	s31 =	sadd.s32 $0x400, s29  }
0xf5: {  	[tilespmem:s20], [sflag:$0x2] =	stream.indirect.gather [hbm4b:s4+s19], $0x80, s0, s19, $0xb8;
	[tilespmem:$0x1F800] =	vst v63  }
0xf6: {  	p0 =	sne.s32 s29, $0x4800;
	_ =	swait.ge [sflag:s21], $0x4000  }
0xf7: {  	[sflag:s21] =	ssyncset.done $0x0  }
0xf8: {  	s0 =	sadd.s32 $0x16400, s28;
	[sflag:s21] =	ssyncadd.s32 $0xFFFFC000  }
0xf9: {  	[spmem:s1] =	stream.indirect.scatter.add.f32 [tilespmem:s15], [sflag:$0x3], $0x80, s0, s19, $0xb8;
	[tilespmem:$0x1F800] =	vst v63  }
0xfa: {  	_ =	swait.ge [sflag:s16], $0x4000  }
0xfb: {  	[sflag:s16] =	ssyncset.done $0x0  }
0xfc: {  	s0 =	sadd.s32 $0x15100, s28;
	[sflag:s16] =	ssyncadd.s32 $0xFFFFC000  }
0xfd: {  	[tilespmem:s15], [sflag:$0x1] =	stream.indirect.gather [hbm4b:s4+s19], $0x80, s0, s19, $0xb8;
	[tilespmem:$0x1F800] =	vst v63  }
0xfe: {  	_ =	swait.ge [sflag:s22], $0x4000  }
.Ltmp2:
0xff: {  	[sflag:s22] =	ssyncset.done $0x0;
	(pc) =	sbr.rel @p0 .LBB2_6-.Ltmp2, $4  }
0x100: {  	s0 =	sadd.s32 $0x16480, s28;
	[sflag:s22] =	ssyncadd.s32 $0xFFFFC000  }
0x101: {  	[spmem:s1] =	stream.indirect.scatter.add.f32 [tilespmem:s20], [sflag:$0x3], $0x80, s0, s19, $0xb8;
	[tilespmem:$0x1F800] =	vst v63  }
0x102: {  	_ =	swait.ge [sflag:s16], $0x4000  }
0x103: {  	s29 =	smov.u32 s31;
	s28 =	sshra.s32 s30, $0x2;
	[sflag:s16] =	ssyncset.done $0x0  }
0x104: {  	s0 =	sadd.s32 $0x15080, s28;
	[sflag:s16] =	ssyncadd.s32 $0xFFFFC000  }
0x105: {  	[tilespmem:s20], [sflag:$0x2] =	stream.indirect.gather [hbm4b:s4+s19], $0x80, s0, s19, $0xb8;
	[tilespmem:$0x1F800] =	vst v63  }
0x106: {  	_ =	swait.ge [sflag:s21], $0x4000  }
0x107: {  	[sflag:s21] =	ssyncset.done $0x0  }
0x108: {  	s29 =	sadd.s32 $0x16400, s28;
	[sflag:s21] =	ssyncadd.s32 $0xFFFFC000  }
0x109: {  	[spmem:s1] =	stream.indirect.scatter.add.f32 [tilespmem:s15], [sflag:$0x3], $0x80, s29, s19, $0xb8;
	[tilespmem:$0x1F800] =	vst v63  }
0x10a: {  	_ =	swait.ge [sflag:s16], $0x4000  }
0x10b: {  	[sflag:s16] =	ssyncset.done $0x0  }
0x10c: {  	s30 =	sadd.s32 $0x15100, s28;
	[sflag:s16] =	ssyncadd.s32 $0xFFFFC000  }
0x10d: {  	[tilespmem:s15], [sflag:$0x1] =	stream.indirect.gather [hbm4b:s4+s19], $0x80, s30, s19, $0xb8;
	[tilespmem:$0x1F800] =	vst v63  }
0x10e: {  	_ =	swait.ge [sflag:s22], $0x4000  }
0x10f: {  	[sflag:s22] =	ssyncset.done $0x0  }
0x110: {  	s31 =	sadd.s32 $0x16480, s28;
	[sflag:s22] =	ssyncadd.s32 $0xFFFFC000  }
0x111: {  	[spmem:s1] =	stream.indirect.scatter.add.f32 [tilespmem:s20], [sflag:$0x3], $0x80, s31, s19, $0xb8;
	[tilespmem:$0x1F800] =	vst v63  }
0x112: {  	_ =	swait.ge [sflag:s16], $0x4000  }
0x113: {  	[sflag:s16] =	ssyncset.done $0x0  }
0x114: {  	[sflag:s16] =	ssyncadd.s32 $0xFFFFC000  }
0x115: {  	[tilespmem:s20], [sflag:$0x2] =	stream.indirect.gather [hbm4b:s4+s19], $0x80, s23, s19, $0xb8;
	[tilespmem:$0x1F800] =	vst v63  }
0x116: {  	_ =	swait.ge [sflag:s21], $0x4000  }
0x117: {  	[sflag:s21] =	ssyncset.done $0x0  }
0x118: {  	[sflag:s21] =	ssyncadd.s32 $0xFFFFC000  }
0x119: {  	[spmem:s1] =	stream.indirect.scatter.add.f32 [tilespmem:s15], [sflag:$0x3], $0x80, s24, s19, $0xb8;
	[tilespmem:$0x1F800] =	vst v63  }
0x11a: {  	_ =	swait.ge [sflag:s16], $0x4000  }
0x11b: {  	[sflag:s16] =	ssyncset.done $0x0  }
0x11c: {  	[sflag:s16] =	ssyncadd.s32 $0xFFFFC000  }
0x11d: {  	_ =	swait.ge [sflag:s22], $0x4000  }
0x11e: {  	[sflag:s22] =	ssyncset.done $0x0  }
0x11f: {  	[sflag:s22] =	ssyncadd.s32 $0xFFFFC000  }
0x120: {  	[spmem:s1] =	stream.indirect.scatter.add.f32 [tilespmem:s20], [sflag:$0x3], $0x80, s25, s19, $0xb8;
	[tilespmem:$0x1F800] =	vst v63  }
0x121: {  	_ =	swait.ge [sflag:s16], $0x4000  }
0x122: {  	[sflag:s16] =	ssyncset.done $0x0  }
0x123: {  	[sflag:s16] =	ssyncadd.s32 $0xFFFFC000  }
0x124: {  	[bflag:$0x0] =	sbarrier.arrive $0xFFFF  }
0x125: {  	[tilespmem:s15], [sflag:$0x3] =	stream.linear.gather [spmem:s5], $0x4000, $0x38;
	[tilespmem:$0x1F800] =	vst v63  }
0x126: {  	_ =	swait.ge [sflag:s16], $0x4000  }
0x127: {  	[sflag:s16] =	ssyncset.done $0x0  }
0x128: {  	s28 =	rddreg [dreg:$0xd];
	[sflag:s16] =	ssyncadd.s32 $0xFFFFC000  }
0x129: {  	[hbm4b:s28+s2] =	stream.linear.scatter [tilespmem:s15], [sflag:$0x3], $0x4000, $0x38;
	[tilespmem:$0x1F800] =	vst v63  }
0x12a: {  	_ =	swait.ge [sflag:s16], $0x4000  }
0x12b: {  	[sflag:s16] =	ssyncset.done $0x0  }
0x12c: {  	s29 =	rddreg [dreg:$0x13];
	[sflag:s16] =	ssyncadd.s32 $0xFFFFC000  }
0x12d: {  	[tilespmem:s15], [sflag:$0x3] =	stream.linear.gather [spmem:s29], $0x4000, $0x38;
	[tilespmem:$0x1F800] =	vst v63  }
0x12e: {  	_ =	swait.ge [sflag:s16], $0x4000  }
0x12f: {  	[sflag:s16] =	ssyncset.done $0x0  }
0x130: {  	s30 =	rddreg [dreg:$0xe];
	[sflag:s16] =	ssyncadd.s32 $0xFFFFC000  }
0x131: {  	[hbm4b:s30+s2] =	stream.linear.scatter [tilespmem:s15], [sflag:$0x3], $0x4000, $0x38;
	[tilespmem:$0x1F800] =	vst v63  }
0x132: {  	_ =	swait.ge [sflag:s16], $0x4000  }
0x133: {  	[sflag:s16] =	ssyncset.done $0x0  }
0x134: {  	s31 =	rddreg [dreg:$0x14];
	[sflag:s16] =	ssyncadd.s32 $0xFFFFC000  }
0x135: {  	[tilespmem:s15], [sflag:$0x3] =	stream.linear.gather [spmem:s31], $0x4000, $0x38;
	[tilespmem:$0x1F800] =	vst v63  }
0x136: {  	_ =	swait.ge [sflag:s16], $0x4000  }
0x137: {  	[sflag:s16] =	ssyncset.done $0x0  }
0x138: {  	s28 =	rddreg [dreg:$0xf];
	[sflag:s16] =	ssyncadd.s32 $0xFFFFC000  }
0x139: {  	[hbm4b:s28+s2] =	stream.linear.scatter [tilespmem:s15], [sflag:$0x3], $0x4000, $0x38;
	[tilespmem:$0x1F800] =	vst v63  }
0x13a: {  	_ =	swait.ge [sflag:s16], $0x4000  }
0x13b: {  	[sflag:s16] =	ssyncset.done $0x0  }
0x13c: {  	s29 =	rddreg [dreg:$0x15];
	[sflag:s16] =	ssyncadd.s32 $0xFFFFC000  }
0x13d: {  	[tilespmem:s15], [sflag:$0x3] =	stream.linear.gather [spmem:s29], $0x4000, $0x38;
	[tilespmem:$0x1F800] =	vst v63  }
0x13e: {  	_ =	swait.ge [sflag:s16], $0x4000  }
0x13f: {  	[sflag:s16] =	ssyncset.done $0x0  }
0x140: {  	s30 =	rddreg [dreg:$0x10];
	[sflag:s16] =	ssyncadd.s32 $0xFFFFC000  }
0x141: {  	[hbm4b:s30+s2] =	stream.linear.scatter [tilespmem:s15], [sflag:$0x3], $0x4000, $0x38;
	[tilespmem:$0x1F800] =	vst v63  }
0x142: {  	_ =	swait.ge [sflag:s16], $0x4000  }
0x143: {  	[sflag:s16] =	ssyncset.done $0x0  }
0x144: {  	s31 =	rddreg [dreg:$0x16];
	[sflag:s16] =	ssyncadd.s32 $0xFFFFC000  }
0x145: {  	[tilespmem:s15], [sflag:$0x3] =	stream.linear.gather [spmem:s31], $0x4000, $0x38;
	[tilespmem:$0x1F800] =	vst v63  }
0x146: {  	_ =	swait.ge [sflag:s16], $0x4000  }
0x147: {  	[sflag:s16] =	ssyncset.done $0x0  }
0x148: {  	s28 =	rddreg [dreg:$0x11];
	[sflag:s16] =	ssyncadd.s32 $0xFFFFC000  }
0x149: {  	[hbm4b:s28+s2] =	stream.linear.scatter [tilespmem:s15], [sflag:$0x3], $0x4000, $0x38;
	[tilespmem:$0x1F800] =	vst v63  }
0x14a: {  	_ =	swait.ge [sflag:s16], $0x4000  }
0x14b: {  	[sflag:s16] =	ssyncset.done $0x0  }
0x14c: {  	s29 =	rddreg [dreg:$0x7];
	[sflag:s16] =	ssyncadd.s32 $0xFFFFC000  }
0x14d: {  	[tilespmem:s15], [sflag:$0x3] =	stream.linear.gather [spmem:s29], $0x1000, $0x38;
	[tilespmem:$0x1F800] =	vst v63  }
0x14e: {  	_ =	swait.ge [sflag:s16], $0x1000  }
0x14f: {  	[sflag:s16] =	ssyncset.done $0x0  }
0x150: {  	s30 =	rddreg [dreg:$0x8];
	[sflag:s16] =	ssyncadd.s32 $0xFFFFF000  }
0x151: {  	[hbm4b:s30+s2] =	stream.linear.scatter [tilespmem:s15], [sflag:$0x3], $0x1000, $0x38;
	[tilespmem:$0x1F800] =	vst v63  }
0x152: {  	_ =	swait.ge [sflag:s16], $0x1000  }
0x153: {  	s26 =	sadd.s32 $0x1, s26;
	s31 =	rddreg [dreg:$0x9]  }
0x154: {  	p0 =	sne.s32 s26, s31  }
.Ltmp3:
0x155: {  	_ = 	snop;
	(pc) =	sbr.rel @p0 .LBB2_1-.Ltmp3, $3  }
0x156: {  	_ =	sdelay $0x1  }
0x157: {  	[sflag:s16] =	ssyncset.done $0x0  }
0x158: {  	[sflag:s16] =	ssyncadd.s32 $0xFFFFF000  }
0x159: {  	_ =	sfence.sel $0x180000  }
0x15a: {  	[bflag:$0x0] =	sbarrier.arrive $0xFFFF  }
0x15b: {  	_ =	strace $0x9000004D  }
0x15c: {  	s0 =	stileid.u32;
	[bflag:$0x2] =	sbarrier.arrive $0xFFFF  }
0x15d: {  	p0 =	sne.s32 s0, $0x0;
	s0 =	rddreg [dreg:$0x2]  }
0x15e: {  	s0 =	sadd.s32 @!p0 $0x100000, s0  }
0x15f: {  	[sflag:s0] =	ssyncadd.tile.s32 @!p0 $0x1;
	_ =	shalt  }
.Lfunc_end2:
_tile_overlayer_lowered:
.L_overlay_start_2:
0x160: {  	(tag) =	ssettag $0x2  }
0x161: {  	s0 =	rddreg [dreg:$0x0];
	s2 =	stileid.u32  }
0x162: {  	s1 =	rddreg [dreg:$0x1];
	p0 =	sne.s32 s2, $0x0  }
0x163: {  	s3 =	rddreg [dreg:$0x2];
	[bflag:$0x3] =	sbarrier.arrive $0xFFFF;
	s2 =	simm.s32 @!p0 $0x1C03  }
0x164: {  	[timem:s3], [sflag:s2] =	dma.local @!p0 [hbm:s0], s1  }
0x165: {  	s0 =	simm.s32 @!p0 $0x3  }
0x166: {  	_ =	swait.ge @!p0 [sflag:s0], s1  }
0x167: {  	s1 =	ssub.s32 @!p0 $0x0, s1;
	[sflag:s0] =	ssyncset.done @!p0 $0x0  }
0x168: {  	[sflag:s0] =	ssyncadd.s32 @!p0 s1  }
0x169: {  	[bflag:$0x3] =	sbarrier.arrive $0xFFFF  }
0x16a: {  	_ =	shalt  }

// kernel: kernel.19.cloned.1.call-start
scs
__scs_entry_jumppad:
0x0: {  	(pc) =	sbr.rel $0x88, $3  }
0x1: {  	(tag) =	ssettag $0x0;
	lr =	simm.s32 $0x1  }
0x2: {  	[smem:$0x3F93] =	sst lr;
	_ =	strace $0xD0000000  }
0x3: {  	_ = 	snop  }
0x4: {  	_ = 	snop  }
0x5: {  	_ = 	snop  }
0x6: {  	_ = 	snop  }
0x7: {  	_ = 	snop  }
__scs_overlays_trampoline_lowered:
0x8: {  	[smem:$0x3FA2] =	sst s0  }
0x9: {  	[smem:$0x3FA3] =	sst s1  }
0xa: {  	[smem:$0x3FA4] =	sst s2  }
0xb: {  	[smem:$0x3FA5] =	sst s3  }
0xc: {  	[smem:$0x3FA6] =	sst s4  }
0xd: {  	[smem:$0x3FA7] =	sst s5  }
0xe: {  	[smem:$0x3FA8] =	sst s6  }
0xf: {  	[smem:$0x3FA9] =	sst s7  }
0x10: {  	[smem:$0x3FAA] =	sst s8  }
0x11: {  	[smem:$0x3FAB] =	sst s9;
	s0 =	simm.s32 @!p0 $0x0  }
0x12: {  	s1 =	sld [smem:$0x3F91];
	s0 =	simm.s32 @p0 $0x1  }
0x13: {  	[smem:$0x3FAC] =	sst s0;
	s0 =	simm.s32 @!p1 $0x0  }
0x14: {  	s2 =	sld [smem:$0x3F90];
	s0 =	simm.s32 @p1 $0x1  }
0x15: {  	[smem:$0x3FAD] =	sst s0;
	s0 =	simm.s32 @!p2 $0x0  }
0x16: {  	s3 =	sld [smem:$0x3FDB];
	s0 =	simm.s32 @p2 $0x1  }
0x17: {  	s4 =	simm.s32 $0x1BF5;
	[smem:$0x3FAF] =	sst s0  }
0x18: {  	s0 =	sld [smem:$0x3F92];
	_ =	swait.ge [sflag:s4], $0x0  }
0x19: {  	s7 =	sld [smem:$0x3F93]  }
0x1a: {  	s8 =	sadd.s32 $0xFFFFE003, lr  }
0x1b: {  	s9 =	sadd.s32 $0xFFFFFEF7, lr;
	s5 =	simm.s32 $0xFFFFFFFF;
	p2 =	slt.u32 s8, $0xFFFFF086  }
0x1c: {  	p1 =	slt.u32 s9, $0xF7A;
	s5 =	simm.s32 @!p2 $0x0  }
0x1d: {  	s5 =	simm.s32 @p1 $0x1;
	p0 =	seq.s32 s7, s2  }
0x1e: {  	s7 =	smul.u32 @!p0 $0xF7A, s2;
	p2 =	seq.s32 @!p0 s5, $0x0  }
0x1f: {  	s9 =	smul.u32 $0xF7A, s1;
	s8 =	simm.s32 @!p0 $0x1BF5;
	p2 =	por !p2, p0  }
0x20: {  	[sflag:s8] =	ssyncset.s32 @!p0 $0xFFFFF086;
	s6 =	sadd.s32 @!p0 s3, s7;
	s7 =	simm.s32 @!p0 $0x108  }
0x21: {  	s3 =	sadd.s32 s3, s9;
	s6 =	sadd.s32 @!p0 $0x88, s6;
	s7 =	simm.s32 @p2 $0x1082  }
0x22: {  	[simem:s7], [sflag:s8] =	dma.local @!p0 [hbm:s6], $0xF7A  }
0x23: {  	s9 =	sor.u32 $0xD0000000, s2;
	s6 =	simm.s32 $0x108;
	_ =	swait.ge @!p0 [sflag:s8], $0x0  }
0x24: {  	s3 =	sadd.s32 $0x88, s3;
	s6 =	simm.s32 @!p1 $0x1082;
	[sflag:s4] =	ssyncset.s32 $0xFFFFF086  }
0x25: {  	[simem:s6], [sflag:s4] =	dma.local [hbm:s3], $0xF7A  }
0x26: {  	[smem:$0x3F93] =	sst s1;
	(tag) =	ssettag s2;
	_ =	strace s9  }
0x27: {  	s1 =	sld [smem:$0x3FA3]  }
0x28: {  	s2 =	sld [smem:$0x3FA4]  }
0x29: {  	s4 =	sld [smem:$0x3FA6]  }
0x2a: {  	p0 =	seq.s32 s5, $0x0;
	s5 =	sld [smem:$0x3FA7]  }
0x2b: {  	s6 =	sld [smem:$0x3FA8]  }
0x2c: {  	s7 =	sld [smem:$0x3FA9]  }
0x2d: {  	s3 =	simm.s32 $0x108;
	s8 =	sld [smem:$0x3FAA]  }
0x2e: {  	s3 =	simm.s32 @!p0 $0x1082;
	s9 =	sld [smem:$0x3FAB]  }
0x2f: {  	lr =	sadd.s32 s0, s3;
	s0 =	sld [smem:$0x3FA2]  }
0x30: {  	s3 =	sld [smem:$0x3FA5]  }
0x31: {  	[smem:$0x3FAE] =	sst s10  }
0x32: {  	s10 =	sld [smem:$0x3FAC];
	_ =	sdelay $0x3  }
0x33: {  	p0 =	seq.s32 s10, $0x1;
	s10 =	sld [smem:$0x3FAE];
	_ =	sdelay $0x3  }
0x34: {  	[smem:$0x3FAE] =	sst s10  }
0x35: {  	s10 =	sld [smem:$0x3FAD];
	_ =	sdelay $0x3  }
0x36: {  	p1 =	seq.s32 s10, $0x1;
	s10 =	sld [smem:$0x3FAE];
	_ =	sdelay $0x3  }
0x37: {  	[smem:$0x3FAE] =	sst s10  }
0x38: {  	s10 =	sld [smem:$0x3FAF]  }
0x39: {  	_ = 	snop;
	(pc) =	sbr.ind lr, $3  }
0x3a: {  	_ = 	snop  }
0x3b: {  	_ = 	snop  }
0x3c: {  	p2 =	seq.s32 s10, $0x1;
	s10 =	sld [smem:$0x3FAE]  }
0x3d: {  	_ =	shalt  }
0x3e: {  	_ =	shalt  }
0x3f: {  	_ =	shalt  }
0x40: {  	_ =	shalt  }
0x41: {  	_ =	shalt  }
0x42: {  	_ =	shalt  }
0x43: {  	_ =	shalt  }
0x44: {  	_ =	shalt  }
0x45: {  	_ =	shalt  }
0x46: {  	_ =	shalt  }
0x47: {  	_ =	shalt  }
0x48: {  	_ =	shalt  }
0x49: {  	_ =	shalt  }
0x4a: {  	_ =	shalt  }
0x4b: {  	_ =	shalt  }
0x4c: {  	_ =	shalt  }
0x4d: {  	_ =	shalt  }
0x4e: {  	_ =	shalt  }
0x4f: {  	_ =	shalt  }
0x50: {  	_ =	shalt  }
0x51: {  	_ =	shalt  }
0x52: {  	_ =	shalt  }
0x53: {  	_ =	shalt  }
0x54: {  	_ =	shalt  }
0x55: {  	_ =	shalt  }
0x56: {  	_ =	shalt  }
0x57: {  	_ =	shalt  }
0x58: {  	_ =	shalt  }
0x59: {  	_ =	shalt  }
0x5a: {  	_ =	shalt  }
0x5b: {  	_ =	shalt  }
0x5c: {  	_ =	shalt  }
0x5d: {  	_ =	shalt  }
0x5e: {  	_ =	shalt  }
0x5f: {  	_ =	shalt  }
0x60: {  	_ =	shalt  }
0x61: {  	_ =	shalt  }
0x62: {  	_ =	shalt  }
0x63: {  	_ =	shalt  }
0x64: {  	_ =	shalt  }
0x65: {  	_ =	shalt  }
0x66: {  	_ =	shalt  }
0x67: {  	_ =	shalt  }
0x68: {  	_ =	shalt  }
0x69: {  	_ =	shalt  }
0x6a: {  	_ =	shalt  }
0x6b: {  	_ =	shalt  }
0x6c: {  	_ =	shalt  }
0x6d: {  	_ =	shalt  }
0x6e: {  	_ =	shalt  }
0x6f: {  	_ =	shalt  }
0x70: {  	_ =	shalt  }
0x71: {  	_ =	shalt  }
0x72: {  	_ =	shalt  }
0x73: {  	_ =	shalt  }
0x74: {  	_ =	shalt  }
0x75: {  	_ =	shalt  }
0x76: {  	_ =	shalt  }
0x77: {  	_ =	shalt  }
0x78: {  	_ =	shalt  }
0x79: {  	_ =	shalt  }
0x7a: {  	_ =	shalt  }
0x7b: {  	_ =	shalt  }
0x7c: {  	_ =	shalt  }
0x7d: {  	_ =	shalt  }
0x7e: {  	_ =	shalt  }
0x7f: {  	_ =	shalt  }
0x80: {  	_ =	shalt  }
0x81: {  	_ =	shalt  }
0x82: {  	_ =	shalt  }
0x83: {  	_ =	shalt  }
0x84: {  	_ =	shalt  }
0x85: {  	_ =	shalt  }
0x86: {  	_ =	shalt  }
0x87: {  	_ =	shalt  }
.Lfunc_end0:
.L_simem_size_0:
called_computation.3_lowered:
.L_overlay_start_0:
0x88: {  	s2 =	sld [smem:$0x3FD9]  }
0x89: {  	s3 =	sld [smem:$0x3FFE];
	_ =	sdelay $0x1  }
0x8a: {  	s1 =	srdreg.scid  }
0x8b: {  	s0 =	sand.u32 $0x1, s1  }
0x8c: {  	s16 =	sshll.u32 s0, $0xA;
	s2 =	sadd.s32 s3, s2  }
0x8d: {  	s2 =	sadd.s32 s2, s16  }
0x8e: {  	[smem:$0x3FBA] =	sst s2  }
0x8f: {  	_ = 	snop  }
0x90: {  	(tm) =	ssettm $0x1  }
0x91: {  	s17 =	sld [smem:$0x3FFB];
	_ =	sdelay $0x3  }
0x92: {  	_ =	strace s17  }
0x93: {  	s2 =	sld [smem:$0x3FFC];
	_ =	sdelay $0x3  }
0x94: {  	_ =	strace s2  }
0x95: {  	s2 =	sld [smem:$0x3FFD];
	_ =	sdelay $0x3  }
0x96: {  	_ =	strace s2  }
0x97: {  	_ =	strace $0x8FFFFFFF  }
0x98: {  	s18 =	sld [smem:$0x3FDB];
	_ =	sdelay $0x1  }
0x99: {  	s19 =	simm.s32 $_scs_section_size  }
0x9a: {  	s4 =	simm.s32 $_size__tile_overlayer_lowered;
	s5 =	simm.s32 $_tile_overlayer_lowered  }
0x9b: {  	s22 =	simm.s32 $0x1BFF;
	s21 =	sshll.u32 s5, $0x1;
	s2 =	sadd.s32 s19, s18  }
0x9c: {  	s6 =	simm.s32 $0x0;
	s20 =	sshll.u32 s4, $0x1;
	s4 =	sadd.s32 s21, s2  }
0x9d: {  	[timem:s6], [sflag:s22] =	dma.local [hbm:s4], s20  }
0x9e: {  	_ =	swait.ge [sflag:s22], s20  }
0x9f: {  	s3 =	ssub.s32 $0x0, s20;
	[sflag:s22] =	ssyncset.done $0x0  }
0xa0: {  	[sflag:s22] =	ssyncadd.s32 s3;
	_ =	sdelay $0x1  }
0xa1: {  	s23 =	simm.s32 $0x1B8B  }
0xa2: {  	_ =	swait.ge [sflag:s23], $0x1  }
0xa3: {  	[sflag:s23] =	ssyncset.done $0x0  }
0xa4: {  	s25 =	simm.s32 $0x1B8E;
	s24 =	sld [smem:$0x3FFE];
	[sflag:s23] =	ssyncadd.s32 $0xFFFFFFFF  }
0xa5: {  	s26 =	simm.s32 $execute0_lowered;
	[smem:$0x3FD2] =	sst s25  }
0xa6: {  	s4 =	sshll.u32 s26, $0x1;
	_ =	strace $0x8000004F;
	[dreg:$0x1] =	wrdreg $0xFFFFFFFF  }
0xa7: {  	s28 =	simm.s32 $_size_execute0_lowered;
	s2 =	sadd.s32 s2, s4;
	[dreg:$0x0] =	wrdreg $0x0  }
0xa8: {  	s4 =	sshll.u32 s28, $0x1;
	[dreg:$0x2] =	wrdreg s2  }
0xa9: {  	[dreg:$0x3] =	wrdreg s4  }
0xaa: {  	[dreg:$0x4] =	wrdreg $0xC0  }
0xab: {  	_ =	task [dreg:s6], $0x5FFFF  }
0xac: {  	[dreg:$0x1] =	wrdreg $0xFFFFFFFF  }
0xad: {  	[dreg:$0x0] =	wrdreg $0x60  }
0xae: {  	[dreg:$0x2] =	wrdreg s24  }
0xaf: {  	[dreg:$0x3] =	wrdreg $0x0  }
0xb0: {  	[dreg:$0x4] =	wrdreg $0x9  }
0xb1: {  	_ =	task.clear_ibuf [dreg:s6], $0x5FFFF;
	_ =	strace $0x9000004F  }
0xb2: {  	s29 =	simm.s32 $0x9;
	_ =	strace $0x80000051  }
0xb3: {  	_ =	swait.ge [sflag:s29], $0x1  }
0xb4: {  	[sflag:s29] =	ssyncadd.s32 $0xFFFFFFFF  }
0xb5: {  	_ =	strace $0x90000051  }
0xb6: {  	_ =	sfence  }
0xb7: {  	s30 =	sld [smem:$0x0];
	_ =	sdelay $0x2  }
0xb8: {  	s31 =	sshll.u32 s1, $0xD;
	s1 =	sshrl.u32 s1, $0x2  }
0xb9: {  	s3 =	sand.u32 $0x4000, s31;
	s1 =	sadd.s32 s1, s30  }
0xba: {  	s0 =	sor.u32 s3, s0;
	s1 =	sshll.u32 s1, $0x11  }
0xbb: {  	s0 =	sor.u32 s1, s0  }
0xbc: {  	s0 =	sadd.s32 $0x8F2B, s0  }
0xbd: {  	[sflag:s0] =	ssyncadd.remote.s32 $0x1  }
0xbe: {  	_ =	sfence.sel $0xFFFF  }
0xbf: {  	[dreg:$0x0] =	wrdreg $0xFFFFFFFF;
	(pc) =	sbr.abs _section_cstart, $3  }
0xc0: {  	[dreg:$0x1] =	wrdreg $0xFFFFFFFF  }
0xc1: {  	_ =	task.clear_ibuf [dreg:s6], $0x2FFFF;
	_ =	strace $0x9FFFFFFF  }
0xc2: {  	(tm) =	ssettm $0x7FFFFFFF  }
0xc3: {  	_ =	shalt  }
tec
execute0_lowered:
.L_overlay_start_1:
0x0: {  	(tag) =	ssettag $0x1  }
0x1: {  	s0 =	rddreg [dreg:$0x0]  }
0x2: {  	s1 =	rddreg [dreg:$0x1]  }
0x3: {  	s2 =	simm.s32 $0x0;
	s5 =	srdreg.scid;
	s12 =	stileid.u32  }
0x4: {  	[smem:$0x7FF] =	sst s2;
	s4 =	sadd.s32 $0x69600, s0;
	s3 =	sadd.s32 $0x93600, s0  }
0x5: {  	s6 =	sadd.s32 $0xB600, s0;
	s7 =	sand.u32 $0x1, s5;
	s9 =	smul.u32 $0x54000, s12  }
0x6: {  	s21 =	sshll.u32 s12, $0x1;
	s0 =	sadd.s32 $0x9D600, s0;
	s23 =	smul.u32 $0x15000, s12  }
0x7: {  	s8 =	ssub.s32 $0x2, s7;
	s5 =	sor.u32 s7, s21;
	s7 =	smul.u32 $0x150000, s7  }
0x8: {  	_ =	strace $0x80000050;
	s10 =	sshrl.u32 s8, $0x1;
	s11 =	smul.u32 $0x2800, s5  }
0x9: {  	s22 =	sshrl.u32 s9, $0x2;
	s12 =	sadd.s32 $0x14000, s23;
	s30 =	sadd.s32 $0x4000, s23  }
0xa: {  	s15 =	sadd.s32 $0x8000, s23;
	s16 =	sadd.s32 $0xC000, s23;
	s9 =	sadd.s32 $0x10000, s23  }
0xb: {  	s8 =	ssub.s32 s8, s10;
	s5 =	sadd.s32 s22, s1;
	s26 =	sadd.s32 s7, s12  }
0xc: {  	s28 =	sadd.s32 s12, s1;
	s17 =	sadd.s32 s7, s15;
	s18 =	sadd.s32 s7, s16  }
0xd: {  	s21 =	sadd.s32 s30, s1;
	s22 =	sadd.s32 s15, s1;
	[dreg:$0x7] =	wrdreg s28  }
0xe: {  	s15 =	simm.s32 $0x17800;
	s24 =	sshrl.u32 s11, $0x3;
	[dreg:$0x13] =	wrdreg s21  }
0xf: {  	s29 =	smax.u32 s8, $0x1;
	s31 =	sadd.s32 $0x1000, s5;
	[dreg:$0x14] =	wrdreg s22  }
0x10: {  	s8 =	sadd.s32 s7, s23;
	s12 =	sadd.s32 $0x2000, s5;
	[dreg:$0x9] =	wrdreg s29  }
0x11: {  	s13 =	sadd.s32 $0x3000, s5;
	s20 =	sadd.s32 $0x4000, s5;
	[dreg:$0xa] =	wrdreg s31  }
0x12: {  	s23 =	sadd.s32 s16, s1;
	s28 =	sadd.s32 $0x7000, s5;
	[dreg:$0xb] =	wrdreg s12  }
0x13: {  	s16 =	simm.s32 $0x3;
	s21 =	simm.s32 $0x1;
	[dreg:$0xc] =	wrdreg s13  }
0x14: {  	s22 =	simm.s32 $0x2;
	s11 =	sadd.s32 s3, s24;
	[dreg:$0x12] =	wrdreg s20  }
0x15: {  	s25 =	sadd.s32 $0x280, s24;
	s10 =	sadd.s32 s6, s24;
	[dreg:$0x15] =	wrdreg s23  }
0x16: {  	s24 =	sadd.s32 s9, s1;
	[dreg:$0x19] =	wrdreg s28;
	s29 =	sadd.s32 $0x8000, s5  }
0x17: {  	s31 =	sadd.s32 $0xA000, s5;
	s12 =	sadd.s32 $0x12000, s5;
	s13 =	sadd.s32 $0x13000, s5  }
0x18: {  	s20 =	simm.s32 $0x1B800;
	s23 =	simm.s32 $0x16380;
	[dreg:$0x3] =	wrdreg s11  }
0x19: {  	[dreg:$0x4] =	wrdreg s10;
	s3 =	sadd.s32 s3, s25;
	s6 =	sadd.s32 s6, s25  }
0x1a: {  	s11 =	sadd.s32 s7, s30;
	s7 =	sadd.s32 s7, s9;
	[dreg:$0x16] =	wrdreg s24  }
0x1b: {  	s10 =	sshrl.u32 s17, $0x3;
	s25 =	sadd.s32 $0x5000, s5;
	[dreg:$0x1a] =	wrdreg s29  }
0x1c: {  	s30 =	sadd.s32 $0x9000, s5;
	[dreg:$0x1c] =	wrdreg s31;
	s9 =	sadd.s32 $0xF000, s5  }
0x1d: {  	s17 =	simm.s32 $0x15000;
	s24 =	simm.s32 $0x17700;
	[dreg:$0x5] =	wrdreg s3  }
0x1e: {  	[dreg:$0x6] =	wrdreg s6;
	s3 =	sshrl.u32 s26, $0x3;
	s6 =	sshrl.u32 s8, $0x3  }
0x1f: {  	s8 =	sshrl.u32 s11, $0x3;
	s11 =	sshrl.u32 s18, $0x3;
	[dreg:$0x17] =	wrdreg s25  }
0x20: {  	s7 =	sshrl.u32 s7, $0x3;
	s10 =	sadd.s32 s0, s10;
	[dreg:$0x1b] =	wrdreg s30  }
0x21: {  	s26 =	sadd.s32 $0x6000, s5;
	s18 =	simm.s32 $0x16400;
	[dreg:$0xf] =	wrdreg s10  }
0x22: {  	s25 =	simm.s32 $0x17780;
	s3 =	sadd.s32 s0, s3;
	[dreg:$0x18] =	wrdreg s26  }
0x23: {  	s6 =	sadd.s32 s0, s6;
	s14 =	sadd.s32 s0, s8;
	[dreg:$0x8] =	wrdreg s3  }
0x24: {  	s19 =	sadd.s32 s0, s11;
	s0 =	sadd.s32 s0, s7;
	[dreg:$0xd] =	wrdreg s6  }
0x25: {  	s7 =	sadd.s32 $0xD000, s5;
	s8 =	sadd.s32 $0xE000, s5;
	[dreg:$0xe] =	wrdreg s14  }
0x26: {  	s10 =	sadd.s32 $0x10000, s5;
	s11 =	sadd.s32 $0x11000, s5;
	[dreg:$0x10] =	wrdreg s19  }
0x27: {  	s26 =	simm.s32 $0x0;
	[dreg:$0x11] =	wrdreg s0;
	s3 =	sadd.s32 $0xB000, s5  }
0x28: {  	v0 =	vimm.f32 $0.0e+00;
	s6 =	sadd.s32 $0xC000, s5;
	s14 =	sadd.s32 $0x14000, s5;
	s19 =	simm.s32 $0x80  }
.LBB2_1:
0x29: {  	s28 =	simm.s32 $0x0;
	s29 =	simm.s32 $0x200  }
.LBB2_2:
0x2a: {  	p0 =	sne.s32 s29, $0x3E00;
	[tilespmem:s28+$0x17870] =	vst v0  }
0x2b: {  	[tilespmem:s28+$0x17800] =	vst v0  }
0x2c: {  	[tilespmem:s28+$0x17810] =	vst v0  }
.Ltmp0:
0x2d: {  	[tilespmem:s28+$0x17820] =	vst v0;
	(pc) =	sbr.rel @p0 .LBB2_2-.Ltmp0, $4  }
0x2e: {  	[tilespmem:s28+$0x17830] =	vst v0  }
0x2f: {  	[tilespmem:s28+$0x17840] =	vst v0  }
0x30: {  	[tilespmem:s28+$0x17850] =	vst v0  }
0x31: {  	[tilespmem:s28+$0x17860] =	vst v0;
	s28 =	sshra.s32 s29, $0x2;
	s29 =	sadd.s32 $0x200, s29  }
0x32: {  	[tilespmem:s28+$0x17870] =	vst v0  }
0x33: {  	[tilespmem:s28+$0x17800] =	vst v0  }
0x34: {  	[tilespmem:s28+$0x17810] =	vst v0  }
0x35: {  	[tilespmem:s28+$0x17820] =	vst v0  }
0x36: {  	[tilespmem:s28+$0x17830] =	vst v0  }
0x37: {  	[tilespmem:s28+$0x17840] =	vst v0  }
0x38: {  	[tilespmem:s28+$0x17850] =	vst v0  }
0x39: {  	[tilespmem:s28+$0x17860] =	vst v0  }
0x3a: {  	[spmem:s5] =	stream.linear.scatter [tilespmem:s15], [sflag:$0x3], $0x1000, $0x38;
	[tilespmem:$0x1F800] =	vst v63  }
0x3b: {  	_ =	swait.ge [sflag:s16], $0x1000  }
0x3c: {  	[sflag:s16] =	ssyncset.done $0x0  }
0x3d: {  	s0 =	rddreg [dreg:$0xa];
	[sflag:s16] =	ssyncadd.s32 $0xFFFFF000  }
0x3e: {  	[spmem:s0] =	stream.linear.scatter [tilespmem:s15], [sflag:$0x3], $0x1000, $0x38;
	[tilespmem:$0x1F800] =	vst v63  }
0x3f: {  	_ =	swait.ge [sflag:s16], $0x1000  }
0x40: {  	[sflag:s16] =	ssyncset.done $0x0  }
0x41: {  	s31 =	rddreg [dreg:$0xb];
	[sflag:s16] =	ssyncadd.s32 $0xFFFFF000  }
0x42: {  	[spmem:s31] =	stream.linear.scatter [tilespmem:s15], [sflag:$0x3], $0x1000, $0x38;
	[tilespmem:$0x1F800] =	vst v63  }
0x43: {  	_ =	swait.ge [sflag:s16], $0x1000  }
0x44: {  	[sflag:s16] =	ssyncset.done $0x0  }
0x45: {  	s30 =	rddreg [dreg:$0xc];
	[sflag:s16] =	ssyncadd.s32 $0xFFFFF000  }
0x46: {  	[spmem:s30] =	stream.linear.scatter [tilespmem:s15], [sflag:$0x3], $0x1000, $0x38;
	[tilespmem:$0x1F800] =	vst v63  }
0x47: {  	_ =	swait.ge [sflag:s16], $0x1000  }
0x48: {  	[sflag:s16] =	ssyncset.done $0x0  }
0x49: {  	s31 =	rddreg [dreg:$0x12];
	[sflag:s16] =	ssyncadd.s32 $0xFFFFF000  }
0x4a: {  	[spmem:s31] =	stream.linear.scatter [tilespmem:s15], [sflag:$0x3], $0x1000, $0x38;
	[tilespmem:$0x1F800] =	vst v63  }
0x4b: {  	_ =	swait.ge [sflag:s16], $0x1000  }
0x4c: {  	[sflag:s16] =	ssyncset.done $0x0  }
0x4d: {  	s30 =	rddreg [dreg:$0x17];
	[sflag:s16] =	ssyncadd.s32 $0xFFFFF000  }
0x4e: {  	[spmem:s30] =	stream.linear.scatter [tilespmem:s15], [sflag:$0x3], $0x1000, $0x38;
	[tilespmem:$0x1F800] =	vst v63  }
0x4f: {  	_ =	swait.ge [sflag:s16], $0x1000  }
0x50: {  	[sflag:s16] =	ssyncset.done $0x0  }
0x51: {  	s31 =	rddreg [dreg:$0x18];
	[sflag:s16] =	ssyncadd.s32 $0xFFFFF000  }
0x52: {  	[spmem:s31] =	stream.linear.scatter [tilespmem:s15], [sflag:$0x3], $0x1000, $0x38;
	[tilespmem:$0x1F800] =	vst v63  }
0x53: {  	_ =	swait.ge [sflag:s16], $0x1000  }
0x54: {  	[sflag:s16] =	ssyncset.done $0x0  }
0x55: {  	s30 =	rddreg [dreg:$0x19];
	[sflag:s16] =	ssyncadd.s32 $0xFFFFF000  }
0x56: {  	[spmem:s30] =	stream.linear.scatter [tilespmem:s15], [sflag:$0x3], $0x1000, $0x38;
	[tilespmem:$0x1F800] =	vst v63  }
0x57: {  	_ =	swait.ge [sflag:s16], $0x1000  }
0x58: {  	[sflag:s16] =	ssyncset.done $0x0  }
0x59: {  	s31 =	rddreg [dreg:$0x1a];
	[sflag:s16] =	ssyncadd.s32 $0xFFFFF000  }
0x5a: {  	[spmem:s31] =	stream.linear.scatter [tilespmem:s15], [sflag:$0x3], $0x1000, $0x38;
	[tilespmem:$0x1F800] =	vst v63  }
0x5b: {  	_ =	swait.ge [sflag:s16], $0x1000  }
0x5c: {  	[sflag:s16] =	ssyncset.done $0x0  }
0x5d: {  	s30 =	rddreg [dreg:$0x1b];
	[sflag:s16] =	ssyncadd.s32 $0xFFFFF000  }
0x5e: {  	[spmem:s30] =	stream.linear.scatter [tilespmem:s15], [sflag:$0x3], $0x1000, $0x38;
	[tilespmem:$0x1F800] =	vst v63  }
0x5f: {  	_ =	swait.ge [sflag:s16], $0x1000  }
0x60: {  	[sflag:s16] =	ssyncset.done $0x0  }
0x61: {  	s31 =	rddreg [dreg:$0x1c];
	[sflag:s16] =	ssyncadd.s32 $0xFFFFF000  }
0x62: {  	[spmem:s31] =	stream.linear.scatter [tilespmem:s15], [sflag:$0x3], $0x1000, $0x38;
	[tilespmem:$0x1F800] =	vst v63  }
0x63: {  	_ =	swait.ge [sflag:s16], $0x1000  }
0x64: {  	[sflag:s16] =	ssyncset.done $0x0  }
0x65: {  	[sflag:s16] =	ssyncadd.s32 $0xFFFFF000  }
0x66: {  	[spmem:s3] =	stream.linear.scatter [tilespmem:s15], [sflag:$0x3], $0x1000, $0x38;
	[tilespmem:$0x1F800] =	vst v63  }
0x67: {  	_ =	swait.ge [sflag:s16], $0x1000  }
0x68: {  	[sflag:s16] =	ssyncset.done $0x0  }
0x69: {  	[sflag:s16] =	ssyncadd.s32 $0xFFFFF000  }
0x6a: {  	[spmem:s6] =	stream.linear.scatter [tilespmem:s15], [sflag:$0x3], $0x1000, $0x38;
	[tilespmem:$0x1F800] =	vst v63  }
0x6b: {  	_ =	swait.ge [sflag:s16], $0x1000  }
0x6c: {  	[sflag:s16] =	ssyncset.done $0x0  }
0x6d: {  	[sflag:s16] =	ssyncadd.s32 $0xFFFFF000  }
0x6e: {  	[spmem:s7] =	stream.linear.scatter [tilespmem:s15], [sflag:$0x3], $0x1000, $0x38;
	[tilespmem:$0x1F800] =	vst v63  }
0x6f: {  	_ =	swait.ge [sflag:s16], $0x1000  }
0x70: {  	[sflag:s16] =	ssyncset.done $0x0  }
0x71: {  	[sflag:s16] =	ssyncadd.s32 $0xFFFFF000  }
0x72: {  	[spmem:s8] =	stream.linear.scatter [tilespmem:s15], [sflag:$0x3], $0x1000, $0x38;
	[tilespmem:$0x1F800] =	vst v63  }
0x73: {  	_ =	swait.ge [sflag:s16], $0x1000  }
0x74: {  	[sflag:s16] =	ssyncset.done $0x0  }
0x75: {  	[sflag:s16] =	ssyncadd.s32 $0xFFFFF000  }
0x76: {  	[spmem:s9] =	stream.linear.scatter [tilespmem:s15], [sflag:$0x3], $0x1000, $0x38;
	[tilespmem:$0x1F800] =	vst v63  }
0x77: {  	_ =	swait.ge [sflag:s16], $0x1000  }
0x78: {  	[sflag:s16] =	ssyncset.done $0x0  }
0x79: {  	[sflag:s16] =	ssyncadd.s32 $0xFFFFF000  }
0x7a: {  	[spmem:s10] =	stream.linear.scatter [tilespmem:s15], [sflag:$0x3], $0x1000, $0x38;
	[tilespmem:$0x1F800] =	vst v63  }
0x7b: {  	_ =	swait.ge [sflag:s16], $0x1000  }
0x7c: {  	[sflag:s16] =	ssyncset.done $0x0  }
0x7d: {  	[sflag:s16] =	ssyncadd.s32 $0xFFFFF000  }
0x7e: {  	[spmem:s11] =	stream.linear.scatter [tilespmem:s15], [sflag:$0x3], $0x1000, $0x38;
	[tilespmem:$0x1F800] =	vst v63  }
0x7f: {  	_ =	swait.ge [sflag:s16], $0x1000  }
0x80: {  	[sflag:s16] =	ssyncset.done $0x0  }
0x81: {  	[sflag:s16] =	ssyncadd.s32 $0xFFFFF000  }
0x82: {  	[spmem:s12] =	stream.linear.scatter [tilespmem:s15], [sflag:$0x3], $0x1000, $0x38;
	[tilespmem:$0x1F800] =	vst v63  }
0x83: {  	_ =	swait.ge [sflag:s16], $0x1000  }
0x84: {  	[sflag:s16] =	ssyncset.done $0x0  }
0x85: {  	[sflag:s16] =	ssyncadd.s32 $0xFFFFF000  }
0x86: {  	[spmem:s13] =	stream.linear.scatter [tilespmem:s15], [sflag:$0x3], $0x1000, $0x38;
	[tilespmem:$0x1F800] =	vst v63  }
0x87: {  	_ =	swait.ge [sflag:s16], $0x1000  }
0x88: {  	[sflag:s16] =	ssyncset.done $0x0  }
0x89: {  	[sflag:s16] =	ssyncadd.s32 $0xFFFFF000  }
0x8a: {  	[spmem:s14] =	stream.linear.scatter [tilespmem:s15], [sflag:$0x3], $0x1000, $0x38;
	[tilespmem:$0x1F800] =	vst v63  }
0x8b: {  	_ =	swait.ge [sflag:s16], $0x1000  }
0x8c: {  	[sflag:s16] =	ssyncset.done $0x0  }
0x8d: {  	[sflag:s16] =	ssyncadd.s32 $0xFFFFF000  }
0x8e: {  	[bflag:$0x0] =	sbarrier.arrive $0xFFFF  }
0x8f: {  	s28 =	simm.s32 $0x0;
	s30 =	rddreg [dreg:$0x3]  }
0x90: {  	[tilespmem:s17], [sflag:$0x3] =	stream.linear.gather [hbm4b:s30+s28], $0x1400, $0x38;
	[tilespmem:$0x1F800] =	vst v63  }
0x91: {  	_ =	swait.ge [sflag:s16], $0x1400  }
0x92: {  	[sflag:s16] =	ssyncset.done $0x0  }
0x93: {  	s31 =	rddreg [dreg:$0x4];
	[sflag:s16] =	ssyncadd.s32 $0xFFFFEC00  }
0x94: {  	[tilespmem:s18], [sflag:$0x3] =	stream.linear.gather [hbm4b:s31+s28], $0x1400, $0x38;
	[tilespmem:$0x1F800] =	vst v63  }
0x95: {  	_ =	swait.ge [sflag:s16], $0x1400  }
0x96: {  	[sflag:s16] =	ssyncset.done $0x0  }
0x97: {  	[sflag:s16] =	ssyncadd.s32 $0xFFFFEC00  }
0x98: {  	[tilespmem:s15], [sflag:$0x1] =	stream.indirect.gather [hbm4b:s4+s19], $0x80, s17, s19, $0xb8;
	[tilespmem:$0x1F800] =	vst v63  }
0x99: {  	s28 =	simm.s32 $0x15080  }
0x9a: {  	[tilespmem:s20], [sflag:$0x2] =	stream.indirect.gather [hbm4b:s4+s19], $0x80, s28, s19, $0xb8;
	[tilespmem:$0x1F800] =	vst v63  }
0x9b: {  	_ =	swait.ge [sflag:s21], $0x4000  }
0x9c: {  	[sflag:s21] =	ssyncset.done $0x0  }
0x9d: {  	s28 =	simm.s32 $0x16400;
	[sflag:s21] =	ssyncadd.s32 $0xFFFFC000  }
0x9e: {  	[spmem:s1] =	stream.indirect.scatter.add.f32 [tilespmem:s15], [sflag:$0x3], $0x80, s28, s19, $0xb8;
	[tilespmem:$0x1F800] =	vst v63  }
0x9f: {  	_ =	swait.ge [sflag:s16], $0x4000  }
0xa0: {  	[sflag:s16] =	ssyncset.done $0x0  }
0xa1: {  	s28 =	simm.s32 $0x15100;
	[sflag:s16] =	ssyncadd.s32 $0xFFFFC000  }
0xa2: {  	[tilespmem:s15], [sflag:$0x1] =	stream.indirect.gather [hbm4b:s4+s19], $0x80, s28, s19, $0xb8;
	[tilespmem:$0x1F800] =	vst v63  }
0xa3: {  	_ =	swait.ge [sflag:s22], $0x4000  }
0xa4: {  	[sflag:s22] =	ssyncset.done $0x0  }
0xa5: {  	s28 =	simm.s32 $0x16480;
	[sflag:s22] =	ssyncadd.s32 $0xFFFFC000  }
0xa6: {  	[spmem:s1] =	stream.indirect.scatter.add.f32 [tilespmem:s20], [sflag:$0x3], $0x80, s28, s19, $0xb8;
	[tilespmem:$0x1F800] =	vst v63  }
0xa7: {  	_ =	swait.ge [sflag:s16], $0x4000  }
0xa8: {  	s29 =	simm.s32 $0x800;
	s28 =	simm.s32 $0x100;
	[sflag:s16] =	ssyncset.done $0x0  }
.LBB2_4:
0xa9: {  	s30 =	sadd.s32 $0x15080, s28  }
0xaa: {  	[sflag:s16] =	ssyncadd.s32 $0xFFFFC000;
	s31 =	smov.u32 s29;
	s0 =	sadd.s32 $0x400, s29  }
0xab: {  	[tilespmem:s20], [sflag:$0x2] =	stream.indirect.gather [hbm4b:s4+s19], $0x80, s30, s19, $0xb8;
	[tilespmem:$0x1F800] =	vst v63  }
0xac: {  	p0 =	sne.s32 s29, $0x4800;
	_ =	swait.ge [sflag:s21], $0x4000  }
0xad: {  	[sflag:s21] =	ssyncset.done $0x0  }
0xae: {  	s29 =	sadd.s32 $0x16400, s28;
	[sflag:s21] =	ssyncadd.s32 $0xFFFFC000  }
0xaf: {  	[spmem:s1] =	stream.indirect.scatter.add.f32 [tilespmem:s15], [sflag:$0x3], $0x80, s29, s19, $0xb8;
	[tilespmem:$0x1F800] =	vst v63  }
0xb0: {  	_ =	swait.ge [sflag:s16], $0x4000  }
0xb1: {  	[sflag:s16] =	ssyncset.done $0x0  }
0xb2: {  	s29 =	sadd.s32 $0x15100, s28;
	[sflag:s16] =	ssyncadd.s32 $0xFFFFC000  }
0xb3: {  	[tilespmem:s15], [sflag:$0x1] =	stream.indirect.gather [hbm4b:s4+s19], $0x80, s29, s19, $0xb8;
	[tilespmem:$0x1F800] =	vst v63  }
0xb4: {  	_ =	swait.ge [sflag:s22], $0x4000  }
.Ltmp1:
0xb5: {  	[sflag:s22] =	ssyncset.done $0x0;
	(pc) =	sbr.rel @p0 .LBB2_4-.Ltmp1, $4  }
0xb6: {  	s28 =	sadd.s32 $0x16480, s28;
	[sflag:s22] =	ssyncadd.s32 $0xFFFFC000  }
0xb7: {  	[spmem:s1] =	stream.indirect.scatter.add.f32 [tilespmem:s20], [sflag:$0x3], $0x80, s28, s19, $0xb8;
	[tilespmem:$0x1F800] =	vst v63  }
0xb8: {  	_ =	swait.ge [sflag:s16], $0x4000  }
0xb9: {  	s29 =	smov.u32 s0;
	s28 =	sshra.s32 s31, $0x2;
	[sflag:s16] =	ssyncset.done $0x0  }
0xba: {  	s0 =	sadd.s32 $0x15080, s28;
	[sflag:s16] =	ssyncadd.s32 $0xFFFFC000  }
0xbb: {  	[tilespmem:s20], [sflag:$0x2] =	stream.indirect.gather [hbm4b:s4+s19], $0x80, s0, s19, $0xb8;
	[tilespmem:$0x1F800] =	vst v63  }
0xbc: {  	_ =	swait.ge [sflag:s21], $0x4000  }
0xbd: {  	[sflag:s21] =	ssyncset.done $0x0  }
0xbe: {  	s30 =	sadd.s32 $0x16400, s28;
	[sflag:s21] =	ssyncadd.s32 $0xFFFFC000  }
0xbf: {  	[spmem:s1] =	stream.indirect.scatter.add.f32 [tilespmem:s15], [sflag:$0x3], $0x80, s30, s19, $0xb8;
	[tilespmem:$0x1F800] =	vst v63  }
0xc0: {  	_ =	swait.ge [sflag:s16], $0x4000  }
0xc1: {  	[sflag:s16] =	ssyncset.done $0x0  }
0xc2: {  	s31 =	sadd.s32 $0x15100, s28;
	[sflag:s16] =	ssyncadd.s32 $0xFFFFC000  }
0xc3: {  	[tilespmem:s15], [sflag:$0x1] =	stream.indirect.gather [hbm4b:s4+s19], $0x80, s31, s19, $0xb8;
	[tilespmem:$0x1F800] =	vst v63  }
0xc4: {  	_ =	swait.ge [sflag:s22], $0x4000  }
0xc5: {  	[sflag:s22] =	ssyncset.done $0x0  }
0xc6: {  	s30 =	sadd.s32 $0x16480, s28;
	[sflag:s22] =	ssyncadd.s32 $0xFFFFC000  }
0xc7: {  	[spmem:s1] =	stream.indirect.scatter.add.f32 [tilespmem:s20], [sflag:$0x3], $0x80, s30, s19, $0xb8;
	[tilespmem:$0x1F800] =	vst v63  }
0xc8: {  	_ =	swait.ge [sflag:s16], $0x4000  }
0xc9: {  	[sflag:s16] =	ssyncset.done $0x0  }
0xca: {  	[sflag:s16] =	ssyncadd.s32 $0xFFFFC000  }
0xcb: {  	[tilespmem:s20], [sflag:$0x2] =	stream.indirect.gather [hbm4b:s4+s19], $0x80, s23, s19, $0xb8;
	[tilespmem:$0x1F800] =	vst v63  }
0xcc: {  	_ =	swait.ge [sflag:s21], $0x4000  }
0xcd: {  	[sflag:s21] =	ssyncset.done $0x0  }
0xce: {  	[sflag:s21] =	ssyncadd.s32 $0xFFFFC000  }
0xcf: {  	[spmem:s1] =	stream.indirect.scatter.add.f32 [tilespmem:s15], [sflag:$0x3], $0x80, s24, s19, $0xb8;
	[tilespmem:$0x1F800] =	vst v63  }
0xd0: {  	_ =	swait.ge [sflag:s16], $0x4000  }
0xd1: {  	[sflag:s16] =	ssyncset.done $0x0  }
0xd2: {  	[sflag:s16] =	ssyncadd.s32 $0xFFFFC000  }
0xd3: {  	_ =	swait.ge [sflag:s22], $0x4000  }
0xd4: {  	[sflag:s22] =	ssyncset.done $0x0  }
0xd5: {  	[sflag:s22] =	ssyncadd.s32 $0xFFFFC000  }
0xd6: {  	[spmem:s1] =	stream.indirect.scatter.add.f32 [tilespmem:s20], [sflag:$0x3], $0x80, s25, s19, $0xb8;
	[tilespmem:$0x1F800] =	vst v63  }
0xd7: {  	_ =	swait.ge [sflag:s16], $0x4000  }
0xd8: {  	[sflag:s16] =	ssyncset.done $0x0  }
0xd9: {  	s31 =	simm.s32 $0x0;
	s28 =	rddreg [dreg:$0x5];
	[sflag:s16] =	ssyncadd.s32 $0xFFFFC000  }
0xda: {  	[tilespmem:s17], [sflag:$0x3] =	stream.linear.gather [hbm4b:s28+s31], $0x1400, $0x38;
	[tilespmem:$0x1F800] =	vst v63  }
0xdb: {  	_ =	swait.ge [sflag:s16], $0x1400  }
0xdc: {  	[sflag:s16] =	ssyncset.done $0x0  }
0xdd: {  	s28 =	rddreg [dreg:$0x6];
	[sflag:s16] =	ssyncadd.s32 $0xFFFFEC00  }
0xde: {  	[tilespmem:s18], [sflag:$0x3] =	stream.linear.gather [hbm4b:s28+s31], $0x1400, $0x38;
	[tilespmem:$0x1F800] =	vst v63  }
0xdf: {  	_ =	swait.ge [sflag:s16], $0x1400  }
0xe0: {  	[sflag:s16] =	ssyncset.done $0x0  }
0xe1: {  	[sflag:s16] =	ssyncadd.s32 $0xFFFFEC00  }
0xe2: {  	[tilespmem:s15], [sflag:$0x1] =	stream.indirect.gather [hbm4b:s4+s19], $0x80, s17, s19, $0xb8;
	[tilespmem:$0x1F800] =	vst v63  }
0xe3: {  	s30 =	simm.s32 $0x15080  }
0xe4: {  	[tilespmem:s20], [sflag:$0x2] =	stream.indirect.gather [hbm4b:s4+s19], $0x80, s30, s19, $0xb8;
	[tilespmem:$0x1F800] =	vst v63  }
0xe5: {  	_ =	swait.ge [sflag:s21], $0x4000  }
0xe6: {  	[sflag:s21] =	ssyncset.done $0x0  }
0xe7: {  	s31 =	simm.s32 $0x16400;
	[sflag:s21] =	ssyncadd.s32 $0xFFFFC000  }
0xe8: {  	[spmem:s1] =	stream.indirect.scatter.add.f32 [tilespmem:s15], [sflag:$0x3], $0x80, s31, s19, $0xb8;
	[tilespmem:$0x1F800] =	vst v63  }
0xe9: {  	_ =	swait.ge [sflag:s16], $0x4000  }
0xea: {  	[sflag:s16] =	ssyncset.done $0x0  }
0xeb: {  	s30 =	simm.s32 $0x15100;
	[sflag:s16] =	ssyncadd.s32 $0xFFFFC000  }
0xec: {  	[tilespmem:s15], [sflag:$0x1] =	stream.indirect.gather [hbm4b:s4+s19], $0x80, s30, s19, $0xb8;
	[tilespmem:$0x1F800] =	vst v63  }
0xed: {  	_ =	swait.ge [sflag:s22], $0x4000  }
0xee: {  	[sflag:s22] =	ssyncset.done $0x0  }
0xef: {  	s31 =	simm.s32 $0x16480;
	[sflag:s22] =	ssyncadd.s32 $0xFFFFC000  }
0xf0: {  	[spmem:s1] =	stream.indirect.scatter.add.f32 [tilespmem:s20], [sflag:$0x3], $0x80, s31, s19, $0xb8;
	[tilespmem:$0x1F800] =	vst v63  }
0xf1: {  	_ =	swait.ge [sflag:s16], $0x4000  }
0xf2: {  	s29 =	simm.s32 $0x800;
	s28 =	simm.s32 $0x100;
	[sflag:s16] =	ssyncset.done $0x0  }
.LBB2_6:
0xf3: {  	s0 =	sadd.s32 $0x15080, s28  }
0xf4: {  	[sflag:s16] =	ssyncadd.s32 $0xFFFFC000;
	s30 =	smov.u32 s29;
	s31 =	sadd.s32 $0x400, s29  }
0xf5: {  	[tilespmem:s20], [sflag:$0x2] =	stream.indirect.gather [hbm4b:s4+s19], $0x80, s0, s19, $0xb8;
	[tilespmem:$0x1F800] =	vst v63  }
0xf6: {  	p0 =	sne.s32 s29, $0x4800;
	_ =	swait.ge [sflag:s21], $0x4000  }
0xf7: {  	[sflag:s21] =	ssyncset.done $0x0  }
0xf8: {  	s0 =	sadd.s32 $0x16400, s28;
	[sflag:s21] =	ssyncadd.s32 $0xFFFFC000  }
0xf9: {  	[spmem:s1] =	stream.indirect.scatter.add.f32 [tilespmem:s15], [sflag:$0x3], $0x80, s0, s19, $0xb8;
	[tilespmem:$0x1F800] =	vst v63  }
0xfa: {  	_ =	swait.ge [sflag:s16], $0x4000  }
0xfb: {  	[sflag:s16] =	ssyncset.done $0x0  }
0xfc: {  	s0 =	sadd.s32 $0x15100, s28;
	[sflag:s16] =	ssyncadd.s32 $0xFFFFC000  }
0xfd: {  	[tilespmem:s15], [sflag:$0x1] =	stream.indirect.gather [hbm4b:s4+s19], $0x80, s0, s19, $0xb8;
	[tilespmem:$0x1F800] =	vst v63  }
0xfe: {  	_ =	swait.ge [sflag:s22], $0x4000  }
.Ltmp2:
0xff: {  	[sflag:s22] =	ssyncset.done $0x0;
	(pc) =	sbr.rel @p0 .LBB2_6-.Ltmp2, $4  }
0x100: {  	s0 =	sadd.s32 $0x16480, s28;
	[sflag:s22] =	ssyncadd.s32 $0xFFFFC000  }
0x101: {  	[spmem:s1] =	stream.indirect.scatter.add.f32 [tilespmem:s20], [sflag:$0x3], $0x80, s0, s19, $0xb8;
	[tilespmem:$0x1F800] =	vst v63  }
0x102: {  	_ =	swait.ge [sflag:s16], $0x4000  }
0x103: {  	s29 =	smov.u32 s31;
	s28 =	sshra.s32 s30, $0x2;
	[sflag:s16] =	ssyncset.done $0x0  }
0x104: {  	s0 =	sadd.s32 $0x15080, s28;
	[sflag:s16] =	ssyncadd.s32 $0xFFFFC000  }
0x105: {  	[tilespmem:s20], [sflag:$0x2] =	stream.indirect.gather [hbm4b:s4+s19], $0x80, s0, s19, $0xb8;
	[tilespmem:$0x1F800] =	vst v63  }
0x106: {  	_ =	swait.ge [sflag:s21], $0x4000  }
0x107: {  	[sflag:s21] =	ssyncset.done $0x0  }
0x108: {  	s29 =	sadd.s32 $0x16400, s28;
	[sflag:s21] =	ssyncadd.s32 $0xFFFFC000  }
0x109: {  	[spmem:s1] =	stream.indirect.scatter.add.f32 [tilespmem:s15], [sflag:$0x3], $0x80, s29, s19, $0xb8;
	[tilespmem:$0x1F800] =	vst v63  }
0x10a: {  	_ =	swait.ge [sflag:s16], $0x4000  }
0x10b: {  	[sflag:s16] =	ssyncset.done $0x0  }
0x10c: {  	s30 =	sadd.s32 $0x15100, s28;
	[sflag:s16] =	ssyncadd.s32 $0xFFFFC000  }
0x10d: {  	[tilespmem:s15], [sflag:$0x1] =	stream.indirect.gather [hbm4b:s4+s19], $0x80, s30, s19, $0xb8;
	[tilespmem:$0x1F800] =	vst v63  }
0x10e: {  	_ =	swait.ge [sflag:s22], $0x4000  }
0x10f: {  	[sflag:s22] =	ssyncset.done $0x0  }
0x110: {  	s31 =	sadd.s32 $0x16480, s28;
	[sflag:s22] =	ssyncadd.s32 $0xFFFFC000  }
0x111: {  	[spmem:s1] =	stream.indirect.scatter.add.f32 [tilespmem:s20], [sflag:$0x3], $0x80, s31, s19, $0xb8;
	[tilespmem:$0x1F800] =	vst v63  }
0x112: {  	_ =	swait.ge [sflag:s16], $0x4000  }
0x113: {  	[sflag:s16] =	ssyncset.done $0x0  }
0x114: {  	[sflag:s16] =	ssyncadd.s32 $0xFFFFC000  }
0x115: {  	[tilespmem:s20], [sflag:$0x2] =	stream.indirect.gather [hbm4b:s4+s19], $0x80, s23, s19, $0xb8;
	[tilespmem:$0x1F800] =	vst v63  }
0x116: {  	_ =	swait.ge [sflag:s21], $0x4000  }
0x117: {  	[sflag:s21] =	ssyncset.done $0x0  }
0x118: {  	[sflag:s21] =	ssyncadd.s32 $0xFFFFC000  }
0x119: {  	[spmem:s1] =	stream.indirect.scatter.add.f32 [tilespmem:s15], [sflag:$0x3], $0x80, s24, s19, $0xb8;
	[tilespmem:$0x1F800] =	vst v63  }
0x11a: {  	_ =	swait.ge [sflag:s16], $0x4000  }
0x11b: {  	[sflag:s16] =	ssyncset.done $0x0  }
0x11c: {  	[sflag:s16] =	ssyncadd.s32 $0xFFFFC000  }
0x11d: {  	_ =	swait.ge [sflag:s22], $0x4000  }
0x11e: {  	[sflag:s22] =	ssyncset.done $0x0  }
0x11f: {  	[sflag:s22] =	ssyncadd.s32 $0xFFFFC000  }
0x120: {  	[spmem:s1] =	stream.indirect.scatter.add.f32 [tilespmem:s20], [sflag:$0x3], $0x80, s25, s19, $0xb8;
	[tilespmem:$0x1F800] =	vst v63  }
0x121: {  	_ =	swait.ge [sflag:s16], $0x4000  }
0x122: {  	[sflag:s16] =	ssyncset.done $0x0  }
0x123: {  	[sflag:s16] =	ssyncadd.s32 $0xFFFFC000  }
0x124: {  	[bflag:$0x0] =	sbarrier.arrive $0xFFFF  }
0x125: {  	[tilespmem:s15], [sflag:$0x3] =	stream.linear.gather [spmem:s5], $0x4000, $0x38;
	[tilespmem:$0x1F800] =	vst v63  }
0x126: {  	_ =	swait.ge [sflag:s16], $0x4000  }
0x127: {  	[sflag:s16] =	ssyncset.done $0x0  }
0x128: {  	s28 =	rddreg [dreg:$0xd];
	[sflag:s16] =	ssyncadd.s32 $0xFFFFC000  }
0x129: {  	[hbm4b:s28+s2] =	stream.linear.scatter [tilespmem:s15], [sflag:$0x3], $0x4000, $0x38;
	[tilespmem:$0x1F800] =	vst v63  }
0x12a: {  	_ =	swait.ge [sflag:s16], $0x4000  }
0x12b: {  	[sflag:s16] =	ssyncset.done $0x0  }
0x12c: {  	s29 =	rddreg [dreg:$0x13];
	[sflag:s16] =	ssyncadd.s32 $0xFFFFC000  }
0x12d: {  	[tilespmem:s15], [sflag:$0x3] =	stream.linear.gather [spmem:s29], $0x4000, $0x38;
	[tilespmem:$0x1F800] =	vst v63  }
0x12e: {  	_ =	swait.ge [sflag:s16], $0x4000  }
0x12f: {  	[sflag:s16] =	ssyncset.done $0x0  }
0x130: {  	s30 =	rddreg [dreg:$0xe];
	[sflag:s16] =	ssyncadd.s32 $0xFFFFC000  }
0x131: {  	[hbm4b:s30+s2] =	stream.linear.scatter [tilespmem:s15], [sflag:$0x3], $0x4000, $0x38;
	[tilespmem:$0x1F800] =	vst v63  }
0x132: {  	_ =	swait.ge [sflag:s16], $0x4000  }
0x133: {  	[sflag:s16] =	ssyncset.done $0x0  }
0x134: {  	s31 =	rddreg [dreg:$0x14];
	[sflag:s16] =	ssyncadd.s32 $0xFFFFC000  }
0x135: {  	[tilespmem:s15], [sflag:$0x3] =	stream.linear.gather [spmem:s31], $0x4000, $0x38;
	[tilespmem:$0x1F800] =	vst v63  }
0x136: {  	_ =	swait.ge [sflag:s16], $0x4000  }
0x137: {  	[sflag:s16] =	ssyncset.done $0x0  }
0x138: {  	s28 =	rddreg [dreg:$0xf];
	[sflag:s16] =	ssyncadd.s32 $0xFFFFC000  }
0x139: {  	[hbm4b:s28+s2] =	stream.linear.scatter [tilespmem:s15], [sflag:$0x3], $0x4000, $0x38;
	[tilespmem:$0x1F800] =	vst v63  }
0x13a: {  	_ =	swait.ge [sflag:s16], $0x4000  }
0x13b: {  	[sflag:s16] =	ssyncset.done $0x0  }
0x13c: {  	s29 =	rddreg [dreg:$0x15];
	[sflag:s16] =	ssyncadd.s32 $0xFFFFC000  }
0x13d: {  	[tilespmem:s15], [sflag:$0x3] =	stream.linear.gather [spmem:s29], $0x4000, $0x38;
	[tilespmem:$0x1F800] =	vst v63  }
0x13e: {  	_ =	swait.ge [sflag:s16], $0x4000  }
0x13f: {  	[sflag:s16] =	ssyncset.done $0x0  }
0x140: {  	s30 =	rddreg [dreg:$0x10];
	[sflag:s16] =	ssyncadd.s32 $0xFFFFC000  }
0x141: {  	[hbm4b:s30+s2] =	stream.linear.scatter [tilespmem:s15], [sflag:$0x3], $0x4000, $0x38;
	[tilespmem:$0x1F800] =	vst v63  }
0x142: {  	_ =	swait.ge [sflag:s16], $0x4000  }
0x143: {  	[sflag:s16] =	ssyncset.done $0x0  }
0x144: {  	s31 =	rddreg [dreg:$0x16];
	[sflag:s16] =	ssyncadd.s32 $0xFFFFC000  }
0x145: {  	[tilespmem:s15], [sflag:$0x3] =	stream.linear.gather [spmem:s31], $0x4000, $0x38;
	[tilespmem:$0x1F800] =	vst v63  }
0x146: {  	_ =	swait.ge [sflag:s16], $0x4000  }
0x147: {  	[sflag:s16] =	ssyncset.done $0x0  }
0x148: {  	s28 =	rddreg [dreg:$0x11];
	[sflag:s16] =	ssyncadd.s32 $0xFFFFC000  }
0x149: {  	[hbm4b:s28+s2] =	stream.linear.scatter [tilespmem:s15], [sflag:$0x3], $0x4000, $0x38;
	[tilespmem:$0x1F800] =	vst v63  }
0x14a: {  	_ =	swait.ge [sflag:s16], $0x4000  }
0x14b: {  	[sflag:s16] =	ssyncset.done $0x0  }
0x14c: {  	s29 =	rddreg [dreg:$0x7];
	[sflag:s16] =	ssyncadd.s32 $0xFFFFC000  }
0x14d: {  	[tilespmem:s15], [sflag:$0x3] =	stream.linear.gather [spmem:s29], $0x1000, $0x38;
	[tilespmem:$0x1F800] =	vst v63  }
0x14e: {  	_ =	swait.ge [sflag:s16], $0x1000  }
0x14f: {  	[sflag:s16] =	ssyncset.done $0x0  }
0x150: {  	s30 =	rddreg [dreg:$0x8];
	[sflag:s16] =	ssyncadd.s32 $0xFFFFF000  }
0x151: {  	[hbm4b:s30+s2] =	stream.linear.scatter [tilespmem:s15], [sflag:$0x3], $0x1000, $0x38;
	[tilespmem:$0x1F800] =	vst v63  }
0x152: {  	_ =	swait.ge [sflag:s16], $0x1000  }
0x153: {  	s26 =	sadd.s32 $0x1, s26;
	s31 =	rddreg [dreg:$0x9]  }
0x154: {  	p0 =	sne.s32 s26, s31  }
.Ltmp3:
0x155: {  	_ = 	snop;
	(pc) =	sbr.rel @p0 .LBB2_1-.Ltmp3, $3  }
0x156: {  	_ =	sdelay $0x1  }
0x157: {  	[sflag:s16] =	ssyncset.done $0x0  }
0x158: {  	[sflag:s16] =	ssyncadd.s32 $0xFFFFF000  }
0x159: {  	_ =	sfence.sel $0x180000  }
0x15a: {  	[bflag:$0x0] =	sbarrier.arrive $0xFFFF  }
0x15b: {  	_ =	strace $0x90000050  }
0x15c: {  	s0 =	stileid.u32;
	[bflag:$0x2] =	sbarrier.arrive $0xFFFF  }
0x15d: {  	p0 =	sne.s32 s0, $0x0;
	s0 =	rddreg [dreg:$0x2]  }
0x15e: {  	s0 =	sadd.s32 @!p0 $0x100000, s0  }
0x15f: {  	[sflag:s0] =	ssyncadd.tile.s32 @!p0 $0x1;
	_ =	shalt  }
.Lfunc_end2:
_tile_overlayer_lowered:
.L_overlay_start_2:
0x160: {  	(tag) =	ssettag $0x2  }
0x161: {  	s0 =	rddreg [dreg:$0x0];
	s2 =	stileid.u32  }
0x162: {  	s1 =	rddreg [dreg:$0x1];
	p0 =	sne.s32 s2, $0x0  }
0x163: {  	s3 =	rddreg [dreg:$0x2];
	[bflag:$0x3] =	sbarrier.arrive $0xFFFF;
	s2 =	simm.s32 @!p0 $0x1C03  }
0x164: {  	[timem:s3], [sflag:s2] =	dma.local @!p0 [hbm:s0], s1  }
0x165: {  	s0 =	simm.s32 @!p0 $0x3  }
0x166: {  	_ =	swait.ge @!p0 [sflag:s0], s1  }
0x167: {  	s1 =	ssub.s32 @!p0 $0x0, s1;
	[sflag:s0] =	ssyncset.done @!p0 $0x0  }
0x168: {  	[sflag:s0] =	ssyncadd.s32 @!p0 s1  }
0x169: {  	[bflag:$0x3] =	sbarrier.arrive $0xFFFF  }
0x16a: {  	_ =	shalt  }

</sc_bundles>
